<compile_context>
chip_gen: v7x
topology: tpu7x:2x2x1
jax: 0.10.2.dev20260603
libtpu: 0.0.44.dev20260713+nightly
codegen_flags: <defaults>
</compile_context>

<pallas_src>
import functools

import jax
import jax.numpy as jnp
from jax import lax
from jax.experimental import pallas as pl
from jax.experimental.pallas import tpu as pltpu
from jax.experimental.pallas import tpu_sc as plsc

N = 10000
NP = 10240
NPH = NP // 2
E = 320000
F = 128
DA = 4
NCH = 2 * DA
NC, NS, L = 2, 16, 16
NW = NC * NS
EPW = E // NW
EPS = E // NS
RPT = NPH // NS

_mesh = plsc.VectorSubcoreMesh(
    core_axis_name="c", subcore_axis_name="s", num_cores=NC, num_subcores=NS)

_sc_params = pltpu.CompilerParams(needs_layout_passes=False)


def _wid():
    return lax.axis_index("s") * NC + lax.axis_index("c")


_CA = 2000
_PK = (2 + DA) * _CA


@functools.partial(
    pl.kernel,
    out_type=jax.ShapeDtypeStruct((NW * NCH * NP,), jnp.float32),
    mesh=_mesh,
    compiler_params=_sc_params,
    scratch_types=[
        pltpu.VMEM((NCH * NP,), jnp.float32),
        pltpu.VMEM((_PK,), jnp.int32),
    ],
)
def _sc_rowsums(packed_h, parts_h, acc, pbuf):
    wid = _wid()
    zf = jnp.zeros((L,), jnp.float32)

    def _z(j, _):
        acc[pl.ds(j * L, L)] = zf
        return _
    lax.fori_loop(0, NCH * NP // L, _z, None)

    def _chunk(g, _):
        pltpu.sync_copy(
            packed_h.at[pl.ds((wid * (EPW // _CA) + g) * _PK, _PK)], pbuf)

        def _vec(j, _):
            dv = pbuf[pl.ds(j * L, L)]
            sv = pbuf[pl.ds(_CA + j * L, L)]
            for i in range(DA):
                v = plsc.bitcast(pbuf[pl.ds((2 + i) * _CA + j * L, L)],
                                 jnp.float32)
                if i == 0:
                    v = jnp.where(v == 0.0, 0.1, v)
                plsc.addupdate_scatter(acc, [dv + i * NP], v)
                plsc.addupdate_scatter(acc, [sv + (DA + i) * NP], v)
            return _
        lax.fori_loop(0, _CA // L, _vec, None)
        return _
    lax.fori_loop(0, EPW // _CA, _chunk, None)

    pltpu.sync_copy(acc, parts_h.at[pl.ds(wid * (NCH * NP), NCH * NP)])


def _tc_reduce_inv(parts, att_log):
    def body(p_ref, a_ref, rinv_ref, attw_ref):
        s = jnp.sum(p_ref[...], axis=0, keepdims=True)
        rinv_ref[...] = 1.0 / s
        a = a_ref[0:DA, :]
        r = a_ref[DA:NCH, :]
        ma = jnp.max(a, axis=0, keepdims=True)
        mr = jnp.max(r, axis=0, keepdims=True)
        ea = jnp.exp(a - ma)
        er = jnp.exp(r - mr)
        wa = ea / jnp.sum(ea, axis=0, keepdims=True)
        wr = er / jnp.sum(er, axis=0, keepdims=True)
        attw_ref[...] = jnp.concatenate([wa, wr], axis=0)

    return pl.pallas_call(
        body,
        out_shape=[jax.ShapeDtypeStruct((1, NCH * NP), jnp.float32),
                   jax.ShapeDtypeStruct((NCH, F), jnp.float32)],
    )(parts, att_log)


_CB = _CA


@functools.partial(
    pl.kernel,
    out_type=[jax.ShapeDtypeStruct((E,), jnp.float32),
              jax.ShapeDtypeStruct((E,), jnp.float32)],
    mesh=_mesh,
    compiler_params=_sc_params,
    scratch_types=[
        pltpu.VMEM((NCH * NP,), jnp.float32),
        pltpu.VMEM((NCH * F,), jnp.float32),
        pltpu.VMEM((_PK,), jnp.int32),
        pltpu.VMEM((_CB,), jnp.float32),
        pltpu.VMEM((_CB,), jnp.float32),
    ],
)
def _sc_weights(rinv_h, attw_h, packed_h, wa_h, wr_h,
                rinv, attw, pbuf, wabuf, wrbuf):
    wid = _wid()
    pltpu.sync_copy(rinv_h, rinv)
    pltpu.sync_copy(attw_h, attw)

    def _chunk(g, _):
        base = wid * EPW + g * _CB
        pltpu.sync_copy(
            packed_h.at[pl.ds((wid * (EPW // _CB) + g) * _PK, _PK)], pbuf)

        def _vec(j, _):
            dv = pbuf[pl.ds(j * L, L)]
            sv = pbuf[pl.ds(_CB + j * L, L)]
            wa = jnp.zeros((L,), jnp.float32)
            wr = jnp.zeros((L,), jnp.float32)
            for i in range(DA):
                v = plsc.bitcast(pbuf[pl.ds((2 + i) * _CB + j * L, L)],
                                 jnp.float32)
                if i == 0:
                    v = jnp.where(v == 0.0, 0.1, v)
                ia = plsc.load_gather(rinv, [dv + i * NP])
                ir = plsc.load_gather(rinv, [sv + (DA + i) * NP])
                wa = wa + v * ia * attw[pl.ds(i * F, L)]
                wr = wr + v * ir * attw[pl.ds((DA + i) * F, L)]
            wabuf[pl.ds(j * L, L)] = wa
            wrbuf[pl.ds(j * L, L)] = wr
            return _
        lax.fori_loop(0, _CB // L, _vec, None)
        pltpu.sync_copy(wabuf, wa_h.at[pl.ds(base, _CB)])
        pltpu.sync_copy(wrbuf, wr_h.at[pl.ds(base, _CB)])
        return _
    lax.fori_loop(0, EPW // _CB, _chunk, None)


_CC = 400
_NCH_C = EPS // _CC
_ZR = 32


@functools.partial(
    pl.kernel,
    out_type=jax.ShapeDtypeStruct((NP, F), jnp.float32),
    mesh=_mesh,
    compiler_params=_sc_params,
    scratch_types=[
        pltpu.VMEM((_ZR, F), jnp.float32),
        pltpu.VMEM((_CC, F), jnp.float32),
        pltpu.VMEM((3 * _CC,), jnp.int32),
        pltpu.VMEM((_CC,), jnp.int32),
        pltpu.VMEM_SHARED((NPH + 8, F), jnp.float32),
        pltpu.SemaphoreType.DMA,
    ],
)
def _sc_spmm(sup_h, packed_h, out_h,
             zbuf, rows, pbuf, sbuf, acc_sh, sem):
    cid = lax.axis_index("c")
    sid = lax.axis_index("s")
    zf = jnp.zeros((L,), jnp.float32)

    def _z(r, _):
        for k in range(F // L):
            zbuf[r, pl.ds(k * L, L)] = zf
        return _
    lax.fori_loop(0, _ZR, _z, None)
    for j in range(RPT // _ZR):
        pltpu.sync_copy(zbuf, acc_sh.at[pl.ds(sid * RPT + j * _ZR, _ZR)])

    @pl.when(sid == 0)
    def _():
        pltpu.sync_copy(zbuf.at[pl.ds(0, 8)], acc_sh.at[pl.ds(NPH, 8)])

    plsc.subcore_barrier()
    lo = cid * NPH

    def _chunk(g, _):
        pltpu.sync_copy(
            packed_h.at[pl.ds((sid * _NCH_C + g) * (3 * _CC), 3 * _CC)],
            pbuf)
        pltpu.async_copy(sup_h.at[pbuf.at[pl.ds(0, _CC)]], rows, sem).wait()

        def _local(j, _):
            lv = pbuf[pl.ds(_CC + j * L, L)] - lo
            ok = (lv >= 0) & (lv < NPH)
            sbuf[pl.ds(j * L, L)] = jnp.where(ok, lv, NPH)
            return _
        lax.fori_loop(0, _CC // L, _local, None)

        def _scale(q, _):
            for u in range(8):
                r = q * 8 + u
                wv = plsc.bitcast(
                    plsc.load_gather(
                        pbuf,
                        [lax.broadcast_in_dim(2 * _CC + r, (L,), ())]),
                    jnp.float32)
                for k in range(F // L):
                    rows[r, pl.ds(k * L, L)] = rows[r, pl.ds(k * L, L)] * wv
            return _
        lax.fori_loop(0, _CC // 8, _scale, None)
        pltpu.sync_copy(rows, acc_sh.at[sbuf], add=True)
        return _
    lax.fori_loop(0, _NCH_C, _chunk, None)

    plsc.subcore_barrier()
    pltpu.sync_copy(acc_sh.at[pl.ds(sid * RPT, RPT)],
                    out_h.at[pl.ds(cid * NPH + sid * RPT, RPT)])


_BR = 2000


def _tc_linear(x, W, b):
    def body(x_ref, w_ref, b_ref, o_ref):
        o_ref[...] = jnp.dot(x_ref[...], w_ref[...],
                             preferred_element_type=jnp.float32) + b_ref[...]
    return pl.pallas_call(
        body,
        grid=(N // _BR,),
        in_specs=[
            pl.BlockSpec((_BR, F), lambda i: (i, 0)),
            pl.BlockSpec((F, F), lambda i: (0, 0)),
            pl.BlockSpec((1, F), lambda i: (0, 0)),
        ],
        out_specs=pl.BlockSpec((_BR, F), lambda i: (i, 0)),
        out_shape=jax.ShapeDtypeStruct((N, F), jnp.float32),
    )(x, W, b)


def _tc_leaky_linear(p, W, b):
    def body(p_ref, w_ref, b_ref, o_ref):
        h = p_ref[...]
        h = jnp.where(h > 0, h, 0.2 * h)
        o_ref[...] = jnp.dot(h, w_ref[...],
                             preferred_element_type=jnp.float32) + b_ref[...]
    return pl.pallas_call(
        body,
        grid=(N // _BR,),
        in_specs=[
            pl.BlockSpec((_BR, F), lambda i: (i, 0)),
            pl.BlockSpec((F, F), lambda i: (0, 0)),
            pl.BlockSpec((1, F), lambda i: (0, 0)),
        ],
        out_specs=pl.BlockSpec((_BR, F), lambda i: (i, 0)),
        out_shape=jax.ShapeDtypeStruct((N, F), jnp.float32),
    )(p, W, b)


def _tc_l2norm(p):
    def body(p_ref, o_ref):
        y = p_ref[...]
        nrm = jnp.sqrt(jnp.sum(y * y, axis=1, keepdims=True))
        o_ref[...] = y / jnp.maximum(nrm, 1e-12)
    return pl.pallas_call(
        body,
        grid=(N // _BR,),
        in_specs=[pl.BlockSpec((_BR, F), lambda i: (i, 0))],
        out_specs=pl.BlockSpec((_BR, F), lambda i: (i, 0)),
        out_shape=jax.ShapeDtypeStruct((N, F), jnp.float32),
    )(p)


def kernel(x, W1, b1, W2, b2, a_att, r_att, aux, edges):
    src = edges[:, 0]
    dst = edges[:, 1]
    att_log = jnp.concatenate([a_att, r_att])[:, None] * jnp.ones(
        (1, F), jnp.float32)

    nga = EPW // _CA
    vt = lax.bitcast_convert_type(aux, jnp.int32).T.reshape(
        DA, NW, nga, _CA).transpose(1, 2, 0, 3)
    ds_ = jnp.stack([dst.reshape(NW, nga, _CA), src.reshape(NW, nga, _CA)],
                    axis=2)
    epk = jnp.concatenate([ds_, vt], axis=2).reshape(-1)

    parts = _sc_rowsums(epk)
    rinv, attw = _tc_reduce_inv(parts.reshape(NW, NCH * NP), att_log)
    wa, wr = _sc_weights(rinv.reshape(NCH * NP), attw.reshape(NCH * F), epk)

    def _pack(g, s, w):
        gr = g.reshape(NS, _NCH_C, _CC)
        sr = s.reshape(NS, _NCH_C, _CC)
        wb = lax.bitcast_convert_type(w, jnp.int32).reshape(NS, _NCH_C, _CC)
        return jnp.stack([gr, sr, wb], axis=2).reshape(-1)

    sup1 = _tc_linear(x, W1, b1.reshape(1, F))
    p1 = _sc_spmm(sup1, _pack(src, dst, wa))
    sup2 = _tc_leaky_linear(p1[:N], W2, b2.reshape(1, F))
    p2 = _sc_spmm(sup2, _pack(dst, src, wr))
    return _tc_l2norm(p2[:N])

# --- scband reference (transcript-rebuilt; emitter-appended) ---
"""Pipeline reference for scband-gcn-dense-aux-5609227288948 (READ-ONLY COPY).

The authoritative reference and input builder live on the scoring server;
editing this copy changes nothing except your own understanding.
"""

import jax, jax.numpy as jnp
import numpy as np

N = 10000
E = 320000
D_AUX = 4
IN_C = 128
HID = 128
OUT_C = 128

def _xavier(key, shape):
    a = float(np.sqrt(6.0 / (shape[0] + shape[1])))
    return jax.random.uniform(key, shape, jnp.float32, -a, a)

def setup_inputs(seed: int = 0):
    key = jax.random.key(seed)
    ks = jax.random.split(key, 8)
    x = jax.random.normal(ks[0], (N, IN_C), dtype=jnp.float32)
    edges = jax.random.randint(ks[1], (E, 2), 0, N, dtype=jnp.int32)
    aux = jax.random.uniform(ks[2], (E, D_AUX), dtype=jnp.float32, minval=0.05, maxval=1.0)
    W1 = _xavier(ks[3], (IN_C, HID))
    b1 = jnp.zeros((HID,), jnp.float32)
    W2 = _xavier(ks[4], (HID, OUT_C))
    b2 = jnp.zeros((OUT_C,), jnp.float32)
    a_att = jnp.ones((D_AUX,), jnp.float32)
    r_att = jnp.ones((D_AUX,), jnp.float32)
    return {"x": x, "W1": W1, "b1": b1, "W2": W2, "b2": b2, "a_att": a_att, "r_att": r_att, "aux": aux, "edges": edges}

def _norm_vals(vals, seg, n):
    # row-normalization of the (possibly transposed) adjacency: normt_spm(..., method='in')
    rs = jax.ops.segment_sum(vals, seg, num_segments=n)
    denom = rs[seg]
    safe = jnp.where(denom != 0, denom, 1.0)
    return jnp.where(denom != 0, vals / safe, 0.0)

def _spmm(vals, row, col, support, n):
    # y = M @ support where M[row[e], col[e]] += vals[e]  (duplicates summed, like scipy coo)
    return jax.ops.segment_sum(vals[:, None] * support[col], row, num_segments=n)

def _forward(x, W1, b1, W2, b2, a_att, r_att, aux, edges):
    n = x.shape[0]
    src = edges[:, 0]
    dst = edges[:, 1]
    # first aux channel: hop+1 values, zeros replaced by 0.1
    v0 = jnp.where(aux[:, 0] == 0.0, 0.1, aux[:, 0])
    vals = jnp.concatenate([v0[:, None], aux[:, 1:]], axis=1)
    att_a = jax.nn.softmax(a_att)
    att_r = jax.nn.softmax(r_att)
    # ---- layer 1 (GraphConv in->hid, LeakyReLU(0.2)), graph side: a_adj = rownorm(A_i^T)
    support = x @ W1 + b1
    out = None
    for i in range(D_AUX):
        nv = _norm_vals(vals[:, i], dst, n)
        y = _spmm(nv, dst, src, support, n) * att_a[i]
        out = y if out is None else out + y
    out = jnp.where(out > 0, out, 0.2 * out)
    # ---- layer 2 (GraphConv hid->out, no relu), reverse side: r_adj = rownorm(A_i)
    support = out @ W2 + b2
    out2 = None
    for i in range(D_AUX):
        nv = _norm_vals(vals[:, i], src, n)
        y = _spmm(nv, src, dst, support, n) * att_r[i]
        out2 = y if out2 is None else out2 + y
    # F.normalize (L2 along dim=1, eps=1e-12)
    norm = jnp.sqrt(jnp.sum(out2 * out2, axis=1, keepdims=True))
    return out2 / jnp.maximum(norm, 1e-12)

def reference(x, W1, b1, W2, b2, a_att, r_att, aux, edges):
    return _forward(x, W1, b1, W2, b2, a_att, r_att, aux, edges)

if __name__ == "__main__":
    import jax
    _d = setup_inputs()
    print(jax.jit(kernel)(*tuple(_d.values())))

</pallas_src>

<mosaic_0001>
#map = affine_map<(d0, d1) -> (0, 0)>
#map1 = affine_map<(d0, d1) -> (0)>
module attributes {stable_mosaic.version = 14 : i64} {
  func.func @_sc_spmm(%arg0: i32, %arg1: i32, %arg2: memref<10000x128xf32, #tpu.memory_space<hbm>>, %arg3: memref<960000xi32, #tpu.memory_space<hbm>>, %arg4: memref<10240x128xf32, #tpu.memory_space<hbm>>, %arg5: memref<32x128xf32, #tpu.memory_space<vmem>>, %arg6: memref<400x128xf32, #tpu.memory_space<vmem>>, %arg7: memref<1200xi32, #tpu.memory_space<vmem>>, %arg8: memref<400xi32, #tpu.memory_space<vmem>>, %arg9: memref<5128x128xf32, #tpu.memory_space<vmem_shared>>, %arg10: memref<!tpu.dma_semaphore, #tpu.memory_space<semaphore_mem>>) attributes {dimension_semantics = [#tpu.dimension_semantics<core_parallel>, #tpu.dimension_semantics<subcore_parallel>], iteration_bounds = array<i64: 2, 16>, scalar_prefetch = 0 : i64, scratch_operands = 6 : i64, tpu.core_type = #tpu.core_type<sc_vector_subcore>, window_params = [{transform_indices = #map}, {transform_indices = #map1}, {transform_indices = #map}]} {
    %broadcast_in_dim3A = arith.constant 0.000000e+00 : f32
    %broadcast_in_dim3A_0 = vector.broadcast %broadcast_in_dim3A : f32 to vector<16xf32>
    %scan3A = arith.constant 0 : i32
    %scan3A_1 = arith.constant 32 : i32
    %scan3A_2 = arith.addi %scan3A, %scan3A_1 : i32
    %scan3A_3 = arith.constant 1 : i32
    scf.for %scan3A_60 = %scan3A to %scan3A_2 step %scan3A_3  : i32 {
      %swap3A = arith.index_cast %scan3A_60 : i32 to index
      %swap3A_61 = arith.constant 0 : index
      %swap3A_62 = tpu.vector_load %arg5[%swap3A, %swap3A_61] {strides = array<i32>} : memref<32x128xf32, #tpu.memory_space<vmem>>, vector<16xf32>,
      tpu.vector_store %arg5[%swap3A, %swap3A_61], %broadcast_in_dim3A_0 {strides = array<i32>} : memref<32x128xf32, #tpu.memory_space<vmem>>, vector<16xf32>,
      %swap3A_63 = arith.index_cast %scan3A_60 : i32 to index
      %swap3A_64 = arith.constant 16 : index
      %swap3A_65 = tpu.vector_load %arg5[%swap3A_63, %swap3A_64] {strides = array<i32>} : memref<32x128xf32, #tpu.memory_space<vmem>>, vector<16xf32>,
      tpu.vector_store %arg5[%swap3A_63, %swap3A_64], %broadcast_in_dim3A_0 {strides = array<i32>} : memref<32x128xf32, #tpu.memory_space<vmem>>, vector<16xf32>,
      %swap3A_66 = arith.index_cast %scan3A_60 : i32 to index
      %swap3A_67 = arith.constant 32 : index
      %swap3A_68 = tpu.vector_load %arg5[%swap3A_66, %swap3A_67] {strides = array<i32>} : memref<32x128xf32, #tpu.memory_space<vmem>>, vector<16xf32>,
      tpu.vector_store %arg5[%swap3A_66, %swap3A_67], %broadcast_in_dim3A_0 {strides = array<i32>} : memref<32x128xf32, #tpu.memory_space<vmem>>, vector<16xf32>,
      %swap3A_69 = arith.index_cast %scan3A_60 : i32 to index
      %swap3A_70 = arith.constant 48 : index
      %swap3A_71 = tpu.vector_load %arg5[%swap3A_69, %swap3A_70] {strides = array<i32>} : memref<32x128xf32, #tpu.memory_space<vmem>>, vector<16xf32>,
      tpu.vector_store %arg5[%swap3A_69, %swap3A_70], %broadcast_in_dim3A_0 {strides = array<i32>} : memref<32x128xf32, #tpu.memory_space<vmem>>, vector<16xf32>,
      %swap3A_72 = arith.index_cast %scan3A_60 : i32 to index
      %swap3A_73 = arith.constant 64 : index
      %swap3A_74 = tpu.vector_load %arg5[%swap3A_72, %swap3A_73] {strides = array<i32>} : memref<32x128xf32, #tpu.memory_space<vmem>>, vector<16xf32>,
      tpu.vector_store %arg5[%swap3A_72, %swap3A_73], %broadcast_in_dim3A_0 {strides = array<i32>} : memref<32x128xf32, #tpu.memory_space<vmem>>, vector<16xf32>,
      %swap3A_75 = arith.index_cast %scan3A_60 : i32 to index
      %swap3A_76 = arith.constant 80 : index
      %swap3A_77 = tpu.vector_load %arg5[%swap3A_75, %swap3A_76] {strides = array<i32>} : memref<32x128xf32, #tpu.memory_space<vmem>>, vector<16xf32>,
      tpu.vector_store %arg5[%swap3A_75, %swap3A_76], %broadcast_in_dim3A_0 {strides = array<i32>} : memref<32x128xf32, #tpu.memory_space<vmem>>, vector<16xf32>,
      %swap3A_78 = arith.index_cast %scan3A_60 : i32 to index
      %swap3A_79 = arith.constant 96 : index
      %swap3A_80 = tpu.vector_load %arg5[%swap3A_78, %swap3A_79] {strides = array<i32>} : memref<32x128xf32, #tpu.memory_space<vmem>>, vector<16xf32>,
      tpu.vector_store %arg5[%swap3A_78, %swap3A_79], %broadcast_in_dim3A_0 {strides = array<i32>} : memref<32x128xf32, #tpu.memory_space<vmem>>, vector<16xf32>,
      %swap3A_81 = arith.index_cast %scan3A_60 : i32 to index
      %swap3A_82 = arith.constant 112 : index
      %swap3A_83 = tpu.vector_load %arg5[%swap3A_81, %swap3A_82] {strides = array<i32>} : memref<32x128xf32, #tpu.memory_space<vmem>>, vector<16xf32>,
      tpu.vector_store %arg5[%swap3A_81, %swap3A_82], %broadcast_in_dim3A_0 {strides = array<i32>} : memref<32x128xf32, #tpu.memory_space<vmem>>, vector<16xf32>,
    }
    %scan3A_4 = arith.constant 32 : i32
    %mul3A = arith.constant 320 : i32
    %mul3A_5 = arith.muli %arg1, %mul3A : i32
    %add3A = arith.constant 0 : i32
    %add3A_6 = arith.addi %mul3A_5, %add3A : i32
    "tpu.region"() ({
      %run_scoped3A = tpu.sem_alloc : memref<!tpu.dma_semaphore, #tpu.memory_space<semaphore_mem>>
      %dma_start3A = arith.constant 0 : i32
      %dma_start3A_60 = tpu.memref_slice %arg9[%add3A_6, %dma_start3A] : memref<5128x128xf32, #tpu.memory_space<vmem_shared>> -> memref<32x128xf32, #tpu.memory_space<vmem_shared>>
      %dma_start3A_61 = arith.constant 0 : i32
      %dma_start3A_62 = tpu.memref_slice %arg9[%add3A_6, %dma_start3A_61] : memref<5128x128xf32, #tpu.memory_space<vmem_shared>> -> memref<32x128xf32, #tpu.memory_space<vmem_shared>>
      tpu.enqueue_dma source(%arg5 : memref<32x128xf32, #tpu.memory_space<vmem>>) target(%dma_start3A_62 : memref<32x128xf32, #tpu.memory_space<vmem_shared>>) target_semaphore(%run_scoped3A : memref<!tpu.dma_semaphore, #tpu.memory_space<semaphore_mem>>)
      %dma_wait3A = arith.constant 0 : i32
      %dma_wait3A_63 = tpu.memref_slice %arg9[%add3A_6, %dma_wait3A] : memref<5128x128xf32, #tpu.memory_space<vmem_shared>> -> memref<32x128xf32, #tpu.memory_space<vmem_shared>>
      %dma_wait3A_64 = arith.constant 0 : i32
      %dma_wait3A_65 = tpu.memref_slice %arg9[%add3A_6, %dma_wait3A_64] : memref<5128x128xf32, #tpu.memory_space<vmem_shared>> -> memref<32x128xf32, #tpu.memory_space<vmem_shared>>
      tpu.wait_dma2 semaphore(%run_scoped3A : memref<!tpu.dma_semaphore, #tpu.memory_space<semaphore_mem>>) src(%arg5 : memref<32x128xf32, #tpu.memory_space<vmem>>) dst(%dma_wait3A_65 : memref<32x128xf32, #tpu.memory_space<vmem_shared>>)
      tpu.yield
    }) : () -> ()
    %mul3A_7 = arith.constant 320 : i32
    %mul3A_8 = arith.muli %arg1, %mul3A_7 : i32
    %add3A_9 = arith.constant 32 : i32
    %add3A_10 = arith.addi %mul3A_8, %add3A_9 : i32
    "tpu.region"() ({
      %run_scoped3A = tpu.sem_alloc : memref<!tpu.dma_semaphore, #tpu.memory_space<semaphore_mem>>
      %dma_start3A = arith.constant 0 : i32
      %dma_start3A_60 = tpu.memref_slice %arg9[%add3A_10, %dma_start3A] : memref<5128x128xf32, #tpu.memory_space<vmem_shared>> -> memref<32x128xf32, #tpu.memory_space<vmem_shared>>
      %dma_start3A_61 = arith.constant 0 : i32
      %dma_start3A_62 = tpu.memref_slice %arg9[%add3A_10, %dma_start3A_61] : memref<5128x128xf32, #tpu.memory_space<vmem_shared>> -> memref<32x128xf32, #tpu.memory_space<vmem_shared>>
      tpu.enqueue_dma source(%arg5 : memref<32x128xf32, #tpu.memory_space<vmem>>) target(%dma_start3A_62 : memref<32x128xf32, #tpu.memory_space<vmem_shared>>) target_semaphore(%run_scoped3A : memref<!tpu.dma_semaphore, #tpu.memory_space<semaphore_mem>>)
      %dma_wait3A = arith.constant 0 : i32
      %dma_wait3A_63 = tpu.memref_slice %arg9[%add3A_10, %dma_wait3A] : memref<5128x128xf32, #tpu.memory_space<vmem_shared>> -> memref<32x128xf32, #tpu.memory_space<vmem_shared>>
      %dma_wait3A_64 = arith.constant 0 : i32
      %dma_wait3A_65 = tpu.memref_slice %arg9[%add3A_10, %dma_wait3A_64] : memref<5128x128xf32, #tpu.memory_space<vmem_shared>> -> memref<32x128xf32, #tpu.memory_space<vmem_shared>>
      tpu.wait_dma2 semaphore(%run_scoped3A : memref<!tpu.dma_semaphore, #tpu.memory_space<semaphore_mem>>) src(%arg5 : memref<32x128xf32, #tpu.memory_space<vmem>>) dst(%dma_wait3A_65 : memref<32x128xf32, #tpu.memory_space<vmem_shared>>)
      tpu.yield
    }) : () -> ()
    %mul3A_11 = arith.constant 320 : i32
    %mul3A_12 = arith.muli %arg1, %mul3A_11 : i32
    %add3A_13 = arith.constant 64 : i32
    %add3A_14 = arith.addi %mul3A_12, %add3A_13 : i32
    "tpu.region"() ({
      %run_scoped3A = tpu.sem_alloc : memref<!tpu.dma_semaphore, #tpu.memory_space<semaphore_mem>>
      %dma_start3A = arith.constant 0 : i32
      %dma_start3A_60 = tpu.memref_slice %arg9[%add3A_14, %dma_start3A] : memref<5128x128xf32, #tpu.memory_space<vmem_shared>> -> memref<32x128xf32, #tpu.memory_space<vmem_shared>>
      %dma_start3A_61 = arith.constant 0 : i32
      %dma_start3A_62 = tpu.memref_slice %arg9[%add3A_14, %dma_start3A_61] : memref<5128x128xf32, #tpu.memory_space<vmem_shared>> -> memref<32x128xf32, #tpu.memory_space<vmem_shared>>
      tpu.enqueue_dma source(%arg5 : memref<32x128xf32, #tpu.memory_space<vmem>>) target(%dma_start3A_62 : memref<32x128xf32, #tpu.memory_space<vmem_shared>>) target_semaphore(%run_scoped3A : memref<!tpu.dma_semaphore, #tpu.memory_space<semaphore_mem>>)
      %dma_wait3A = arith.constant 0 : i32
      %dma_wait3A_63 = tpu.memref_slice %arg9[%add3A_14, %dma_wait3A] : memref<5128x128xf32, #tpu.memory_space<vmem_shared>> -> memref<32x128xf32, #tpu.memory_space<vmem_shared>>
      %dma_wait3A_64 = arith.constant 0 : i32
      %dma_wait3A_65 = tpu.memref_slice %arg9[%add3A_14, %dma_wait3A_64] : memref<5128x128xf32, #tpu.memory_space<vmem_shared>> -> memref<32x128xf32, #tpu.memory_space<vmem_shared>>
      tpu.wait_dma2 semaphore(%run_scoped3A : memref<!tpu.dma_semaphore, #tpu.memory_space<semaphore_mem>>) src(%arg5 : memref<32x128xf32, #tpu.memory_space<vmem>>) dst(%dma_wait3A_65 : memref<32x128xf32, #tpu.memory_space<vmem_shared>>)
      tpu.yield
    }) : () -> ()
    %mul3A_15 = arith.constant 320 : i32
    %mul3A_16 = arith.muli %arg1, %mul3A_15 : i32
    %add3A_17 = arith.constant 96 : i32
    %add3A_18 = arith.addi %mul3A_16, %add3A_17 : i32
    "tpu.region"() ({
      %run_scoped3A = tpu.sem_alloc : memref<!tpu.dma_semaphore, #tpu.memory_space<semaphore_mem>>
      %dma_start3A = arith.constant 0 : i32
      %dma_start3A_60 = tpu.memref_slice %arg9[%add3A_18, %dma_start3A] : memref<5128x128xf32, #tpu.memory_space<vmem_shared>> -> memref<32x128xf32, #tpu.memory_space<vmem_shared>>
      %dma_start3A_61 = arith.constant 0 : i32
      %dma_start3A_62 = tpu.memref_slice %arg9[%add3A_18, %dma_start3A_61] : memref<5128x128xf32, #tpu.memory_space<vmem_shared>> -> memref<32x128xf32, #tpu.memory_space<vmem_shared>>
      tpu.enqueue_dma source(%arg5 : memref<32x128xf32, #tpu.memory_space<vmem>>) target(%dma_start3A_62 : memref<32x128xf32, #tpu.memory_space<vmem_shared>>) target_semaphore(%run_scoped3A : memref<!tpu.dma_semaphore, #tpu.memory_space<semaphore_mem>>)
      %dma_wait3A = arith.constant 0 : i32
      %dma_wait3A_63 = tpu.memref_slice %arg9[%add3A_18, %dma_wait3A] : memref<5128x128xf32, #tpu.memory_space<vmem_shared>> -> memref<32x128xf32, #tpu.memory_space<vmem_shared>>
      %dma_wait3A_64 = arith.constant 0 : i32
      %dma_wait3A_65 = tpu.memref_slice %arg9[%add3A_18, %dma_wait3A_64] : memref<5128x128xf32, #tpu.memory_space<vmem_shared>> -> memref<32x128xf32, #tpu.memory_space<vmem_shared>>
      tpu.wait_dma2 semaphore(%run_scoped3A : memref<!tpu.dma_semaphore, #tpu.memory_space<semaphore_mem>>) src(%arg5 : memref<32x128xf32, #tpu.memory_space<vmem>>) dst(%dma_wait3A_65 : memref<32x128xf32, #tpu.memory_space<vmem_shared>>)
      tpu.yield
    }) : () -> ()
    %mul3A_19 = arith.constant 320 : i32
    %mul3A_20 = arith.muli %arg1, %mul3A_19 : i32
    %add3A_21 = arith.constant 128 : i32
    %add3A_22 = arith.addi %mul3A_20, %add3A_21 : i32
    "tpu.region"() ({
      %run_scoped3A = tpu.sem_alloc : memref<!tpu.dma_semaphore, #tpu.memory_space<semaphore_mem>>
      %dma_start3A = arith.constant 0 : i32
      %dma_start3A_60 = tpu.memref_slice %arg9[%add3A_22, %dma_start3A] : memref<5128x128xf32, #tpu.memory_space<vmem_shared>> -> memref<32x128xf32, #tpu.memory_space<vmem_shared>>
      %dma_start3A_61 = arith.constant 0 : i32
      %dma_start3A_62 = tpu.memref_slice %arg9[%add3A_22, %dma_start3A_61] : memref<5128x128xf32, #tpu.memory_space<vmem_shared>> -> memref<32x128xf32, #tpu.memory_space<vmem_shared>>
      tpu.enqueue_dma source(%arg5 : memref<32x128xf32, #tpu.memory_space<vmem>>) target(%dma_start3A_62 : memref<32x128xf32, #tpu.memory_space<vmem_shared>>) target_semaphore(%run_scoped3A : memref<!tpu.dma_semaphore, #tpu.memory_space<semaphore_mem>>)
      %dma_wait3A = arith.constant 0 : i32
      %dma_wait3A_63 = tpu.memref_slice %arg9[%add3A_22, %dma_wait3A] : memref<5128x128xf32, #tpu.memory_space<vmem_shared>> -> memref<32x128xf32, #tpu.memory_space<vmem_shared>>
      %dma_wait3A_64 = arith.constant 0 : i32
      %dma_wait3A_65 = tpu.memref_slice %arg9[%add3A_22, %dma_wait3A_64] : memref<5128x128xf32, #tpu.memory_space<vmem_shared>> -> memref<32x128xf32, #tpu.memory_space<vmem_shared>>
      tpu.wait_dma2 semaphore(%run_scoped3A : memref<!tpu.dma_semaphore, #tpu.memory_space<semaphore_mem>>) src(%arg5 : memref<32x128xf32, #tpu.memory_space<vmem>>) dst(%dma_wait3A_65 : memref<32x128xf32, #tpu.memory_space<vmem_shared>>)
      tpu.yield
    }) : () -> ()
    %mul3A_23 = arith.constant 320 : i32
    %mul3A_24 = arith.muli %arg1, %mul3A_23 : i32
    %add3A_25 = arith.constant 160 : i32
    %add3A_26 = arith.addi %mul3A_24, %add3A_25 : i32
    "tpu.region"() ({
      %run_scoped3A = tpu.sem_alloc : memref<!tpu.dma_semaphore, #tpu.memory_space<semaphore_mem>>
      %dma_start3A = arith.constant 0 : i32
      %dma_start3A_60 = tpu.memref_slice %arg9[%add3A_26, %dma_start3A] : memref<5128x128xf32, #tpu.memory_space<vmem_shared>> -> memref<32x128xf32, #tpu.memory_space<vmem_shared>>
      %dma_start3A_61 = arith.constant 0 : i32
      %dma_start3A_62 = tpu.memref_slice %arg9[%add3A_26, %dma_start3A_61] : memref<5128x128xf32, #tpu.memory_space<vmem_shared>> -> memref<32x128xf32, #tpu.memory_space<vmem_shared>>
      tpu.enqueue_dma source(%arg5 : memref<32x128xf32, #tpu.memory_space<vmem>>) target(%dma_start3A_62 : memref<32x128xf32, #tpu.memory_space<vmem_shared>>) target_semaphore(%run_scoped3A : memref<!tpu.dma_semaphore, #tpu.memory_space<semaphore_mem>>)
      %dma_wait3A = arith.constant 0 : i32
      %dma_wait3A_63 = tpu.memref_slice %arg9[%add3A_26, %dma_wait3A] : memref<5128x128xf32, #tpu.memory_space<vmem_shared>> -> memref<32x128xf32, #tpu.memory_space<vmem_shared>>
      %dma_wait3A_64 = arith.constant 0 : i32
      %dma_wait3A_65 = tpu.memref_slice %arg9[%add3A_26, %dma_wait3A_64] : memref<5128x128xf32, #tpu.memory_space<vmem_shared>> -> memref<32x128xf32, #tpu.memory_space<vmem_shared>>
      tpu.wait_dma2 semaphore(%run_scoped3A : memref<!tpu.dma_semaphore, #tpu.memory_space<semaphore_mem>>) src(%arg5 : memref<32x128xf32, #tpu.memory_space<vmem>>) dst(%dma_wait3A_65 : memref<32x128xf32, #tpu.memory_space<vmem_shared>>)
      tpu.yield
    }) : () -> ()
    %mul3A_27 = arith.constant 320 : i32
    %mul3A_28 = arith.muli %arg1, %mul3A_27 : i32
    %add3A_29 = arith.constant 192 : i32
    %add3A_30 = arith.addi %mul3A_28, %add3A_29 : i32
    "tpu.region"() ({
      %run_scoped3A = tpu.sem_alloc : memref<!tpu.dma_semaphore, #tpu.memory_space<semaphore_mem>>
      %dma_start3A = arith.constant 0 : i32
      %dma_start3A_60 = tpu.memref_slice %arg9[%add3A_30, %dma_start3A] : memref<5128x128xf32, #tpu.memory_space<vmem_shared>> -> memref<32x128xf32, #tpu.memory_space<vmem_shared>>
      %dma_start3A_61 = arith.constant 0 : i32
      %dma_start3A_62 = tpu.memref_slice %arg9[%add3A_30, %dma_start3A_61] : memref<5128x128xf32, #tpu.memory_space<vmem_shared>> -> memref<32x128xf32, #tpu.memory_space<vmem_shared>>
      tpu.enqueue_dma source(%arg5 : memref<32x128xf32, #tpu.memory_space<vmem>>) target(%dma_start3A_62 : memref<32x128xf32, #tpu.memory_space<vmem_shared>>) target_semaphore(%run_scoped3A : memref<!tpu.dma_semaphore, #tpu.memory_space<semaphore_mem>>)
      %dma_wait3A = arith.constant 0 : i32
      %dma_wait3A_63 = tpu.memref_slice %arg9[%add3A_30, %dma_wait3A] : memref<5128x128xf32, #tpu.memory_space<vmem_shared>> -> memref<32x128xf32, #tpu.memory_space<vmem_shared>>
      %dma_wait3A_64 = arith.constant 0 : i32
      %dma_wait3A_65 = tpu.memref_slice %arg9[%add3A_30, %dma_wait3A_64] : memref<5128x128xf32, #tpu.memory_space<vmem_shared>> -> memref<32x128xf32, #tpu.memory_space<vmem_shared>>
      tpu.wait_dma2 semaphore(%run_scoped3A : memref<!tpu.dma_semaphore, #tpu.memory_space<semaphore_mem>>) src(%arg5 : memref<32x128xf32, #tpu.memory_space<vmem>>) dst(%dma_wait3A_65 : memref<32x128xf32, #tpu.memory_space<vmem_shared>>)
      tpu.yield
    }) : () -> ()
    %mul3A_31 = arith.constant 320 : i32
    %mul3A_32 = arith.muli %arg1, %mul3A_31 : i32
    %add3A_33 = arith.constant 224 : i32
    %add3A_34 = arith.addi %mul3A_32, %add3A_33 : i32
    "tpu.region"() ({
      %run_scoped3A = tpu.sem_alloc : memref<!tpu.dma_semaphore, #tpu.memory_space<semaphore_mem>>
      %dma_start3A = arith.constant 0 : i32
      %dma_start3A_60 = tpu.memref_slice %arg9[%add3A_34, %dma_start3A] : memref<5128x128xf32, #tpu.memory_space<vmem_shared>> -> memref<32x128xf32, #tpu.memory_space<vmem_shared>>
      %dma_start3A_61 = arith.constant 0 : i32
      %dma_start3A_62 = tpu.memref_slice %arg9[%add3A_34, %dma_start3A_61] : memref<5128x128xf32, #tpu.memory_space<vmem_shared>> -> memref<32x128xf32, #tpu.memory_space<vmem_shared>>
      tpu.enqueue_dma source(%arg5 : memref<32x128xf32, #tpu.memory_space<vmem>>) target(%dma_start3A_62 : memref<32x128xf32, #tpu.memory_space<vmem_shared>>) target_semaphore(%run_scoped3A : memref<!tpu.dma_semaphore, #tpu.memory_space<semaphore_mem>>)
      %dma_wait3A = arith.constant 0 : i32
      %dma_wait3A_63 = tpu.memref_slice %arg9[%add3A_34, %dma_wait3A] : memref<5128x128xf32, #tpu.memory_space<vmem_shared>> -> memref<32x128xf32, #tpu.memory_space<vmem_shared>>
      %dma_wait3A_64 = arith.constant 0 : i32
      %dma_wait3A_65 = tpu.memref_slice %arg9[%add3A_34, %dma_wait3A_64] : memref<5128x128xf32, #tpu.memory_space<vmem_shared>> -> memref<32x128xf32, #tpu.memory_space<vmem_shared>>
      tpu.wait_dma2 semaphore(%run_scoped3A : memref<!tpu.dma_semaphore, #tpu.memory_space<semaphore_mem>>) src(%arg5 : memref<32x128xf32, #tpu.memory_space<vmem>>) dst(%dma_wait3A_65 : memref<32x128xf32, #tpu.memory_space<vmem_shared>>)
      tpu.yield
    }) : () -> ()
    %mul3A_35 = arith.constant 320 : i32
    %mul3A_36 = arith.muli %arg1, %mul3A_35 : i32
    %add3A_37 = arith.constant 256 : i32
    %add3A_38 = arith.addi %mul3A_36, %add3A_37 : i32
    "tpu.region"() ({
      %run_scoped3A = tpu.sem_alloc : memref<!tpu.dma_semaphore, #tpu.memory_space<semaphore_mem>>
      %dma_start3A = arith.constant 0 : i32
      %dma_start3A_60 = tpu.memref_slice %arg9[%add3A_38, %dma_start3A] : memref<5128x128xf32, #tpu.memory_space<vmem_shared>> -> memref<32x128xf32, #tpu.memory_space<vmem_shared>>
      %dma_start3A_61 = arith.constant 0 : i32
      %dma_start3A_62 = tpu.memref_slice %arg9[%add3A_38, %dma_start3A_61] : memref<5128x128xf32, #tpu.memory_space<vmem_shared>> -> memref<32x128xf32, #tpu.memory_space<vmem_shared>>
      tpu.enqueue_dma source(%arg5 : memref<32x128xf32, #tpu.memory_space<vmem>>) target(%dma_start3A_62 : memref<32x128xf32, #tpu.memory_space<vmem_shared>>) target_semaphore(%run_scoped3A : memref<!tpu.dma_semaphore, #tpu.memory_space<semaphore_mem>>)
      %dma_wait3A = arith.constant 0 : i32
      %dma_wait3A_63 = tpu.memref_slice %arg9[%add3A_38, %dma_wait3A] : memref<5128x128xf32, #tpu.memory_space<vmem_shared>> -> memref<32x128xf32, #tpu.memory_space<vmem_shared>>
      %dma_wait3A_64 = arith.constant 0 : i32
      %dma_wait3A_65 = tpu.memref_slice %arg9[%add3A_38, %dma_wait3A_64] : memref<5128x128xf32, #tpu.memory_space<vmem_shared>> -> memref<32x128xf32, #tpu.memory_space<vmem_shared>>
      tpu.wait_dma2 semaphore(%run_scoped3A : memref<!tpu.dma_semaphore, #tpu.memory_space<semaphore_mem>>) src(%arg5 : memref<32x128xf32, #tpu.memory_space<vmem>>) dst(%dma_wait3A_65 : memref<32x128xf32, #tpu.memory_space<vmem_shared>>)
      tpu.yield
    }) : () -> ()
    %mul3A_39 = arith.constant 320 : i32
    %mul3A_40 = arith.muli %arg1, %mul3A_39 : i32
    %add3A_41 = arith.constant 288 : i32
    %add3A_42 = arith.addi %mul3A_40, %add3A_41 : i32
    "tpu.region"() ({
      %run_scoped3A = tpu.sem_alloc : memref<!tpu.dma_semaphore, #tpu.memory_space<semaphore_mem>>
      %dma_start3A = arith.constant 0 : i32
      %dma_start3A_60 = tpu.memref_slice %arg9[%add3A_42, %dma_start3A] : memref<5128x128xf32, #tpu.memory_space<vmem_shared>> -> memref<32x128xf32, #tpu.memory_space<vmem_shared>>
      %dma_start3A_61 = arith.constant 0 : i32
      %dma_start3A_62 = tpu.memref_slice %arg9[%add3A_42, %dma_start3A_61] : memref<5128x128xf32, #tpu.memory_space<vmem_shared>> -> memref<32x128xf32, #tpu.memory_space<vmem_shared>>
      tpu.enqueue_dma source(%arg5 : memref<32x128xf32, #tpu.memory_space<vmem>>) target(%dma_start3A_62 : memref<32x128xf32, #tpu.memory_space<vmem_shared>>) target_semaphore(%run_scoped3A : memref<!tpu.dma_semaphore, #tpu.memory_space<semaphore_mem>>)
      %dma_wait3A = arith.constant 0 : i32
      %dma_wait3A_63 = tpu.memref_slice %arg9[%add3A_42, %dma_wait3A] : memref<5128x128xf32, #tpu.memory_space<vmem_shared>> -> memref<32x128xf32, #tpu.memory_space<vmem_shared>>
      %dma_wait3A_64 = arith.constant 0 : i32
      %dma_wait3A_65 = tpu.memref_slice %arg9[%add3A_42, %dma_wait3A_64] : memref<5128x128xf32, #tpu.memory_space<vmem_shared>> -> memref<32x128xf32, #tpu.memory_space<vmem_shared>>
      tpu.wait_dma2 semaphore(%run_scoped3A : memref<!tpu.dma_semaphore, #tpu.memory_space<semaphore_mem>>) src(%arg5 : memref<32x128xf32, #tpu.memory_space<vmem>>) dst(%dma_wait3A_65 : memref<32x128xf32, #tpu.memory_space<vmem_shared>>)
      tpu.yield
    }) : () -> ()
    %eq3A = arith.constant 0 : i32
    %eq3A_43 = arith.cmpi eq, %arg1, %eq3A : i32
    %convert_element_type3A = arith.extui %eq3A_43 : i1 to i32
    %cond3A = arith.constant 0 : i32
    %cond3A_44 = arith.cmpi ne, %convert_element_type3A, %cond3A : i32
    scf.if %cond3A_44 {
      "tpu.region"() ({
        %run_scoped3A = tpu.sem_alloc : memref<!tpu.dma_semaphore, #tpu.memory_space<semaphore_mem>>
        %dma_start3A = arith.constant 0 : i32
        %dma_start3A_60 = arith.constant 0 : i32
        %dma_start3A_61 = tpu.memref_slice %arg5[%dma_start3A, %dma_start3A_60] : memref<32x128xf32, #tpu.memory_space<vmem>> -> memref<8x128xf32, #tpu.memory_space<vmem>>
        %dma_start3A_62 = arith.constant 5120 : i32
        %dma_start3A_63 = arith.constant 0 : i32
        %dma_start3A_64 = tpu.memref_slice %arg9[%dma_start3A_62, %dma_start3A_63] : memref<5128x128xf32, #tpu.memory_space<vmem_shared>> -> memref<8x128xf32, #tpu.memory_space<vmem_shared>>
        %dma_start3A_65 = arith.constant 5120 : i32
        %dma_start3A_66 = arith.constant 0 : i32
        %dma_start3A_67 = tpu.memref_slice %arg9[%dma_start3A_65, %dma_start3A_66] : memref<5128x128xf32, #tpu.memory_space<vmem_shared>> -> memref<8x128xf32, #tpu.memory_space<vmem_shared>>
        %dma_start3A_68 = arith.constant 0 : i32
        %dma_start3A_69 = arith.constant 0 : i32
        %dma_start3A_70 = tpu.memref_slice %arg5[%dma_start3A_68, %dma_start3A_69] : memref<32x128xf32, #tpu.memory_space<vmem>> -> memref<8x128xf32, #tpu.memory_space<vmem>>
        tpu.enqueue_dma source(%dma_start3A_70 : memref<8x128xf32, #tpu.memory_space<vmem>>) target(%dma_start3A_67 : memref<8x128xf32, #tpu.memory_space<vmem_shared>>) target_semaphore(%run_scoped3A : memref<!tpu.dma_semaphore, #tpu.memory_space<semaphore_mem>>)
        %dma_wait3A = arith.constant 0 : i32
        %dma_wait3A_71 = arith.constant 0 : i32
        %dma_wait3A_72 = tpu.memref_slice %arg5[%dma_wait3A, %dma_wait3A_71] : memref<32x128xf32, #tpu.memory_space<vmem>> -> memref<8x128xf32, #tpu.memory_space<vmem>>
        %dma_wait3A_73 = arith.constant 5120 : i32
        %dma_wait3A_74 = arith.constant 0 : i32
        %dma_wait3A_75 = tpu.memref_slice %arg9[%dma_wait3A_73, %dma_wait3A_74] : memref<5128x128xf32, #tpu.memory_space<vmem_shared>> -> memref<8x128xf32, #tpu.memory_space<vmem_shared>>
        %dma_wait3A_76 = arith.constant 5120 : i32
        %dma_wait3A_77 = arith.constant 0 : i32
        %dma_wait3A_78 = tpu.memref_slice %arg9[%dma_wait3A_76, %dma_wait3A_77] : memref<5128x128xf32, #tpu.memory_space<vmem_shared>> -> memref<8x128xf32, #tpu.memory_space<vmem_shared>>
        %dma_wait3A_79 = arith.constant 0 : i32
        %dma_wait3A_80 = arith.constant 0 : i32
        %dma_wait3A_81 = tpu.memref_slice %arg5[%dma_wait3A_79, %dma_wait3A_80] : memref<32x128xf32, #tpu.memory_space<vmem>> -> memref<8x128xf32, #tpu.memory_space<vmem>>
        tpu.wait_dma2 semaphore(%run_scoped3A : memref<!tpu.dma_semaphore, #tpu.memory_space<semaphore_mem>>) src(%dma_wait3A_81 : memref<8x128xf32, #tpu.memory_space<vmem>>) dst(%dma_wait3A_78 : memref<8x128xf32, #tpu.memory_space<vmem_shared>>)
        tpu.yield
      }) : () -> ()
    } else {
    }
    %barrier3A = arith.constant 0 : index
    tpu.barrier barrier_id(%barrier3A)
    %mul3A_45 = arith.constant 5120 : i32
    %mul3A_46 = arith.muli %arg0, %mul3A_45 : i32
    %scan3A_47 = arith.constant 0 : i32
    %scan3A_48 = arith.constant 50 : i32
    %scan3A_49 = arith.addi %scan3A_47, %scan3A_48 : i32
    %scan3A_50 = arith.constant 1 : i32
    scf.for %scan3A_60 = %scan3A_47 to %scan3A_49 step %scan3A_50  : i32 {
      %mul3A_61 = arith.constant 50 : i32
      %mul3A_62 = arith.muli %arg1, %mul3A_61 : i32
      %add3A_63 = arith.addi %mul3A_62, %scan3A_60 : i32
      %mul3A_64 = arith.constant 1200 : i32
      %mul3A_65 = arith.muli %add3A_63, %mul3A_64 : i32
      "tpu.region"() ({
        %run_scoped3A = tpu.sem_alloc : memref<!tpu.dma_semaphore, #tpu.memory_space<semaphore_mem>>
        %dma_start3A_84 = tpu.memref_slice %arg3[%mul3A_65] : memref<960000xi32, #tpu.memory_space<hbm>> -> memref<1200xi32, #tpu.memory_space<hbm>>
        %dma_start3A_85 = tpu.memref_slice %arg3[%mul3A_65] : memref<960000xi32, #tpu.memory_space<hbm>> -> memref<1200xi32, #tpu.memory_space<hbm>>
        tpu.enqueue_dma source(%dma_start3A_85 : memref<1200xi32, #tpu.memory_space<hbm>>) target(%arg7 : memref<1200xi32, #tpu.memory_space<vmem>>) target_semaphore(%run_scoped3A : memref<!tpu.dma_semaphore, #tpu.memory_space<semaphore_mem>>)
        %dma_wait3A_86 = tpu.memref_slice %arg3[%mul3A_65] : memref<960000xi32, #tpu.memory_space<hbm>> -> memref<1200xi32, #tpu.memory_space<hbm>>
        %dma_wait3A_87 = tpu.memref_slice %arg3[%mul3A_65] : memref<960000xi32, #tpu.memory_space<hbm>> -> memref<1200xi32, #tpu.memory_space<hbm>>
        tpu.wait_dma2 semaphore(%run_scoped3A : memref<!tpu.dma_semaphore, #tpu.memory_space<semaphore_mem>>) src(%dma_wait3A_87 : memref<1200xi32, #tpu.memory_space<hbm>>) dst(%arg7 : memref<1200xi32, #tpu.memory_space<vmem>>)
        tpu.yield
      }) : () -> ()
      %dma_start3A = arith.constant 0 : i32
      %dma_start3A_66 = tpu.memref_slice %arg7[%dma_start3A] : memref<1200xi32, #tpu.memory_space<vmem>> -> memref<400xi32, #tpu.memory_space<vmem>>
      %dma_start3A_67 = arith.constant 0 : i32
      %dma_start3A_68 = arith.constant 0 : i32
      %dma_start3A_69 = tpu.memref_slice %arg2[%dma_start3A_67, %dma_start3A_68] : memref<10000x128xf32, #tpu.memory_space<hbm>> -> memref<10000x128xf32, #tpu.memory_space<hbm>>
      tpu.enqueue_indirect_dma source(%dma_start3A_69 : memref<10000x128xf32, #tpu.memory_space<hbm>>) target(%arg6 : memref<400x128xf32, #tpu.memory_space<vmem>>) offsets(%dma_start3A_66 : memref<400xi32, #tpu.memory_space<vmem>>) semaphore(%arg10 : memref<!tpu.dma_semaphore, #tpu.memory_space<semaphore_mem>>)
      %dma_wait3A = arith.constant 0 : i32
      %dma_wait3A_70 = tpu.memref_slice %arg7[%dma_wait3A] : memref<1200xi32, #tpu.memory_space<vmem>> -> memref<400xi32, #tpu.memory_space<vmem>>
      %dma_wait3A_71 = arith.constant 0 : i32
      %dma_wait3A_72 = arith.constant 0 : i32
      %dma_wait3A_73 = tpu.memref_slice %arg2[%dma_wait3A_71, %dma_wait3A_72] : memref<10000x128xf32, #tpu.memory_space<hbm>> -> memref<10000x128xf32, #tpu.memory_space<hbm>>
      tpu.wait_indirect_dma semaphore(%arg10 : memref<!tpu.dma_semaphore, #tpu.memory_space<semaphore_mem>>) src(%dma_wait3A_73 : memref<10000x128xf32, #tpu.memory_space<hbm>>) dst(%arg6 : memref<400x128xf32, #tpu.memory_space<vmem>>)
      %scan3A_74 = arith.constant 0 : i32
      %scan3A_75 = arith.constant 25 : i32
      %scan3A_76 = arith.addi %scan3A_74, %scan3A_75 : i32
      %scan3A_77 = arith.constant 1 : i32
      scf.for %scan3A_84 = %scan3A_74 to %scan3A_76 step %scan3A_77  : i32 {
        %mul3A_85 = arith.constant 16 : i32
        %mul3A_86 = arith.muli %scan3A_84, %mul3A_85 : i32
        %add3A_87 = arith.constant 400 : i32
        %add3A_88 = arith.addi %add3A_87, %mul3A_86 : i32
        %get3A = arith.index_cast %add3A_88 : i32 to index
        %get3A_89 = tpu.vector_load %arg7[%get3A] {strides = array<i32>} : memref<1200xi32, #tpu.memory_space<vmem>>, vector<16xi32>,
        %sub3A = vector.broadcast %mul3A_46 : i32 to vector<16xi32>
        %sub3A_90 = arith.subi %get3A_89, %sub3A : vector<16xi32>
        %ge3A = arith.constant 0 : i32
        %ge3A_91 = vector.broadcast %ge3A : i32 to vector<16xi32>
        %ge3A_92 = arith.cmpi sge, %sub3A_90, %ge3A_91 : vector<16xi32>
        %lt3A = arith.constant 5120 : i32
        %lt3A_93 = vector.broadcast %lt3A : i32 to vector<16xi32>
        %lt3A_94 = arith.cmpi slt, %sub3A_90, %lt3A_93 : vector<16xi32>
        %and3A = arith.andi %ge3A_92, %lt3A_94 : vector<16xi1>
        %jit3A = arith.constant 5120 : i32
        %broadcast_in_dim3A_95 = vector.broadcast %jit3A : i32 to vector<16xi32>
        %select_n3A = arith.select %and3A, %sub3A_90, %broadcast_in_dim3A_95 : vector<16xi1>, vector<16xi32>
        %mul3A_96 = arith.constant 16 : i32
        %mul3A_97 = arith.muli %scan3A_84, %mul3A_96 : i32
        %swap3A = arith.index_cast %mul3A_97 : i32 to index
        %swap3A_98 = tpu.vector_load %arg8[%swap3A] {strides = array<i32>} : memref<400xi32, #tpu.memory_space<vmem>>, vector<16xi32>,
        tpu.vector_store %arg8[%swap3A], %select_n3A {strides = array<i32>} : memref<400xi32, #tpu.memory_space<vmem>>, vector<16xi32>,
      }
      %scan3A_78 = arith.constant 25 : i32
      %scan3A_79 = arith.constant 0 : i32
      %scan3A_80 = arith.constant 50 : i32
      %scan3A_81 = arith.addi %scan3A_79, %scan3A_80 : i32
      %scan3A_82 = arith.constant 1 : i32
      scf.for %scan3A_84 = %scan3A_79 to %scan3A_81 step %scan3A_82  : i32 {
        %mul3A_85 = arith.constant 8 : i32
        %mul3A_86 = arith.muli %scan3A_84, %mul3A_85 : i32
        %add3A_87 = arith.constant 0 : i32
        %add3A_88 = arith.addi %mul3A_86, %add3A_87 : i32
        %add3A_89 = arith.constant 800 : i32
        %add3A_90 = arith.addi %add3A_89, %add3A_88 : i32
        %broadcast_in_dim3A_91 = vector.broadcast %add3A_90 : i32 to vector<16xi32>
        %gather3A = tpu.vector_load_idx %arg7[%broadcast_in_dim3A_91] : memref<1200xi32, #tpu.memory_space<vmem>>[vector<16xi32>], vector<16xi32>,
        %bitcast3A = vector.bitcast %gather3A : vector<16xi32> to vector<16xf32>
        %get3A = arith.index_cast %add3A_88 : i32 to index
        %get3A_92 = arith.constant 0 : index
        %get3A_93 = tpu.vector_load %arg6[%get3A, %get3A_92] {strides = array<i32>} : memref<400x128xf32, #tpu.memory_space<vmem>>, vector<16xf32>,
        %mul3A_94 = arith.mulf %get3A_93, %bitcast3A : vector<16xf32>
        %swap3A = arith.index_cast %add3A_88 : i32 to index
        %swap3A_95 = arith.constant 0 : index
        %swap3A_96 = tpu.vector_load %arg6[%swap3A, %swap3A_95] {strides = array<i32>} : memref<400x128xf32, #tpu.memory_space<vmem>>, vector<16xf32>,
        tpu.vector_store %arg6[%swap3A, %swap3A_95], %mul3A_94 {strides = array<i32>} : memref<400x128xf32, #tpu.memory_space<vmem>>, vector<16xf32>,
        %get3A_97 = arith.index_cast %add3A_88 : i32 to index
        %get3A_98 = arith.constant 16 : index
        %get3A_99 = tpu.vector_load %arg6[%get3A_97, %get3A_98] {strides = array<i32>} : memref<400x128xf32, #tpu.memory_space<vmem>>, vector<16xf32>,
        %mul3A_100 = arith.mulf %get3A_99, %bitcast3A : vector<16xf32>
        %swap3A_101 = arith.index_cast %add3A_88 : i32 to index
        %swap3A_102 = arith.constant 16 : index
        %swap3A_103 = tpu.vector_load %arg6[%swap3A_101, %swap3A_102] {strides = array<i32>} : memref<400x128xf32, #tpu.memory_space<vmem>>, vector<16xf32>,
        tpu.vector_store %arg6[%swap3A_101, %swap3A_102], %mul3A_100 {strides = array<i32>} : memref<400x128xf32, #tpu.memory_space<vmem>>, vector<16xf32>,
        %get3A_104 = arith.index_cast %add3A_88 : i32 to index
        %get3A_105 = arith.constant 32 : index
        %get3A_106 = tpu.vector_load %arg6[%get3A_104, %get3A_105] {strides = array<i32>} : memref<400x128xf32, #tpu.memory_space<vmem>>, vector<16xf32>,
        %mul3A_107 = arith.mulf %get3A_106, %bitcast3A : vector<16xf32>
        %swap3A_108 = arith.index_cast %add3A_88 : i32 to index
        %swap3A_109 = arith.constant 32 : index
        %swap3A_110 = tpu.vector_load %arg6[%swap3A_108, %swap3A_109] {strides = array<i32>} : memref<400x128xf32, #tpu.memory_space<vmem>>, vector<16xf32>,
        tpu.vector_store %arg6[%swap3A_108, %swap3A_109], %mul3A_107 {strides = array<i32>} : memref<400x128xf32, #tpu.memory_space<vmem>>, vector<16xf32>,
        %get3A_111 = arith.index_cast %add3A_88 : i32 to index
        %get3A_112 = arith.constant 48 : index
        %get3A_113 = tpu.vector_load %arg6[%get3A_111, %get3A_112] {strides = array<i32>} : memref<400x128xf32, #tpu.memory_space<vmem>>, vector<16xf32>,
        %mul3A_114 = arith.mulf %get3A_113, %bitcast3A : vector<16xf32>
        %swap3A_115 = arith.index_cast %add3A_88 : i32 to index
        %swap3A_116 = arith.constant 48 : index
        %swap3A_117 = tpu.vector_load %arg6[%swap3A_115, %swap3A_116] {strides = array<i32>} : memref<400x128xf32, #tpu.memory_space<vmem>>, vector<16xf32>,
        tpu.vector_store %arg6[%swap3A_115, %swap3A_116], %mul3A_114 {strides = array<i32>} : memref<400x128xf32, #tpu.memory_space<vmem>>, vector<16xf32>,
        %get3A_118 = arith.index_cast %add3A_88 : i32 to index
        %get3A_119 = arith.constant 64 : index
        %get3A_120 = tpu.vector_load %arg6[%get3A_118, %get3A_119] {strides = array<i32>} : memref<400x128xf32, #tpu.memory_space<vmem>>, vector<16xf32>,
        %mul3A_121 = arith.mulf %get3A_120, %bitcast3A : vector<16xf32>
        %swap3A_122 = arith.index_cast %add3A_88 : i32 to index
        %swap3A_123 = arith.constant 64 : index
        %swap3A_124 = tpu.vector_load %arg6[%swap3A_122, %swap3A_123] {strides = array<i32>} : memref<400x128xf32, #tpu.memory_space<vmem>>, vector<16xf32>,
        tpu.vector_store %arg6[%swap3A_122, %swap3A_123], %mul3A_121 {strides = array<i32>} : memref<400x128xf32, #tpu.memory_space<vmem>>, vector<16xf32>,
        %get3A_125 = arith.index_cast %add3A_88 : i32 to index
        %get3A_126 = arith.constant 80 : index
        %get3A_127 = tpu.vector_load %arg6[%get3A_125, %get3A_126] {strides = array<i32>} : memref<400x128xf32, #tpu.memory_space<vmem>>, vector<16xf32>,
        %mul3A_128 = arith.mulf %get3A_127, %bitcast3A : vector<16xf32>
        %swap3A_129 = arith.index_cast %add3A_88 : i32 to index
        %swap3A_130 = arith.constant 80 : index
        %swap3A_131 = tpu.vector_load %arg6[%swap3A_129, %swap3A_130] {strides = array<i32>} : memref<400x128xf32, #tpu.memory_space<vmem>>, vector<16xf32>,
        tpu.vector_store %arg6[%swap3A_129, %swap3A_130], %mul3A_128 {strides = array<i32>} : memref<400x128xf32, #tpu.memory_space<vmem>>, vector<16xf32>,
        %get3A_132 = arith.index_cast %add3A_88 : i32 to index
        %get3A_133 = arith.constant 96 : index
        %get3A_134 = tpu.vector_load %arg6[%get3A_132, %get3A_133] {strides = array<i32>} : memref<400x128xf32, #tpu.memory_space<vmem>>, vector<16xf32>,
        %mul3A_135 = arith.mulf %get3A_134, %bitcast3A : vector<16xf32>
        %swap3A_136 = arith.index_cast %add3A_88 : i32 to index
        %swap3A_137 = arith.constant 96 : index
        %swap3A_138 = tpu.vector_load %arg6[%swap3A_136, %swap3A_137] {strides = array<i32>} : memref<400x128xf32, #tpu.memory_space<vmem>>, vector<16xf32>,
        tpu.vector_store %arg6[%swap3A_136, %swap3A_137], %mul3A_135 {strides = array<i32>} : memref<400x128xf32, #tpu.memory_space<vmem>>, vector<16xf32>,
        %get3A_139 = arith.index_cast %add3A_88 : i32 to index
        %get3A_140 = arith.constant 112 : index
        %get3A_141 = tpu.vector_load %arg6[%get3A_139, %get3A_140] {strides = array<i32>} : memref<400x128xf32, #tpu.memory_space<vmem>>, vector<16xf32>,
        %mul3A_142 = arith.mulf %get3A_141, %bitcast3A : vector<16xf32>
        %swap3A_143 = arith.index_cast %add3A_88 : i32 to index
        %swap3A_144 = arith.constant 112 : index
        %swap3A_145 = tpu.vector_load %arg6[%swap3A_143, %swap3A_144] {strides = array<i32>} : memref<400x128xf32, #tpu.memory_space<vmem>>, vector<16xf32>,
        tpu.vector_store %arg6[%swap3A_143, %swap3A_144], %mul3A_142 {strides = array<i32>} : memref<400x128xf32, #tpu.memory_space<vmem>>, vector<16xf32>,
        %mul3A_146 = arith.constant 8 : i32
        %mul3A_147 = arith.muli %scan3A_84, %mul3A_146 : i32
        %add3A_148 = arith.constant 1 : i32
        %add3A_149 = arith.addi %mul3A_147, %add3A_148 : i32
        %add3A_150 = arith.constant 800 : i32
        %add3A_151 = arith.addi %add3A_150, %add3A_149 : i32
        %broadcast_in_dim3A_152 = vector.broadcast %add3A_151 : i32 to vector<16xi32>
        %gather3A_153 = tpu.vector_load_idx %arg7[%broadcast_in_dim3A_152] : memref<1200xi32, #tpu.memory_space<vmem>>[vector<16xi32>], vector<16xi32>,
        %bitcast3A_154 = vector.bitcast %gather3A_153 : vector<16xi32> to vector<16xf32>
        %get3A_155 = arith.index_cast %add3A_149 : i32 to index
        %get3A_156 = arith.constant 0 : index
        %get3A_157 = tpu.vector_load %arg6[%get3A_155, %get3A_156] {strides = array<i32>} : memref<400x128xf32, #tpu.memory_space<vmem>>, vector<16xf32>,
        %mul3A_158 = arith.mulf %get3A_157, %bitcast3A_154 : vector<16xf32>
        %swap3A_159 = arith.index_cast %add3A_149 : i32 to index
        %swap3A_160 = arith.constant 0 : index
        %swap3A_161 = tpu.vector_load %arg6[%swap3A_159, %swap3A_160] {strides = array<i32>} : memref<400x128xf32, #tpu.memory_space<vmem>>, vector<16xf32>,
        tpu.vector_store %arg6[%swap3A_159, %swap3A_160], %mul3A_158 {strides = array<i32>} : memref<400x128xf32, #tpu.memory_space<vmem>>, vector<16xf32>,
        %get3A_162 = arith.index_cast %add3A_149 : i32 to index
        %get3A_163 = arith.constant 16 : index
        %get3A_164 = tpu.vector_load %arg6[%get3A_162, %get3A_163] {strides = array<i32>} : memref<400x128xf32, #tpu.memory_space<vmem>>, vector<16xf32>,
        %mul3A_165 = arith.mulf %get3A_164, %bitcast3A_154 : vector<16xf32>
        %swap3A_166 = arith.index_cast %add3A_149 : i32 to index
        %swap3A_167 = arith.constant 16 : index
        %swap3A_168 = tpu.vector_load %arg6[%swap3A_166, %swap3A_167] {strides = array<i32>} : memref<400x128xf32, #tpu.memory_space<vmem>>, vector<16xf32>,
        tpu.vector_store %arg6[%swap3A_166, %swap3A_167], %mul3A_165 {strides = array<i32>} : memref<400x128xf32, #tpu.memory_space<vmem>>, vector<16xf32>,
        %get3A_169 = arith.index_cast %add3A_149 : i32 to index
        %get3A_170 = arith.constant 32 : index
        %get3A_171 = tpu.vector_load %arg6[%get3A_169, %get3A_170] {strides = array<i32>} : memref<400x128xf32, #tpu.memory_space<vmem>>, vector<16xf32>,
        %mul3A_172 = arith.mulf %get3A_171, %bitcast3A_154 : vector<16xf32>
        %swap3A_173 = arith.index_cast %add3A_149 : i32 to index
        %swap3A_174 = arith.constant 32 : index
        %swap3A_175 = tpu.vector_load %arg6[%swap3A_173, %swap3A_174] {strides = array<i32>} : memref<400x128xf32, #tpu.memory_space<vmem>>, vector<16xf32>,
        tpu.vector_store %arg6[%swap3A_173, %swap3A_174], %mul3A_172 {strides = array<i32>} : memref<400x128xf32, #tpu.memory_space<vmem>>, vector<16xf32>,
        %get3A_176 = arith.index_cast %add3A_149 : i32 to index
        %get3A_177 = arith.constant 48 : index
        %get3A_178 = tpu.vector_load %arg6[%get3A_176, %get3A_177] {strides = array<i32>} : memref<400x128xf32, #tpu.memory_space<vmem>>, vector<16xf32>,
        %mul3A_179 = arith.mulf %get3A_178, %bitcast3A_154 : vector<16xf32>
        %swap3A_180 = arith.index_cast %add3A_149 : i32 to index
        %swap3A_181 = arith.constant 48 : index
        %swap3A_182 = tpu.vector_load %arg6[%swap3A_180, %swap3A_181] {strides = array<i32>} : memref<400x128xf32, #tpu.memory_space<vmem>>, vector<16xf32>,
        tpu.vector_store %arg6[%swap3A_180, %swap3A_181], %mul3A_179 {strides = array<i32>} : memref<400x128xf32, #tpu.memory_space<vmem>>, vector<16xf32>,
        %get3A_183 = arith.index_cast %add3A_149 : i32 to index
        %get3A_184 = arith.constant 64 : index
        %get3A_185 = tpu.vector_load %arg6[%get3A_183, %get3A_184] {strides = array<i32>} : memref<400x128xf32, #tpu.memory_space<vmem>>, vector<16xf32>,
        %mul3A_186 = arith.mulf %get3A_185, %bitcast3A_154 : vector<16xf32>
        %swap3A_187 = arith.index_cast %add3A_149 : i32 to index
        %swap3A_188 = arith.constant 64 : index
        %swap3A_189 = tpu.vector_load %arg6[%swap3A_187, %swap3A_188] {strides = array<i32>} : memref<400x128xf32, #tpu.memory_space<vmem>>, vector<16xf32>,
        tpu.vector_store %arg6[%swap3A_187, %swap3A_188], %mul3A_186 {strides = array<i32>} : memref<400x128xf32, #tpu.memory_space<vmem>>, vector<16xf32>,
        %get3A_190 = arith.index_cast %add3A_149 : i32 to index
        %get3A_191 = arith.constant 80 : index
        %get3A_192 = tpu.vector_load %arg6[%get3A_190, %get3A_191] {strides = array<i32>} : memref<400x128xf32, #tpu.memory_space<vmem>>, vector<16xf32>,
        %mul3A_193 = arith.mulf %get3A_192, %bitcast3A_154 : vector<16xf32>
        %swap3A_194 = arith.index_cast %add3A_149 : i32 to index
        %swap3A_195 = arith.constant 80 : index
        %swap3A_196 = tpu.vector_load %arg6[%swap3A_194, %swap3A_195] {strides = array<i32>} : memref<400x128xf32, #tpu.memory_space<vmem>>, vector<16xf32>,
        tpu.vector_store %arg6[%swap3A_194, %swap3A_195], %mul3A_193 {strides = array<i32>} : memref<400x128xf32, #tpu.memory_space<vmem>>, vector<16xf32>,
        %get3A_197 = arith.index_cast %add3A_149 : i32 to index
        %get3A_198 = arith.constant 96 : index
        %get3A_199 = tpu.vector_load %arg6[%get3A_197, %get3A_198] {strides = array<i32>} : memref<400x128xf32, #tpu.memory_space<vmem>>, vector<16xf32>,
        %mul3A_200 = arith.mulf %get3A_199, %bitcast3A_154 : vector<16xf32>
        %swap3A_201 = arith.index_cast %add3A_149 : i32 to index
        %swap3A_202 = arith.constant 96 : index
        %swap3A_203 = tpu.vector_load %arg6[%swap3A_201, %swap3A_202] {strides = array<i32>} : memref<400x128xf32, #tpu.memory_space<vmem>>, vector<16xf32>,
        tpu.vector_store %arg6[%swap3A_201, %swap3A_202], %mul3A_200 {strides = array<i32>} : memref<400x128xf32, #tpu.memory_space<vmem>>, vector<16xf32>,
        %get3A_204 = arith.index_cast %add3A_149 : i32 to index
        %get3A_205 = arith.constant 112 : index
        %get3A_206 = tpu.vector_load %arg6[%get3A_204, %get3A_205] {strides = array<i32>} : memref<400x128xf32, #tpu.memory_space<vmem>>, vector<16xf32>,
        %mul3A_207 = arith.mulf %get3A_206, %bitcast3A_154 : vector<16xf32>
        %swap3A_208 = arith.index_cast %add3A_149 : i32 to index
        %swap3A_209 = arith.constant 112 : index
        %swap3A_210 = tpu.vector_load %arg6[%swap3A_208, %swap3A_209] {strides = array<i32>} : memref<400x128xf32, #tpu.memory_space<vmem>>, vector<16xf32>,
        tpu.vector_store %arg6[%swap3A_208, %swap3A_209], %mul3A_207 {strides = array<i32>} : memref<400x128xf32, #tpu.memory_space<vmem>>, vector<16xf32>,
        %mul3A_211 = arith.constant 8 : i32
        %mul3A_212 = arith.muli %scan3A_84, %mul3A_211 : i32
        %add3A_213 = arith.constant 2 : i32
        %add3A_214 = arith.addi %mul3A_212, %add3A_213 : i32
        %add3A_215 = arith.constant 800 : i32
        %add3A_216 = arith.addi %add3A_215, %add3A_214 : i32
        %broadcast_in_dim3A_217 = vector.broadcast %add3A_216 : i32 to vector<16xi32>
        %gather3A_218 = tpu.vector_load_idx %arg7[%broadcast_in_dim3A_217] : memref<1200xi32, #tpu.memory_space<vmem>>[vector<16xi32>], vector<16xi32>,
        %bitcast3A_219 = vector.bitcast %gather3A_218 : vector<16xi32> to vector<16xf32>
        %get3A_220 = arith.index_cast %add3A_214 : i32 to index
        %get3A_221 = arith.constant 0 : index
        %get3A_222 = tpu.vector_load %arg6[%get3A_220, %get3A_221] {strides = array<i32>} : memref<400x128xf32, #tpu.memory_space<vmem>>, vector<16xf32>,
        %mul3A_223 = arith.mulf %get3A_222, %bitcast3A_219 : vector<16xf32>
        %swap3A_224 = arith.index_cast %add3A_214 : i32 to index
        %swap3A_225 = arith.constant 0 : index
        %swap3A_226 = tpu.vector_load %arg6[%swap3A_224, %swap3A_225] {strides = array<i32>} : memref<400x128xf32, #tpu.memory_space<vmem>>, vector<16xf32>,
        tpu.vector_store %arg6[%swap3A_224, %swap3A_225], %mul3A_223 {strides = array<i32>} : memref<400x128xf32, #tpu.memory_space<vmem>>, vector<16xf32>,
        %get3A_227 = arith.index_cast %add3A_214 : i32 to index
        %get3A_228 = arith.constant 16 : index
        %get3A_229 = tpu.vector_load %arg6[%get3A_227, %get3A_228] {strides = array<i32>} : memref<400x128xf32, #tpu.memory_space<vmem>>, vector<16xf32>,
        %mul3A_230 = arith.mulf %get3A_229, %bitcast3A_219 : vector<16xf32>
        %swap3A_231 = arith.index_cast %add3A_214 : i32 to index
        %swap3A_232 = arith.constant 16 : index
        %swap3A_233 = tpu.vector_load %arg6[%swap3A_231, %swap3A_232] {strides = array<i32>} : memref<400x128xf32, #tpu.memory_space<vmem>>, vector<16xf32>,
        tpu.vector_store %arg6[%swap3A_231, %swap3A_232], %mul3A_230 {strides = array<i32>} : memref<400x128xf32, #tpu.memory_space<vmem>>, vector<16xf32>,
        %get3A_234 = arith.index_cast %add3A_214 : i32 to index
        %get3A_235 = arith.constant 32 : index
        %get3A_236 = tpu.vector_load %arg6[%get3A_234, %get3A_235] {strides = array<i32>} : memref<400x128xf32, #tpu.memory_space<vmem>>, vector<16xf32>,
        %mul3A_237 = arith.mulf %get3A_236, %bitcast3A_219 : vector<16xf32>
        %swap3A_238 = arith.index_cast %add3A_214 : i32 to index
        %swap3A_239 = arith.constant 32 : index
        %swap3A_240 = tpu.vector_load %arg6[%swap3A_238, %swap3A_239] {strides = array<i32>} : memref<400x128xf32, #tpu.memory_space<vmem>>, vector<16xf32>,
        tpu.vector_store %arg6[%swap3A_238, %swap3A_239], %mul3A_237 {strides = array<i32>} : memref<400x128xf32, #tpu.memory_space<vmem>>, vector<16xf32>,
        %get3A_241 = arith.index_cast %add3A_214 : i32 to index
        %get3A_242 = arith.constant 48 : index
        %get3A_243 = tpu.vector_load %arg6[%get3A_241, %get3A_242] {strides = array<i32>} : memref<400x128xf32, #tpu.memory_space<vmem>>, vector<16xf32>,
        %mul3A_244 = arith.mulf %get3A_243, %bitcast3A_219 : vector<16xf32>
        %swap3A_245 = arith.index_cast %add3A_214 : i32 to index
        %swap3A_246 = arith.constant 48 : index
        %swap3A_247 = tpu.vector_load %arg6[%swap3A_245, %swap3A_246] {strides = array<i32>} : memref<400x128xf32, #tpu.memory_space<vmem>>, vector<16xf32>,
        tpu.vector_store %arg6[%swap3A_245, %swap3A_246], %mul3A_244 {strides = array<i32>} : memref<400x128xf32, #tpu.memory_space<vmem>>, vector<16xf32>,
        %get3A_248 = arith.index_cast %add3A_214 : i32 to index
        %get3A_249 = arith.constant 64 : index
        %get3A_250 = tpu.vector_load %arg6[%get3A_248, %get3A_249] {strides = array<i32>} : memref<400x128xf32, #tpu.memory_space<vmem>>, vector<16xf32>,
        %mul3A_251 = arith.mulf %get3A_250, %bitcast3A_219 : vector<16xf32>
        %swap3A_252 = arith.index_cast %add3A_214 : i32 to index
        %swap3A_253 = arith.constant 64 : index
        %swap3A_254 = tpu.vector_load %arg6[%swap3A_252, %swap3A_253] {strides = array<i32>} : memref<400x128xf32, #tpu.memory_space<vmem>>, vector<16xf32>,
        tpu.vector_store %arg6[%swap3A_252, %swap3A_253], %mul3A_251 {strides = array<i32>} : memref<400x128xf32, #tpu.memory_space<vmem>>, vector<16xf32>,
        %get3A_255 = arith.index_cast %add3A_214 : i32 to index
        %get3A_256 = arith.constant 80 : index
        %get3A_257 = tpu.vector_load %arg6[%get3A_255, %get3A_256] {strides = array<i32>} : memref<400x128xf32, #tpu.memory_space<vmem>>, vector<16xf32>,
        %mul3A_258 = arith.mulf %get3A_257, %bitcast3A_219 : vector<16xf32>
        %swap3A_259 = arith.index_cast %add3A_214 : i32 to index
        %swap3A_260 = arith.constant 80 : index
        %swap3A_261 = tpu.vector_load %arg6[%swap3A_259, %swap3A_260] {strides = array<i32>} : memref<400x128xf32, #tpu.memory_space<vmem>>, vector<16xf32>,
        tpu.vector_store %arg6[%swap3A_259, %swap3A_260], %mul3A_258 {strides = array<i32>} : memref<400x128xf32, #tpu.memory_space<vmem>>, vector<16xf32>,
        %get3A_262 = arith.index_cast %add3A_214 : i32 to index
        %get3A_263 = arith.constant 96 : index
        %get3A_264 = tpu.vector_load %arg6[%get3A_262, %get3A_263] {strides = array<i32>} : memref<400x128xf32, #tpu.memory_space<vmem>>, vector<16xf32>,
        %mul3A_265 = arith.mulf %get3A_264, %bitcast3A_219 : vector<16xf32>
        %swap3A_266 = arith.index_cast %add3A_214 : i32 to index
        %swap3A_267 = arith.constant 96 : index
        %swap3A_268 = tpu.vector_load %arg6[%swap3A_266, %swap3A_267] {strides = array<i32>} : memref<400x128xf32, #tpu.memory_space<vmem>>, vector<16xf32>,
        tpu.vector_store %arg6[%swap3A_266, %swap3A_267], %mul3A_265 {strides = array<i32>} : memref<400x128xf32, #tpu.memory_space<vmem>>, vector<16xf32>,
        %get3A_269 = arith.index_cast %add3A_214 : i32 to index
        %get3A_270 = arith.constant 112 : index
        %get3A_271 = tpu.vector_load %arg6[%get3A_269, %get3A_270] {strides = array<i32>} : memref<400x128xf32, #tpu.memory_space<vmem>>, vector<16xf32>,
        %mul3A_272 = arith.mulf %get3A_271, %bitcast3A_219 : vector<16xf32>
        %swap3A_273 = arith.index_cast %add3A_214 : i32 to index
        %swap3A_274 = arith.constant 112 : index
        %swap3A_275 = tpu.vector_load %arg6[%swap3A_273, %swap3A_274] {strides = array<i32>} : memref<400x128xf32, #tpu.memory_space<vmem>>, vector<16xf32>,
        tpu.vector_store %arg6[%swap3A_273, %swap3A_274], %mul3A_272 {strides = array<i32>} : memref<400x128xf32, #tpu.memory_space<vmem>>, vector<16xf32>,
        %mul3A_276 = arith.constant 8 : i32
        %mul3A_277 = arith.muli %scan3A_84, %mul3A_276 : i32
        %add3A_278 = arith.constant 3 : i32
        %add3A_279 = arith.addi %mul3A_277, %add3A_278 : i32
        %add3A_280 = arith.constant 800 : i32
        %add3A_281 = arith.addi %add3A_280, %add3A_279 : i32
        %broadcast_in_dim3A_282 = vector.broadcast %add3A_281 : i32 to vector<16xi32>
        %gather3A_283 = tpu.vector_load_idx %arg7[%broadcast_in_dim3A_282] : memref<1200xi32, #tpu.memory_space<vmem>>[vector<16xi32>], vector<16xi32>,
        %bitcast3A_284 = vector.bitcast %gather3A_283 : vector<16xi32> to vector<16xf32>
        %get3A_285 = arith.index_cast %add3A_279 : i32 to index
        %get3A_286 = arith.constant 0 : index
        %get3A_287 = tpu.vector_load %arg6[%get3A_285, %get3A_286] {strides = array<i32>} : memref<400x128xf32, #tpu.memory_space<vmem>>, vector<16xf32>,
        %mul3A_288 = arith.mulf %get3A_287, %bitcast3A_284 : vector<16xf32>
        %swap3A_289 = arith.index_cast %add3A_279 : i32 to index
        %swap3A_290 = arith.constant 0 : index
        %swap3A_291 = tpu.vector_load %arg6[%swap3A_289, %swap3A_290] {strides = array<i32>} : memref<400x128xf32, #tpu.memory_space<vmem>>, vector<16xf32>,
        tpu.vector_store %arg6[%swap3A_289, %swap3A_290], %mul3A_288 {strides = array<i32>} : memref<400x128xf32, #tpu.memory_space<vmem>>, vector<16xf32>,
        %get3A_292 = arith.index_cast %add3A_279 : i32 to index
        %get3A_293 = arith.constant 16 : index
        %get3A_294 = tpu.vector_load %arg6[%get3A_292, %get3A_293] {strides = array<i32>} : memref<400x128xf32, #tpu.memory_space<vmem>>, vector<16xf32>,
        %mul3A_295 = arith.mulf %get3A_294, %bitcast3A_284 : vector<16xf32>
        %swap3A_296 = arith.index_cast %add3A_279 : i32 to index
        %swap3A_297 = arith.constant 16 : index
        %swap3A_298 = tpu.vector_load %arg6[%swap3A_296, %swap3A_297] {strides = array<i32>} : memref<400x128xf32, #tpu.memory_space<vmem>>, vector<16xf32>,
        tpu.vector_store %arg6[%swap3A_296, %swap3A_297], %mul3A_295 {strides = array<i32>} : memref<400x128xf32, #tpu.memory_space<vmem>>, vector<16xf32>,
        %get3A_299 = arith.index_cast %add3A_279 : i32 to index
        %get3A_300 = arith.constant 32 : index
        %get3A_301 = tpu.vector_load %arg6[%get3A_299, %get3A_300] {strides = array<i32>} : memref<400x128xf32, #tpu.memory_space<vmem>>, vector<16xf32>,
        %mul3A_302 = arith.mulf %get3A_301, %bitcast3A_284 : vector<16xf32>
        %swap3A_303 = arith.index_cast %add3A_279 : i32 to index
        %swap3A_304 = arith.constant 32 : index
        %swap3A_305 = tpu.vector_load %arg6[%swap3A_303, %swap3A_304] {strides = array<i32>} : memref<400x128xf32, #tpu.memory_space<vmem>>, vector<16xf32>,
        tpu.vector_store %arg6[%swap3A_303, %swap3A_304], %mul3A_302 {strides = array<i32>} : memref<400x128xf32, #tpu.memory_space<vmem>>, vector<16xf32>,
        %get3A_306 = arith.index_cast %add3A_279 : i32 to index
        %get3A_307 = arith.constant 48 : index
        %get3A_308 = tpu.vector_load %arg6[%get3A_306, %get3A_307] {strides = array<i32>} : memref<400x128xf32, #tpu.memory_space<vmem>>, vector<16xf32>,
        %mul3A_309 = arith.mulf %get3A_308, %bitcast3A_284 : vector<16xf32>
        %swap3A_310 = arith.index_cast %add3A_279 : i32 to index
        %swap3A_311 = arith.constant 48 : index
        %swap3A_312 = tpu.vector_load %arg6[%swap3A_310, %swap3A_311] {strides = array<i32>} : memref<400x128xf32, #tpu.memory_space<vmem>>, vector<16xf32>,
        tpu.vector_store %arg6[%swap3A_310, %swap3A_311], %mul3A_309 {strides = array<i32>} : memref<400x128xf32, #tpu.memory_space<vmem>>, vector<16xf32>,
        %get3A_313 = arith.index_cast %add3A_279 : i32 to index
        %get3A_314 = arith.constant 64 : index
        %get3A_315 = tpu.vector_load %arg6[%get3A_313, %get3A_314] {strides = array<i32>} : memref<400x128xf32, #tpu.memory_space<vmem>>, vector<16xf32>,
        %mul3A_316 = arith.mulf %get3A_315, %bitcast3A_284 : vector<16xf32>
        %swap3A_317 = arith.index_cast %add3A_279 : i32 to index
        %swap3A_318 = arith.constant 64 : index
        %swap3A_319 = tpu.vector_load %arg6[%swap3A_317, %swap3A_318] {strides = array<i32>} : memref<400x128xf32, #tpu.memory_space<vmem>>, vector<16xf32>,
        tpu.vector_store %arg6[%swap3A_317, %swap3A_318], %mul3A_316 {strides = array<i32>} : memref<400x128xf32, #tpu.memory_space<vmem>>, vector<16xf32>,
        %get3A_320 = arith.index_cast %add3A_279 : i32 to index
        %get3A_321 = arith.constant 80 : index
        %get3A_322 = tpu.vector_load %arg6[%get3A_320, %get3A_321] {strides = array<i32>} : memref<400x128xf32, #tpu.memory_space<vmem>>, vector<16xf32>,
        %mul3A_323 = arith.mulf %get3A_322, %bitcast3A_284 : vector<16xf32>
        %swap3A_324 = arith.index_cast %add3A_279 : i32 to index
        %swap3A_325 = arith.constant 80 : index
        %swap3A_326 = tpu.vector_load %arg6[%swap3A_324, %swap3A_325] {strides = array<i32>} : memref<400x128xf32, #tpu.memory_space<vmem>>, vector<16xf32>,
        tpu.vector_store %arg6[%swap3A_324, %swap3A_325], %mul3A_323 {strides = array<i32>} : memref<400x128xf32, #tpu.memory_space<vmem>>, vector<16xf32>,
        %get3A_327 = arith.index_cast %add3A_279 : i32 to index
        %get3A_328 = arith.constant 96 : index
        %get3A_329 = tpu.vector_load %arg6[%get3A_327, %get3A_328] {strides = array<i32>} : memref<400x128xf32, #tpu.memory_space<vmem>>, vector<16xf32>,
        %mul3A_330 = arith.mulf %get3A_329, %bitcast3A_284 : vector<16xf32>
        %swap3A_331 = arith.index_cast %add3A_279 : i32 to index
        %swap3A_332 = arith.constant 96 : index
        %swap3A_333 = tpu.vector_load %arg6[%swap3A_331, %swap3A_332] {strides = array<i32>} : memref<400x128xf32, #tpu.memory_space<vmem>>, vector<16xf32>,
        tpu.vector_store %arg6[%swap3A_331, %swap3A_332], %mul3A_330 {strides = array<i32>} : memref<400x128xf32, #tpu.memory_space<vmem>>, vector<16xf32>,
        %get3A_334 = arith.index_cast %add3A_279 : i32 to index
        %get3A_335 = arith.constant 112 : index
        %get3A_336 = tpu.vector_load %arg6[%get3A_334, %get3A_335] {strides = array<i32>} : memref<400x128xf32, #tpu.memory_space<vmem>>, vector<16xf32>,
        %mul3A_337 = arith.mulf %get3A_336, %bitcast3A_284 : vector<16xf32>
        %swap3A_338 = arith.index_cast %add3A_279 : i32 to index
        %swap3A_339 = arith.constant 112 : index
        %swap3A_340 = tpu.vector_load %arg6[%swap3A_338, %swap3A_339] {strides = array<i32>} : memref<400x128xf32, #tpu.memory_space<vmem>>, vector<16xf32>,
        tpu.vector_store %arg6[%swap3A_338, %swap3A_339], %mul3A_337 {strides = array<i32>} : memref<400x128xf32, #tpu.memory_space<vmem>>, vector<16xf32>,
        %mul3A_341 = arith.constant 8 : i32
        %mul3A_342 = arith.muli %scan3A_84, %mul3A_341 : i32
        %add3A_343 = arith.constant 4 : i32
        %add3A_344 = arith.addi %mul3A_342, %add3A_343 : i32
        %add3A_345 = arith.constant 800 : i32
        %add3A_346 = arith.addi %add3A_345, %add3A_344 : i32
        %broadcast_in_dim3A_347 = vector.broadcast %add3A_346 : i32 to vector<16xi32>
        %gather3A_348 = tpu.vector_load_idx %arg7[%broadcast_in_dim3A_347] : memref<1200xi32, #tpu.memory_space<vmem>>[vector<16xi32>], vector<16xi32>,
        %bitcast3A_349 = vector.bitcast %gather3A_348 : vector<16xi32> to vector<16xf32>
        %get3A_350 = arith.index_cast %add3A_344 : i32 to index
        %get3A_351 = arith.constant 0 : index
        %get3A_352 = tpu.vector_load %arg6[%get3A_350, %get3A_351] {strides = array<i32>} : memref<400x128xf32, #tpu.memory_space<vmem>>, vector<16xf32>,
        %mul3A_353 = arith.mulf %get3A_352, %bitcast3A_349 : vector<16xf32>
        %swap3A_354 = arith.index_cast %add3A_344 : i32 to index
        %swap3A_355 = arith.constant 0 : index
        %swap3A_356 = tpu.vector_load %arg6[%swap3A_354, %swap3A_355] {strides = array<i32>} : memref<400x128xf32, #tpu.memory_space<vmem>>, vector<16xf32>,
        tpu.vector_store %arg6[%swap3A_354, %swap3A_355], %mul3A_353 {strides = array<i32>} : memref<400x128xf32, #tpu.memory_space<vmem>>, vector<16xf32>,
        %get3A_357 = arith.index_cast %add3A_344 : i32 to index
        %get3A_358 = arith.constant 16 : index
        %get3A_359 = tpu.vector_load %arg6[%get3A_357, %get3A_358] {strides = array<i32>} : memref<400x128xf32, #tpu.memory_space<vmem>>, vector<16xf32>,
        %mul3A_360 = arith.mulf %get3A_359, %bitcast3A_349 : vector<16xf32>
        %swap3A_361 = arith.index_cast %add3A_344 : i32 to index
        %swap3A_362 = arith.constant 16 : index
        %swap3A_363 = tpu.vector_load %arg6[%swap3A_361, %swap3A_362] {strides = array<i32>} : memref<400x128xf32, #tpu.memory_space<vmem>>, vector<16xf32>,
        tpu.vector_store %arg6[%swap3A_361, %swap3A_362], %mul3A_360 {strides = array<i32>} : memref<400x128xf32, #tpu.memory_space<vmem>>, vector<16xf32>,
        %get3A_364 = arith.index_cast %add3A_344 : i32 to index
        %get3A_365 = arith.constant 32 : index
        %get3A_366 = tpu.vector_load %arg6[%get3A_364, %get3A_365] {strides = array<i32>} : memref<400x128xf32, #tpu.memory_space<vmem>>, vector<16xf32>,
        %mul3A_367 = arith.mulf %get3A_366, %bitcast3A_349 : vector<16xf32>
        %swap3A_368 = arith.index_cast %add3A_344 : i32 to index
        %swap3A_369 = arith.constant 32 : index
        %swap3A_370 = tpu.vector_load %arg6[%swap3A_368, %swap3A_369] {strides = array<i32>} : memref<400x128xf32, #tpu.memory_space<vmem>>, vector<16xf32>,
        tpu.vector_store %arg6[%swap3A_368, %swap3A_369], %mul3A_367 {strides = array<i32>} : memref<400x128xf32, #tpu.memory_space<vmem>>, vector<16xf32>,
        %get3A_371 = arith.index_cast %add3A_344 : i32 to index
        %get3A_372 = arith.constant 48 : index
        %get3A_373 = tpu.vector_load %arg6[%get3A_371, %get3A_372] {strides = array<i32>} : memref<400x128xf32, #tpu.memory_space<vmem>>, vector<16xf32>,
        %mul3A_374 = arith.mulf %get3A_373, %bitcast3A_349 : vector<16xf32>
        %swap3A_375 = arith.index_cast %add3A_344 : i32 to index
        %swap3A_376 = arith.constant 48 : index
        %swap3A_377 = tpu.vector_load %arg6[%swap3A_375, %swap3A_376] {strides = array<i32>} : memref<400x128xf32, #tpu.memory_space<vmem>>, vector<16xf32>,
        tpu.vector_store %arg6[%swap3A_375, %swap3A_376], %mul3A_374 {strides = array<i32>} : memref<400x128xf32, #tpu.memory_space<vmem>>, vector<16xf32>,
        %get3A_378 = arith.index_cast %add3A_344 : i32 to index
        %get3A_379 = arith.constant 64 : index
        %get3A_380 = tpu.vector_load %arg6[%get3A_378, %get3A_379] {strides = array<i32>} : memref<400x128xf32, #tpu.memory_space<vmem>>, vector<16xf32>,
        %mul3A_381 = arith.mulf %get3A_380, %bitcast3A_349 : vector<16xf32>
        %swap3A_382 = arith.index_cast %add3A_344 : i32 to index
        %swap3A_383 = arith.constant 64 : index
        %swap3A_384 = tpu.vector_load %arg6[%swap3A_382, %swap3A_383] {strides = array<i32>} : memref<400x128xf32, #tpu.memory_space<vmem>>, vector<16xf32>,
        tpu.vector_store %arg6[%swap3A_382, %swap3A_383], %mul3A_381 {strides = array<i32>} : memref<400x128xf32, #tpu.memory_space<vmem>>, vector<16xf32>,
        %get3A_385 = arith.index_cast %add3A_344 : i32 to index
        %get3A_386 = arith.constant 80 : index
        %get3A_387 = tpu.vector_load %arg6[%get3A_385, %get3A_386] {strides = array<i32>} : memref<400x128xf32, #tpu.memory_space<vmem>>, vector<16xf32>,
        %mul3A_388 = arith.mulf %get3A_387, %bitcast3A_349 : vector<16xf32>
        %swap3A_389 = arith.index_cast %add3A_344 : i32 to index
        %swap3A_390 = arith.constant 80 : index
        %swap3A_391 = tpu.vector_load %arg6[%swap3A_389, %swap3A_390] {strides = array<i32>} : memref<400x128xf32, #tpu.memory_space<vmem>>, vector<16xf32>,
        tpu.vector_store %arg6[%swap3A_389, %swap3A_390], %mul3A_388 {strides = array<i32>} : memref<400x128xf32, #tpu.memory_space<vmem>>, vector<16xf32>,
        %get3A_392 = arith.index_cast %add3A_344 : i32 to index
        %get3A_393 = arith.constant 96 : index
        %get3A_394 = tpu.vector_load %arg6[%get3A_392, %get3A_393] {strides = array<i32>} : memref<400x128xf32, #tpu.memory_space<vmem>>, vector<16xf32>,
        %mul3A_395 = arith.mulf %get3A_394, %bitcast3A_349 : vector<16xf32>
        %swap3A_396 = arith.index_cast %add3A_344 : i32 to index
        %swap3A_397 = arith.constant 96 : index
        %swap3A_398 = tpu.vector_load %arg6[%swap3A_396, %swap3A_397] {strides = array<i32>} : memref<400x128xf32, #tpu.memory_space<vmem>>, vector<16xf32>,
        tpu.vector_store %arg6[%swap3A_396, %swap3A_397], %mul3A_395 {strides = array<i32>} : memref<400x128xf32, #tpu.memory_space<vmem>>, vector<16xf32>,
        %get3A_399 = arith.index_cast %add3A_344 : i32 to index
        %get3A_400 = arith.constant 112 : index
        %get3A_401 = tpu.vector_load %arg6[%get3A_399, %get3A_400] {strides = array<i32>} : memref<400x128xf32, #tpu.memory_space<vmem>>, vector<16xf32>,
        %mul3A_402 = arith.mulf %get3A_401, %bitcast3A_349 : vector<16xf32>
        %swap3A_403 = arith.index_cast %add3A_344 : i32 to index
        %swap3A_404 = arith.constant 112 : index
        %swap3A_405 = tpu.vector_load %arg6[%swap3A_403, %swap3A_404] {strides = array<i32>} : memref<400x128xf32, #tpu.memory_space<vmem>>, vector<16xf32>,
        tpu.vector_store %arg6[%swap3A_403, %swap3A_404], %mul3A_402 {strides = array<i32>} : memref<400x128xf32, #tpu.memory_space<vmem>>, vector<16xf32>,
        %mul3A_406 = arith.constant 8 : i32
        %mul3A_407 = arith.muli %scan3A_84, %mul3A_406 : i32
        %add3A_408 = arith.constant 5 : i32
        %add3A_409 = arith.addi %mul3A_407, %add3A_408 : i32
        %add3A_410 = arith.constant 800 : i32
        %add3A_411 = arith.addi %add3A_410, %add3A_409 : i32
        %broadcast_in_dim3A_412 = vector.broadcast %add3A_411 : i32 to vector<16xi32>
        %gather3A_413 = tpu.vector_load_idx %arg7[%broadcast_in_dim3A_412] : memref<1200xi32, #tpu.memory_space<vmem>>[vector<16xi32>], vector<16xi32>,
        %bitcast3A_414 = vector.bitcast %gather3A_413 : vector<16xi32> to vector<16xf32>
        %get3A_415 = arith.index_cast %add3A_409 : i32 to index
        %get3A_416 = arith.constant 0 : index
        %get3A_417 = tpu.vector_load %arg6[%get3A_415, %get3A_416] {strides = array<i32>} : memref<400x128xf32, #tpu.memory_space<vmem>>, vector<16xf32>,
        %mul3A_418 = arith.mulf %get3A_417, %bitcast3A_414 : vector<16xf32>
        %swap3A_419 = arith.index_cast %add3A_409 : i32 to index
        %swap3A_420 = arith.constant 0 : index
        %swap3A_421 = tpu.vector_load %arg6[%swap3A_419, %swap3A_420] {strides = array<i32>} : memref<400x128xf32, #tpu.memory_space<vmem>>, vector<16xf32>,
        tpu.vector_store %arg6[%swap3A_419, %swap3A_420], %mul3A_418 {strides = array<i32>} : memref<400x128xf32, #tpu.memory_space<vmem>>, vector<16xf32>,
        %get3A_422 = arith.index_cast %add3A_409 : i32 to index
        %get3A_423 = arith.constant 16 : index
        %get3A_424 = tpu.vector_load %arg6[%get3A_422, %get3A_423] {strides = array<i32>} : memref<400x128xf32, #tpu.memory_space<vmem>>, vector<16xf32>,
        %mul3A_425 = arith.mulf %get3A_424, %bitcast3A_414 : vector<16xf32>
        %swap3A_426 = arith.index_cast %add3A_409 : i32 to index
        %swap3A_427 = arith.constant 16 : index
        %swap3A_428 = tpu.vector_load %arg6[%swap3A_426, %swap3A_427] {strides = array<i32>} : memref<400x128xf32, #tpu.memory_space<vmem>>, vector<16xf32>,
        tpu.vector_store %arg6[%swap3A_426, %swap3A_427], %mul3A_425 {strides = array<i32>} : memref<400x128xf32, #tpu.memory_space<vmem>>, vector<16xf32>,
        %get3A_429 = arith.index_cast %add3A_409 : i32 to index
        %get3A_430 = arith.constant 32 : index
        %get3A_431 = tpu.vector_load %arg6[%get3A_429, %get3A_430] {strides = array<i32>} : memref<400x128xf32, #tpu.memory_space<vmem>>, vector<16xf32>,
        %mul3A_432 = arith.mulf %get3A_431, %bitcast3A_414 : vector<16xf32>
        %swap3A_433 = arith.index_cast %add3A_409 : i32 to index
        %swap3A_434 = arith.constant 32 : index
        %swap3A_435 = tpu.vector_load %arg6[%swap3A_433, %swap3A_434] {strides = array<i32>} : memref<400x128xf32, #tpu.memory_space<vmem>>, vector<16xf32>,
        tpu.vector_store %arg6[%swap3A_433, %swap3A_434], %mul3A_432 {strides = array<i32>} : memref<400x128xf32, #tpu.memory_space<vmem>>, vector<16xf32>,
        %get3A_436 = arith.index_cast %add3A_409 : i32 to index
        %get3A_437 = arith.constant 48 : index
        %get3A_438 = tpu.vector_load %arg6[%get3A_436, %get3A_437] {strides = array<i32>} : memref<400x128xf32, #tpu.memory_space<vmem>>, vector<16xf32>,
        %mul3A_439 = arith.mulf %get3A_438, %bitcast3A_414 : vector<16xf32>
        %swap3A_440 = arith.index_cast %add3A_409 : i32 to index
        %swap3A_441 = arith.constant 48 : index
        %swap3A_442 = tpu.vector_load %arg6[%swap3A_440, %swap3A_441] {strides = array<i32>} : memref<400x128xf32, #tpu.memory_space<vmem>>, vector<16xf32>,
        tpu.vector_store %arg6[%swap3A_440, %swap3A_441], %mul3A_439 {strides = array<i32>} : memref<400x128xf32, #tpu.memory_space<vmem>>, vector<16xf32>,
        %get3A_443 = arith.index_cast %add3A_409 : i32 to index
        %get3A_444 = arith.constant 64 : index
        %get3A_445 = tpu.vector_load %arg6[%get3A_443, %get3A_444] {strides = array<i32>} : memref<400x128xf32, #tpu.memory_space<vmem>>, vector<16xf32>,
        %mul3A_446 = arith.mulf %get3A_445, %bitcast3A_414 : vector<16xf32>
        %swap3A_447 = arith.index_cast %add3A_409 : i32 to index
        %swap3A_448 = arith.constant 64 : index
        %swap3A_449 = tpu.vector_load %arg6[%swap3A_447, %swap3A_448] {strides = array<i32>} : memref<400x128xf32, #tpu.memory_space<vmem>>, vector<16xf32>,
        tpu.vector_store %arg6[%swap3A_447, %swap3A_448], %mul3A_446 {strides = array<i32>} : memref<400x128xf32, #tpu.memory_space<vmem>>, vector<16xf32>,
        %get3A_450 = arith.index_cast %add3A_409 : i32 to index
        %get3A_451 = arith.constant 80 : index
        %get3A_452 = tpu.vector_load %arg6[%get3A_450, %get3A_451] {strides = array<i32>} : memref<400x128xf32, #tpu.memory_space<vmem>>, vector<16xf32>,
        %mul3A_453 = arith.mulf %get3A_452, %bitcast3A_414 : vector<16xf32>
        %swap3A_454 = arith.index_cast %add3A_409 : i32 to index
        %swap3A_455 = arith.constant 80 : index
        %swap3A_456 = tpu.vector_load %arg6[%swap3A_454, %swap3A_455] {strides = array<i32>} : memref<400x128xf32, #tpu.memory_space<vmem>>, vector<16xf32>,
        tpu.vector_store %arg6[%swap3A_454, %swap3A_455], %mul3A_453 {strides = array<i32>} : memref<400x128xf32, #tpu.memory_space<vmem>>, vector<16xf32>,
        %get3A_457 = arith.index_cast %add3A_409 : i32 to index
        %get3A_458 = arith.constant 96 : index
        %get3A_459 = tpu.vector_load %arg6[%get3A_457, %get3A_458] {strides = array<i32>} : memref<400x128xf32, #tpu.memory_space<vmem>>, vector<16xf32>,
        %mul3A_460 = arith.mulf %get3A_459, %bitcast3A_414 : vector<16xf32>
        %swap3A_461 = arith.index_cast %add3A_409 : i32 to index
        %swap3A_462 = arith.constant 96 : index
        %swap3A_463 = tpu.vector_load %arg6[%swap3A_461, %swap3A_462] {strides = array<i32>} : memref<400x128xf32, #tpu.memory_space<vmem>>, vector<16xf32>,
        tpu.vector_store %arg6[%swap3A_461, %swap3A_462], %mul3A_460 {strides = array<i32>} : memref<400x128xf32, #tpu.memory_space<vmem>>, vector<16xf32>,
        %get3A_464 = arith.index_cast %add3A_409 : i32 to index
        %get3A_465 = arith.constant 112 : index
        %get3A_466 = tpu.vector_load %arg6[%get3A_464, %get3A_465] {strides = array<i32>} : memref<400x128xf32, #tpu.memory_space<vmem>>, vector<16xf32>,
        %mul3A_467 = arith.mulf %get3A_466, %bitcast3A_414 : vector<16xf32>
        %swap3A_468 = arith.index_cast %add3A_409 : i32 to index
        %swap3A_469 = arith.constant 112 : index
        %swap3A_470 = tpu.vector_load %arg6[%swap3A_468, %swap3A_469] {strides = array<i32>} : memref<400x128xf32, #tpu.memory_space<vmem>>, vector<16xf32>,
        tpu.vector_store %arg6[%swap3A_468, %swap3A_469], %mul3A_467 {strides = array<i32>} : memref<400x128xf32, #tpu.memory_space<vmem>>, vector<16xf32>,
        %mul3A_471 = arith.constant 8 : i32
        %mul3A_472 = arith.muli %scan3A_84, %mul3A_471 : i32
        %add3A_473 = arith.constant 6 : i32
        %add3A_474 = arith.addi %mul3A_472, %add3A_473 : i32
        %add3A_475 = arith.constant 800 : i32
        %add3A_476 = arith.addi %add3A_475, %add3A_474 : i32
        %broadcast_in_dim3A_477 = vector.broadcast %add3A_476 : i32 to vector<16xi32>
        %gather3A_478 = tpu.vector_load_idx %arg7[%broadcast_in_dim3A_477] : memref<1200xi32, #tpu.memory_space<vmem>>[vector<16xi32>], vector<16xi32>,
        %bitcast3A_479 = vector.bitcast %gather3A_478 : vector<16xi32> to vector<16xf32>
        %get3A_480 = arith.index_cast %add3A_474 : i32 to index
        %get3A_481 = arith.constant 0 : index
        %get3A_482 = tpu.vector_load %arg6[%get3A_480, %get3A_481] {strides = array<i32>} : memref<400x128xf32, #tpu.memory_space<vmem>>, vector<16xf32>,
        %mul3A_483 = arith.mulf %get3A_482, %bitcast3A_479 : vector<16xf32>
        %swap3A_484 = arith.index_cast %add3A_474 : i32 to index
        %swap3A_485 = arith.constant 0 : index
        %swap3A_486 = tpu.vector_load %arg6[%swap3A_484, %swap3A_485] {strides = array<i32>} : memref<400x128xf32, #tpu.memory_space<vmem>>, vector<16xf32>,
        tpu.vector_store %arg6[%swap3A_484, %swap3A_485], %mul3A_483 {strides = array<i32>} : memref<400x128xf32, #tpu.memory_space<vmem>>, vector<16xf32>,
        %get3A_487 = arith.index_cast %add3A_474 : i32 to index
        %get3A_488 = arith.constant 16 : index
        %get3A_489 = tpu.vector_load %arg6[%get3A_487, %get3A_488] {strides = array<i32>} : memref<400x128xf32, #tpu.memory_space<vmem>>, vector<16xf32>,
        %mul3A_490 = arith.mulf %get3A_489, %bitcast3A_479 : vector<16xf32>
        %swap3A_491 = arith.index_cast %add3A_474 : i32 to index
        %swap3A_492 = arith.constant 16 : index
        %swap3A_493 = tpu.vector_load %arg6[%swap3A_491, %swap3A_492] {strides = array<i32>} : memref<400x128xf32, #tpu.memory_space<vmem>>, vector<16xf32>,
        tpu.vector_store %arg6[%swap3A_491, %swap3A_492], %mul3A_490 {strides = array<i32>} : memref<400x128xf32, #tpu.memory_space<vmem>>, vector<16xf32>,
        %get3A_494 = arith.index_cast %add3A_474 : i32 to index
        %get3A_495 = arith.constant 32 : index
        %get3A_496 = tpu.vector_load %arg6[%get3A_494, %get3A_495] {strides = array<i32>} : memref<400x128xf32, #tpu.memory_space<vmem>>, vector<16xf32>,
        %mul3A_497 = arith.mulf %get3A_496, %bitcast3A_479 : vector<16xf32>
        %swap3A_498 = arith.index_cast %add3A_474 : i32 to index
        %swap3A_499 = arith.constant 32 : index
        %swap3A_500 = tpu.vector_load %arg6[%swap3A_498, %swap3A_499] {strides = array<i32>} : memref<400x128xf32, #tpu.memory_space<vmem>>, vector<16xf32>,
        tpu.vector_store %arg6[%swap3A_498, %swap3A_499], %mul3A_497 {strides = array<i32>} : memref<400x128xf32, #tpu.memory_space<vmem>>, vector<16xf32>,
        %get3A_501 = arith.index_cast %add3A_474 : i32 to index
        %get3A_502 = arith.constant 48 : index
        %get3A_503 = tpu.vector_load %arg6[%get3A_501, %get3A_502] {strides = array<i32>} : memref<400x128xf32, #tpu.memory_space<vmem>>, vector<16xf32>,
        %mul3A_504 = arith.mulf %get3A_503, %bitcast3A_479 : vector<16xf32>
        %swap3A_505 = arith.index_cast %add3A_474 : i32 to index
        %swap3A_506 = arith.constant 48 : index
        %swap3A_507 = tpu.vector_load %arg6[%swap3A_505, %swap3A_506] {strides = array<i32>} : memref<400x128xf32, #tpu.memory_space<vmem>>, vector<16xf32>,
        tpu.vector_store %arg6[%swap3A_505, %swap3A_506], %mul3A_504 {strides = array<i32>} : memref<400x128xf32, #tpu.memory_space<vmem>>, vector<16xf32>,
        %get3A_508 = arith.index_cast %add3A_474 : i32 to index
        %get3A_509 = arith.constant 64 : index
        %get3A_510 = tpu.vector_load %arg6[%get3A_508, %get3A_509] {strides = array<i32>} : memref<400x128xf32, #tpu.memory_space<vmem>>, vector<16xf32>,
        %mul3A_511 = arith.mulf %get3A_510, %bitcast3A_479 : vector<16xf32>
        %swap3A_512 = arith.index_cast %add3A_474 : i32 to index
        %swap3A_513 = arith.constant 64 : index
        %swap3A_514 = tpu.vector_load %arg6[%swap3A_512, %swap3A_513] {strides = array<i32>} : memref<400x128xf32, #tpu.memory_space<vmem>>, vector<16xf32>,
        tpu.vector_store %arg6[%swap3A_512, %swap3A_513], %mul3A_511 {strides = array<i32>} : memref<400x128xf32, #tpu.memory_space<vmem>>, vector<16xf32>,
        %get3A_515 = arith.index_cast %add3A_474 : i32 to index
        %get3A_516 = arith.constant 80 : index
        %get3A_517 = tpu.vector_load %arg6[%get3A_515, %get3A_516] {strides = array<i32>} : memref<400x128xf32, #tpu.memory_space<vmem>>, vector<16xf32>,
        %mul3A_518 = arith.mulf %get3A_517, %bitcast3A_479 : vector<16xf32>
        %swap3A_519 = arith.index_cast %add3A_474 : i32 to index
        %swap3A_520 = arith.constant 80 : index
        %swap3A_521 = tpu.vector_load %arg6[%swap3A_519, %swap3A_520] {strides = array<i32>} : memref<400x128xf32, #tpu.memory_space<vmem>>, vector<16xf32>,
        tpu.vector_store %arg6[%swap3A_519, %swap3A_520], %mul3A_518 {strides = array<i32>} : memref<400x128xf32, #tpu.memory_space<vmem>>, vector<16xf32>,
        %get3A_522 = arith.index_cast %add3A_474 : i32 to index
        %get3A_523 = arith.constant 96 : index
        %get3A_524 = tpu.vector_load %arg6[%get3A_522, %get3A_523] {strides = array<i32>} : memref<400x128xf32, #tpu.memory_space<vmem>>, vector<16xf32>,
        %mul3A_525 = arith.mulf %get3A_524, %bitcast3A_479 : vector<16xf32>
        %swap3A_526 = arith.index_cast %add3A_474 : i32 to index
        %swap3A_527 = arith.constant 96 : index
        %swap3A_528 = tpu.vector_load %arg6[%swap3A_526, %swap3A_527] {strides = array<i32>} : memref<400x128xf32, #tpu.memory_space<vmem>>, vector<16xf32>,
        tpu.vector_store %arg6[%swap3A_526, %swap3A_527], %mul3A_525 {strides = array<i32>} : memref<400x128xf32, #tpu.memory_space<vmem>>, vector<16xf32>,
        %get3A_529 = arith.index_cast %add3A_474 : i32 to index
        %get3A_530 = arith.constant 112 : index
        %get3A_531 = tpu.vector_load %arg6[%get3A_529, %get3A_530] {strides = array<i32>} : memref<400x128xf32, #tpu.memory_space<vmem>>, vector<16xf32>,
        %mul3A_532 = arith.mulf %get3A_531, %bitcast3A_479 : vector<16xf32>
        %swap3A_533 = arith.index_cast %add3A_474 : i32 to index
        %swap3A_534 = arith.constant 112 : index
        %swap3A_535 = tpu.vector_load %arg6[%swap3A_533, %swap3A_534] {strides = array<i32>} : memref<400x128xf32, #tpu.memory_space<vmem>>, vector<16xf32>,
        tpu.vector_store %arg6[%swap3A_533, %swap3A_534], %mul3A_532 {strides = array<i32>} : memref<400x128xf32, #tpu.memory_space<vmem>>, vector<16xf32>,
        %mul3A_536 = arith.constant 8 : i32
        %mul3A_537 = arith.muli %scan3A_84, %mul3A_536 : i32
        %add3A_538 = arith.constant 7 : i32
        %add3A_539 = arith.addi %mul3A_537, %add3A_538 : i32
        %add3A_540 = arith.constant 800 : i32
        %add3A_541 = arith.addi %add3A_540, %add3A_539 : i32
        %broadcast_in_dim3A_542 = vector.broadcast %add3A_541 : i32 to vector<16xi32>
        %gather3A_543 = tpu.vector_load_idx %arg7[%broadcast_in_dim3A_542] : memref<1200xi32, #tpu.memory_space<vmem>>[vector<16xi32>], vector<16xi32>,
        %bitcast3A_544 = vector.bitcast %gather3A_543 : vector<16xi32> to vector<16xf32>
        %get3A_545 = arith.index_cast %add3A_539 : i32 to index
        %get3A_546 = arith.constant 0 : index
        %get3A_547 = tpu.vector_load %arg6[%get3A_545, %get3A_546] {strides = array<i32>} : memref<400x128xf32, #tpu.memory_space<vmem>>, vector<16xf32>,
        %mul3A_548 = arith.mulf %get3A_547, %bitcast3A_544 : vector<16xf32>
        %swap3A_549 = arith.index_cast %add3A_539 : i32 to index
        %swap3A_550 = arith.constant 0 : index
        %swap3A_551 = tpu.vector_load %arg6[%swap3A_549, %swap3A_550] {strides = array<i32>} : memref<400x128xf32, #tpu.memory_space<vmem>>, vector<16xf32>,
        tpu.vector_store %arg6[%swap3A_549, %swap3A_550], %mul3A_548 {strides = array<i32>} : memref<400x128xf32, #tpu.memory_space<vmem>>, vector<16xf32>,
        %get3A_552 = arith.index_cast %add3A_539 : i32 to index
        %get3A_553 = arith.constant 16 : index
        %get3A_554 = tpu.vector_load %arg6[%get3A_552, %get3A_553] {strides = array<i32>} : memref<400x128xf32, #tpu.memory_space<vmem>>, vector<16xf32>,
        %mul3A_555 = arith.mulf %get3A_554, %bitcast3A_544 : vector<16xf32>
        %swap3A_556 = arith.index_cast %add3A_539 : i32 to index
        %swap3A_557 = arith.constant 16 : index
        %swap3A_558 = tpu.vector_load %arg6[%swap3A_556, %swap3A_557] {strides = array<i32>} : memref<400x128xf32, #tpu.memory_space<vmem>>, vector<16xf32>,
        tpu.vector_store %arg6[%swap3A_556, %swap3A_557], %mul3A_555 {strides = array<i32>} : memref<400x128xf32, #tpu.memory_space<vmem>>, vector<16xf32>,
        %get3A_559 = arith.index_cast %add3A_539 : i32 to index
        %get3A_560 = arith.constant 32 : index
        %get3A_561 = tpu.vector_load %arg6[%get3A_559, %get3A_560] {strides = array<i32>} : memref<400x128xf32, #tpu.memory_space<vmem>>, vector<16xf32>,
        %mul3A_562 = arith.mulf %get3A_561, %bitcast3A_544 : vector<16xf32>
        %swap3A_563 = arith.index_cast %add3A_539 : i32 to index
        %swap3A_564 = arith.constant 32 : index
        %swap3A_565 = tpu.vector_load %arg6[%swap3A_563, %swap3A_564] {strides = array<i32>} : memref<400x128xf32, #tpu.memory_space<vmem>>, vector<16xf32>,
        tpu.vector_store %arg6[%swap3A_563, %swap3A_564], %mul3A_562 {strides = array<i32>} : memref<400x128xf32, #tpu.memory_space<vmem>>, vector<16xf32>,
        %get3A_566 = arith.index_cast %add3A_539 : i32 to index
        %get3A_567 = arith.constant 48 : index
        %get3A_568 = tpu.vector_load %arg6[%get3A_566, %get3A_567] {strides = array<i32>} : memref<400x128xf32, #tpu.memory_space<vmem>>, vector<16xf32>,
        %mul3A_569 = arith.mulf %get3A_568, %bitcast3A_544 : vector<16xf32>
        %swap3A_570 = arith.index_cast %add3A_539 : i32 to index
        %swap3A_571 = arith.constant 48 : index
        %swap3A_572 = tpu.vector_load %arg6[%swap3A_570, %swap3A_571] {strides = array<i32>} : memref<400x128xf32, #tpu.memory_space<vmem>>, vector<16xf32>,
        tpu.vector_store %arg6[%swap3A_570, %swap3A_571], %mul3A_569 {strides = array<i32>} : memref<400x128xf32, #tpu.memory_space<vmem>>, vector<16xf32>,
        %get3A_573 = arith.index_cast %add3A_539 : i32 to index
        %get3A_574 = arith.constant 64 : index
        %get3A_575 = tpu.vector_load %arg6[%get3A_573, %get3A_574] {strides = array<i32>} : memref<400x128xf32, #tpu.memory_space<vmem>>, vector<16xf32>,
        %mul3A_576 = arith.mulf %get3A_575, %bitcast3A_544 : vector<16xf32>
        %swap3A_577 = arith.index_cast %add3A_539 : i32 to index
        %swap3A_578 = arith.constant 64 : index
        %swap3A_579 = tpu.vector_load %arg6[%swap3A_577, %swap3A_578] {strides = array<i32>} : memref<400x128xf32, #tpu.memory_space<vmem>>, vector<16xf32>,
        tpu.vector_store %arg6[%swap3A_577, %swap3A_578], %mul3A_576 {strides = array<i32>} : memref<400x128xf32, #tpu.memory_space<vmem>>, vector<16xf32>,
        %get3A_580 = arith.index_cast %add3A_539 : i32 to index
        %get3A_581 = arith.constant 80 : index
        %get3A_582 = tpu.vector_load %arg6[%get3A_580, %get3A_581] {strides = array<i32>} : memref<400x128xf32, #tpu.memory_space<vmem>>, vector<16xf32>,
        %mul3A_583 = arith.mulf %get3A_582, %bitcast3A_544 : vector<16xf32>
        %swap3A_584 = arith.index_cast %add3A_539 : i32 to index
        %swap3A_585 = arith.constant 80 : index
        %swap3A_586 = tpu.vector_load %arg6[%swap3A_584, %swap3A_585] {strides = array<i32>} : memref<400x128xf32, #tpu.memory_space<vmem>>, vector<16xf32>,
        tpu.vector_store %arg6[%swap3A_584, %swap3A_585], %mul3A_583 {strides = array<i32>} : memref<400x128xf32, #tpu.memory_space<vmem>>, vector<16xf32>,
        %get3A_587 = arith.index_cast %add3A_539 : i32 to index
        %get3A_588 = arith.constant 96 : index
        %get3A_589 = tpu.vector_load %arg6[%get3A_587, %get3A_588] {strides = array<i32>} : memref<400x128xf32, #tpu.memory_space<vmem>>, vector<16xf32>,
        %mul3A_590 = arith.mulf %get3A_589, %bitcast3A_544 : vector<16xf32>
        %swap3A_591 = arith.index_cast %add3A_539 : i32 to index
        %swap3A_592 = arith.constant 96 : index
        %swap3A_593 = tpu.vector_load %arg6[%swap3A_591, %swap3A_592] {strides = array<i32>} : memref<400x128xf32, #tpu.memory_space<vmem>>, vector<16xf32>,
        tpu.vector_store %arg6[%swap3A_591, %swap3A_592], %mul3A_590 {strides = array<i32>} : memref<400x128xf32, #tpu.memory_space<vmem>>, vector<16xf32>,
        %get3A_594 = arith.index_cast %add3A_539 : i32 to index
        %get3A_595 = arith.constant 112 : index
        %get3A_596 = tpu.vector_load %arg6[%get3A_594, %get3A_595] {strides = array<i32>} : memref<400x128xf32, #tpu.memory_space<vmem>>, vector<16xf32>,
        %mul3A_597 = arith.mulf %get3A_596, %bitcast3A_544 : vector<16xf32>
        %swap3A_598 = arith.index_cast %add3A_539 : i32 to index
        %swap3A_599 = arith.constant 112 : index
        %swap3A_600 = tpu.vector_load %arg6[%swap3A_598, %swap3A_599] {strides = array<i32>} : memref<400x128xf32, #tpu.memory_space<vmem>>, vector<16xf32>,
        tpu.vector_store %arg6[%swap3A_598, %swap3A_599], %mul3A_597 {strides = array<i32>} : memref<400x128xf32, #tpu.memory_space<vmem>>, vector<16xf32>,
      }
      %scan3A_83 = arith.constant 50 : i32
      "tpu.region"() ({
        %run_scoped3A = tpu.sem_alloc : memref<!tpu.dma_semaphore, #tpu.memory_space<semaphore_mem>>
        %dma_start3A_84 = arith.constant 0 : i32
        %dma_start3A_85 = arith.constant 0 : i32
        %dma_start3A_86 = tpu.memref_slice %arg9[%dma_start3A_84, %dma_start3A_85] : memref<5128x128xf32, #tpu.memory_space<vmem_shared>> -> memref<5128x128xf32, #tpu.memory_space<vmem_shared>>
        tpu.enqueue_indirect_dma source(%arg6 : memref<400x128xf32, #tpu.memory_space<vmem>>) target(%dma_start3A_86 : memref<5128x128xf32, #tpu.memory_space<vmem_shared>>) offsets(%arg8 : memref<400xi32, #tpu.memory_space<vmem>>) semaphore(%run_scoped3A : memref<!tpu.dma_semaphore, #tpu.memory_space<semaphore_mem>>) {add = true}
        %dma_wait3A_87 = arith.constant 0 : i32
        %dma_wait3A_88 = arith.constant 0 : i32
        %dma_wait3A_89 = tpu.memref_slice %arg9[%dma_wait3A_87, %dma_wait3A_88] : memref<5128x128xf32, #tpu.memory_space<vmem_shared>> -> memref<5128x128xf32, #tpu.memory_space<vmem_shared>>
        tpu.wait_indirect_dma semaphore(%run_scoped3A : memref<!tpu.dma_semaphore, #tpu.memory_space<semaphore_mem>>) src(%arg6 : memref<400x128xf32, #tpu.memory_space<vmem>>) dst(%dma_wait3A_89 : memref<5128x128xf32, #tpu.memory_space<vmem_shared>>)
        tpu.yield
      }) : () -> ()
    }
    %scan3A_51 = arith.constant 50 : i32
    %barrier3A_52 = arith.constant 0 : index
    tpu.barrier barrier_id(%barrier3A_52)
    %mul3A_53 = arith.constant 320 : i32
    %mul3A_54 = arith.muli %arg1, %mul3A_53 : i32
    %mul3A_55 = arith.constant 5120 : i32
    %mul3A_56 = arith.muli %arg0, %mul3A_55 : i32
    %mul3A_57 = arith.constant 320 : i32
    %mul3A_58 = arith.muli %arg1, %mul3A_57 : i32
    %add3A_59 = arith.addi %mul3A_56, %mul3A_58 : i32
    "tpu.region"() ({
      %run_scoped3A = tpu.sem_alloc : memref<!tpu.dma_semaphore, #tpu.memory_space<semaphore_mem>>
      %dma_start3A = arith.constant 0 : i32
      %dma_start3A_60 = tpu.memref_slice %arg4[%add3A_59, %dma_start3A] : memref<10240x128xf32, #tpu.memory_space<hbm>> -> memref<320x128xf32, #tpu.memory_space<hbm>>
      %dma_start3A_61 = arith.constant 0 : i32
      %dma_start3A_62 = tpu.memref_slice %arg9[%mul3A_54, %dma_start3A_61] : memref<5128x128xf32, #tpu.memory_space<vmem_shared>> -> memref<320x128xf32, #tpu.memory_space<vmem_shared>>
      tpu.enqueue_dma source(%dma_start3A_62 : memref<320x128xf32, #tpu.memory_space<vmem_shared>>) target(%dma_start3A_60 : memref<320x128xf32, #tpu.memory_space<hbm>>) target_semaphore(%run_scoped3A : memref<!tpu.dma_semaphore, #tpu.memory_space<semaphore_mem>>)
      %dma_wait3A = arith.constant 0 : i32
      %dma_wait3A_63 = tpu.memref_slice %arg4[%add3A_59, %dma_wait3A] : memref<10240x128xf32, #tpu.memory_space<hbm>> -> memref<320x128xf32, #tpu.memory_space<hbm>>
      %dma_wait3A_64 = arith.constant 0 : i32
      %dma_wait3A_65 = tpu.memref_slice %arg9[%mul3A_54, %dma_wait3A_64] : memref<5128x128xf32, #tpu.memory_space<vmem_shared>> -> memref<320x128xf32, #tpu.memory_space<vmem_shared>>
      tpu.wait_dma2 semaphore(%run_scoped3A : memref<!tpu.dma_semaphore, #tpu.memory_space<semaphore_mem>>) src(%dma_wait3A_65 : memref<320x128xf32, #tpu.memory_space<vmem_shared>>) dst(%dma_wait3A_63 : memref<320x128xf32, #tpu.memory_space<hbm>>)
      tpu.yield
    }) : () -> ()
    return
  }
}

#map = affine_map<(d0, d1) -> (0)>
module attributes {stable_mosaic.version = 14 : i64} {
  func.func @_sc_rowsums(%arg0: i32, %arg1: i32, %arg2: memref<1920000xi32, #tpu.memory_space<hbm>>, %arg3: memref<2621440xf32, #tpu.memory_space<hbm>>, %arg4: memref<81920xf32, #tpu.memory_space<vmem>>, %arg5: memref<12000xi32, #tpu.memory_space<vmem>>) attributes {dimension_semantics = [#tpu.dimension_semantics<core_parallel>, #tpu.dimension_semantics<subcore_parallel>], iteration_bounds = array<i64: 2, 16>, scalar_prefetch = 0 : i64, scratch_operands = 2 : i64, tpu.core_type = #tpu.core_type<sc_vector_subcore>, window_params = [{transform_indices = #map}, {transform_indices = #map}]} {
    %mul3A = arith.constant 2 : i32
    %mul3A_0 = arith.muli %arg1, %mul3A : i32
    %add3A = arith.addi %mul3A_0, %arg0 : i32
    %broadcast_in_dim3A = arith.constant 0.000000e+00 : f32
    %broadcast_in_dim3A_1 = vector.broadcast %broadcast_in_dim3A : f32 to vector<16xf32>
    %scan3A = arith.constant 0 : i32
    %scan3A_2 = arith.constant 5120 : i32
    %scan3A_3 = arith.addi %scan3A, %scan3A_2 : i32
    %scan3A_4 = arith.constant 1 : i32
    scf.for %scan3A_13 = %scan3A to %scan3A_3 step %scan3A_4  : i32 {
      %mul3A_14 = arith.constant 16 : i32
      %mul3A_15 = arith.muli %scan3A_13, %mul3A_14 : i32
      %swap3A = arith.index_cast %mul3A_15 : i32 to index
      %swap3A_16 = tpu.vector_load %arg4[%swap3A] {strides = array<i32>} : memref<81920xf32, #tpu.memory_space<vmem>>, vector<16xf32>,
      tpu.vector_store %arg4[%swap3A], %broadcast_in_dim3A_1 {strides = array<i32>} : memref<81920xf32, #tpu.memory_space<vmem>>, vector<16xf32>,
    }
    %scan3A_5 = arith.constant 5120 : i32
    %scan3A_6 = arith.constant 0 : i32
    %scan3A_7 = arith.constant 5 : i32
    %scan3A_8 = arith.addi %scan3A_6, %scan3A_7 : i32
    %scan3A_9 = arith.constant 1 : i32
    scf.for %scan3A_13 = %scan3A_6 to %scan3A_8 step %scan3A_9  : i32 {
      %mul3A_14 = arith.constant 5 : i32
      %mul3A_15 = arith.muli %add3A, %mul3A_14 : i32
      %add3A_16 = arith.addi %mul3A_15, %scan3A_13 : i32
      %mul3A_17 = arith.constant 12000 : i32
      %mul3A_18 = arith.muli %add3A_16, %mul3A_17 : i32
      "tpu.region"() ({
        %run_scoped3A = tpu.sem_alloc : memref<!tpu.dma_semaphore, #tpu.memory_space<semaphore_mem>>
        %dma_start3A = tpu.memref_slice %arg2[%mul3A_18] : memref<1920000xi32, #tpu.memory_space<hbm>> -> memref<12000xi32, #tpu.memory_space<hbm>>
        %dma_start3A_24 = tpu.memref_slice %arg2[%mul3A_18] : memref<1920000xi32, #tpu.memory_space<hbm>> -> memref<12000xi32, #tpu.memory_space<hbm>>
        tpu.enqueue_dma source(%dma_start3A_24 : memref<12000xi32, #tpu.memory_space<hbm>>) target(%arg5 : memref<12000xi32, #tpu.memory_space<vmem>>) target_semaphore(%run_scoped3A : memref<!tpu.dma_semaphore, #tpu.memory_space<semaphore_mem>>)
        %dma_wait3A = tpu.memref_slice %arg2[%mul3A_18] : memref<1920000xi32, #tpu.memory_space<hbm>> -> memref<12000xi32, #tpu.memory_space<hbm>>
        %dma_wait3A_25 = tpu.memref_slice %arg2[%mul3A_18] : memref<1920000xi32, #tpu.memory_space<hbm>> -> memref<12000xi32, #tpu.memory_space<hbm>>
        tpu.wait_dma2 semaphore(%run_scoped3A : memref<!tpu.dma_semaphore, #tpu.memory_space<semaphore_mem>>) src(%dma_wait3A_25 : memref<12000xi32, #tpu.memory_space<hbm>>) dst(%arg5 : memref<12000xi32, #tpu.memory_space<vmem>>)
        tpu.yield
      }) : () -> ()
      %scan3A_19 = arith.constant 0 : i32
      %scan3A_20 = arith.constant 125 : i32
      %scan3A_21 = arith.addi %scan3A_19, %scan3A_20 : i32
      %scan3A_22 = arith.constant 1 : i32
      scf.for %scan3A_24 = %scan3A_19 to %scan3A_21 step %scan3A_22  : i32 {
        %mul3A_25 = arith.constant 16 : i32
        %mul3A_26 = arith.muli %scan3A_24, %mul3A_25 : i32
        %get3A = arith.index_cast %mul3A_26 : i32 to index
        %get3A_27 = tpu.vector_load %arg5[%get3A] {strides = array<i32>} : memref<12000xi32, #tpu.memory_space<vmem>>, vector<16xi32>,
        %mul3A_28 = arith.constant 16 : i32
        %mul3A_29 = arith.muli %scan3A_24, %mul3A_28 : i32
        %add3A_30 = arith.constant 2000 : i32
        %add3A_31 = arith.addi %add3A_30, %mul3A_29 : i32
        %get3A_32 = arith.index_cast %add3A_31 : i32 to index
        %get3A_33 = tpu.vector_load %arg5[%get3A_32] {strides = array<i32>} : memref<12000xi32, #tpu.memory_space<vmem>>, vector<16xi32>,
        %mul3A_34 = arith.constant 16 : i32
        %mul3A_35 = arith.muli %scan3A_24, %mul3A_34 : i32
        %add3A_36 = arith.constant 4000 : i32
        %add3A_37 = arith.addi %add3A_36, %mul3A_35 : i32
        %get3A_38 = arith.index_cast %add3A_37 : i32 to index
        %get3A_39 = tpu.vector_load %arg5[%get3A_38] {strides = array<i32>} : memref<12000xi32, #tpu.memory_space<vmem>>, vector<16xi32>,
        %bitcast3A = vector.bitcast %get3A_39 : vector<16xi32> to vector<16xf32>
        %eq3A = arith.constant 0.000000e+00 : f32
        %eq3A_40 = vector.broadcast %eq3A : f32 to vector<16xf32>
        %eq3A_41 = arith.cmpf oeq, %bitcast3A, %eq3A_40 : vector<16xf32>
        %jit3A = arith.constant 1.000000e-01 : f32
        %broadcast_in_dim3A_42 = vector.broadcast %jit3A : f32 to vector<16xf32>
        %select_n3A = arith.select %eq3A_41, %broadcast_in_dim3A_42, %bitcast3A : vector<16xi1>, vector<16xf32>
        %add3A_43 = arith.constant 0 : i32
        %add3A_44 = vector.broadcast %add3A_43 : i32 to vector<16xi32>
        %add3A_45 = arith.addi %get3A_27, %add3A_44 : vector<16xi32>
        tpu.vector_store_idx %arg4[%add3A_45], %select_n3A {add = true} : memref<81920xf32, #tpu.memory_space<vmem>>[vector<16xi32>], vector<16xf32>,
        %add3A_46 = arith.constant 40960 : i32
        %add3A_47 = vector.broadcast %add3A_46 : i32 to vector<16xi32>
        %add3A_48 = arith.addi %get3A_33, %add3A_47 : vector<16xi32>
        tpu.vector_store_idx %arg4[%add3A_48], %select_n3A {add = true} : memref<81920xf32, #tpu.memory_space<vmem>>[vector<16xi32>], vector<16xf32>,
        %mul3A_49 = arith.constant 16 : i32
        %mul3A_50 = arith.muli %scan3A_24, %mul3A_49 : i32
        %add3A_51 = arith.constant 6000 : i32
        %add3A_52 = arith.addi %add3A_51, %mul3A_50 : i32
        %get3A_53 = arith.index_cast %add3A_52 : i32 to index
        %get3A_54 = tpu.vector_load %arg5[%get3A_53] {strides = array<i32>} : memref<12000xi32, #tpu.memory_space<vmem>>, vector<16xi32>,
        %bitcast3A_55 = vector.bitcast %get3A_54 : vector<16xi32> to vector<16xf32>
        %add3A_56 = arith.constant 10240 : i32
        %add3A_57 = vector.broadcast %add3A_56 : i32 to vector<16xi32>
        %add3A_58 = arith.addi %get3A_27, %add3A_57 : vector<16xi32>
        tpu.vector_store_idx %arg4[%add3A_58], %bitcast3A_55 {add = true} : memref<81920xf32, #tpu.memory_space<vmem>>[vector<16xi32>], vector<16xf32>,
        %add3A_59 = arith.constant 51200 : i32
        %add3A_60 = vector.broadcast %add3A_59 : i32 to vector<16xi32>
        %add3A_61 = arith.addi %get3A_33, %add3A_60 : vector<16xi32>
        tpu.vector_store_idx %arg4[%add3A_61], %bitcast3A_55 {add = true} : memref<81920xf32, #tpu.memory_space<vmem>>[vector<16xi32>], vector<16xf32>,
        %mul3A_62 = arith.constant 16 : i32
        %mul3A_63 = arith.muli %scan3A_24, %mul3A_62 : i32
        %add3A_64 = arith.constant 8000 : i32
        %add3A_65 = arith.addi %add3A_64, %mul3A_63 : i32
        %get3A_66 = arith.index_cast %add3A_65 : i32 to index
        %get3A_67 = tpu.vector_load %arg5[%get3A_66] {strides = array<i32>} : memref<12000xi32, #tpu.memory_space<vmem>>, vector<16xi32>,
        %bitcast3A_68 = vector.bitcast %get3A_67 : vector<16xi32> to vector<16xf32>
        %add3A_69 = arith.constant 20480 : i32
        %add3A_70 = vector.broadcast %add3A_69 : i32 to vector<16xi32>
        %add3A_71 = arith.addi %get3A_27, %add3A_70 : vector<16xi32>
        tpu.vector_store_idx %arg4[%add3A_71], %bitcast3A_68 {add = true} : memref<81920xf32, #tpu.memory_space<vmem>>[vector<16xi32>], vector<16xf32>,
        %add3A_72 = arith.constant 61440 : i32
        %add3A_73 = vector.broadcast %add3A_72 : i32 to vector<16xi32>
        %add3A_74 = arith.addi %get3A_33, %add3A_73 : vector<16xi32>
        tpu.vector_store_idx %arg4[%add3A_74], %bitcast3A_68 {add = true} : memref<81920xf32, #tpu.memory_space<vmem>>[vector<16xi32>], vector<16xf32>,
        %mul3A_75 = arith.constant 16 : i32
        %mul3A_76 = arith.muli %scan3A_24, %mul3A_75 : i32
        %add3A_77 = arith.constant 10000 : i32
        %add3A_78 = arith.addi %add3A_77, %mul3A_76 : i32
        %get3A_79 = arith.index_cast %add3A_78 : i32 to index
        %get3A_80 = tpu.vector_load %arg5[%get3A_79] {strides = array<i32>} : memref<12000xi32, #tpu.memory_space<vmem>>, vector<16xi32>,
        %bitcast3A_81 = vector.bitcast %get3A_80 : vector<16xi32> to vector<16xf32>
        %add3A_82 = arith.constant 30720 : i32
        %add3A_83 = vector.broadcast %add3A_82 : i32 to vector<16xi32>
        %add3A_84 = arith.addi %get3A_27, %add3A_83 : vector<16xi32>
        tpu.vector_store_idx %arg4[%add3A_84], %bitcast3A_81 {add = true} : memref<81920xf32, #tpu.memory_space<vmem>>[vector<16xi32>], vector<16xf32>,
        %add3A_85 = arith.constant 71680 : i32
        %add3A_86 = vector.broadcast %add3A_85 : i32 to vector<16xi32>
        %add3A_87 = arith.addi %get3A_33, %add3A_86 : vector<16xi32>
        tpu.vector_store_idx %arg4[%add3A_87], %bitcast3A_81 {add = true} : memref<81920xf32, #tpu.memory_space<vmem>>[vector<16xi32>], vector<16xf32>,
      }
      %scan3A_23 = arith.constant 125 : i32
    }
    %scan3A_10 = arith.constant 5 : i32
    %mul3A_11 = arith.constant 81920 : i32
    %mul3A_12 = arith.muli %add3A, %mul3A_11 : i32
    "tpu.region"() ({
      %run_scoped3A = tpu.sem_alloc : memref<!tpu.dma_semaphore, #tpu.memory_space<semaphore_mem>>
      %dma_start3A = tpu.memref_slice %arg3[%mul3A_12] : memref<2621440xf32, #tpu.memory_space<hbm>> -> memref<81920xf32, #tpu.memory_space<hbm>>
      %dma_start3A_13 = tpu.memref_slice %arg3[%mul3A_12] : memref<2621440xf32, #tpu.memory_space<hbm>> -> memref<81920xf32, #tpu.memory_space<hbm>>
      tpu.enqueue_dma source(%arg4 : memref<81920xf32, #tpu.memory_space<vmem>>) target(%dma_start3A_13 : memref<81920xf32, #tpu.memory_space<hbm>>) target_semaphore(%run_scoped3A : memref<!tpu.dma_semaphore, #tpu.memory_space<semaphore_mem>>)
      %dma_wait3A = tpu.memref_slice %arg3[%mul3A_12] : memref<2621440xf32, #tpu.memory_space<hbm>> -> memref<81920xf32, #tpu.memory_space<hbm>>
      %dma_wait3A_14 = tpu.memref_slice %arg3[%mul3A_12] : memref<2621440xf32, #tpu.memory_space<hbm>> -> memref<81920xf32, #tpu.memory_space<hbm>>
      tpu.wait_dma2 semaphore(%run_scoped3A : memref<!tpu.dma_semaphore, #tpu.memory_space<semaphore_mem>>) src(%arg4 : memref<81920xf32, #tpu.memory_space<vmem>>) dst(%dma_wait3A_14 : memref<81920xf32, #tpu.memory_space<hbm>>)
      tpu.yield
    }) : () -> ()
    return
  }
}

#map = affine_map<(d0, d1) -> (0, 0)>
#map1 = affine_map<(d0, d1) -> (0)>
module attributes {stable_mosaic.version = 14 : i64} {
  func.func @_sc_spmm(%arg0: i32, %arg1: i32, %arg2: memref<10000x128xf32, #tpu.memory_space<hbm>>, %arg3: memref<960000xi32, #tpu.memory_space<hbm>>, %arg4: memref<10240x128xf32, #tpu.memory_space<hbm>>, %arg5: memref<32x128xf32, #tpu.memory_space<vmem>>, %arg6: memref<400x128xf32, #tpu.memory_space<vmem>>, %arg7: memref<1200xi32, #tpu.memory_space<vmem>>, %arg8: memref<400xi32, #tpu.memory_space<vmem>>, %arg9: memref<5128x128xf32, #tpu.memory_space<vmem_shared>>, %arg10: memref<!tpu.dma_semaphore, #tpu.memory_space<semaphore_mem>>) attributes {dimension_semantics = [#tpu.dimension_semantics<core_parallel>, #tpu.dimension_semantics<subcore_parallel>], iteration_bounds = array<i64: 2, 16>, scalar_prefetch = 0 : i64, scratch_operands = 6 : i64, tpu.core_type = #tpu.core_type<sc_vector_subcore>, window_params = [{transform_indices = #map}, {transform_indices = #map1}, {transform_indices = #map}]} {
    %broadcast_in_dim3A = arith.constant 0.000000e+00 : f32
    %broadcast_in_dim3A_0 = vector.broadcast %broadcast_in_dim3A : f32 to vector<16xf32>
    %scan3A = arith.constant 0 : i32
    %scan3A_1 = arith.constant 32 : i32
    %scan3A_2 = arith.addi %scan3A, %scan3A_1 : i32
    %scan3A_3 = arith.constant 1 : i32
    scf.for %scan3A_60 = %scan3A to %scan3A_2 step %scan3A_3  : i32 {
      %swap3A = arith.index_cast %scan3A_60 : i32 to index
      %swap3A_61 = arith.constant 0 : index
      %swap3A_62 = tpu.vector_load %arg5[%swap3A, %swap3A_61] {strides = array<i32>} : memref<32x128xf32, #tpu.memory_space<vmem>>, vector<16xf32>,
      tpu.vector_store %arg5[%swap3A, %swap3A_61], %broadcast_in_dim3A_0 {strides = array<i32>} : memref<32x128xf32, #tpu.memory_space<vmem>>, vector<16xf32>,
      %swap3A_63 = arith.index_cast %scan3A_60 : i32 to index
      %swap3A_64 = arith.constant 16 : index
      %swap3A_65 = tpu.vector_load %arg5[%swap3A_63, %swap3A_64] {strides = array<i32>} : memref<32x128xf32, #tpu.memory_space<vmem>>, vector<16xf32>,
      tpu.vector_store %arg5[%swap3A_63, %swap3A_64], %broadcast_in_dim3A_0 {strides = array<i32>} : memref<32x128xf32, #tpu.memory_space<vmem>>, vector<16xf32>,
      %swap3A_66 = arith.index_cast %scan3A_60 : i32 to index
      %swap3A_67 = arith.constant 32 : index
      %swap3A_68 = tpu.vector_load %arg5[%swap3A_66, %swap3A_67] {strides = array<i32>} : memref<32x128xf32, #tpu.memory_space<vmem>>, vector<16xf32>,
      tpu.vector_store %arg5[%swap3A_66, %swap3A_67], %broadcast_in_dim3A_0 {strides = array<i32>} : memref<32x128xf32, #tpu.memory_space<vmem>>, vector<16xf32>,
      %swap3A_69 = arith.index_cast %scan3A_60 : i32 to index
      %swap3A_70 = arith.constant 48 : index
      %swap3A_71 = tpu.vector_load %arg5[%swap3A_69, %swap3A_70] {strides = array<i32>} : memref<32x128xf32, #tpu.memory_space<vmem>>, vector<16xf32>,
      tpu.vector_store %arg5[%swap3A_69, %swap3A_70], %broadcast_in_dim3A_0 {strides = array<i32>} : memref<32x128xf32, #tpu.memory_space<vmem>>, vector<16xf32>,
      %swap3A_72 = arith.index_cast %scan3A_60 : i32 to index
      %swap3A_73 = arith.constant 64 : index
      %swap3A_74 = tpu.vector_load %arg5[%swap3A_72, %swap3A_73] {strides = array<i32>} : memref<32x128xf32, #tpu.memory_space<vmem>>, vector<16xf32>,
      tpu.vector_store %arg5[%swap3A_72, %swap3A_73], %broadcast_in_dim3A_0 {strides = array<i32>} : memref<32x128xf32, #tpu.memory_space<vmem>>, vector<16xf32>,
      %swap3A_75 = arith.index_cast %scan3A_60 : i32 to index
      %swap3A_76 = arith.constant 80 : index
      %swap3A_77 = tpu.vector_load %arg5[%swap3A_75, %swap3A_76] {strides = array<i32>} : memref<32x128xf32, #tpu.memory_space<vmem>>, vector<16xf32>,
      tpu.vector_store %arg5[%swap3A_75, %swap3A_76], %broadcast_in_dim3A_0 {strides = array<i32>} : memref<32x128xf32, #tpu.memory_space<vmem>>, vector<16xf32>,
      %swap3A_78 = arith.index_cast %scan3A_60 : i32 to index
      %swap3A_79 = arith.constant 96 : index
      %swap3A_80 = tpu.vector_load %arg5[%swap3A_78, %swap3A_79] {strides = array<i32>} : memref<32x128xf32, #tpu.memory_space<vmem>>, vector<16xf32>,
      tpu.vector_store %arg5[%swap3A_78, %swap3A_79], %broadcast_in_dim3A_0 {strides = array<i32>} : memref<32x128xf32, #tpu.memory_space<vmem>>, vector<16xf32>,
      %swap3A_81 = arith.index_cast %scan3A_60 : i32 to index
      %swap3A_82 = arith.constant 112 : index
      %swap3A_83 = tpu.vector_load %arg5[%swap3A_81, %swap3A_82] {strides = array<i32>} : memref<32x128xf32, #tpu.memory_space<vmem>>, vector<16xf32>,
      tpu.vector_store %arg5[%swap3A_81, %swap3A_82], %broadcast_in_dim3A_0 {strides = array<i32>} : memref<32x128xf32, #tpu.memory_space<vmem>>, vector<16xf32>,
    }
    %scan3A_4 = arith.constant 32 : i32
    %mul3A = arith.constant 320 : i32
    %mul3A_5 = arith.muli %arg1, %mul3A : i32
    %add3A = arith.constant 0 : i32
    %add3A_6 = arith.addi %mul3A_5, %add3A : i32
    "tpu.region"() ({
      %run_scoped3A = tpu.sem_alloc : memref<!tpu.dma_semaphore, #tpu.memory_space<semaphore_mem>>
      %dma_start3A = arith.constant 0 : i32
      %dma_start3A_60 = tpu.memref_slice %arg9[%add3A_6, %dma_start3A] : memref<5128x128xf32, #tpu.memory_space<vmem_shared>> -> memref<32x128xf32, #tpu.memory_space<vmem_shared>>
      %dma_start3A_61 = arith.constant 0 : i32
      %dma_start3A_62 = tpu.memref_slice %arg9[%add3A_6, %dma_start3A_61] : memref<5128x128xf32, #tpu.memory_space<vmem_shared>> -> memref<32x128xf32, #tpu.memory_space<vmem_shared>>
      tpu.enqueue_dma source(%arg5 : memref<32x128xf32, #tpu.memory_space<vmem>>) target(%dma_start3A_62 : memref<32x128xf32, #tpu.memory_space<vmem_shared>>) target_semaphore(%run_scoped3A : memref<!tpu.dma_semaphore, #tpu.memory_space<semaphore_mem>>)
      %dma_wait3A = arith.constant 0 : i32
      %dma_wait3A_63 = tpu.memref_slice %arg9[%add3A_6, %dma_wait3A] : memref<5128x128xf32, #tpu.memory_space<vmem_shared>> -> memref<32x128xf32, #tpu.memory_space<vmem_shared>>
      %dma_wait3A_64 = arith.constant 0 : i32
      %dma_wait3A_65 = tpu.memref_slice %arg9[%add3A_6, %dma_wait3A_64] : memref<5128x128xf32, #tpu.memory_space<vmem_shared>> -> memref<32x128xf32, #tpu.memory_space<vmem_shared>>
      tpu.wait_dma2 semaphore(%run_scoped3A : memref<!tpu.dma_semaphore, #tpu.memory_space<semaphore_mem>>) src(%arg5 : memref<32x128xf32, #tpu.memory_space<vmem>>) dst(%dma_wait3A_65 : memref<32x128xf32, #tpu.memory_space<vmem_shared>>)
      tpu.yield
    }) : () -> ()
    %mul3A_7 = arith.constant 320 : i32
    %mul3A_8 = arith.muli %arg1, %mul3A_7 : i32
    %add3A_9 = arith.constant 32 : i32
    %add3A_10 = arith.addi %mul3A_8, %add3A_9 : i32
    "tpu.region"() ({
      %run_scoped3A = tpu.sem_alloc : memref<!tpu.dma_semaphore, #tpu.memory_space<semaphore_mem>>
      %dma_start3A = arith.constant 0 : i32
      %dma_start3A_60 = tpu.memref_slice %arg9[%add3A_10, %dma_start3A] : memref<5128x128xf32, #tpu.memory_space<vmem_shared>> -> memref<32x128xf32, #tpu.memory_space<vmem_shared>>
      %dma_start3A_61 = arith.constant 0 : i32
      %dma_start3A_62 = tpu.memref_slice %arg9[%add3A_10, %dma_start3A_61] : memref<5128x128xf32, #tpu.memory_space<vmem_shared>> -> memref<32x128xf32, #tpu.memory_space<vmem_shared>>
      tpu.enqueue_dma source(%arg5 : memref<32x128xf32, #tpu.memory_space<vmem>>) target(%dma_start3A_62 : memref<32x128xf32, #tpu.memory_space<vmem_shared>>) target_semaphore(%run_scoped3A : memref<!tpu.dma_semaphore, #tpu.memory_space<semaphore_mem>>)
      %dma_wait3A = arith.constant 0 : i32
      %dma_wait3A_63 = tpu.memref_slice %arg9[%add3A_10, %dma_wait3A] : memref<5128x128xf32, #tpu.memory_space<vmem_shared>> -> memref<32x128xf32, #tpu.memory_space<vmem_shared>>
      %dma_wait3A_64 = arith.constant 0 : i32
      %dma_wait3A_65 = tpu.memref_slice %arg9[%add3A_10, %dma_wait3A_64] : memref<5128x128xf32, #tpu.memory_space<vmem_shared>> -> memref<32x128xf32, #tpu.memory_space<vmem_shared>>
      tpu.wait_dma2 semaphore(%run_scoped3A : memref<!tpu.dma_semaphore, #tpu.memory_space<semaphore_mem>>) src(%arg5 : memref<32x128xf32, #tpu.memory_space<vmem>>) dst(%dma_wait3A_65 : memref<32x128xf32, #tpu.memory_space<vmem_shared>>)
      tpu.yield
    }) : () -> ()
    %mul3A_11 = arith.constant 320 : i32
    %mul3A_12 = arith.muli %arg1, %mul3A_11 : i32
    %add3A_13 = arith.constant 64 : i32
    %add3A_14 = arith.addi %mul3A_12, %add3A_13 : i32
    "tpu.region"() ({
      %run_scoped3A = tpu.sem_alloc : memref<!tpu.dma_semaphore, #tpu.memory_space<semaphore_mem>>
      %dma_start3A = arith.constant 0 : i32
      %dma_start3A_60 = tpu.memref_slice %arg9[%add3A_14, %dma_start3A] : memref<5128x128xf32, #tpu.memory_space<vmem_shared>> -> memref<32x128xf32, #tpu.memory_space<vmem_shared>>
      %dma_start3A_61 = arith.constant 0 : i32
      %dma_start3A_62 = tpu.memref_slice %arg9[%add3A_14, %dma_start3A_61] : memref<5128x128xf32, #tpu.memory_space<vmem_shared>> -> memref<32x128xf32, #tpu.memory_space<vmem_shared>>
      tpu.enqueue_dma source(%arg5 : memref<32x128xf32, #tpu.memory_space<vmem>>) target(%dma_start3A_62 : memref<32x128xf32, #tpu.memory_space<vmem_shared>>) target_semaphore(%run_scoped3A : memref<!tpu.dma_semaphore, #tpu.memory_space<semaphore_mem>>)
      %dma_wait3A = arith.constant 0 : i32
      %dma_wait3A_63 = tpu.memref_slice %arg9[%add3A_14, %dma_wait3A] : memref<5128x128xf32, #tpu.memory_space<vmem_shared>> -> memref<32x128xf32, #tpu.memory_space<vmem_shared>>
      %dma_wait3A_64 = arith.constant 0 : i32
      %dma_wait3A_65 = tpu.memref_slice %arg9[%add3A_14, %dma_wait3A_64] : memref<5128x128xf32, #tpu.memory_space<vmem_shared>> -> memref<32x128xf32, #tpu.memory_space<vmem_shared>>
      tpu.wait_dma2 semaphore(%run_scoped3A : memref<!tpu.dma_semaphore, #tpu.memory_space<semaphore_mem>>) src(%arg5 : memref<32x128xf32, #tpu.memory_space<vmem>>) dst(%dma_wait3A_65 : memref<32x128xf32, #tpu.memory_space<vmem_shared>>)
      tpu.yield
    }) : () -> ()
    %mul3A_15 = arith.constant 320 : i32
    %mul3A_16 = arith.muli %arg1, %mul3A_15 : i32
    %add3A_17 = arith.constant 96 : i32
    %add3A_18 = arith.addi %mul3A_16, %add3A_17 : i32
    "tpu.region"() ({
      %run_scoped3A = tpu.sem_alloc : memref<!tpu.dma_semaphore, #tpu.memory_space<semaphore_mem>>
      %dma_start3A = arith.constant 0 : i32
      %dma_start3A_60 = tpu.memref_slice %arg9[%add3A_18, %dma_start3A] : memref<5128x128xf32, #tpu.memory_space<vmem_shared>> -> memref<32x128xf32, #tpu.memory_space<vmem_shared>>
      %dma_start3A_61 = arith.constant 0 : i32
      %dma_start3A_62 = tpu.memref_slice %arg9[%add3A_18, %dma_start3A_61] : memref<5128x128xf32, #tpu.memory_space<vmem_shared>> -> memref<32x128xf32, #tpu.memory_space<vmem_shared>>
      tpu.enqueue_dma source(%arg5 : memref<32x128xf32, #tpu.memory_space<vmem>>) target(%dma_start3A_62 : memref<32x128xf32, #tpu.memory_space<vmem_shared>>) target_semaphore(%run_scoped3A : memref<!tpu.dma_semaphore, #tpu.memory_space<semaphore_mem>>)
      %dma_wait3A = arith.constant 0 : i32
      %dma_wait3A_63 = tpu.memref_slice %arg9[%add3A_18, %dma_wait3A] : memref<5128x128xf32, #tpu.memory_space<vmem_shared>> -> memref<32x128xf32, #tpu.memory_space<vmem_shared>>
      %dma_wait3A_64 = arith.constant 0 : i32
      %dma_wait3A_65 = tpu.memref_slice %arg9[%add3A_18, %dma_wait3A_64] : memref<5128x128xf32, #tpu.memory_space<vmem_shared>> -> memref<32x128xf32, #tpu.memory_space<vmem_shared>>
      tpu.wait_dma2 semaphore(%run_scoped3A : memref<!tpu.dma_semaphore, #tpu.memory_space<semaphore_mem>>) src(%arg5 : memref<32x128xf32, #tpu.memory_space<vmem>>) dst(%dma_wait3A_65 : memref<32x128xf32, #tpu.memory_space<vmem_shared>>)
      tpu.yield
    }) : () -> ()
    %mul3A_19 = arith.constant 320 : i32
    %mul3A_20 = arith.muli %arg1, %mul3A_19 : i32
    %add3A_21 = arith.constant 128 : i32
    %add3A_22 = arith.addi %mul3A_20, %add3A_21 : i32
    "tpu.region"() ({
      %run_scoped3A = tpu.sem_alloc : memref<!tpu.dma_semaphore, #tpu.memory_space<semaphore_mem>>
      %dma_start3A = arith.constant 0 : i32
      %dma_start3A_60 = tpu.memref_slice %arg9[%add3A_22, %dma_start3A] : memref<5128x128xf32, #tpu.memory_space<vmem_shared>> -> memref<32x128xf32, #tpu.memory_space<vmem_shared>>
      %dma_start3A_61 = arith.constant 0 : i32
      %dma_start3A_62 = tpu.memref_slice %arg9[%add3A_22, %dma_start3A_61] : memref<5128x128xf32, #tpu.memory_space<vmem_shared>> -> memref<32x128xf32, #tpu.memory_space<vmem_shared>>
      tpu.enqueue_dma source(%arg5 : memref<32x128xf32, #tpu.memory_space<vmem>>) target(%dma_start3A_62 : memref<32x128xf32, #tpu.memory_space<vmem_shared>>) target_semaphore(%run_scoped3A : memref<!tpu.dma_semaphore, #tpu.memory_space<semaphore_mem>>)
      %dma_wait3A = arith.constant 0 : i32
      %dma_wait3A_63 = tpu.memref_slice %arg9[%add3A_22, %dma_wait3A] : memref<5128x128xf32, #tpu.memory_space<vmem_shared>> -> memref<32x128xf32, #tpu.memory_space<vmem_shared>>
      %dma_wait3A_64 = arith.constant 0 : i32
      %dma_wait3A_65 = tpu.memref_slice %arg9[%add3A_22, %dma_wait3A_64] : memref<5128x128xf32, #tpu.memory_space<vmem_shared>> -> memref<32x128xf32, #tpu.memory_space<vmem_shared>>
      tpu.wait_dma2 semaphore(%run_scoped3A : memref<!tpu.dma_semaphore, #tpu.memory_space<semaphore_mem>>) src(%arg5 : memref<32x128xf32, #tpu.memory_space<vmem>>) dst(%dma_wait3A_65 : memref<32x128xf32, #tpu.memory_space<vmem_shared>>)
      tpu.yield
    }) : () -> ()
    %mul3A_23 = arith.constant 320 : i32
    %mul3A_24 = arith.muli %arg1, %mul3A_23 : i32
    %add3A_25 = arith.constant 160 : i32
    %add3A_26 = arith.addi %mul3A_24, %add3A_25 : i32
    "tpu.region"() ({
      %run_scoped3A = tpu.sem_alloc : memref<!tpu.dma_semaphore, #tpu.memory_space<semaphore_mem>>
      %dma_start3A = arith.constant 0 : i32
      %dma_start3A_60 = tpu.memref_slice %arg9[%add3A_26, %dma_start3A] : memref<5128x128xf32, #tpu.memory_space<vmem_shared>> -> memref<32x128xf32, #tpu.memory_space<vmem_shared>>
      %dma_start3A_61 = arith.constant 0 : i32
      %dma_start3A_62 = tpu.memref_slice %arg9[%add3A_26, %dma_start3A_61] : memref<5128x128xf32, #tpu.memory_space<vmem_shared>> -> memref<32x128xf32, #tpu.memory_space<vmem_shared>>
      tpu.enqueue_dma source(%arg5 : memref<32x128xf32, #tpu.memory_space<vmem>>) target(%dma_start3A_62 : memref<32x128xf32, #tpu.memory_space<vmem_shared>>) target_semaphore(%run_scoped3A : memref<!tpu.dma_semaphore, #tpu.memory_space<semaphore_mem>>)
      %dma_wait3A = arith.constant 0 : i32
      %dma_wait3A_63 = tpu.memref_slice %arg9[%add3A_26, %dma_wait3A] : memref<5128x128xf32, #tpu.memory_space<vmem_shared>> -> memref<32x128xf32, #tpu.memory_space<vmem_shared>>
      %dma_wait3A_64 = arith.constant 0 : i32
      %dma_wait3A_65 = tpu.memref_slice %arg9[%add3A_26, %dma_wait3A_64] : memref<5128x128xf32, #tpu.memory_space<vmem_shared>> -> memref<32x128xf32, #tpu.memory_space<vmem_shared>>
      tpu.wait_dma2 semaphore(%run_scoped3A : memref<!tpu.dma_semaphore, #tpu.memory_space<semaphore_mem>>) src(%arg5 : memref<32x128xf32, #tpu.memory_space<vmem>>) dst(%dma_wait3A_65 : memref<32x128xf32, #tpu.memory_space<vmem_shared>>)
      tpu.yield
    }) : () -> ()
    %mul3A_27 = arith.constant 320 : i32
    %mul3A_28 = arith.muli %arg1, %mul3A_27 : i32
    %add3A_29 = arith.constant 192 : i32
    %add3A_30 = arith.addi %mul3A_28, %add3A_29 : i32
    "tpu.region"() ({
      %run_scoped3A = tpu.sem_alloc : memref<!tpu.dma_semaphore, #tpu.memory_space<semaphore_mem>>
      %dma_start3A = arith.constant 0 : i32
      %dma_start3A_60 = tpu.memref_slice %arg9[%add3A_30, %dma_start3A] : memref<5128x128xf32, #tpu.memory_space<vmem_shared>> -> memref<32x128xf32, #tpu.memory_space<vmem_shared>>
      %dma_start3A_61 = arith.constant 0 : i32
      %dma_start3A_62 = tpu.memref_slice %arg9[%add3A_30, %dma_start3A_61] : memref<5128x128xf32, #tpu.memory_space<vmem_shared>> -> memref<32x128xf32, #tpu.memory_space<vmem_shared>>
      tpu.enqueue_dma source(%arg5 : memref<32x128xf32, #tpu.memory_space<vmem>>) target(%dma_start3A_62 : memref<32x128xf32, #tpu.memory_space<vmem_shared>>) target_semaphore(%run_scoped3A : memref<!tpu.dma_semaphore, #tpu.memory_space<semaphore_mem>>)
      %dma_wait3A = arith.constant 0 : i32
      %dma_wait3A_63 = tpu.memref_slice %arg9[%add3A_30, %dma_wait3A] : memref<5128x128xf32, #tpu.memory_space<vmem_shared>> -> memref<32x128xf32, #tpu.memory_space<vmem_shared>>
      %dma_wait3A_64 = arith.constant 0 : i32
      %dma_wait3A_65 = tpu.memref_slice %arg9[%add3A_30, %dma_wait3A_64] : memref<5128x128xf32, #tpu.memory_space<vmem_shared>> -> memref<32x128xf32, #tpu.memory_space<vmem_shared>>
      tpu.wait_dma2 semaphore(%run_scoped3A : memref<!tpu.dma_semaphore, #tpu.memory_space<semaphore_mem>>) src(%arg5 : memref<32x128xf32, #tpu.memory_space<vmem>>) dst(%dma_wait3A_65 : memref<32x128xf32, #tpu.memory_space<vmem_shared>>)
      tpu.yield
    }) : () -> ()
    %mul3A_31 = arith.constant 320 : i32
    %mul3A_32 = arith.muli %arg1, %mul3A_31 : i32
    %add3A_33 = arith.constant 224 : i32
    %add3A_34 = arith.addi %mul3A_32, %add3A_33 : i32
    "tpu.region"() ({
      %run_scoped3A = tpu.sem_alloc : memref<!tpu.dma_semaphore, #tpu.memory_space<semaphore_mem>>
      %dma_start3A = arith.constant 0 : i32
      %dma_start3A_60 = tpu.memref_slice %arg9[%add3A_34, %dma_start3A] : memref<5128x128xf32, #tpu.memory_space<vmem_shared>> -> memref<32x128xf32, #tpu.memory_space<vmem_shared>>
      %dma_start3A_61 = arith.constant 0 : i32
      %dma_start3A_62 = tpu.memref_slice %arg9[%add3A_34, %dma_start3A_61] : memref<5128x128xf32, #tpu.memory_space<vmem_shared>> -> memref<32x128xf32, #tpu.memory_space<vmem_shared>>
      tpu.enqueue_dma source(%arg5 : memref<32x128xf32, #tpu.memory_space<vmem>>) target(%dma_start3A_62 : memref<32x128xf32, #tpu.memory_space<vmem_shared>>) target_semaphore(%run_scoped3A : memref<!tpu.dma_semaphore, #tpu.memory_space<semaphore_mem>>)
      %dma_wait3A = arith.constant 0 : i32
      %dma_wait3A_63 = tpu.memref_slice %arg9[%add3A_34, %dma_wait3A] : memref<5128x128xf32, #tpu.memory_space<vmem_shared>> -> memref<32x128xf32, #tpu.memory_space<vmem_shared>>
      %dma_wait3A_64 = arith.constant 0 : i32
      %dma_wait3A_65 = tpu.memref_slice %arg9[%add3A_34, %dma_wait3A_64] : memref<5128x128xf32, #tpu.memory_space<vmem_shared>> -> memref<32x128xf32, #tpu.memory_space<vmem_shared>>
      tpu.wait_dma2 semaphore(%run_scoped3A : memref<!tpu.dma_semaphore, #tpu.memory_space<semaphore_mem>>) src(%arg5 : memref<32x128xf32, #tpu.memory_space<vmem>>) dst(%dma_wait3A_65 : memref<32x128xf32, #tpu.memory_space<vmem_shared>>)
      tpu.yield
    }) : () -> ()
    %mul3A_35 = arith.constant 320 : i32
    %mul3A_36 = arith.muli %arg1, %mul3A_35 : i32
    %add3A_37 = arith.constant 256 : i32
    %add3A_38 = arith.addi %mul3A_36, %add3A_37 : i32
    "tpu.region"() ({
      %run_scoped3A = tpu.sem_alloc : memref<!tpu.dma_semaphore, #tpu.memory_space<semaphore_mem>>
      %dma_start3A = arith.constant 0 : i32
      %dma_start3A_60 = tpu.memref_slice %arg9[%add3A_38, %dma_start3A] : memref<5128x128xf32, #tpu.memory_space<vmem_shared>> -> memref<32x128xf32, #tpu.memory_space<vmem_shared>>
      %dma_start3A_61 = arith.constant 0 : i32
      %dma_start3A_62 = tpu.memref_slice %arg9[%add3A_38, %dma_start3A_61] : memref<5128x128xf32, #tpu.memory_space<vmem_shared>> -> memref<32x128xf32, #tpu.memory_space<vmem_shared>>
      tpu.enqueue_dma source(%arg5 : memref<32x128xf32, #tpu.memory_space<vmem>>) target(%dma_start3A_62 : memref<32x128xf32, #tpu.memory_space<vmem_shared>>) target_semaphore(%run_scoped3A : memref<!tpu.dma_semaphore, #tpu.memory_space<semaphore_mem>>)
      %dma_wait3A = arith.constant 0 : i32
      %dma_wait3A_63 = tpu.memref_slice %arg9[%add3A_38, %dma_wait3A] : memref<5128x128xf32, #tpu.memory_space<vmem_shared>> -> memref<32x128xf32, #tpu.memory_space<vmem_shared>>
      %dma_wait3A_64 = arith.constant 0 : i32
      %dma_wait3A_65 = tpu.memref_slice %arg9[%add3A_38, %dma_wait3A_64] : memref<5128x128xf32, #tpu.memory_space<vmem_shared>> -> memref<32x128xf32, #tpu.memory_space<vmem_shared>>
      tpu.wait_dma2 semaphore(%run_scoped3A : memref<!tpu.dma_semaphore, #tpu.memory_space<semaphore_mem>>) src(%arg5 : memref<32x128xf32, #tpu.memory_space<vmem>>) dst(%dma_wait3A_65 : memref<32x128xf32, #tpu.memory_space<vmem_shared>>)
      tpu.yield
    }) : () -> ()
    %mul3A_39 = arith.constant 320 : i32
    %mul3A_40 = arith.muli %arg1, %mul3A_39 : i32
    %add3A_41 = arith.constant 288 : i32
    %add3A_42 = arith.addi %mul3A_40, %add3A_41 : i32
    "tpu.region"() ({
      %run_scoped3A = tpu.sem_alloc : memref<!tpu.dma_semaphore, #tpu.memory_space<semaphore_mem>>
      %dma_start3A = arith.constant 0 : i32
      %dma_start3A_60 = tpu.memref_slice %arg9[%add3A_42, %dma_start3A] : memref<5128x128xf32, #tpu.memory_space<vmem_shared>> -> memref<32x128xf32, #tpu.memory_space<vmem_shared>>
      %dma_start3A_61 = arith.constant 0 : i32
      %dma_start3A_62 = tpu.memref_slice %arg9[%add3A_42, %dma_start3A_61] : memref<5128x128xf32, #tpu.memory_space<vmem_shared>> -> memref<32x128xf32, #tpu.memory_space<vmem_shared>>
      tpu.enqueue_dma source(%arg5 : memref<32x128xf32, #tpu.memory_space<vmem>>) target(%dma_start3A_62 : memref<32x128xf32, #tpu.memory_space<vmem_shared>>) target_semaphore(%run_scoped3A : memref<!tpu.dma_semaphore, #tpu.memory_space<semaphore_mem>>)
      %dma_wait3A = arith.constant 0 : i32
      %dma_wait3A_63 = tpu.memref_slice %arg9[%add3A_42, %dma_wait3A] : memref<5128x128xf32, #tpu.memory_space<vmem_shared>> -> memref<32x128xf32, #tpu.memory_space<vmem_shared>>
      %dma_wait3A_64 = arith.constant 0 : i32
      %dma_wait3A_65 = tpu.memref_slice %arg9[%add3A_42, %dma_wait3A_64] : memref<5128x128xf32, #tpu.memory_space<vmem_shared>> -> memref<32x128xf32, #tpu.memory_space<vmem_shared>>
      tpu.wait_dma2 semaphore(%run_scoped3A : memref<!tpu.dma_semaphore, #tpu.memory_space<semaphore_mem>>) src(%arg5 : memref<32x128xf32, #tpu.memory_space<vmem>>) dst(%dma_wait3A_65 : memref<32x128xf32, #tpu.memory_space<vmem_shared>>)
      tpu.yield
    }) : () -> ()
    %eq3A = arith.constant 0 : i32
    %eq3A_43 = arith.cmpi eq, %arg1, %eq3A : i32
    %convert_element_type3A = arith.extui %eq3A_43 : i1 to i32
    %cond3A = arith.constant 0 : i32
    %cond3A_44 = arith.cmpi ne, %convert_element_type3A, %cond3A : i32
    scf.if %cond3A_44 {
      "tpu.region"() ({
        %run_scoped3A = tpu.sem_alloc : memref<!tpu.dma_semaphore, #tpu.memory_space<semaphore_mem>>
        %dma_start3A = arith.constant 0 : i32
        %dma_start3A_60 = arith.constant 0 : i32
        %dma_start3A_61 = tpu.memref_slice %arg5[%dma_start3A, %dma_start3A_60] : memref<32x128xf32, #tpu.memory_space<vmem>> -> memref<8x128xf32, #tpu.memory_space<vmem>>
        %dma_start3A_62 = arith.constant 5120 : i32
        %dma_start3A_63 = arith.constant 0 : i32
        %dma_start3A_64 = tpu.memref_slice %arg9[%dma_start3A_62, %dma_start3A_63] : memref<5128x128xf32, #tpu.memory_space<vmem_shared>> -> memref<8x128xf32, #tpu.memory_space<vmem_shared>>
        %dma_start3A_65 = arith.constant 5120 : i32
        %dma_start3A_66 = arith.constant 0 : i32
        %dma_start3A_67 = tpu.memref_slice %arg9[%dma_start3A_65, %dma_start3A_66] : memref<5128x128xf32, #tpu.memory_space<vmem_shared>> -> memref<8x128xf32, #tpu.memory_space<vmem_shared>>
        %dma_start3A_68 = arith.constant 0 : i32
        %dma_start3A_69 = arith.constant 0 : i32
        %dma_start3A_70 = tpu.memref_slice %arg5[%dma_start3A_68, %dma_start3A_69] : memref<32x128xf32, #tpu.memory_space<vmem>> -> memref<8x128xf32, #tpu.memory_space<vmem>>
        tpu.enqueue_dma source(%dma_start3A_70 : memref<8x128xf32, #tpu.memory_space<vmem>>) target(%dma_start3A_67 : memref<8x128xf32, #tpu.memory_space<vmem_shared>>) target_semaphore(%run_scoped3A : memref<!tpu.dma_semaphore, #tpu.memory_space<semaphore_mem>>)
        %dma_wait3A = arith.constant 0 : i32
        %dma_wait3A_71 = arith.constant 0 : i32
        %dma_wait3A_72 = tpu.memref_slice %arg5[%dma_wait3A, %dma_wait3A_71] : memref<32x128xf32, #tpu.memory_space<vmem>> -> memref<8x128xf32, #tpu.memory_space<vmem>>
        %dma_wait3A_73 = arith.constant 5120 : i32
        %dma_wait3A_74 = arith.constant 0 : i32
        %dma_wait3A_75 = tpu.memref_slice %arg9[%dma_wait3A_73, %dma_wait3A_74] : memref<5128x128xf32, #tpu.memory_space<vmem_shared>> -> memref<8x128xf32, #tpu.memory_space<vmem_shared>>
        %dma_wait3A_76 = arith.constant 5120 : i32
        %dma_wait3A_77 = arith.constant 0 : i32
        %dma_wait3A_78 = tpu.memref_slice %arg9[%dma_wait3A_76, %dma_wait3A_77] : memref<5128x128xf32, #tpu.memory_space<vmem_shared>> -> memref<8x128xf32, #tpu.memory_space<vmem_shared>>
        %dma_wait3A_79 = arith.constant 0 : i32
        %dma_wait3A_80 = arith.constant 0 : i32
        %dma_wait3A_81 = tpu.memref_slice %arg5[%dma_wait3A_79, %dma_wait3A_80] : memref<32x128xf32, #tpu.memory_space<vmem>> -> memref<8x128xf32, #tpu.memory_space<vmem>>
        tpu.wait_dma2 semaphore(%run_scoped3A : memref<!tpu.dma_semaphore, #tpu.memory_space<semaphore_mem>>) src(%dma_wait3A_81 : memref<8x128xf32, #tpu.memory_space<vmem>>) dst(%dma_wait3A_78 : memref<8x128xf32, #tpu.memory_space<vmem_shared>>)
        tpu.yield
      }) : () -> ()
    } else {
    }
    %barrier3A = arith.constant 0 : index
    tpu.barrier barrier_id(%barrier3A)
    %mul3A_45 = arith.constant 5120 : i32
    %mul3A_46 = arith.muli %arg0, %mul3A_45 : i32
    %scan3A_47 = arith.constant 0 : i32
    %scan3A_48 = arith.constant 50 : i32
    %scan3A_49 = arith.addi %scan3A_47, %scan3A_48 : i32
    %scan3A_50 = arith.constant 1 : i32
    scf.for %scan3A_60 = %scan3A_47 to %scan3A_49 step %scan3A_50  : i32 {
      %mul3A_61 = arith.constant 50 : i32
      %mul3A_62 = arith.muli %arg1, %mul3A_61 : i32
      %add3A_63 = arith.addi %mul3A_62, %scan3A_60 : i32
      %mul3A_64 = arith.constant 1200 : i32
      %mul3A_65 = arith.muli %add3A_63, %mul3A_64 : i32
      "tpu.region"() ({
        %run_scoped3A = tpu.sem_alloc : memref<!tpu.dma_semaphore, #tpu.memory_space<semaphore_mem>>
        %dma_start3A_84 = tpu.memref_slice %arg3[%mul3A_65] : memref<960000xi32, #tpu.memory_space<hbm>> -> memref<1200xi32, #tpu.memory_space<hbm>>
        %dma_start3A_85 = tpu.memref_slice %arg3[%mul3A_65] : memref<960000xi32, #tpu.memory_space<hbm>> -> memref<1200xi32, #tpu.memory_space<hbm>>
        tpu.enqueue_dma source(%dma_start3A_85 : memref<1200xi32, #tpu.memory_space<hbm>>) target(%arg7 : memref<1200xi32, #tpu.memory_space<vmem>>) target_semaphore(%run_scoped3A : memref<!tpu.dma_semaphore, #tpu.memory_space<semaphore_mem>>)
        %dma_wait3A_86 = tpu.memref_slice %arg3[%mul3A_65] : memref<960000xi32, #tpu.memory_space<hbm>> -> memref<1200xi32, #tpu.memory_space<hbm>>
        %dma_wait3A_87 = tpu.memref_slice %arg3[%mul3A_65] : memref<960000xi32, #tpu.memory_space<hbm>> -> memref<1200xi32, #tpu.memory_space<hbm>>
        tpu.wait_dma2 semaphore(%run_scoped3A : memref<!tpu.dma_semaphore, #tpu.memory_space<semaphore_mem>>) src(%dma_wait3A_87 : memref<1200xi32, #tpu.memory_space<hbm>>) dst(%arg7 : memref<1200xi32, #tpu.memory_space<vmem>>)
        tpu.yield
      }) : () -> ()
      %dma_start3A = arith.constant 0 : i32
      %dma_start3A_66 = tpu.memref_slice %arg7[%dma_start3A] : memref<1200xi32, #tpu.memory_space<vmem>> -> memref<400xi32, #tpu.memory_space<vmem>>
      %dma_start3A_67 = arith.constant 0 : i32
      %dma_start3A_68 = arith.constant 0 : i32
      %dma_start3A_69 = tpu.memref_slice %arg2[%dma_start3A_67, %dma_start3A_68] : memref<10000x128xf32, #tpu.memory_space<hbm>> -> memref<10000x128xf32, #tpu.memory_space<hbm>>
      tpu.enqueue_indirect_dma source(%dma_start3A_69 : memref<10000x128xf32, #tpu.memory_space<hbm>>) target(%arg6 : memref<400x128xf32, #tpu.memory_space<vmem>>) offsets(%dma_start3A_66 : memref<400xi32, #tpu.memory_space<vmem>>) semaphore(%arg10 : memref<!tpu.dma_semaphore, #tpu.memory_space<semaphore_mem>>)
      %dma_wait3A = arith.constant 0 : i32
      %dma_wait3A_70 = tpu.memref_slice %arg7[%dma_wait3A] : memref<1200xi32, #tpu.memory_space<vmem>> -> memref<400xi32, #tpu.memory_space<vmem>>
      %dma_wait3A_71 = arith.constant 0 : i32
      %dma_wait3A_72 = arith.constant 0 : i32
      %dma_wait3A_73 = tpu.memref_slice %arg2[%dma_wait3A_71, %dma_wait3A_72] : memref<10000x128xf32, #tpu.memory_space<hbm>> -> memref<10000x128xf32, #tpu.memory_space<hbm>>
      tpu.wait_indirect_dma semaphore(%arg10 : memref<!tpu.dma_semaphore, #tpu.memory_space<semaphore_mem>>) src(%dma_wait3A_73 : memref<10000x128xf32, #tpu.memory_space<hbm>>) dst(%arg6 : memref<400x128xf32, #tpu.memory_space<vmem>>)
      %scan3A_74 = arith.constant 0 : i32
      %scan3A_75 = arith.constant 25 : i32
      %scan3A_76 = arith.addi %scan3A_74, %scan3A_75 : i32
      %scan3A_77 = arith.constant 1 : i32
      scf.for %scan3A_84 = %scan3A_74 to %scan3A_76 step %scan3A_77  : i32 {
        %mul3A_85 = arith.constant 16 : i32
        %mul3A_86 = arith.muli %scan3A_84, %mul3A_85 : i32
        %add3A_87 = arith.constant 400 : i32
        %add3A_88 = arith.addi %add3A_87, %mul3A_86 : i32
        %get3A = arith.index_cast %add3A_88 : i32 to index
        %get3A_89 = tpu.vector_load %arg7[%get3A] {strides = array<i32>} : memref<1200xi32, #tpu.memory_space<vmem>>, vector<16xi32>,
        %sub3A = vector.broadcast %mul3A_46 : i32 to vector<16xi32>
        %sub3A_90 = arith.subi %get3A_89, %sub3A : vector<16xi32>
        %ge3A = arith.constant 0 : i32
        %ge3A_91 = vector.broadcast %ge3A : i32 to vector<16xi32>
        %ge3A_92 = arith.cmpi sge, %sub3A_90, %ge3A_91 : vector<16xi32>
        %lt3A = arith.constant 5120 : i32
        %lt3A_93 = vector.broadcast %lt3A : i32 to vector<16xi32>
        %lt3A_94 = arith.cmpi slt, %sub3A_90, %lt3A_93 : vector<16xi32>
        %and3A = arith.andi %ge3A_92, %lt3A_94 : vector<16xi1>
        %jit3A = arith.constant 5120 : i32
        %broadcast_in_dim3A_95 = vector.broadcast %jit3A : i32 to vector<16xi32>
        %select_n3A = arith.select %and3A, %sub3A_90, %broadcast_in_dim3A_95 : vector<16xi1>, vector<16xi32>
        %mul3A_96 = arith.constant 16 : i32
        %mul3A_97 = arith.muli %scan3A_84, %mul3A_96 : i32
        %swap3A = arith.index_cast %mul3A_97 : i32 to index
        %swap3A_98 = tpu.vector_load %arg8[%swap3A] {strides = array<i32>} : memref<400xi32, #tpu.memory_space<vmem>>, vector<16xi32>,
        tpu.vector_store %arg8[%swap3A], %select_n3A {strides = array<i32>} : memref<400xi32, #tpu.memory_space<vmem>>, vector<16xi32>,
      }
      %scan3A_78 = arith.constant 25 : i32
      %scan3A_79 = arith.constant 0 : i32
      %scan3A_80 = arith.constant 50 : i32
      %scan3A_81 = arith.addi %scan3A_79, %scan3A_80 : i32
      %scan3A_82 = arith.constant 1 : i32
      scf.for %scan3A_84 = %scan3A_79 to %scan3A_81 step %scan3A_82  : i32 {
        %mul3A_85 = arith.constant 8 : i32
        %mul3A_86 = arith.muli %scan3A_84, %mul3A_85 : i32
        %add3A_87 = arith.constant 0 : i32
        %add3A_88 = arith.addi %mul3A_86, %add3A_87 : i32
        %add3A_89 = arith.constant 800 : i32
        %add3A_90 = arith.addi %add3A_89, %add3A_88 : i32
        %broadcast_in_dim3A_91 = vector.broadcast %add3A_90 : i32 to vector<16xi32>
        %gather3A = tpu.vector_load_idx %arg7[%broadcast_in_dim3A_91] : memref<1200xi32, #tpu.memory_space<vmem>>[vector<16xi32>], vector<16xi32>,
        %bitcast3A = vector.bitcast %gather3A : vector<16xi32> to vector<16xf32>
        %get3A = arith.index_cast %add3A_88 : i32 to index
        %get3A_92 = arith.constant 0 : index
        %get3A_93 = tpu.vector_load %arg6[%get3A, %get3A_92] {strides = array<i32>} : memref<400x128xf32, #tpu.memory_space<vmem>>, vector<16xf32>,
        %mul3A_94 = arith.mulf %get3A_93, %bitcast3A : vector<16xf32>
        %swap3A = arith.index_cast %add3A_88 : i32 to index
        %swap3A_95 = arith.constant 0 : index
        %swap3A_96 = tpu.vector_load %arg6[%swap3A, %swap3A_95] {strides = array<i32>} : memref<400x128xf32, #tpu.memory_space<vmem>>, vector<16xf32>,
        tpu.vector_store %arg6[%swap3A, %swap3A_95], %mul3A_94 {strides = array<i32>} : memref<400x128xf32, #tpu.memory_space<vmem>>, vector<16xf32>,
        %get3A_97 = arith.index_cast %add3A_88 : i32 to index
        %get3A_98 = arith.constant 16 : index
        %get3A_99 = tpu.vector_load %arg6[%get3A_97, %get3A_98] {strides = array<i32>} : memref<400x128xf32, #tpu.memory_space<vmem>>, vector<16xf32>,
        %mul3A_100 = arith.mulf %get3A_99, %bitcast3A : vector<16xf32>
        %swap3A_101 = arith.index_cast %add3A_88 : i32 to index
        %swap3A_102 = arith.constant 16 : index
        %swap3A_103 = tpu.vector_load %arg6[%swap3A_101, %swap3A_102] {strides = array<i32>} : memref<400x128xf32, #tpu.memory_space<vmem>>, vector<16xf32>,
        tpu.vector_store %arg6[%swap3A_101, %swap3A_102], %mul3A_100 {strides = array<i32>} : memref<400x128xf32, #tpu.memory_space<vmem>>, vector<16xf32>,
        %get3A_104 = arith.index_cast %add3A_88 : i32 to index
        %get3A_105 = arith.constant 32 : index
        %get3A_106 = tpu.vector_load %arg6[%get3A_104, %get3A_105] {strides = array<i32>} : memref<400x128xf32, #tpu.memory_space<vmem>>, vector<16xf32>,
        %mul3A_107 = arith.mulf %get3A_106, %bitcast3A : vector<16xf32>
        %swap3A_108 = arith.index_cast %add3A_88 : i32 to index
        %swap3A_109 = arith.constant 32 : index
        %swap3A_110 = tpu.vector_load %arg6[%swap3A_108, %swap3A_109] {strides = array<i32>} : memref<400x128xf32, #tpu.memory_space<vmem>>, vector<16xf32>,
        tpu.vector_store %arg6[%swap3A_108, %swap3A_109], %mul3A_107 {strides = array<i32>} : memref<400x128xf32, #tpu.memory_space<vmem>>, vector<16xf32>,
        %get3A_111 = arith.index_cast %add3A_88 : i32 to index
        %get3A_112 = arith.constant 48 : index
        %get3A_113 = tpu.vector_load %arg6[%get3A_111, %get3A_112] {strides = array<i32>} : memref<400x128xf32, #tpu.memory_space<vmem>>, vector<16xf32>,
        %mul3A_114 = arith.mulf %get3A_113, %bitcast3A : vector<16xf32>
        %swap3A_115 = arith.index_cast %add3A_88 : i32 to index
        %swap3A_116 = arith.constant 48 : index
        %swap3A_117 = tpu.vector_load %arg6[%swap3A_115, %swap3A_116] {strides = array<i32>} : memref<400x128xf32, #tpu.memory_space<vmem>>, vector<16xf32>,
        tpu.vector_store %arg6[%swap3A_115, %swap3A_116], %mul3A_114 {strides = array<i32>} : memref<400x128xf32, #tpu.memory_space<vmem>>, vector<16xf32>,
        %get3A_118 = arith.index_cast %add3A_88 : i32 to index
        %get3A_119 = arith.constant 64 : index
        %get3A_120 = tpu.vector_load %arg6[%get3A_118, %get3A_119] {strides = array<i32>} : memref<400x128xf32, #tpu.memory_space<vmem>>, vector<16xf32>,
        %mul3A_121 = arith.mulf %get3A_120, %bitcast3A : vector<16xf32>
        %swap3A_122 = arith.index_cast %add3A_88 : i32 to index
        %swap3A_123 = arith.constant 64 : index
        %swap3A_124 = tpu.vector_load %arg6[%swap3A_122, %swap3A_123] {strides = array<i32>} : memref<400x128xf32, #tpu.memory_space<vmem>>, vector<16xf32>,
        tpu.vector_store %arg6[%swap3A_122, %swap3A_123], %mul3A_121 {strides = array<i32>} : memref<400x128xf32, #tpu.memory_space<vmem>>, vector<16xf32>,
        %get3A_125 = arith.index_cast %add3A_88 : i32 to index
        %get3A_126 = arith.constant 80 : index
        %get3A_127 = tpu.vector_load %arg6[%get3A_125, %get3A_126] {strides = array<i32>} : memref<400x128xf32, #tpu.memory_space<vmem>>, vector<16xf32>,
        %mul3A_128 = arith.mulf %get3A_127, %bitcast3A : vector<16xf32>
        %swap3A_129 = arith.index_cast %add3A_88 : i32 to index
        %swap3A_130 = arith.constant 80 : index
        %swap3A_131 = tpu.vector_load %arg6[%swap3A_129, %swap3A_130] {strides = array<i32>} : memref<400x128xf32, #tpu.memory_space<vmem>>, vector<16xf32>,
        tpu.vector_store %arg6[%swap3A_129, %swap3A_130], %mul3A_128 {strides = array<i32>} : memref<400x128xf32, #tpu.memory_space<vmem>>, vector<16xf32>,
        %get3A_132 = arith.index_cast %add3A_88 : i32 to index
        %get3A_133 = arith.constant 96 : index
        %get3A_134 = tpu.vector_load %arg6[%get3A_132, %get3A_133] {strides = array<i32>} : memref<400x128xf32, #tpu.memory_space<vmem>>, vector<16xf32>,
        %mul3A_135 = arith.mulf %get3A_134, %bitcast3A : vector<16xf32>
        %swap3A_136 = arith.index_cast %add3A_88 : i32 to index
        %swap3A_137 = arith.constant 96 : index
        %swap3A_138 = tpu.vector_load %arg6[%swap3A_136, %swap3A_137] {strides = array<i32>} : memref<400x128xf32, #tpu.memory_space<vmem>>, vector<16xf32>,
        tpu.vector_store %arg6[%swap3A_136, %swap3A_137], %mul3A_135 {strides = array<i32>} : memref<400x128xf32, #tpu.memory_space<vmem>>, vector<16xf32>,
        %get3A_139 = arith.index_cast %add3A_88 : i32 to index
        %get3A_140 = arith.constant 112 : index
        %get3A_141 = tpu.vector_load %arg6[%get3A_139, %get3A_140] {strides = array<i32>} : memref<400x128xf32, #tpu.memory_space<vmem>>, vector<16xf32>,
        %mul3A_142 = arith.mulf %get3A_141, %bitcast3A : vector<16xf32>
        %swap3A_143 = arith.index_cast %add3A_88 : i32 to index
        %swap3A_144 = arith.constant 112 : index
        %swap3A_145 = tpu.vector_load %arg6[%swap3A_143, %swap3A_144] {strides = array<i32>} : memref<400x128xf32, #tpu.memory_space<vmem>>, vector<16xf32>,
        tpu.vector_store %arg6[%swap3A_143, %swap3A_144], %mul3A_142 {strides = array<i32>} : memref<400x128xf32, #tpu.memory_space<vmem>>, vector<16xf32>,
        %mul3A_146 = arith.constant 8 : i32
        %mul3A_147 = arith.muli %scan3A_84, %mul3A_146 : i32
        %add3A_148 = arith.constant 1 : i32
        %add3A_149 = arith.addi %mul3A_147, %add3A_148 : i32
        %add3A_150 = arith.constant 800 : i32
        %add3A_151 = arith.addi %add3A_150, %add3A_149 : i32
        %broadcast_in_dim3A_152 = vector.broadcast %add3A_151 : i32 to vector<16xi32>
        %gather3A_153 = tpu.vector_load_idx %arg7[%broadcast_in_dim3A_152] : memref<1200xi32, #tpu.memory_space<vmem>>[vector<16xi32>], vector<16xi32>,
        %bitcast3A_154 = vector.bitcast %gather3A_153 : vector<16xi32> to vector<16xf32>
        %get3A_155 = arith.index_cast %add3A_149 : i32 to index
        %get3A_156 = arith.constant 0 : index
        %get3A_157 = tpu.vector_load %arg6[%get3A_155, %get3A_156] {strides = array<i32>} : memref<400x128xf32, #tpu.memory_space<vmem>>, vector<16xf32>,
        %mul3A_158 = arith.mulf %get3A_157, %bitcast3A_154 : vector<16xf32>
        %swap3A_159 = arith.index_cast %add3A_149 : i32 to index
        %swap3A_160 = arith.constant 0 : index
        %swap3A_161 = tpu.vector_load %arg6[%swap3A_159, %swap3A_160] {strides = array<i32>} : memref<400x128xf32, #tpu.memory_space<vmem>>, vector<16xf32>,
        tpu.vector_store %arg6[%swap3A_159, %swap3A_160], %mul3A_158 {strides = array<i32>} : memref<400x128xf32, #tpu.memory_space<vmem>>, vector<16xf32>,
        %get3A_162 = arith.index_cast %add3A_149 : i32 to index
        %get3A_163 = arith.constant 16 : index
        %get3A_164 = tpu.vector_load %arg6[%get3A_162, %get3A_163] {strides = array<i32>} : memref<400x128xf32, #tpu.memory_space<vmem>>, vector<16xf32>,
        %mul3A_165 = arith.mulf %get3A_164, %bitcast3A_154 : vector<16xf32>
        %swap3A_166 = arith.index_cast %add3A_149 : i32 to index
        %swap3A_167 = arith.constant 16 : index
        %swap3A_168 = tpu.vector_load %arg6[%swap3A_166, %swap3A_167] {strides = array<i32>} : memref<400x128xf32, #tpu.memory_space<vmem>>, vector<16xf32>,
        tpu.vector_store %arg6[%swap3A_166, %swap3A_167], %mul3A_165 {strides = array<i32>} : memref<400x128xf32, #tpu.memory_space<vmem>>, vector<16xf32>,
        %get3A_169 = arith.index_cast %add3A_149 : i32 to index
        %get3A_170 = arith.constant 32 : index
        %get3A_171 = tpu.vector_load %arg6[%get3A_169, %get3A_170] {strides = array<i32>} : memref<400x128xf32, #tpu.memory_space<vmem>>, vector<16xf32>,
        %mul3A_172 = arith.mulf %get3A_171, %bitcast3A_154 : vector<16xf32>
        %swap3A_173 = arith.index_cast %add3A_149 : i32 to index
        %swap3A_174 = arith.constant 32 : index
        %swap3A_175 = tpu.vector_load %arg6[%swap3A_173, %swap3A_174] {strides = array<i32>} : memref<400x128xf32, #tpu.memory_space<vmem>>, vector<16xf32>,
        tpu.vector_store %arg6[%swap3A_173, %swap3A_174], %mul3A_172 {strides = array<i32>} : memref<400x128xf32, #tpu.memory_space<vmem>>, vector<16xf32>,
        %get3A_176 = arith.index_cast %add3A_149 : i32 to index
        %get3A_177 = arith.constant 48 : index
        %get3A_178 = tpu.vector_load %arg6[%get3A_176, %get3A_177] {strides = array<i32>} : memref<400x128xf32, #tpu.memory_space<vmem>>, vector<16xf32>,
        %mul3A_179 = arith.mulf %get3A_178, %bitcast3A_154 : vector<16xf32>
        %swap3A_180 = arith.index_cast %add3A_149 : i32 to index
        %swap3A_181 = arith.constant 48 : index
        %swap3A_182 = tpu.vector_load %arg6[%swap3A_180, %swap3A_181] {strides = array<i32>} : memref<400x128xf32, #tpu.memory_space<vmem>>, vector<16xf32>,
        tpu.vector_store %arg6[%swap3A_180, %swap3A_181], %mul3A_179 {strides = array<i32>} : memref<400x128xf32, #tpu.memory_space<vmem>>, vector<16xf32>,
        %get3A_183 = arith.index_cast %add3A_149 : i32 to index
        %get3A_184 = arith.constant 64 : index
        %get3A_185 = tpu.vector_load %arg6[%get3A_183, %get3A_184] {strides = array<i32>} : memref<400x128xf32, #tpu.memory_space<vmem>>, vector<16xf32>,
        %mul3A_186 = arith.mulf %get3A_185, %bitcast3A_154 : vector<16xf32>
        %swap3A_187 = arith.index_cast %add3A_149 : i32 to index
        %swap3A_188 = arith.constant 64 : index
        %swap3A_189 = tpu.vector_load %arg6[%swap3A_187, %swap3A_188] {strides = array<i32>} : memref<400x128xf32, #tpu.memory_space<vmem>>, vector<16xf32>,
        tpu.vector_store %arg6[%swap3A_187, %swap3A_188], %mul3A_186 {strides = array<i32>} : memref<400x128xf32, #tpu.memory_space<vmem>>, vector<16xf32>,
        %get3A_190 = arith.index_cast %add3A_149 : i32 to index
        %get3A_191 = arith.constant 80 : index
        %get3A_192 = tpu.vector_load %arg6[%get3A_190, %get3A_191] {strides = array<i32>} : memref<400x128xf32, #tpu.memory_space<vmem>>, vector<16xf32>,
        %mul3A_193 = arith.mulf %get3A_192, %bitcast3A_154 : vector<16xf32>
        %swap3A_194 = arith.index_cast %add3A_149 : i32 to index
        %swap3A_195 = arith.constant 80 : index
        %swap3A_196 = tpu.vector_load %arg6[%swap3A_194, %swap3A_195] {strides = array<i32>} : memref<400x128xf32, #tpu.memory_space<vmem>>, vector<16xf32>,
        tpu.vector_store %arg6[%swap3A_194, %swap3A_195], %mul3A_193 {strides = array<i32>} : memref<400x128xf32, #tpu.memory_space<vmem>>, vector<16xf32>,
        %get3A_197 = arith.index_cast %add3A_149 : i32 to index
        %get3A_198 = arith.constant 96 : index
        %get3A_199 = tpu.vector_load %arg6[%get3A_197, %get3A_198] {strides = array<i32>} : memref<400x128xf32, #tpu.memory_space<vmem>>, vector<16xf32>,
        %mul3A_200 = arith.mulf %get3A_199, %bitcast3A_154 : vector<16xf32>
        %swap3A_201 = arith.index_cast %add3A_149 : i32 to index
        %swap3A_202 = arith.constant 96 : index
        %swap3A_203 = tpu.vector_load %arg6[%swap3A_201, %swap3A_202] {strides = array<i32>} : memref<400x128xf32, #tpu.memory_space<vmem>>, vector<16xf32>,
        tpu.vector_store %arg6[%swap3A_201, %swap3A_202], %mul3A_200 {strides = array<i32>} : memref<400x128xf32, #tpu.memory_space<vmem>>, vector<16xf32>,
        %get3A_204 = arith.index_cast %add3A_149 : i32 to index
        %get3A_205 = arith.constant 112 : index
        %get3A_206 = tpu.vector_load %arg6[%get3A_204, %get3A_205] {strides = array<i32>} : memref<400x128xf32, #tpu.memory_space<vmem>>, vector<16xf32>,
        %mul3A_207 = arith.mulf %get3A_206, %bitcast3A_154 : vector<16xf32>
        %swap3A_208 = arith.index_cast %add3A_149 : i32 to index
        %swap3A_209 = arith.constant 112 : index
        %swap3A_210 = tpu.vector_load %arg6[%swap3A_208, %swap3A_209] {strides = array<i32>} : memref<400x128xf32, #tpu.memory_space<vmem>>, vector<16xf32>,
        tpu.vector_store %arg6[%swap3A_208, %swap3A_209], %mul3A_207 {strides = array<i32>} : memref<400x128xf32, #tpu.memory_space<vmem>>, vector<16xf32>,
        %mul3A_211 = arith.constant 8 : i32
        %mul3A_212 = arith.muli %scan3A_84, %mul3A_211 : i32
        %add3A_213 = arith.constant 2 : i32
        %add3A_214 = arith.addi %mul3A_212, %add3A_213 : i32
        %add3A_215 = arith.constant 800 : i32
        %add3A_216 = arith.addi %add3A_215, %add3A_214 : i32
        %broadcast_in_dim3A_217 = vector.broadcast %add3A_216 : i32 to vector<16xi32>
        %gather3A_218 = tpu.vector_load_idx %arg7[%broadcast_in_dim3A_217] : memref<1200xi32, #tpu.memory_space<vmem>>[vector<16xi32>], vector<16xi32>,
        %bitcast3A_219 = vector.bitcast %gather3A_218 : vector<16xi32> to vector<16xf32>
        %get3A_220 = arith.index_cast %add3A_214 : i32 to index
        %get3A_221 = arith.constant 0 : index
        %get3A_222 = tpu.vector_load %arg6[%get3A_220, %get3A_221] {strides = array<i32>} : memref<400x128xf32, #tpu.memory_space<vmem>>, vector<16xf32>,
        %mul3A_223 = arith.mulf %get3A_222, %bitcast3A_219 : vector<16xf32>
        %swap3A_224 = arith.index_cast %add3A_214 : i32 to index
        %swap3A_225 = arith.constant 0 : index
        %swap3A_226 = tpu.vector_load %arg6[%swap3A_224, %swap3A_225] {strides = array<i32>} : memref<400x128xf32, #tpu.memory_space<vmem>>, vector<16xf32>,
        tpu.vector_store %arg6[%swap3A_224, %swap3A_225], %mul3A_223 {strides = array<i32>} : memref<400x128xf32, #tpu.memory_space<vmem>>, vector<16xf32>,
        %get3A_227 = arith.index_cast %add3A_214 : i32 to index
        %get3A_228 = arith.constant 16 : index
        %get3A_229 = tpu.vector_load %arg6[%get3A_227, %get3A_228] {strides = array<i32>} : memref<400x128xf32, #tpu.memory_space<vmem>>, vector<16xf32>,
        %mul3A_230 = arith.mulf %get3A_229, %bitcast3A_219 : vector<16xf32>
        %swap3A_231 = arith.index_cast %add3A_214 : i32 to index
        %swap3A_232 = arith.constant 16 : index
        %swap3A_233 = tpu.vector_load %arg6[%swap3A_231, %swap3A_232] {strides = array<i32>} : memref<400x128xf32, #tpu.memory_space<vmem>>, vector<16xf32>,
        tpu.vector_store %arg6[%swap3A_231, %swap3A_232], %mul3A_230 {strides = array<i32>} : memref<400x128xf32, #tpu.memory_space<vmem>>, vector<16xf32>,
        %get3A_234 = arith.index_cast %add3A_214 : i32 to index
        %get3A_235 = arith.constant 32 : index
        %get3A_236 = tpu.vector_load %arg6[%get3A_234, %get3A_235] {strides = array<i32>} : memref<400x128xf32, #tpu.memory_space<vmem>>, vector<16xf32>,
        %mul3A_237 = arith.mulf %get3A_236, %bitcast3A_219 : vector<16xf32>
        %swap3A_238 = arith.index_cast %add3A_214 : i32 to index
        %swap3A_239 = arith.constant 32 : index
        %swap3A_240 = tpu.vector_load %arg6[%swap3A_238, %swap3A_239] {strides = array<i32>} : memref<400x128xf32, #tpu.memory_space<vmem>>, vector<16xf32>,
        tpu.vector_store %arg6[%swap3A_238, %swap3A_239], %mul3A_237 {strides = array<i32>} : memref<400x128xf32, #tpu.memory_space<vmem>>, vector<16xf32>,
        %get3A_241 = arith.index_cast %add3A_214 : i32 to index
        %get3A_242 = arith.constant 48 : index
        %get3A_243 = tpu.vector_load %arg6[%get3A_241, %get3A_242] {strides = array<i32>} : memref<400x128xf32, #tpu.memory_space<vmem>>, vector<16xf32>,
        %mul3A_244 = arith.mulf %get3A_243, %bitcast3A_219 : vector<16xf32>
        %swap3A_245 = arith.index_cast %add3A_214 : i32 to index
        %swap3A_246 = arith.constant 48 : index
        %swap3A_247 = tpu.vector_load %arg6[%swap3A_245, %swap3A_246] {strides = array<i32>} : memref<400x128xf32, #tpu.memory_space<vmem>>, vector<16xf32>,
        tpu.vector_store %arg6[%swap3A_245, %swap3A_246], %mul3A_244 {strides = array<i32>} : memref<400x128xf32, #tpu.memory_space<vmem>>, vector<16xf32>,
        %get3A_248 = arith.index_cast %add3A_214 : i32 to index
        %get3A_249 = arith.constant 64 : index
        %get3A_250 = tpu.vector_load %arg6[%get3A_248, %get3A_249] {strides = array<i32>} : memref<400x128xf32, #tpu.memory_space<vmem>>, vector<16xf32>,
        %mul3A_251 = arith.mulf %get3A_250, %bitcast3A_219 : vector<16xf32>
        %swap3A_252 = arith.index_cast %add3A_214 : i32 to index
        %swap3A_253 = arith.constant 64 : index
        %swap3A_254 = tpu.vector_load %arg6[%swap3A_252, %swap3A_253] {strides = array<i32>} : memref<400x128xf32, #tpu.memory_space<vmem>>, vector<16xf32>,
        tpu.vector_store %arg6[%swap3A_252, %swap3A_253], %mul3A_251 {strides = array<i32>} : memref<400x128xf32, #tpu.memory_space<vmem>>, vector<16xf32>,
        %get3A_255 = arith.index_cast %add3A_214 : i32 to index
        %get3A_256 = arith.constant 80 : index
        %get3A_257 = tpu.vector_load %arg6[%get3A_255, %get3A_256] {strides = array<i32>} : memref<400x128xf32, #tpu.memory_space<vmem>>, vector<16xf32>,
        %mul3A_258 = arith.mulf %get3A_257, %bitcast3A_219 : vector<16xf32>
        %swap3A_259 = arith.index_cast %add3A_214 : i32 to index
        %swap3A_260 = arith.constant 80 : index
        %swap3A_261 = tpu.vector_load %arg6[%swap3A_259, %swap3A_260] {strides = array<i32>} : memref<400x128xf32, #tpu.memory_space<vmem>>, vector<16xf32>,
        tpu.vector_store %arg6[%swap3A_259, %swap3A_260], %mul3A_258 {strides = array<i32>} : memref<400x128xf32, #tpu.memory_space<vmem>>, vector<16xf32>,
        %get3A_262 = arith.index_cast %add3A_214 : i32 to index
        %get3A_263 = arith.constant 96 : index
        %get3A_264 = tpu.vector_load %arg6[%get3A_262, %get3A_263] {strides = array<i32>} : memref<400x128xf32, #tpu.memory_space<vmem>>, vector<16xf32>,
        %mul3A_265 = arith.mulf %get3A_264, %bitcast3A_219 : vector<16xf32>
        %swap3A_266 = arith.index_cast %add3A_214 : i32 to index
        %swap3A_267 = arith.constant 96 : index
        %swap3A_268 = tpu.vector_load %arg6[%swap3A_266, %swap3A_267] {strides = array<i32>} : memref<400x128xf32, #tpu.memory_space<vmem>>, vector<16xf32>,
        tpu.vector_store %arg6[%swap3A_266, %swap3A_267], %mul3A_265 {strides = array<i32>} : memref<400x128xf32, #tpu.memory_space<vmem>>, vector<16xf32>,
        %get3A_269 = arith.index_cast %add3A_214 : i32 to index
        %get3A_270 = arith.constant 112 : index
        %get3A_271 = tpu.vector_load %arg6[%get3A_269, %get3A_270] {strides = array<i32>} : memref<400x128xf32, #tpu.memory_space<vmem>>, vector<16xf32>,
        %mul3A_272 = arith.mulf %get3A_271, %bitcast3A_219 : vector<16xf32>
        %swap3A_273 = arith.index_cast %add3A_214 : i32 to index
        %swap3A_274 = arith.constant 112 : index
        %swap3A_275 = tpu.vector_load %arg6[%swap3A_273, %swap3A_274] {strides = array<i32>} : memref<400x128xf32, #tpu.memory_space<vmem>>, vector<16xf32>,
        tpu.vector_store %arg6[%swap3A_273, %swap3A_274], %mul3A_272 {strides = array<i32>} : memref<400x128xf32, #tpu.memory_space<vmem>>, vector<16xf32>,
        %mul3A_276 = arith.constant 8 : i32
        %mul3A_277 = arith.muli %scan3A_84, %mul3A_276 : i32
        %add3A_278 = arith.constant 3 : i32
        %add3A_279 = arith.addi %mul3A_277, %add3A_278 : i32
        %add3A_280 = arith.constant 800 : i32
        %add3A_281 = arith.addi %add3A_280, %add3A_279 : i32
        %broadcast_in_dim3A_282 = vector.broadcast %add3A_281 : i32 to vector<16xi32>
        %gather3A_283 = tpu.vector_load_idx %arg7[%broadcast_in_dim3A_282] : memref<1200xi32, #tpu.memory_space<vmem>>[vector<16xi32>], vector<16xi32>,
        %bitcast3A_284 = vector.bitcast %gather3A_283 : vector<16xi32> to vector<16xf32>
        %get3A_285 = arith.index_cast %add3A_279 : i32 to index
        %get3A_286 = arith.constant 0 : index
        %get3A_287 = tpu.vector_load %arg6[%get3A_285, %get3A_286] {strides = array<i32>} : memref<400x128xf32, #tpu.memory_space<vmem>>, vector<16xf32>,
        %mul3A_288 = arith.mulf %get3A_287, %bitcast3A_284 : vector<16xf32>
        %swap3A_289 = arith.index_cast %add3A_279 : i32 to index
        %swap3A_290 = arith.constant 0 : index
        %swap3A_291 = tpu.vector_load %arg6[%swap3A_289, %swap3A_290] {strides = array<i32>} : memref<400x128xf32, #tpu.memory_space<vmem>>, vector<16xf32>,
        tpu.vector_store %arg6[%swap3A_289, %swap3A_290], %mul3A_288 {strides = array<i32>} : memref<400x128xf32, #tpu.memory_space<vmem>>, vector<16xf32>,
        %get3A_292 = arith.index_cast %add3A_279 : i32 to index
        %get3A_293 = arith.constant 16 : index
        %get3A_294 = tpu.vector_load %arg6[%get3A_292, %get3A_293] {strides = array<i32>} : memref<400x128xf32, #tpu.memory_space<vmem>>, vector<16xf32>,
        %mul3A_295 = arith.mulf %get3A_294, %bitcast3A_284 : vector<16xf32>
        %swap3A_296 = arith.index_cast %add3A_279 : i32 to index
        %swap3A_297 = arith.constant 16 : index
        %swap3A_298 = tpu.vector_load %arg6[%swap3A_296, %swap3A_297] {strides = array<i32>} : memref<400x128xf32, #tpu.memory_space<vmem>>, vector<16xf32>,
        tpu.vector_store %arg6[%swap3A_296, %swap3A_297], %mul3A_295 {strides = array<i32>} : memref<400x128xf32, #tpu.memory_space<vmem>>, vector<16xf32>,
        %get3A_299 = arith.index_cast %add3A_279 : i32 to index
        %get3A_300 = arith.constant 32 : index
        %get3A_301 = tpu.vector_load %arg6[%get3A_299, %get3A_300] {strides = array<i32>} : memref<400x128xf32, #tpu.memory_space<vmem>>, vector<16xf32>,
        %mul3A_302 = arith.mulf %get3A_301, %bitcast3A_284 : vector<16xf32>
        %swap3A_303 = arith.index_cast %add3A_279 : i32 to index
        %swap3A_304 = arith.constant 32 : index
        %swap3A_305 = tpu.vector_load %arg6[%swap3A_303, %swap3A_304] {strides = array<i32>} : memref<400x128xf32, #tpu.memory_space<vmem>>, vector<16xf32>,
        tpu.vector_store %arg6[%swap3A_303, %swap3A_304], %mul3A_302 {strides = array<i32>} : memref<400x128xf32, #tpu.memory_space<vmem>>, vector<16xf32>,
        %get3A_306 = arith.index_cast %add3A_279 : i32 to index
        %get3A_307 = arith.constant 48 : index
        %get3A_308 = tpu.vector_load %arg6[%get3A_306, %get3A_307] {strides = array<i32>} : memref<400x128xf32, #tpu.memory_space<vmem>>, vector<16xf32>,
        %mul3A_309 = arith.mulf %get3A_308, %bitcast3A_284 : vector<16xf32>
        %swap3A_310 = arith.index_cast %add3A_279 : i32 to index
        %swap3A_311 = arith.constant 48 : index
        %swap3A_312 = tpu.vector_load %arg6[%swap3A_310, %swap3A_311] {strides = array<i32>} : memref<400x128xf32, #tpu.memory_space<vmem>>, vector<16xf32>,
        tpu.vector_store %arg6[%swap3A_310, %swap3A_311], %mul3A_309 {strides = array<i32>} : memref<400x128xf32, #tpu.memory_space<vmem>>, vector<16xf32>,
        %get3A_313 = arith.index_cast %add3A_279 : i32 to index
        %get3A_314 = arith.constant 64 : index
        %get3A_315 = tpu.vector_load %arg6[%get3A_313, %get3A_314] {strides = array<i32>} : memref<400x128xf32, #tpu.memory_space<vmem>>, vector<16xf32>,
        %mul3A_316 = arith.mulf %get3A_315, %bitcast3A_284 : vector<16xf32>
        %swap3A_317 = arith.index_cast %add3A_279 : i32 to index
        %swap3A_318 = arith.constant 64 : index
        %swap3A_319 = tpu.vector_load %arg6[%swap3A_317, %swap3A_318] {strides = array<i32>} : memref<400x128xf32, #tpu.memory_space<vmem>>, vector<16xf32>,
        tpu.vector_store %arg6[%swap3A_317, %swap3A_318], %mul3A_316 {strides = array<i32>} : memref<400x128xf32, #tpu.memory_space<vmem>>, vector<16xf32>,
        %get3A_320 = arith.index_cast %add3A_279 : i32 to index
        %get3A_321 = arith.constant 80 : index
        %get3A_322 = tpu.vector_load %arg6[%get3A_320, %get3A_321] {strides = array<i32>} : memref<400x128xf32, #tpu.memory_space<vmem>>, vector<16xf32>,
        %mul3A_323 = arith.mulf %get3A_322, %bitcast3A_284 : vector<16xf32>
        %swap3A_324 = arith.index_cast %add3A_279 : i32 to index
        %swap3A_325 = arith.constant 80 : index
        %swap3A_326 = tpu.vector_load %arg6[%swap3A_324, %swap3A_325] {strides = array<i32>} : memref<400x128xf32, #tpu.memory_space<vmem>>, vector<16xf32>,
        tpu.vector_store %arg6[%swap3A_324, %swap3A_325], %mul3A_323 {strides = array<i32>} : memref<400x128xf32, #tpu.memory_space<vmem>>, vector<16xf32>,
        %get3A_327 = arith.index_cast %add3A_279 : i32 to index
        %get3A_328 = arith.constant 96 : index
        %get3A_329 = tpu.vector_load %arg6[%get3A_327, %get3A_328] {strides = array<i32>} : memref<400x128xf32, #tpu.memory_space<vmem>>, vector<16xf32>,
        %mul3A_330 = arith.mulf %get3A_329, %bitcast3A_284 : vector<16xf32>
        %swap3A_331 = arith.index_cast %add3A_279 : i32 to index
        %swap3A_332 = arith.constant 96 : index
        %swap3A_333 = tpu.vector_load %arg6[%swap3A_331, %swap3A_332] {strides = array<i32>} : memref<400x128xf32, #tpu.memory_space<vmem>>, vector<16xf32>,
        tpu.vector_store %arg6[%swap3A_331, %swap3A_332], %mul3A_330 {strides = array<i32>} : memref<400x128xf32, #tpu.memory_space<vmem>>, vector<16xf32>,
        %get3A_334 = arith.index_cast %add3A_279 : i32 to index
        %get3A_335 = arith.constant 112 : index
        %get3A_336 = tpu.vector_load %arg6[%get3A_334, %get3A_335] {strides = array<i32>} : memref<400x128xf32, #tpu.memory_space<vmem>>, vector<16xf32>,
        %mul3A_337 = arith.mulf %get3A_336, %bitcast3A_284 : vector<16xf32>
        %swap3A_338 = arith.index_cast %add3A_279 : i32 to index
        %swap3A_339 = arith.constant 112 : index
        %swap3A_340 = tpu.vector_load %arg6[%swap3A_338, %swap3A_339] {strides = array<i32>} : memref<400x128xf32, #tpu.memory_space<vmem>>, vector<16xf32>,
        tpu.vector_store %arg6[%swap3A_338, %swap3A_339], %mul3A_337 {strides = array<i32>} : memref<400x128xf32, #tpu.memory_space<vmem>>, vector<16xf32>,
        %mul3A_341 = arith.constant 8 : i32
        %mul3A_342 = arith.muli %scan3A_84, %mul3A_341 : i32
        %add3A_343 = arith.constant 4 : i32
        %add3A_344 = arith.addi %mul3A_342, %add3A_343 : i32
        %add3A_345 = arith.constant 800 : i32
        %add3A_346 = arith.addi %add3A_345, %add3A_344 : i32
        %broadcast_in_dim3A_347 = vector.broadcast %add3A_346 : i32 to vector<16xi32>
        %gather3A_348 = tpu.vector_load_idx %arg7[%broadcast_in_dim3A_347] : memref<1200xi32, #tpu.memory_space<vmem>>[vector<16xi32>], vector<16xi32>,
        %bitcast3A_349 = vector.bitcast %gather3A_348 : vector<16xi32> to vector<16xf32>
        %get3A_350 = arith.index_cast %add3A_344 : i32 to index
        %get3A_351 = arith.constant 0 : index
        %get3A_352 = tpu.vector_load %arg6[%get3A_350, %get3A_351] {strides = array<i32>} : memref<400x128xf32, #tpu.memory_space<vmem>>, vector<16xf32>,
        %mul3A_353 = arith.mulf %get3A_352, %bitcast3A_349 : vector<16xf32>
        %swap3A_354 = arith.index_cast %add3A_344 : i32 to index
        %swap3A_355 = arith.constant 0 : index
        %swap3A_356 = tpu.vector_load %arg6[%swap3A_354, %swap3A_355] {strides = array<i32>} : memref<400x128xf32, #tpu.memory_space<vmem>>, vector<16xf32>,
        tpu.vector_store %arg6[%swap3A_354, %swap3A_355], %mul3A_353 {strides = array<i32>} : memref<400x128xf32, #tpu.memory_space<vmem>>, vector<16xf32>,
        %get3A_357 = arith.index_cast %add3A_344 : i32 to index
        %get3A_358 = arith.constant 16 : index
        %get3A_359 = tpu.vector_load %arg6[%get3A_357, %get3A_358] {strides = array<i32>} : memref<400x128xf32, #tpu.memory_space<vmem>>, vector<16xf32>,
        %mul3A_360 = arith.mulf %get3A_359, %bitcast3A_349 : vector<16xf32>
        %swap3A_361 = arith.index_cast %add3A_344 : i32 to index
        %swap3A_362 = arith.constant 16 : index
        %swap3A_363 = tpu.vector_load %arg6[%swap3A_361, %swap3A_362] {strides = array<i32>} : memref<400x128xf32, #tpu.memory_space<vmem>>, vector<16xf32>,
        tpu.vector_store %arg6[%swap3A_361, %swap3A_362], %mul3A_360 {strides = array<i32>} : memref<400x128xf32, #tpu.memory_space<vmem>>, vector<16xf32>,
        %get3A_364 = arith.index_cast %add3A_344 : i32 to index
        %get3A_365 = arith.constant 32 : index
        %get3A_366 = tpu.vector_load %arg6[%get3A_364, %get3A_365] {strides = array<i32>} : memref<400x128xf32, #tpu.memory_space<vmem>>, vector<16xf32>,
        %mul3A_367 = arith.mulf %get3A_366, %bitcast3A_349 : vector<16xf32>
        %swap3A_368 = arith.index_cast %add3A_344 : i32 to index
        %swap3A_369 = arith.constant 32 : index
        %swap3A_370 = tpu.vector_load %arg6[%swap3A_368, %swap3A_369] {strides = array<i32>} : memref<400x128xf32, #tpu.memory_space<vmem>>, vector<16xf32>,
        tpu.vector_store %arg6[%swap3A_368, %swap3A_369], %mul3A_367 {strides = array<i32>} : memref<400x128xf32, #tpu.memory_space<vmem>>, vector<16xf32>,
        %get3A_371 = arith.index_cast %add3A_344 : i32 to index
        %get3A_372 = arith.constant 48 : index
        %get3A_373 = tpu.vector_load %arg6[%get3A_371, %get3A_372] {strides = array<i32>} : memref<400x128xf32, #tpu.memory_space<vmem>>, vector<16xf32>,
        %mul3A_374 = arith.mulf %get3A_373, %bitcast3A_349 : vector<16xf32>
        %swap3A_375 = arith.index_cast %add3A_344 : i32 to index
        %swap3A_376 = arith.constant 48 : index
        %swap3A_377 = tpu.vector_load %arg6[%swap3A_375, %swap3A_376] {strides = array<i32>} : memref<400x128xf32, #tpu.memory_space<vmem>>, vector<16xf32>,
        tpu.vector_store %arg6[%swap3A_375, %swap3A_376], %mul3A_374 {strides = array<i32>} : memref<400x128xf32, #tpu.memory_space<vmem>>, vector<16xf32>,
        %get3A_378 = arith.index_cast %add3A_344 : i32 to index
        %get3A_379 = arith.constant 64 : index
        %get3A_380 = tpu.vector_load %arg6[%get3A_378, %get3A_379] {strides = array<i32>} : memref<400x128xf32, #tpu.memory_space<vmem>>, vector<16xf32>,
        %mul3A_381 = arith.mulf %get3A_380, %bitcast3A_349 : vector<16xf32>
        %swap3A_382 = arith.index_cast %add3A_344 : i32 to index
        %swap3A_383 = arith.constant 64 : index
        %swap3A_384 = tpu.vector_load %arg6[%swap3A_382, %swap3A_383] {strides = array<i32>} : memref<400x128xf32, #tpu.memory_space<vmem>>, vector<16xf32>,
        tpu.vector_store %arg6[%swap3A_382, %swap3A_383], %mul3A_381 {strides = array<i32>} : memref<400x128xf32, #tpu.memory_space<vmem>>, vector<16xf32>,
        %get3A_385 = arith.index_cast %add3A_344 : i32 to index
        %get3A_386 = arith.constant 80 : index
        %get3A_387 = tpu.vector_load %arg6[%get3A_385, %get3A_386] {strides = array<i32>} : memref<400x128xf32, #tpu.memory_space<vmem>>, vector<16xf32>,
        %mul3A_388 = arith.mulf %get3A_387, %bitcast3A_349 : vector<16xf32>
        %swap3A_389 = arith.index_cast %add3A_344 : i32 to index
        %swap3A_390 = arith.constant 80 : index
        %swap3A_391 = tpu.vector_load %arg6[%swap3A_389, %swap3A_390] {strides = array<i32>} : memref<400x128xf32, #tpu.memory_space<vmem>>, vector<16xf32>,
        tpu.vector_store %arg6[%swap3A_389, %swap3A_390], %mul3A_388 {strides = array<i32>} : memref<400x128xf32, #tpu.memory_space<vmem>>, vector<16xf32>,
        %get3A_392 = arith.index_cast %add3A_344 : i32 to index
        %get3A_393 = arith.constant 96 : index
        %get3A_394 = tpu.vector_load %arg6[%get3A_392, %get3A_393] {strides = array<i32>} : memref<400x128xf32, #tpu.memory_space<vmem>>, vector<16xf32>,
        %mul3A_395 = arith.mulf %get3A_394, %bitcast3A_349 : vector<16xf32>
        %swap3A_396 = arith.index_cast %add3A_344 : i32 to index
        %swap3A_397 = arith.constant 96 : index
        %swap3A_398 = tpu.vector_load %arg6[%swap3A_396, %swap3A_397] {strides = array<i32>} : memref<400x128xf32, #tpu.memory_space<vmem>>, vector<16xf32>,
        tpu.vector_store %arg6[%swap3A_396, %swap3A_397], %mul3A_395 {strides = array<i32>} : memref<400x128xf32, #tpu.memory_space<vmem>>, vector<16xf32>,
        %get3A_399 = arith.index_cast %add3A_344 : i32 to index
        %get3A_400 = arith.constant 112 : index
        %get3A_401 = tpu.vector_load %arg6[%get3A_399, %get3A_400] {strides = array<i32>} : memref<400x128xf32, #tpu.memory_space<vmem>>, vector<16xf32>,
        %mul3A_402 = arith.mulf %get3A_401, %bitcast3A_349 : vector<16xf32>
        %swap3A_403 = arith.index_cast %add3A_344 : i32 to index
        %swap3A_404 = arith.constant 112 : index
        %swap3A_405 = tpu.vector_load %arg6[%swap3A_403, %swap3A_404] {strides = array<i32>} : memref<400x128xf32, #tpu.memory_space<vmem>>, vector<16xf32>,
        tpu.vector_store %arg6[%swap3A_403, %swap3A_404], %mul3A_402 {strides = array<i32>} : memref<400x128xf32, #tpu.memory_space<vmem>>, vector<16xf32>,
        %mul3A_406 = arith.constant 8 : i32
        %mul3A_407 = arith.muli %scan3A_84, %mul3A_406 : i32
        %add3A_408 = arith.constant 5 : i32
        %add3A_409 = arith.addi %mul3A_407, %add3A_408 : i32
        %add3A_410 = arith.constant 800 : i32
        %add3A_411 = arith.addi %add3A_410, %add3A_409 : i32
        %broadcast_in_dim3A_412 = vector.broadcast %add3A_411 : i32 to vector<16xi32>
        %gather3A_413 = tpu.vector_load_idx %arg7[%broadcast_in_dim3A_412] : memref<1200xi32, #tpu.memory_space<vmem>>[vector<16xi32>], vector<16xi32>,
        %bitcast3A_414 = vector.bitcast %gather3A_413 : vector<16xi32> to vector<16xf32>
        %get3A_415 = arith.index_cast %add3A_409 : i32 to index
        %get3A_416 = arith.constant 0 : index
        %get3A_417 = tpu.vector_load %arg6[%get3A_415, %get3A_416] {strides = array<i32>} : memref<400x128xf32, #tpu.memory_space<vmem>>, vector<16xf32>,
        %mul3A_418 = arith.mulf %get3A_417, %bitcast3A_414 : vector<16xf32>
        %swap3A_419 = arith.index_cast %add3A_409 : i32 to index
        %swap3A_420 = arith.constant 0 : index
        %swap3A_421 = tpu.vector_load %arg6[%swap3A_419, %swap3A_420] {strides = array<i32>} : memref<400x128xf32, #tpu.memory_space<vmem>>, vector<16xf32>,
        tpu.vector_store %arg6[%swap3A_419, %swap3A_420], %mul3A_418 {strides = array<i32>} : memref<400x128xf32, #tpu.memory_space<vmem>>, vector<16xf32>,
        %get3A_422 = arith.index_cast %add3A_409 : i32 to index
        %get3A_423 = arith.constant 16 : index
        %get3A_424 = tpu.vector_load %arg6[%get3A_422, %get3A_423] {strides = array<i32>} : memref<400x128xf32, #tpu.memory_space<vmem>>, vector<16xf32>,
        %mul3A_425 = arith.mulf %get3A_424, %bitcast3A_414 : vector<16xf32>
        %swap3A_426 = arith.index_cast %add3A_409 : i32 to index
        %swap3A_427 = arith.constant 16 : index
        %swap3A_428 = tpu.vector_load %arg6[%swap3A_426, %swap3A_427] {strides = array<i32>} : memref<400x128xf32, #tpu.memory_space<vmem>>, vector<16xf32>,
        tpu.vector_store %arg6[%swap3A_426, %swap3A_427], %mul3A_425 {strides = array<i32>} : memref<400x128xf32, #tpu.memory_space<vmem>>, vector<16xf32>,
        %get3A_429 = arith.index_cast %add3A_409 : i32 to index
        %get3A_430 = arith.constant 32 : index
        %get3A_431 = tpu.vector_load %arg6[%get3A_429, %get3A_430] {strides = array<i32>} : memref<400x128xf32, #tpu.memory_space<vmem>>, vector<16xf32>,
        %mul3A_432 = arith.mulf %get3A_431, %bitcast3A_414 : vector<16xf32>
        %swap3A_433 = arith.index_cast %add3A_409 : i32 to index
        %swap3A_434 = arith.constant 32 : index
        %swap3A_435 = tpu.vector_load %arg6[%swap3A_433, %swap3A_434] {strides = array<i32>} : memref<400x128xf32, #tpu.memory_space<vmem>>, vector<16xf32>,
        tpu.vector_store %arg6[%swap3A_433, %swap3A_434], %mul3A_432 {strides = array<i32>} : memref<400x128xf32, #tpu.memory_space<vmem>>, vector<16xf32>,
        %get3A_436 = arith.index_cast %add3A_409 : i32 to index
        %get3A_437 = arith.constant 48 : index
        %get3A_438 = tpu.vector_load %arg6[%get3A_436, %get3A_437] {strides = array<i32>} : memref<400x128xf32, #tpu.memory_space<vmem>>, vector<16xf32>,
        %mul3A_439 = arith.mulf %get3A_438, %bitcast3A_414 : vector<16xf32>
        %swap3A_440 = arith.index_cast %add3A_409 : i32 to index
        %swap3A_441 = arith.constant 48 : index
        %swap3A_442 = tpu.vector_load %arg6[%swap3A_440, %swap3A_441] {strides = array<i32>} : memref<400x128xf32, #tpu.memory_space<vmem>>, vector<16xf32>,
        tpu.vector_store %arg6[%swap3A_440, %swap3A_441], %mul3A_439 {strides = array<i32>} : memref<400x128xf32, #tpu.memory_space<vmem>>, vector<16xf32>,
        %get3A_443 = arith.index_cast %add3A_409 : i32 to index
        %get3A_444 = arith.constant 64 : index
        %get3A_445 = tpu.vector_load %arg6[%get3A_443, %get3A_444] {strides = array<i32>} : memref<400x128xf32, #tpu.memory_space<vmem>>, vector<16xf32>,
        %mul3A_446 = arith.mulf %get3A_445, %bitcast3A_414 : vector<16xf32>
        %swap3A_447 = arith.index_cast %add3A_409 : i32 to index
        %swap3A_448 = arith.constant 64 : index
        %swap3A_449 = tpu.vector_load %arg6[%swap3A_447, %swap3A_448] {strides = array<i32>} : memref<400x128xf32, #tpu.memory_space<vmem>>, vector<16xf32>,
        tpu.vector_store %arg6[%swap3A_447, %swap3A_448], %mul3A_446 {strides = array<i32>} : memref<400x128xf32, #tpu.memory_space<vmem>>, vector<16xf32>,
        %get3A_450 = arith.index_cast %add3A_409 : i32 to index
        %get3A_451 = arith.constant 80 : index
        %get3A_452 = tpu.vector_load %arg6[%get3A_450, %get3A_451] {strides = array<i32>} : memref<400x128xf32, #tpu.memory_space<vmem>>, vector<16xf32>,
        %mul3A_453 = arith.mulf %get3A_452, %bitcast3A_414 : vector<16xf32>
        %swap3A_454 = arith.index_cast %add3A_409 : i32 to index
        %swap3A_455 = arith.constant 80 : index
        %swap3A_456 = tpu.vector_load %arg6[%swap3A_454, %swap3A_455] {strides = array<i32>} : memref<400x128xf32, #tpu.memory_space<vmem>>, vector<16xf32>,
        tpu.vector_store %arg6[%swap3A_454, %swap3A_455], %mul3A_453 {strides = array<i32>} : memref<400x128xf32, #tpu.memory_space<vmem>>, vector<16xf32>,
        %get3A_457 = arith.index_cast %add3A_409 : i32 to index
        %get3A_458 = arith.constant 96 : index
        %get3A_459 = tpu.vector_load %arg6[%get3A_457, %get3A_458] {strides = array<i32>} : memref<400x128xf32, #tpu.memory_space<vmem>>, vector<16xf32>,
        %mul3A_460 = arith.mulf %get3A_459, %bitcast3A_414 : vector<16xf32>
        %swap3A_461 = arith.index_cast %add3A_409 : i32 to index
        %swap3A_462 = arith.constant 96 : index
        %swap3A_463 = tpu.vector_load %arg6[%swap3A_461, %swap3A_462] {strides = array<i32>} : memref<400x128xf32, #tpu.memory_space<vmem>>, vector<16xf32>,
        tpu.vector_store %arg6[%swap3A_461, %swap3A_462], %mul3A_460 {strides = array<i32>} : memref<400x128xf32, #tpu.memory_space<vmem>>, vector<16xf32>,
        %get3A_464 = arith.index_cast %add3A_409 : i32 to index
        %get3A_465 = arith.constant 112 : index
        %get3A_466 = tpu.vector_load %arg6[%get3A_464, %get3A_465] {strides = array<i32>} : memref<400x128xf32, #tpu.memory_space<vmem>>, vector<16xf32>,
        %mul3A_467 = arith.mulf %get3A_466, %bitcast3A_414 : vector<16xf32>
        %swap3A_468 = arith.index_cast %add3A_409 : i32 to index
        %swap3A_469 = arith.constant 112 : index
        %swap3A_470 = tpu.vector_load %arg6[%swap3A_468, %swap3A_469] {strides = array<i32>} : memref<400x128xf32, #tpu.memory_space<vmem>>, vector<16xf32>,
        tpu.vector_store %arg6[%swap3A_468, %swap3A_469], %mul3A_467 {strides = array<i32>} : memref<400x128xf32, #tpu.memory_space<vmem>>, vector<16xf32>,
        %mul3A_471 = arith.constant 8 : i32
        %mul3A_472 = arith.muli %scan3A_84, %mul3A_471 : i32
        %add3A_473 = arith.constant 6 : i32
        %add3A_474 = arith.addi %mul3A_472, %add3A_473 : i32
        %add3A_475 = arith.constant 800 : i32
        %add3A_476 = arith.addi %add3A_475, %add3A_474 : i32
        %broadcast_in_dim3A_477 = vector.broadcast %add3A_476 : i32 to vector<16xi32>
        %gather3A_478 = tpu.vector_load_idx %arg7[%broadcast_in_dim3A_477] : memref<1200xi32, #tpu.memory_space<vmem>>[vector<16xi32>], vector<16xi32>,
        %bitcast3A_479 = vector.bitcast %gather3A_478 : vector<16xi32> to vector<16xf32>
        %get3A_480 = arith.index_cast %add3A_474 : i32 to index
        %get3A_481 = arith.constant 0 : index
        %get3A_482 = tpu.vector_load %arg6[%get3A_480, %get3A_481] {strides = array<i32>} : memref<400x128xf32, #tpu.memory_space<vmem>>, vector<16xf32>,
        %mul3A_483 = arith.mulf %get3A_482, %bitcast3A_479 : vector<16xf32>
        %swap3A_484 = arith.index_cast %add3A_474 : i32 to index
        %swap3A_485 = arith.constant 0 : index
        %swap3A_486 = tpu.vector_load %arg6[%swap3A_484, %swap3A_485] {strides = array<i32>} : memref<400x128xf32, #tpu.memory_space<vmem>>, vector<16xf32>,
        tpu.vector_store %arg6[%swap3A_484, %swap3A_485], %mul3A_483 {strides = array<i32>} : memref<400x128xf32, #tpu.memory_space<vmem>>, vector<16xf32>,
        %get3A_487 = arith.index_cast %add3A_474 : i32 to index
        %get3A_488 = arith.constant 16 : index
        %get3A_489 = tpu.vector_load %arg6[%get3A_487, %get3A_488] {strides = array<i32>} : memref<400x128xf32, #tpu.memory_space<vmem>>, vector<16xf32>,
        %mul3A_490 = arith.mulf %get3A_489, %bitcast3A_479 : vector<16xf32>
        %swap3A_491 = arith.index_cast %add3A_474 : i32 to index
        %swap3A_492 = arith.constant 16 : index
        %swap3A_493 = tpu.vector_load %arg6[%swap3A_491, %swap3A_492] {strides = array<i32>} : memref<400x128xf32, #tpu.memory_space<vmem>>, vector<16xf32>,
        tpu.vector_store %arg6[%swap3A_491, %swap3A_492], %mul3A_490 {strides = array<i32>} : memref<400x128xf32, #tpu.memory_space<vmem>>, vector<16xf32>,
        %get3A_494 = arith.index_cast %add3A_474 : i32 to index
        %get3A_495 = arith.constant 32 : index
        %get3A_496 = tpu.vector_load %arg6[%get3A_494, %get3A_495] {strides = array<i32>} : memref<400x128xf32, #tpu.memory_space<vmem>>, vector<16xf32>,
        %mul3A_497 = arith.mulf %get3A_496, %bitcast3A_479 : vector<16xf32>
        %swap3A_498 = arith.index_cast %add3A_474 : i32 to index
        %swap3A_499 = arith.constant 32 : index
        %swap3A_500 = tpu.vector_load %arg6[%swap3A_498, %swap3A_499] {strides = array<i32>} : memref<400x128xf32, #tpu.memory_space<vmem>>, vector<16xf32>,
        tpu.vector_store %arg6[%swap3A_498, %swap3A_499], %mul3A_497 {strides = array<i32>} : memref<400x128xf32, #tpu.memory_space<vmem>>, vector<16xf32>,
        %get3A_501 = arith.index_cast %add3A_474 : i32 to index
        %get3A_502 = arith.constant 48 : index
        %get3A_503 = tpu.vector_load %arg6[%get3A_501, %get3A_502] {strides = array<i32>} : memref<400x128xf32, #tpu.memory_space<vmem>>, vector<16xf32>,
        %mul3A_504 = arith.mulf %get3A_503, %bitcast3A_479 : vector<16xf32>
        %swap3A_505 = arith.index_cast %add3A_474 : i32 to index
        %swap3A_506 = arith.constant 48 : index
        %swap3A_507 = tpu.vector_load %arg6[%swap3A_505, %swap3A_506] {strides = array<i32>} : memref<400x128xf32, #tpu.memory_space<vmem>>, vector<16xf32>,
        tpu.vector_store %arg6[%swap3A_505, %swap3A_506], %mul3A_504 {strides = array<i32>} : memref<400x128xf32, #tpu.memory_space<vmem>>, vector<16xf32>,
        %get3A_508 = arith.index_cast %add3A_474 : i32 to index
        %get3A_509 = arith.constant 64 : index
        %get3A_510 = tpu.vector_load %arg6[%get3A_508, %get3A_509] {strides = array<i32>} : memref<400x128xf32, #tpu.memory_space<vmem>>, vector<16xf32>,
        %mul3A_511 = arith.mulf %get3A_510, %bitcast3A_479 : vector<16xf32>
        %swap3A_512 = arith.index_cast %add3A_474 : i32 to index
        %swap3A_513 = arith.constant 64 : index
        %swap3A_514 = tpu.vector_load %arg6[%swap3A_512, %swap3A_513] {strides = array<i32>} : memref<400x128xf32, #tpu.memory_space<vmem>>, vector<16xf32>,
        tpu.vector_store %arg6[%swap3A_512, %swap3A_513], %mul3A_511 {strides = array<i32>} : memref<400x128xf32, #tpu.memory_space<vmem>>, vector<16xf32>,
        %get3A_515 = arith.index_cast %add3A_474 : i32 to index
        %get3A_516 = arith.constant 80 : index
        %get3A_517 = tpu.vector_load %arg6[%get3A_515, %get3A_516] {strides = array<i32>} : memref<400x128xf32, #tpu.memory_space<vmem>>, vector<16xf32>,
        %mul3A_518 = arith.mulf %get3A_517, %bitcast3A_479 : vector<16xf32>
        %swap3A_519 = arith.index_cast %add3A_474 : i32 to index
        %swap3A_520 = arith.constant 80 : index
        %swap3A_521 = tpu.vector_load %arg6[%swap3A_519, %swap3A_520] {strides = array<i32>} : memref<400x128xf32, #tpu.memory_space<vmem>>, vector<16xf32>,
        tpu.vector_store %arg6[%swap3A_519, %swap3A_520], %mul3A_518 {strides = array<i32>} : memref<400x128xf32, #tpu.memory_space<vmem>>, vector<16xf32>,
        %get3A_522 = arith.index_cast %add3A_474 : i32 to index
        %get3A_523 = arith.constant 96 : index
        %get3A_524 = tpu.vector_load %arg6[%get3A_522, %get3A_523] {strides = array<i32>} : memref<400x128xf32, #tpu.memory_space<vmem>>, vector<16xf32>,
        %mul3A_525 = arith.mulf %get3A_524, %bitcast3A_479 : vector<16xf32>
        %swap3A_526 = arith.index_cast %add3A_474 : i32 to index
        %swap3A_527 = arith.constant 96 : index
        %swap3A_528 = tpu.vector_load %arg6[%swap3A_526, %swap3A_527] {strides = array<i32>} : memref<400x128xf32, #tpu.memory_space<vmem>>, vector<16xf32>,
        tpu.vector_store %arg6[%swap3A_526, %swap3A_527], %mul3A_525 {strides = array<i32>} : memref<400x128xf32, #tpu.memory_space<vmem>>, vector<16xf32>,
        %get3A_529 = arith.index_cast %add3A_474 : i32 to index
        %get3A_530 = arith.constant 112 : index
        %get3A_531 = tpu.vector_load %arg6[%get3A_529, %get3A_530] {strides = array<i32>} : memref<400x128xf32, #tpu.memory_space<vmem>>, vector<16xf32>,
        %mul3A_532 = arith.mulf %get3A_531, %bitcast3A_479 : vector<16xf32>
        %swap3A_533 = arith.index_cast %add3A_474 : i32 to index
        %swap3A_534 = arith.constant 112 : index
        %swap3A_535 = tpu.vector_load %arg6[%swap3A_533, %swap3A_534] {strides = array<i32>} : memref<400x128xf32, #tpu.memory_space<vmem>>, vector<16xf32>,
        tpu.vector_store %arg6[%swap3A_533, %swap3A_534], %mul3A_532 {strides = array<i32>} : memref<400x128xf32, #tpu.memory_space<vmem>>, vector<16xf32>,
        %mul3A_536 = arith.constant 8 : i32
        %mul3A_537 = arith.muli %scan3A_84, %mul3A_536 : i32
        %add3A_538 = arith.constant 7 : i32
        %add3A_539 = arith.addi %mul3A_537, %add3A_538 : i32
        %add3A_540 = arith.constant 800 : i32
        %add3A_541 = arith.addi %add3A_540, %add3A_539 : i32
        %broadcast_in_dim3A_542 = vector.broadcast %add3A_541 : i32 to vector<16xi32>
        %gather3A_543 = tpu.vector_load_idx %arg7[%broadcast_in_dim3A_542] : memref<1200xi32, #tpu.memory_space<vmem>>[vector<16xi32>], vector<16xi32>,
        %bitcast3A_544 = vector.bitcast %gather3A_543 : vector<16xi32> to vector<16xf32>
        %get3A_545 = arith.index_cast %add3A_539 : i32 to index
        %get3A_546 = arith.constant 0 : index
        %get3A_547 = tpu.vector_load %arg6[%get3A_545, %get3A_546] {strides = array<i32>} : memref<400x128xf32, #tpu.memory_space<vmem>>, vector<16xf32>,
        %mul3A_548 = arith.mulf %get3A_547, %bitcast3A_544 : vector<16xf32>
        %swap3A_549 = arith.index_cast %add3A_539 : i32 to index
        %swap3A_550 = arith.constant 0 : index
        %swap3A_551 = tpu.vector_load %arg6[%swap3A_549, %swap3A_550] {strides = array<i32>} : memref<400x128xf32, #tpu.memory_space<vmem>>, vector<16xf32>,
        tpu.vector_store %arg6[%swap3A_549, %swap3A_550], %mul3A_548 {strides = array<i32>} : memref<400x128xf32, #tpu.memory_space<vmem>>, vector<16xf32>,
        %get3A_552 = arith.index_cast %add3A_539 : i32 to index
        %get3A_553 = arith.constant 16 : index
        %get3A_554 = tpu.vector_load %arg6[%get3A_552, %get3A_553] {strides = array<i32>} : memref<400x128xf32, #tpu.memory_space<vmem>>, vector<16xf32>,
        %mul3A_555 = arith.mulf %get3A_554, %bitcast3A_544 : vector<16xf32>
        %swap3A_556 = arith.index_cast %add3A_539 : i32 to index
        %swap3A_557 = arith.constant 16 : index
        %swap3A_558 = tpu.vector_load %arg6[%swap3A_556, %swap3A_557] {strides = array<i32>} : memref<400x128xf32, #tpu.memory_space<vmem>>, vector<16xf32>,
        tpu.vector_store %arg6[%swap3A_556, %swap3A_557], %mul3A_555 {strides = array<i32>} : memref<400x128xf32, #tpu.memory_space<vmem>>, vector<16xf32>,
        %get3A_559 = arith.index_cast %add3A_539 : i32 to index
        %get3A_560 = arith.constant 32 : index
        %get3A_561 = tpu.vector_load %arg6[%get3A_559, %get3A_560] {strides = array<i32>} : memref<400x128xf32, #tpu.memory_space<vmem>>, vector<16xf32>,
        %mul3A_562 = arith.mulf %get3A_561, %bitcast3A_544 : vector<16xf32>
        %swap3A_563 = arith.index_cast %add3A_539 : i32 to index
        %swap3A_564 = arith.constant 32 : index
        %swap3A_565 = tpu.vector_load %arg6[%swap3A_563, %swap3A_564] {strides = array<i32>} : memref<400x128xf32, #tpu.memory_space<vmem>>, vector<16xf32>,
        tpu.vector_store %arg6[%swap3A_563, %swap3A_564], %mul3A_562 {strides = array<i32>} : memref<400x128xf32, #tpu.memory_space<vmem>>, vector<16xf32>,
        %get3A_566 = arith.index_cast %add3A_539 : i32 to index
        %get3A_567 = arith.constant 48 : index
        %get3A_568 = tpu.vector_load %arg6[%get3A_566, %get3A_567] {strides = array<i32>} : memref<400x128xf32, #tpu.memory_space<vmem>>, vector<16xf32>,
        %mul3A_569 = arith.mulf %get3A_568, %bitcast3A_544 : vector<16xf32>
        %swap3A_570 = arith.index_cast %add3A_539 : i32 to index
        %swap3A_571 = arith.constant 48 : index
        %swap3A_572 = tpu.vector_load %arg6[%swap3A_570, %swap3A_571] {strides = array<i32>} : memref<400x128xf32, #tpu.memory_space<vmem>>, vector<16xf32>,
        tpu.vector_store %arg6[%swap3A_570, %swap3A_571], %mul3A_569 {strides = array<i32>} : memref<400x128xf32, #tpu.memory_space<vmem>>, vector<16xf32>,
        %get3A_573 = arith.index_cast %add3A_539 : i32 to index
        %get3A_574 = arith.constant 64 : index
        %get3A_575 = tpu.vector_load %arg6[%get3A_573, %get3A_574] {strides = array<i32>} : memref<400x128xf32, #tpu.memory_space<vmem>>, vector<16xf32>,
        %mul3A_576 = arith.mulf %get3A_575, %bitcast3A_544 : vector<16xf32>
        %swap3A_577 = arith.index_cast %add3A_539 : i32 to index
        %swap3A_578 = arith.constant 64 : index
        %swap3A_579 = tpu.vector_load %arg6[%swap3A_577, %swap3A_578] {strides = array<i32>} : memref<400x128xf32, #tpu.memory_space<vmem>>, vector<16xf32>,
        tpu.vector_store %arg6[%swap3A_577, %swap3A_578], %mul3A_576 {strides = array<i32>} : memref<400x128xf32, #tpu.memory_space<vmem>>, vector<16xf32>,
        %get3A_580 = arith.index_cast %add3A_539 : i32 to index
        %get3A_581 = arith.constant 80 : index
        %get3A_582 = tpu.vector_load %arg6[%get3A_580, %get3A_581] {strides = array<i32>} : memref<400x128xf32, #tpu.memory_space<vmem>>, vector<16xf32>,
        %mul3A_583 = arith.mulf %get3A_582, %bitcast3A_544 : vector<16xf32>
        %swap3A_584 = arith.index_cast %add3A_539 : i32 to index
        %swap3A_585 = arith.constant 80 : index
        %swap3A_586 = tpu.vector_load %arg6[%swap3A_584, %swap3A_585] {strides = array<i32>} : memref<400x128xf32, #tpu.memory_space<vmem>>, vector<16xf32>,
        tpu.vector_store %arg6[%swap3A_584, %swap3A_585], %mul3A_583 {strides = array<i32>} : memref<400x128xf32, #tpu.memory_space<vmem>>, vector<16xf32>,
        %get3A_587 = arith.index_cast %add3A_539 : i32 to index
        %get3A_588 = arith.constant 96 : index
        %get3A_589 = tpu.vector_load %arg6[%get3A_587, %get3A_588] {strides = array<i32>} : memref<400x128xf32, #tpu.memory_space<vmem>>, vector<16xf32>,
        %mul3A_590 = arith.mulf %get3A_589, %bitcast3A_544 : vector<16xf32>
        %swap3A_591 = arith.index_cast %add3A_539 : i32 to index
        %swap3A_592 = arith.constant 96 : index
        %swap3A_593 = tpu.vector_load %arg6[%swap3A_591, %swap3A_592] {strides = array<i32>} : memref<400x128xf32, #tpu.memory_space<vmem>>, vector<16xf32>,
        tpu.vector_store %arg6[%swap3A_591, %swap3A_592], %mul3A_590 {strides = array<i32>} : memref<400x128xf32, #tpu.memory_space<vmem>>, vector<16xf32>,
        %get3A_594 = arith.index_cast %add3A_539 : i32 to index
        %get3A_595 = arith.constant 112 : index
        %get3A_596 = tpu.vector_load %arg6[%get3A_594, %get3A_595] {strides = array<i32>} : memref<400x128xf32, #tpu.memory_space<vmem>>, vector<16xf32>,
        %mul3A_597 = arith.mulf %get3A_596, %bitcast3A_544 : vector<16xf32>
        %swap3A_598 = arith.index_cast %add3A_539 : i32 to index
        %swap3A_599 = arith.constant 112 : index
        %swap3A_600 = tpu.vector_load %arg6[%swap3A_598, %swap3A_599] {strides = array<i32>} : memref<400x128xf32, #tpu.memory_space<vmem>>, vector<16xf32>,
        tpu.vector_store %arg6[%swap3A_598, %swap3A_599], %mul3A_597 {strides = array<i32>} : memref<400x128xf32, #tpu.memory_space<vmem>>, vector<16xf32>,
      }
      %scan3A_83 = arith.constant 50 : i32
      "tpu.region"() ({
        %run_scoped3A = tpu.sem_alloc : memref<!tpu.dma_semaphore, #tpu.memory_space<semaphore_mem>>
        %dma_start3A_84 = arith.constant 0 : i32
        %dma_start3A_85 = arith.constant 0 : i32
        %dma_start3A_86 = tpu.memref_slice %arg9[%dma_start3A_84, %dma_start3A_85] : memref<5128x128xf32, #tpu.memory_space<vmem_shared>> -> memref<5128x128xf32, #tpu.memory_space<vmem_shared>>
        tpu.enqueue_indirect_dma source(%arg6 : memref<400x128xf32, #tpu.memory_space<vmem>>) target(%dma_start3A_86 : memref<5128x128xf32, #tpu.memory_space<vmem_shared>>) offsets(%arg8 : memref<400xi32, #tpu.memory_space<vmem>>) semaphore(%run_scoped3A : memref<!tpu.dma_semaphore, #tpu.memory_space<semaphore_mem>>) {add = true}
        %dma_wait3A_87 = arith.constant 0 : i32
        %dma_wait3A_88 = arith.constant 0 : i32
        %dma_wait3A_89 = tpu.memref_slice %arg9[%dma_wait3A_87, %dma_wait3A_88] : memref<5128x128xf32, #tpu.memory_space<vmem_shared>> -> memref<5128x128xf32, #tpu.memory_space<vmem_shared>>
        tpu.wait_indirect_dma semaphore(%run_scoped3A : memref<!tpu.dma_semaphore, #tpu.memory_space<semaphore_mem>>) src(%arg6 : memref<400x128xf32, #tpu.memory_space<vmem>>) dst(%dma_wait3A_89 : memref<5128x128xf32, #tpu.memory_space<vmem_shared>>)
        tpu.yield
      }) : () -> ()
    }
    %scan3A_51 = arith.constant 50 : i32
    %barrier3A_52 = arith.constant 0 : index
    tpu.barrier barrier_id(%barrier3A_52)
    %mul3A_53 = arith.constant 320 : i32
    %mul3A_54 = arith.muli %arg1, %mul3A_53 : i32
    %mul3A_55 = arith.constant 5120 : i32
    %mul3A_56 = arith.muli %arg0, %mul3A_55 : i32
    %mul3A_57 = arith.constant 320 : i32
    %mul3A_58 = arith.muli %arg1, %mul3A_57 : i32
    %add3A_59 = arith.addi %mul3A_56, %mul3A_58 : i32
    "tpu.region"() ({
      %run_scoped3A = tpu.sem_alloc : memref<!tpu.dma_semaphore, #tpu.memory_space<semaphore_mem>>
      %dma_start3A = arith.constant 0 : i32
      %dma_start3A_60 = tpu.memref_slice %arg4[%add3A_59, %dma_start3A] : memref<10240x128xf32, #tpu.memory_space<hbm>> -> memref<320x128xf32, #tpu.memory_space<hbm>>
      %dma_start3A_61 = arith.constant 0 : i32
      %dma_start3A_62 = tpu.memref_slice %arg9[%mul3A_54, %dma_start3A_61] : memref<5128x128xf32, #tpu.memory_space<vmem_shared>> -> memref<320x128xf32, #tpu.memory_space<vmem_shared>>
      tpu.enqueue_dma source(%dma_start3A_62 : memref<320x128xf32, #tpu.memory_space<vmem_shared>>) target(%dma_start3A_60 : memref<320x128xf32, #tpu.memory_space<hbm>>) target_semaphore(%run_scoped3A : memref<!tpu.dma_semaphore, #tpu.memory_space<semaphore_mem>>)
      %dma_wait3A = arith.constant 0 : i32
      %dma_wait3A_63 = tpu.memref_slice %arg4[%add3A_59, %dma_wait3A] : memref<10240x128xf32, #tpu.memory_space<hbm>> -> memref<320x128xf32, #tpu.memory_space<hbm>>
      %dma_wait3A_64 = arith.constant 0 : i32
      %dma_wait3A_65 = tpu.memref_slice %arg9[%mul3A_54, %dma_wait3A_64] : memref<5128x128xf32, #tpu.memory_space<vmem_shared>> -> memref<320x128xf32, #tpu.memory_space<vmem_shared>>
      tpu.wait_dma2 semaphore(%run_scoped3A : memref<!tpu.dma_semaphore, #tpu.memory_space<semaphore_mem>>) src(%dma_wait3A_65 : memref<320x128xf32, #tpu.memory_space<vmem_shared>>) dst(%dma_wait3A_63 : memref<320x128xf32, #tpu.memory_space<hbm>>)
      tpu.yield
    }) : () -> ()
    return
  }
}

#map = affine_map<(d0, d1) -> (0)>
module attributes {stable_mosaic.version = 14 : i64} {
  func.func @_sc_weights(%arg0: i32, %arg1: i32, %arg2: memref<81920xf32, #tpu.memory_space<hbm>>, %arg3: memref<1024xf32, #tpu.memory_space<hbm>>, %arg4: memref<1920000xi32, #tpu.memory_space<hbm>>, %arg5: memref<320000xf32, #tpu.memory_space<hbm>>, %arg6: memref<320000xf32, #tpu.memory_space<hbm>>, %arg7: memref<81920xf32, #tpu.memory_space<vmem>>, %arg8: memref<1024xf32, #tpu.memory_space<vmem>>, %arg9: memref<12000xi32, #tpu.memory_space<vmem>>, %arg10: memref<2000xf32, #tpu.memory_space<vmem>>, %arg11: memref<2000xf32, #tpu.memory_space<vmem>>) attributes {dimension_semantics = [#tpu.dimension_semantics<core_parallel>, #tpu.dimension_semantics<subcore_parallel>], iteration_bounds = array<i64: 2, 16>, scalar_prefetch = 0 : i64, scratch_operands = 5 : i64, tpu.core_type = #tpu.core_type<sc_vector_subcore>, window_params = [{transform_indices = #map}, {transform_indices = #map}, {transform_indices = #map}, {transform_indices = #map}, {transform_indices = #map}]} {
    %mul3A = arith.constant 2 : i32
    %mul3A_0 = arith.muli %arg1, %mul3A : i32
    %add3A = arith.addi %mul3A_0, %arg0 : i32
    "tpu.region"() ({
      %run_scoped3A = tpu.sem_alloc : memref<!tpu.dma_semaphore, #tpu.memory_space<semaphore_mem>>
      tpu.enqueue_dma source(%arg2 : memref<81920xf32, #tpu.memory_space<hbm>>) target(%arg7 : memref<81920xf32, #tpu.memory_space<vmem>>) target_semaphore(%run_scoped3A : memref<!tpu.dma_semaphore, #tpu.memory_space<semaphore_mem>>)
      tpu.wait_dma2 semaphore(%run_scoped3A : memref<!tpu.dma_semaphore, #tpu.memory_space<semaphore_mem>>) src(%arg2 : memref<81920xf32, #tpu.memory_space<hbm>>) dst(%arg7 : memref<81920xf32, #tpu.memory_space<vmem>>)
      tpu.yield
    }) : () -> ()
    "tpu.region"() ({
      %run_scoped3A = tpu.sem_alloc : memref<!tpu.dma_semaphore, #tpu.memory_space<semaphore_mem>>
      tpu.enqueue_dma source(%arg3 : memref<1024xf32, #tpu.memory_space<hbm>>) target(%arg8 : memref<1024xf32, #tpu.memory_space<vmem>>) target_semaphore(%run_scoped3A : memref<!tpu.dma_semaphore, #tpu.memory_space<semaphore_mem>>)
      tpu.wait_dma2 semaphore(%run_scoped3A : memref<!tpu.dma_semaphore, #tpu.memory_space<semaphore_mem>>) src(%arg3 : memref<1024xf32, #tpu.memory_space<hbm>>) dst(%arg8 : memref<1024xf32, #tpu.memory_space<vmem>>)
      tpu.yield
    }) : () -> ()
    %scan3A = arith.constant 0 : i32
    %scan3A_1 = arith.constant 5 : i32
    %scan3A_2 = arith.addi %scan3A, %scan3A_1 : i32
    %scan3A_3 = arith.constant 1 : i32
    scf.for %scan3A_5 = %scan3A to %scan3A_2 step %scan3A_3  : i32 {
      %mul3A_6 = arith.constant 10000 : i32
      %mul3A_7 = arith.muli %add3A, %mul3A_6 : i32
      %mul3A_8 = arith.constant 2000 : i32
      %mul3A_9 = arith.muli %scan3A_5, %mul3A_8 : i32
      %add3A_10 = arith.addi %mul3A_7, %mul3A_9 : i32
      %mul3A_11 = arith.constant 5 : i32
      %mul3A_12 = arith.muli %add3A, %mul3A_11 : i32
      %add3A_13 = arith.addi %mul3A_12, %scan3A_5 : i32
      %mul3A_14 = arith.constant 12000 : i32
      %mul3A_15 = arith.muli %add3A_13, %mul3A_14 : i32
      "tpu.region"() ({
        %run_scoped3A = tpu.sem_alloc : memref<!tpu.dma_semaphore, #tpu.memory_space<semaphore_mem>>
        %dma_start3A = tpu.memref_slice %arg4[%mul3A_15] : memref<1920000xi32, #tpu.memory_space<hbm>> -> memref<12000xi32, #tpu.memory_space<hbm>>
        %dma_start3A_21 = tpu.memref_slice %arg4[%mul3A_15] : memref<1920000xi32, #tpu.memory_space<hbm>> -> memref<12000xi32, #tpu.memory_space<hbm>>
        tpu.enqueue_dma source(%dma_start3A_21 : memref<12000xi32, #tpu.memory_space<hbm>>) target(%arg9 : memref<12000xi32, #tpu.memory_space<vmem>>) target_semaphore(%run_scoped3A : memref<!tpu.dma_semaphore, #tpu.memory_space<semaphore_mem>>)
        %dma_wait3A = tpu.memref_slice %arg4[%mul3A_15] : memref<1920000xi32, #tpu.memory_space<hbm>> -> memref<12000xi32, #tpu.memory_space<hbm>>
        %dma_wait3A_22 = tpu.memref_slice %arg4[%mul3A_15] : memref<1920000xi32, #tpu.memory_space<hbm>> -> memref<12000xi32, #tpu.memory_space<hbm>>
        tpu.wait_dma2 semaphore(%run_scoped3A : memref<!tpu.dma_semaphore, #tpu.memory_space<semaphore_mem>>) src(%dma_wait3A_22 : memref<12000xi32, #tpu.memory_space<hbm>>) dst(%arg9 : memref<12000xi32, #tpu.memory_space<vmem>>)
        tpu.yield
      }) : () -> ()
      %scan3A_16 = arith.constant 0 : i32
      %scan3A_17 = arith.constant 125 : i32
      %scan3A_18 = arith.addi %scan3A_16, %scan3A_17 : i32
      %scan3A_19 = arith.constant 1 : i32
      scf.for %scan3A_21 = %scan3A_16 to %scan3A_18 step %scan3A_19  : i32 {
        %mul3A_22 = arith.constant 16 : i32
        %mul3A_23 = arith.muli %scan3A_21, %mul3A_22 : i32
        %get3A = arith.index_cast %mul3A_23 : i32 to index
        %get3A_24 = tpu.vector_load %arg9[%get3A] {strides = array<i32>} : memref<12000xi32, #tpu.memory_space<vmem>>, vector<16xi32>,
        %mul3A_25 = arith.constant 16 : i32
        %mul3A_26 = arith.muli %scan3A_21, %mul3A_25 : i32
        %add3A_27 = arith.constant 2000 : i32
        %add3A_28 = arith.addi %add3A_27, %mul3A_26 : i32
        %get3A_29 = arith.index_cast %add3A_28 : i32 to index
        %get3A_30 = tpu.vector_load %arg9[%get3A_29] {strides = array<i32>} : memref<12000xi32, #tpu.memory_space<vmem>>, vector<16xi32>,
        %broadcast_in_dim3A = arith.constant 0.000000e+00 : f32
        %broadcast_in_dim3A_31 = vector.broadcast %broadcast_in_dim3A : f32 to vector<16xf32>
        %broadcast_in_dim3A_32 = arith.constant 0.000000e+00 : f32
        %broadcast_in_dim3A_33 = vector.broadcast %broadcast_in_dim3A_32 : f32 to vector<16xf32>
        %mul3A_34 = arith.constant 16 : i32
        %mul3A_35 = arith.muli %scan3A_21, %mul3A_34 : i32
        %add3A_36 = arith.constant 4000 : i32
        %add3A_37 = arith.addi %add3A_36, %mul3A_35 : i32
        %get3A_38 = arith.index_cast %add3A_37 : i32 to index
        %get3A_39 = tpu.vector_load %arg9[%get3A_38] {strides = array<i32>} : memref<12000xi32, #tpu.memory_space<vmem>>, vector<16xi32>,
        %bitcast3A = vector.bitcast %get3A_39 : vector<16xi32> to vector<16xf32>
        %eq3A = arith.constant 0.000000e+00 : f32
        %eq3A_40 = vector.broadcast %eq3A : f32 to vector<16xf32>
        %eq3A_41 = arith.cmpf oeq, %bitcast3A, %eq3A_40 : vector<16xf32>
        %jit3A = arith.constant 1.000000e-01 : f32
        %broadcast_in_dim3A_42 = vector.broadcast %jit3A : f32 to vector<16xf32>
        %select_n3A = arith.select %eq3A_41, %broadcast_in_dim3A_42, %bitcast3A : vector<16xi1>, vector<16xf32>
        %add3A_43 = arith.constant 0 : i32
        %add3A_44 = vector.broadcast %add3A_43 : i32 to vector<16xi32>
        %add3A_45 = arith.addi %get3A_24, %add3A_44 : vector<16xi32>
        %gather3A = tpu.vector_load_idx %arg7[%add3A_45] : memref<81920xf32, #tpu.memory_space<vmem>>[vector<16xi32>], vector<16xf32>,
        %add3A_46 = arith.constant 40960 : i32
        %add3A_47 = vector.broadcast %add3A_46 : i32 to vector<16xi32>
        %add3A_48 = arith.addi %get3A_30, %add3A_47 : vector<16xi32>
        %gather3A_49 = tpu.vector_load_idx %arg7[%add3A_48] : memref<81920xf32, #tpu.memory_space<vmem>>[vector<16xi32>], vector<16xf32>,
        %mul3A_50 = arith.mulf %select_n3A, %gather3A : vector<16xf32>
        %get3A_51 = arith.constant 0 : index
        %get3A_52 = tpu.vector_load %arg8[%get3A_51] {strides = array<i32>} : memref<1024xf32, #tpu.memory_space<vmem>>, vector<16xf32>,
        %mul3A_53 = arith.mulf %mul3A_50, %get3A_52 : vector<16xf32>
        %add3A_54 = arith.addf %broadcast_in_dim3A_31, %mul3A_53 : vector<16xf32>
        %mul3A_55 = arith.mulf %select_n3A, %gather3A_49 : vector<16xf32>
        %get3A_56 = arith.constant 512 : index
        %get3A_57 = tpu.vector_load %arg8[%get3A_56] {strides = array<i32>} : memref<1024xf32, #tpu.memory_space<vmem>>, vector<16xf32>,
        %mul3A_58 = arith.mulf %mul3A_55, %get3A_57 : vector<16xf32>
        %add3A_59 = arith.addf %broadcast_in_dim3A_33, %mul3A_58 : vector<16xf32>
        %mul3A_60 = arith.constant 16 : i32
        %mul3A_61 = arith.muli %scan3A_21, %mul3A_60 : i32
        %add3A_62 = arith.constant 6000 : i32
        %add3A_63 = arith.addi %add3A_62, %mul3A_61 : i32
        %get3A_64 = arith.index_cast %add3A_63 : i32 to index
        %get3A_65 = tpu.vector_load %arg9[%get3A_64] {strides = array<i32>} : memref<12000xi32, #tpu.memory_space<vmem>>, vector<16xi32>,
        %bitcast3A_66 = vector.bitcast %get3A_65 : vector<16xi32> to vector<16xf32>
        %add3A_67 = arith.constant 10240 : i32
        %add3A_68 = vector.broadcast %add3A_67 : i32 to vector<16xi32>
        %add3A_69 = arith.addi %get3A_24, %add3A_68 : vector<16xi32>
        %gather3A_70 = tpu.vector_load_idx %arg7[%add3A_69] : memref<81920xf32, #tpu.memory_space<vmem>>[vector<16xi32>], vector<16xf32>,
        %add3A_71 = arith.constant 51200 : i32
        %add3A_72 = vector.broadcast %add3A_71 : i32 to vector<16xi32>
        %add3A_73 = arith.addi %get3A_30, %add3A_72 : vector<16xi32>
        %gather3A_74 = tpu.vector_load_idx %arg7[%add3A_73] : memref<81920xf32, #tpu.memory_space<vmem>>[vector<16xi32>], vector<16xf32>,
        %mul3A_75 = arith.mulf %bitcast3A_66, %gather3A_70 : vector<16xf32>
        %get3A_76 = arith.constant 128 : index
        %get3A_77 = tpu.vector_load %arg8[%get3A_76] {strides = array<i32>} : memref<1024xf32, #tpu.memory_space<vmem>>, vector<16xf32>,
        %mul3A_78 = arith.mulf %mul3A_75, %get3A_77 : vector<16xf32>
        %add3A_79 = arith.addf %add3A_54, %mul3A_78 : vector<16xf32>
        %mul3A_80 = arith.mulf %bitcast3A_66, %gather3A_74 : vector<16xf32>
        %get3A_81 = arith.constant 640 : index
        %get3A_82 = tpu.vector_load %arg8[%get3A_81] {strides = array<i32>} : memref<1024xf32, #tpu.memory_space<vmem>>, vector<16xf32>,
        %mul3A_83 = arith.mulf %mul3A_80, %get3A_82 : vector<16xf32>
        %add3A_84 = arith.addf %add3A_59, %mul3A_83 : vector<16xf32>
        %mul3A_85 = arith.constant 16 : i32
        %mul3A_86 = arith.muli %scan3A_21, %mul3A_85 : i32
        %add3A_87 = arith.constant 8000 : i32
        %add3A_88 = arith.addi %add3A_87, %mul3A_86 : i32
        %get3A_89 = arith.index_cast %add3A_88 : i32 to index
        %get3A_90 = tpu.vector_load %arg9[%get3A_89] {strides = array<i32>} : memref<12000xi32, #tpu.memory_space<vmem>>, vector<16xi32>,
        %bitcast3A_91 = vector.bitcast %get3A_90 : vector<16xi32> to vector<16xf32>
        %add3A_92 = arith.constant 20480 : i32
        %add3A_93 = vector.broadcast %add3A_92 : i32 to vector<16xi32>
        %add3A_94 = arith.addi %get3A_24, %add3A_93 : vector<16xi32>
        %gather3A_95 = tpu.vector_load_idx %arg7[%add3A_94] : memref<81920xf32, #tpu.memory_space<vmem>>[vector<16xi32>], vector<16xf32>,
        %add3A_96 = arith.constant 61440 : i32
        %add3A_97 = vector.broadcast %add3A_96 : i32 to vector<16xi32>
        %add3A_98 = arith.addi %get3A_30, %add3A_97 : vector<16xi32>
        %gather3A_99 = tpu.vector_load_idx %arg7[%add3A_98] : memref<81920xf32, #tpu.memory_space<vmem>>[vector<16xi32>], vector<16xf32>,
        %mul3A_100 = arith.mulf %bitcast3A_91, %gather3A_95 : vector<16xf32>
        %get3A_101 = arith.constant 256 : index
        %get3A_102 = tpu.vector_load %arg8[%get3A_101] {strides = array<i32>} : memref<1024xf32, #tpu.memory_space<vmem>>, vector<16xf32>,
        %mul3A_103 = arith.mulf %mul3A_100, %get3A_102 : vector<16xf32>
        %add3A_104 = arith.addf %add3A_79, %mul3A_103 : vector<16xf32>
        %mul3A_105 = arith.mulf %bitcast3A_91, %gather3A_99 : vector<16xf32>
        %get3A_106 = arith.constant 768 : index
        %get3A_107 = tpu.vector_load %arg8[%get3A_106] {strides = array<i32>} : memref<1024xf32, #tpu.memory_space<vmem>>, vector<16xf32>,
        %mul3A_108 = arith.mulf %mul3A_105, %get3A_107 : vector<16xf32>
        %add3A_109 = arith.addf %add3A_84, %mul3A_108 : vector<16xf32>
        %mul3A_110 = arith.constant 16 : i32
        %mul3A_111 = arith.muli %scan3A_21, %mul3A_110 : i32
        %add3A_112 = arith.constant 10000 : i32
        %add3A_113 = arith.addi %add3A_112, %mul3A_111 : i32
        %get3A_114 = arith.index_cast %add3A_113 : i32 to index
        %get3A_115 = tpu.vector_load %arg9[%get3A_114] {strides = array<i32>} : memref<12000xi32, #tpu.memory_space<vmem>>, vector<16xi32>,
        %bitcast3A_116 = vector.bitcast %get3A_115 : vector<16xi32> to vector<16xf32>
        %add3A_117 = arith.constant 30720 : i32
        %add3A_118 = vector.broadcast %add3A_117 : i32 to vector<16xi32>
        %add3A_119 = arith.addi %get3A_24, %add3A_118 : vector<16xi32>
        %gather3A_120 = tpu.vector_load_idx %arg7[%add3A_119] : memref<81920xf32, #tpu.memory_space<vmem>>[vector<16xi32>], vector<16xf32>,
        %add3A_121 = arith.constant 71680 : i32
        %add3A_122 = vector.broadcast %add3A_121 : i32 to vector<16xi32>
        %add3A_123 = arith.addi %get3A_30, %add3A_122 : vector<16xi32>
        %gather3A_124 = tpu.vector_load_idx %arg7[%add3A_123] : memref<81920xf32, #tpu.memory_space<vmem>>[vector<16xi32>], vector<16xf32>,
        %mul3A_125 = arith.mulf %bitcast3A_116, %gather3A_120 : vector<16xf32>
        %get3A_126 = arith.constant 384 : index
        %get3A_127 = tpu.vector_load %arg8[%get3A_126] {strides = array<i32>} : memref<1024xf32, #tpu.memory_space<vmem>>, vector<16xf32>,
        %mul3A_128 = arith.mulf %mul3A_125, %get3A_127 : vector<16xf32>
        %add3A_129 = arith.addf %add3A_104, %mul3A_128 : vector<16xf32>
        %mul3A_130 = arith.mulf %bitcast3A_116, %gather3A_124 : vector<16xf32>
        %get3A_131 = arith.constant 896 : index
        %get3A_132 = tpu.vector_load %arg8[%get3A_131] {strides = array<i32>} : memref<1024xf32, #tpu.memory_space<vmem>>, vector<16xf32>,
        %mul3A_133 = arith.mulf %mul3A_130, %get3A_132 : vector<16xf32>
        %add3A_134 = arith.addf %add3A_109, %mul3A_133 : vector<16xf32>
        %mul3A_135 = arith.constant 16 : i32
        %mul3A_136 = arith.muli %scan3A_21, %mul3A_135 : i32
        %swap3A = arith.index_cast %mul3A_136 : i32 to index
        %swap3A_137 = tpu.vector_load %arg10[%swap3A] {strides = array<i32>} : memref<2000xf32, #tpu.memory_space<vmem>>, vector<16xf32>,
        tpu.vector_store %arg10[%swap3A], %add3A_129 {strides = array<i32>} : memref<2000xf32, #tpu.memory_space<vmem>>, vector<16xf32>,
        %mul3A_138 = arith.constant 16 : i32
        %mul3A_139 = arith.muli %scan3A_21, %mul3A_138 : i32
        %swap3A_140 = arith.index_cast %mul3A_139 : i32 to index
        %swap3A_141 = tpu.vector_load %arg11[%swap3A_140] {strides = array<i32>} : memref<2000xf32, #tpu.memory_space<vmem>>, vector<16xf32>,
        tpu.vector_store %arg11[%swap3A_140], %add3A_134 {strides = array<i32>} : memref<2000xf32, #tpu.memory_space<vmem>>, vector<16xf32>,
      }
      %scan3A_20 = arith.constant 125 : i32
      "tpu.region"() ({
        %run_scoped3A = tpu.sem_alloc : memref<!tpu.dma_semaphore, #tpu.memory_space<semaphore_mem>>
        %dma_start3A = tpu.memref_slice %arg5[%add3A_10] : memref<320000xf32, #tpu.memory_space<hbm>> -> memref<2000xf32, #tpu.memory_space<hbm>>
        %dma_start3A_21 = tpu.memref_slice %arg5[%add3A_10] : memref<320000xf32, #tpu.memory_space<hbm>> -> memref<2000xf32, #tpu.memory_space<hbm>>
        tpu.enqueue_dma source(%arg10 : memref<2000xf32, #tpu.memory_space<vmem>>) target(%dma_start3A_21 : memref<2000xf32, #tpu.memory_space<hbm>>) target_semaphore(%run_scoped3A : memref<!tpu.dma_semaphore, #tpu.memory_space<semaphore_mem>>)
        %dma_wait3A = tpu.memref_slice %arg5[%add3A_10] : memref<320000xf32, #tpu.memory_space<hbm>> -> memref<2000xf32, #tpu.memory_space<hbm>>
        %dma_wait3A_22 = tpu.memref_slice %arg5[%add3A_10] : memref<320000xf32, #tpu.memory_space<hbm>> -> memref<2000xf32, #tpu.memory_space<hbm>>
        tpu.wait_dma2 semaphore(%run_scoped3A : memref<!tpu.dma_semaphore, #tpu.memory_space<semaphore_mem>>) src(%arg10 : memref<2000xf32, #tpu.memory_space<vmem>>) dst(%dma_wait3A_22 : memref<2000xf32, #tpu.memory_space<hbm>>)
        tpu.yield
      }) : () -> ()
      "tpu.region"() ({
        %run_scoped3A = tpu.sem_alloc : memref<!tpu.dma_semaphore, #tpu.memory_space<semaphore_mem>>
        %dma_start3A = tpu.memref_slice %arg6[%add3A_10] : memref<320000xf32, #tpu.memory_space<hbm>> -> memref<2000xf32, #tpu.memory_space<hbm>>
        %dma_start3A_21 = tpu.memref_slice %arg6[%add3A_10] : memref<320000xf32, #tpu.memory_space<hbm>> -> memref<2000xf32, #tpu.memory_space<hbm>>
        tpu.enqueue_dma source(%arg11 : memref<2000xf32, #tpu.memory_space<vmem>>) target(%dma_start3A_21 : memref<2000xf32, #tpu.memory_space<hbm>>) target_semaphore(%run_scoped3A : memref<!tpu.dma_semaphore, #tpu.memory_space<semaphore_mem>>)
        %dma_wait3A = tpu.memref_slice %arg6[%add3A_10] : memref<320000xf32, #tpu.memory_space<hbm>> -> memref<2000xf32, #tpu.memory_space<hbm>>
        %dma_wait3A_22 = tpu.memref_slice %arg6[%add3A_10] : memref<320000xf32, #tpu.memory_space<hbm>> -> memref<2000xf32, #tpu.memory_space<hbm>>
        tpu.wait_dma2 semaphore(%run_scoped3A : memref<!tpu.dma_semaphore, #tpu.memory_space<semaphore_mem>>) src(%arg11 : memref<2000xf32, #tpu.memory_space<vmem>>) dst(%dma_wait3A_22 : memref<2000xf32, #tpu.memory_space<hbm>>)
        tpu.yield
      }) : () -> ()
    }
    %scan3A_4 = arith.constant 5 : i32
    return
  }
}

module attributes {stable_mosaic.version = 14 : i64} {
  func.func @body(%arg0: memref<32x81920xf32, #tpu.memory_space<vmem>>, %arg1: memref<8x128xf32, #tpu.memory_space<vmem>>, %arg2: memref<1x81920xf32, #tpu.memory_space<vmem>>, %arg3: memref<8x128xf32, #tpu.memory_space<vmem>>) attributes {dimension_semantics = [], scalar_prefetch = 0 : i64, scratch_operands = 0 : i64, tpu.core_type = #tpu.core_type<tc>} {
    %get3A = arith.constant 0 : index
    %get3A_0 = arith.constant 0 : index
    %get3A_1 = vector.load %arg0[%get3A, %get3A_0] : memref<32x81920xf32, #tpu.memory_space<vmem>>, vector<32x81920xf32>
    %reduce_sum3A = arith.constant dense<0.000000e+00> : vector<81920xf32>
    %reduce_sum3A_2 = vector.multi_reduction <add>, %get3A_1, %reduce_sum3A [0] : vector<32x81920xf32> to vector<81920xf32>
    %broadcast_in_dim3A = vector.shape_cast %reduce_sum3A_2 : vector<81920xf32> to vector<1x81920xf32>
    %div3A = arith.constant 1.000000e+00 : f32
    %div3A_3 = vector.broadcast %div3A : f32 to vector<1x81920xf32>
    %div3A_4 = arith.divf %div3A_3, %broadcast_in_dim3A : vector<1x81920xf32>
    %swap3A = arith.constant 0 : index
    %swap3A_5 = arith.constant 0 : index
    %swap3A_6 = vector.load %arg2[%swap3A, %swap3A_5] : memref<1x81920xf32, #tpu.memory_space<vmem>>, vector<1x81920xf32>
    tpu.vector_store %arg2[%swap3A, %swap3A_5], %div3A_4 {strides = array<i32>} : memref<1x81920xf32, #tpu.memory_space<vmem>>, vector<1x81920xf32>,
    %get3A_7 = arith.constant 0 : index
    %get3A_8 = arith.constant 0 : index
    %get3A_9 = vector.load %arg1[%get3A_7, %get3A_8] : memref<8x128xf32, #tpu.memory_space<vmem>>, vector<4x128xf32>
    %get3A_10 = arith.constant 4 : index
    %get3A_11 = arith.constant 0 : index
    %get3A_12 = vector.load %arg1[%get3A_10, %get3A_11] : memref<8x128xf32, #tpu.memory_space<vmem>>, vector<4x128xf32>
    %reduce_max3A = arith.constant dense<0xFF800000> : vector<128xf32>
    %reduce_max3A_13 = vector.multi_reduction <maximumf>, %get3A_9, %reduce_max3A [0] : vector<4x128xf32> to vector<128xf32>
    %broadcast_in_dim3A_14 = vector.shape_cast %reduce_max3A_13 : vector<128xf32> to vector<1x128xf32>
    %reduce_max3A_15 = arith.constant dense<0xFF800000> : vector<128xf32>
    %reduce_max3A_16 = vector.multi_reduction <maximumf>, %get3A_12, %reduce_max3A_15 [0] : vector<4x128xf32> to vector<128xf32>
    %broadcast_in_dim3A_17 = vector.shape_cast %reduce_max3A_16 : vector<128xf32> to vector<1x128xf32>
    %sub3A = vector.broadcast %broadcast_in_dim3A_14 : vector<1x128xf32> to vector<4x128xf32>
    %sub3A_18 = arith.subf %get3A_9, %sub3A : vector<4x128xf32>
    %exp3A = math.exp %sub3A_18 : vector<4x128xf32>
    %sub3A_19 = vector.broadcast %broadcast_in_dim3A_17 : vector<1x128xf32> to vector<4x128xf32>
    %sub3A_20 = arith.subf %get3A_12, %sub3A_19 : vector<4x128xf32>
    %exp3A_21 = math.exp %sub3A_20 : vector<4x128xf32>
    %reduce_sum3A_22 = arith.constant dense<0.000000e+00> : vector<128xf32>
    %reduce_sum3A_23 = vector.multi_reduction <add>, %exp3A, %reduce_sum3A_22 [0] : vector<4x128xf32> to vector<128xf32>
    %broadcast_in_dim3A_24 = vector.shape_cast %reduce_sum3A_23 : vector<128xf32> to vector<1x128xf32>
    %div3A_25 = vector.broadcast %broadcast_in_dim3A_24 : vector<1x128xf32> to vector<4x128xf32>
    %div3A_26 = arith.divf %exp3A, %div3A_25 : vector<4x128xf32>
    %reduce_sum3A_27 = arith.constant dense<0.000000e+00> : vector<128xf32>
    %reduce_sum3A_28 = vector.multi_reduction <add>, %exp3A_21, %reduce_sum3A_27 [0] : vector<4x128xf32> to vector<128xf32>
    %broadcast_in_dim3A_29 = vector.shape_cast %reduce_sum3A_28 : vector<128xf32> to vector<1x128xf32>
    %div3A_30 = vector.broadcast %broadcast_in_dim3A_29 : vector<1x128xf32> to vector<4x128xf32>
    %div3A_31 = arith.divf %exp3A_21, %div3A_30 : vector<4x128xf32>
    %concatenate3A = tpu.concatenate %div3A_26, %div3A_31 in 0 : vector<4x128xf32>, vector<4x128xf32> -> vector<8x128xf32>
    %swap3A_32 = arith.constant 0 : index
    %swap3A_33 = arith.constant 0 : index
    %swap3A_34 = vector.load %arg3[%swap3A_32, %swap3A_33] : memref<8x128xf32, #tpu.memory_space<vmem>>, vector<8x128xf32>
    tpu.vector_store %arg3[%swap3A_32, %swap3A_33], %concatenate3A {strides = array<i32>} : memref<8x128xf32, #tpu.memory_space<vmem>>, vector<8x128xf32>,
    return
  }
}

module attributes {stable_mosaic.version = 14 : i64} {
  func.func @body(%arg0: i32, %arg1: memref<2000x128xf32, #tpu.memory_space<vmem>>, %arg2: memref<128x128xf32, #tpu.memory_space<vmem>>, %arg3: memref<1x128xf32, #tpu.memory_space<vmem>>, %arg4: memref<2000x128xf32, #tpu.memory_space<vmem>>) attributes {dimension_semantics = [#tpu.dimension_semantics<arbitrary>], iteration_bounds = array<i64: 5>, scalar_prefetch = 0 : i64, scratch_operands = 0 : i64, tpu.core_type = #tpu.core_type<tc>, window_params = [{transform_indices = @transform_0, window_bounds = array<i64: 2000, 128>}, {pipeline_mode = #tpu.pipeline_mode<synchronous>, transform_indices = @transform_1, window_bounds = array<i64: 128, 128>}, {pipeline_mode = #tpu.pipeline_mode<synchronous>, transform_indices = @transform_2, window_bounds = array<i64: 1, 128>}, {transform_indices = @transform_3, window_bounds = array<i64: 2000, 128>}]} {
    %get3A = arith.constant 0 : index
    %get3A_0 = arith.constant 0 : index
    %get3A_1 = vector.load %arg1[%get3A, %get3A_0] : memref<2000x128xf32, #tpu.memory_space<vmem>>, vector<2000x128xf32>
    %get3A_2 = arith.constant 0 : index
    %get3A_3 = arith.constant 0 : index
    %get3A_4 = vector.load %arg2[%get3A_2, %get3A_3] : memref<128x128xf32, #tpu.memory_space<vmem>>, vector<128x128xf32>
    %dot_general3A = arith.constant dense<0.000000e+00> : vector<2000x128xf32>
    %dot_general3A_5 = tpu.matmul %get3A_1, %get3A_4, %dot_general3A {dimension_numbers = #tpu.dot_dimension_numbers<[1], [0], [0], [1], [0, 0, 1, 1], [], []>, transpose_lhs_hint = false} : vector<2000x128xf32>, vector<128x128xf32>, vector<2000x128xf32> -> vector<2000x128xf32>
    %get3A_6 = arith.constant 0 : index
    %get3A_7 = arith.constant 0 : index
    %get3A_8 = vector.load %arg3[%get3A_6, %get3A_7] : memref<1x128xf32, #tpu.memory_space<vmem>>, vector<1x128xf32>
    %add3A = vector.broadcast %get3A_8 : vector<1x128xf32> to vector<2000x128xf32>
    %add3A_9 = arith.addf %dot_general3A_5, %add3A : vector<2000x128xf32>
    %swap3A = arith.constant 0 : index
    %swap3A_10 = arith.constant 0 : index
    %swap3A_11 = vector.load %arg4[%swap3A, %swap3A_10] : memref<2000x128xf32, #tpu.memory_space<vmem>>, vector<2000x128xf32>
    tpu.vector_store %arg4[%swap3A, %swap3A_10], %add3A_9 {strides = array<i32>} : memref<2000x128xf32, #tpu.memory_space<vmem>>, vector<2000x128xf32>,
    return
  }
  func.func @transform_0(%arg0: i32) -> (i32, i32) {
    %c0_i32 = arith.constant 0 : i32
    %c0_i32_0 = arith.constant 0 : i32
    return %arg0, %c0_i32 : i32, i32
  }
  func.func @transform_1(%arg0: i32) -> (i32, i32) {
    %c0_i32 = arith.constant 0 : i32
    %c0_i32_0 = arith.constant 0 : i32
    %c0_i32_1 = arith.constant 0 : i32
    return %c0_i32, %c0_i32_0 : i32, i32
  }
  func.func @transform_2(%arg0: i32) -> (i32, i32) {
    %c0_i32 = arith.constant 0 : i32
    %c0_i32_0 = arith.constant 0 : i32
    %c0_i32_1 = arith.constant 0 : i32
    return %c0_i32, %c0_i32_0 : i32, i32
  }
  func.func @transform_3(%arg0: i32) -> (i32, i32) {
    %c0_i32 = arith.constant 0 : i32
    %c0_i32_0 = arith.constant 0 : i32
    return %arg0, %c0_i32 : i32, i32
  }
}

module attributes {stable_mosaic.version = 14 : i64} {
  func.func @body(%arg0: i32, %arg1: memref<2000x128xf32, #tpu.memory_space<vmem>>, %arg2: memref<128x128xf32, #tpu.memory_space<vmem>>, %arg3: memref<1x128xf32, #tpu.memory_space<vmem>>, %arg4: memref<2000x128xf32, #tpu.memory_space<vmem>>) attributes {dimension_semantics = [#tpu.dimension_semantics<arbitrary>], iteration_bounds = array<i64: 5>, scalar_prefetch = 0 : i64, scratch_operands = 0 : i64, tpu.core_type = #tpu.core_type<tc>, window_params = [{transform_indices = @transform_0, window_bounds = array<i64: 2000, 128>}, {pipeline_mode = #tpu.pipeline_mode<synchronous>, transform_indices = @transform_1, window_bounds = array<i64: 128, 128>}, {pipeline_mode = #tpu.pipeline_mode<synchronous>, transform_indices = @transform_2, window_bounds = array<i64: 1, 128>}, {transform_indices = @transform_3, window_bounds = array<i64: 2000, 128>}]} {
    %get3A = arith.constant 0 : index
    %get3A_0 = arith.constant 0 : index
    %get3A_1 = vector.load %arg1[%get3A, %get3A_0] : memref<2000x128xf32, #tpu.memory_space<vmem>>, vector<2000x128xf32>
    %gt3A = arith.constant 0.000000e+00 : f32
    %gt3A_2 = vector.broadcast %gt3A : f32 to vector<2000x128xf32>
    %gt3A_3 = arith.cmpf ogt, %get3A_1, %gt3A_2 : vector<2000x128xf32>
    %mul3A = arith.constant 2.000000e-01 : f32
    %mul3A_4 = vector.broadcast %mul3A : f32 to vector<2000x128xf32>
    %mul3A_5 = arith.mulf %mul3A_4, %get3A_1 : vector<2000x128xf32>
    %select_n3A = arith.select %gt3A_3, %get3A_1, %mul3A_5 : vector<2000x128xi1>, vector<2000x128xf32>
    %get3A_6 = arith.constant 0 : index
    %get3A_7 = arith.constant 0 : index
    %get3A_8 = vector.load %arg2[%get3A_6, %get3A_7] : memref<128x128xf32, #tpu.memory_space<vmem>>, vector<128x128xf32>
    %dot_general3A = arith.constant dense<0.000000e+00> : vector<2000x128xf32>
    %dot_general3A_9 = tpu.matmul %select_n3A, %get3A_8, %dot_general3A {dimension_numbers = #tpu.dot_dimension_numbers<[1], [0], [0], [1], [0, 0, 1, 1], [], []>, transpose_lhs_hint = false} : vector<2000x128xf32>, vector<128x128xf32>, vector<2000x128xf32> -> vector<2000x128xf32>
    %get3A_10 = arith.constant 0 : index
    %get3A_11 = arith.constant 0 : index
    %get3A_12 = vector.load %arg3[%get3A_10, %get3A_11] : memref<1x128xf32, #tpu.memory_space<vmem>>, vector<1x128xf32>
    %add3A = vector.broadcast %get3A_12 : vector<1x128xf32> to vector<2000x128xf32>
    %add3A_13 = arith.addf %dot_general3A_9, %add3A : vector<2000x128xf32>
    %swap3A = arith.constant 0 : index
    %swap3A_14 = arith.constant 0 : index
    %swap3A_15 = vector.load %arg4[%swap3A, %swap3A_14] : memref<2000x128xf32, #tpu.memory_space<vmem>>, vector<2000x128xf32>
    tpu.vector_store %arg4[%swap3A, %swap3A_14], %add3A_13 {strides = array<i32>} : memref<2000x128xf32, #tpu.memory_space<vmem>>, vector<2000x128xf32>,
    return
  }
  func.func @transform_0(%arg0: i32) -> (i32, i32) {
    %c0_i32 = arith.constant 0 : i32
    %c0_i32_0 = arith.constant 0 : i32
    return %arg0, %c0_i32 : i32, i32
  }
  func.func @transform_1(%arg0: i32) -> (i32, i32) {
    %c0_i32 = arith.constant 0 : i32
    %c0_i32_0 = arith.constant 0 : i32
    %c0_i32_1 = arith.constant 0 : i32
    return %c0_i32, %c0_i32_0 : i32, i32
  }
  func.func @transform_2(%arg0: i32) -> (i32, i32) {
    %c0_i32 = arith.constant 0 : i32
    %c0_i32_0 = arith.constant 0 : i32
    %c0_i32_1 = arith.constant 0 : i32
    return %c0_i32, %c0_i32_0 : i32, i32
  }
  func.func @transform_3(%arg0: i32) -> (i32, i32) {
    %c0_i32 = arith.constant 0 : i32
    %c0_i32_0 = arith.constant 0 : i32
    return %arg0, %c0_i32 : i32, i32
  }
}

module attributes {stable_mosaic.version = 14 : i64} {
  func.func @body(%arg0: i32, %arg1: memref<2000x128xf32, #tpu.memory_space<vmem>>, %arg2: memref<2000x128xf32, #tpu.memory_space<vmem>>) attributes {dimension_semantics = [#tpu.dimension_semantics<arbitrary>], iteration_bounds = array<i64: 5>, scalar_prefetch = 0 : i64, scratch_operands = 0 : i64, tpu.core_type = #tpu.core_type<tc>, window_params = [{transform_indices = @transform_0, window_bounds = array<i64: 2000, 128>}, {transform_indices = @transform_1, window_bounds = array<i64: 2000, 128>}]} {
    %get3A = arith.constant 0 : index
    %get3A_0 = arith.constant 0 : index
    %get3A_1 = vector.load %arg1[%get3A, %get3A_0] : memref<2000x128xf32, #tpu.memory_space<vmem>>, vector<2000x128xf32>
    %mul3A = arith.mulf %get3A_1, %get3A_1 : vector<2000x128xf32>
    %reduce_sum3A = arith.constant dense<0.000000e+00> : vector<2000xf32>
    %reduce_sum3A_2 = vector.multi_reduction <add>, %mul3A, %reduce_sum3A [1] : vector<2000x128xf32> to vector<2000xf32>
    %broadcast_in_dim3A = vector.shape_cast %reduce_sum3A_2 : vector<2000xf32> to vector<2000x1xf32>
    %sqrt3A = math.sqrt %broadcast_in_dim3A : vector<2000x1xf32>
    %max3A = arith.constant 9.99999996E-13 : f32
    %max3A_3 = vector.broadcast %max3A : f32 to vector<2000x1xf32>
    %max3A_4 = arith.maximumf %sqrt3A, %max3A_3 : vector<2000x1xf32>
    %div3A = vector.broadcast %max3A_4 : vector<2000x1xf32> to vector<2000x128xf32>
    %div3A_5 = arith.divf %get3A_1, %div3A : vector<2000x128xf32>
    %swap3A = arith.constant 0 : index
    %swap3A_6 = arith.constant 0 : index
    %swap3A_7 = vector.load %arg2[%swap3A, %swap3A_6] : memref<2000x128xf32, #tpu.memory_space<vmem>>, vector<2000x128xf32>
    tpu.vector_store %arg2[%swap3A, %swap3A_6], %div3A_5 {strides = array<i32>} : memref<2000x128xf32, #tpu.memory_space<vmem>>, vector<2000x128xf32>,
    return
  }
  func.func @transform_0(%arg0: i32) -> (i32, i32) {
    %c0_i32 = arith.constant 0 : i32
    %c0_i32_0 = arith.constant 0 : i32
    return %arg0, %c0_i32 : i32, i32
  }
  func.func @transform_1(%arg0: i32) -> (i32, i32) {
    %c0_i32 = arith.constant 0 : i32
    %c0_i32_0 = arith.constant 0 : i32
    return %arg0, %c0_i32 : i32, i32
  }
}

</mosaic_0001>

<sc_bundles>
// kernel: kernel.10.cloned.1.call-start
scs
__scs_entry_jumppad:
0x0: {  	(pc) =	sbr.rel $0x88, $3  }
0x1: {  	(tag) =	ssettag $0x0;
	lr =	simm.s32 $0x1  }
0x2: {  	[smem:$0x3F98] =	sst lr;
	_ =	strace $0xD0000000  }
0x3: {  	_ = 	snop  }
0x4: {  	_ = 	snop  }
0x5: {  	_ = 	snop  }
0x6: {  	_ = 	snop  }
0x7: {  	_ = 	snop  }
__scs_overlays_trampoline_lowered:
0x8: {  	[smem:$0x3FA7] =	sst s0  }
0x9: {  	[smem:$0x3FA8] =	sst s1  }
0xa: {  	[smem:$0x3FA9] =	sst s2  }
0xb: {  	[smem:$0x3FAA] =	sst s3  }
0xc: {  	[smem:$0x3FAB] =	sst s4  }
0xd: {  	[smem:$0x3FAC] =	sst s5  }
0xe: {  	[smem:$0x3FAD] =	sst s6  }
0xf: {  	[smem:$0x3FAE] =	sst s7  }
0x10: {  	[smem:$0x3FAF] =	sst s8  }
0x11: {  	[smem:$0x3FB0] =	sst s9;
	s0 =	simm.s32 @!p0 $0x0  }
0x12: {  	s1 =	sld [smem:$0x3F96];
	s0 =	simm.s32 @p0 $0x1  }
0x13: {  	[smem:$0x3FB1] =	sst s0;
	s0 =	simm.s32 @!p1 $0x0  }
0x14: {  	s2 =	sld [smem:$0x3F95];
	s0 =	simm.s32 @p1 $0x1  }
0x15: {  	[smem:$0x3FB2] =	sst s0;
	s0 =	simm.s32 @!p2 $0x0  }
0x16: {  	s3 =	sld [smem:$0x3FDB];
	s0 =	simm.s32 @p2 $0x1  }
0x17: {  	s4 =	simm.s32 $0x1BF5;
	[smem:$0x3FB4] =	sst s0  }
0x18: {  	s0 =	sld [smem:$0x3F97];
	_ =	swait.ge [sflag:s4], $0x0  }
0x19: {  	s7 =	sld [smem:$0x3F98]  }
0x1a: {  	s8 =	sadd.s32 $0xFFFFE003, lr  }
0x1b: {  	s9 =	sadd.s32 $0xFFFFFEF7, lr;
	s5 =	simm.s32 $0xFFFFFFFF;
	p2 =	slt.u32 s8, $0xFFFFF086  }
0x1c: {  	p1 =	slt.u32 s9, $0xF7A;
	s5 =	simm.s32 @!p2 $0x0  }
0x1d: {  	s5 =	simm.s32 @p1 $0x1;
	p0 =	seq.s32 s7, s2  }
0x1e: {  	s7 =	smul.u32 @!p0 $0xF7A, s2;
	p2 =	seq.s32 @!p0 s5, $0x0  }
0x1f: {  	s9 =	smul.u32 $0xF7A, s1;
	s8 =	simm.s32 @!p0 $0x1BF5;
	p2 =	por !p2, p0  }
0x20: {  	[sflag:s8] =	ssyncset.s32 @!p0 $0xFFFFF086;
	s6 =	sadd.s32 @!p0 s3, s7;
	s7 =	simm.s32 @!p0 $0x108  }
0x21: {  	s3 =	sadd.s32 s3, s9;
	s6 =	sadd.s32 @!p0 $0x88, s6;
	s7 =	simm.s32 @p2 $0x1082  }
0x22: {  	[simem:s7], [sflag:s8] =	dma.local @!p0 [hbm:s6], $0xF7A  }
0x23: {  	s9 =	sor.u32 $0xD0000000, s2;
	s6 =	simm.s32 $0x108;
	_ =	swait.ge @!p0 [sflag:s8], $0x0  }
0x24: {  	s3 =	sadd.s32 $0x88, s3;
	s6 =	simm.s32 @!p1 $0x1082;
	[sflag:s4] =	ssyncset.s32 $0xFFFFF086  }
0x25: {  	[simem:s6], [sflag:s4] =	dma.local [hbm:s3], $0xF7A  }
0x26: {  	[smem:$0x3F98] =	sst s1;
	(tag) =	ssettag s2;
	_ =	strace s9  }
0x27: {  	s1 =	sld [smem:$0x3FA8]  }
0x28: {  	s2 =	sld [smem:$0x3FA9]  }
0x29: {  	s4 =	sld [smem:$0x3FAB]  }
0x2a: {  	p0 =	seq.s32 s5, $0x0;
	s5 =	sld [smem:$0x3FAC]  }
0x2b: {  	s6 =	sld [smem:$0x3FAD]  }
0x2c: {  	s7 =	sld [smem:$0x3FAE]  }
0x2d: {  	s3 =	simm.s32 $0x108;
	s8 =	sld [smem:$0x3FAF]  }
0x2e: {  	s3 =	simm.s32 @!p0 $0x1082;
	s9 =	sld [smem:$0x3FB0]  }
0x2f: {  	lr =	sadd.s32 s0, s3;
	s0 =	sld [smem:$0x3FA7]  }
0x30: {  	s3 =	sld [smem:$0x3FAA]  }
0x31: {  	[smem:$0x3FB3] =	sst s10  }
0x32: {  	s10 =	sld [smem:$0x3FB1];
	_ =	sdelay $0x3  }
0x33: {  	p0 =	seq.s32 s10, $0x1;
	s10 =	sld [smem:$0x3FB3];
	_ =	sdelay $0x3  }
0x34: {  	[smem:$0x3FB3] =	sst s10  }
0x35: {  	s10 =	sld [smem:$0x3FB2];
	_ =	sdelay $0x3  }
0x36: {  	p1 =	seq.s32 s10, $0x1;
	s10 =	sld [smem:$0x3FB3];
	_ =	sdelay $0x3  }
0x37: {  	[smem:$0x3FB3] =	sst s10  }
0x38: {  	s10 =	sld [smem:$0x3FB4]  }
0x39: {  	_ = 	snop;
	(pc) =	sbr.ind lr, $3  }
0x3a: {  	_ = 	snop  }
0x3b: {  	_ = 	snop  }
0x3c: {  	p2 =	seq.s32 s10, $0x1;
	s10 =	sld [smem:$0x3FB3]  }
0x3d: {  	_ =	shalt  }
0x3e: {  	_ =	shalt  }
0x3f: {  	_ =	shalt  }
0x40: {  	_ =	shalt  }
0x41: {  	_ =	shalt  }
0x42: {  	_ =	shalt  }
0x43: {  	_ =	shalt  }
0x44: {  	_ =	shalt  }
0x45: {  	_ =	shalt  }
0x46: {  	_ =	shalt  }
0x47: {  	_ =	shalt  }
0x48: {  	_ =	shalt  }
0x49: {  	_ =	shalt  }
0x4a: {  	_ =	shalt  }
0x4b: {  	_ =	shalt  }
0x4c: {  	_ =	shalt  }
0x4d: {  	_ =	shalt  }
0x4e: {  	_ =	shalt  }
0x4f: {  	_ =	shalt  }
0x50: {  	_ =	shalt  }
0x51: {  	_ =	shalt  }
0x52: {  	_ =	shalt  }
0x53: {  	_ =	shalt  }
0x54: {  	_ =	shalt  }
0x55: {  	_ =	shalt  }
0x56: {  	_ =	shalt  }
0x57: {  	_ =	shalt  }
0x58: {  	_ =	shalt  }
0x59: {  	_ =	shalt  }
0x5a: {  	_ =	shalt  }
0x5b: {  	_ =	shalt  }
0x5c: {  	_ =	shalt  }
0x5d: {  	_ =	shalt  }
0x5e: {  	_ =	shalt  }
0x5f: {  	_ =	shalt  }
0x60: {  	_ =	shalt  }
0x61: {  	_ =	shalt  }
0x62: {  	_ =	shalt  }
0x63: {  	_ =	shalt  }
0x64: {  	_ =	shalt  }
0x65: {  	_ =	shalt  }
0x66: {  	_ =	shalt  }
0x67: {  	_ =	shalt  }
0x68: {  	_ =	shalt  }
0x69: {  	_ =	shalt  }
0x6a: {  	_ =	shalt  }
0x6b: {  	_ =	shalt  }
0x6c: {  	_ =	shalt  }
0x6d: {  	_ =	shalt  }
0x6e: {  	_ =	shalt  }
0x6f: {  	_ =	shalt  }
0x70: {  	_ =	shalt  }
0x71: {  	_ =	shalt  }
0x72: {  	_ =	shalt  }
0x73: {  	_ =	shalt  }
0x74: {  	_ =	shalt  }
0x75: {  	_ =	shalt  }
0x76: {  	_ =	shalt  }
0x77: {  	_ =	shalt  }
0x78: {  	_ =	shalt  }
0x79: {  	_ =	shalt  }
0x7a: {  	_ =	shalt  }
0x7b: {  	_ =	shalt  }
0x7c: {  	_ =	shalt  }
0x7d: {  	_ =	shalt  }
0x7e: {  	_ =	shalt  }
0x7f: {  	_ =	shalt  }
0x80: {  	_ =	shalt  }
0x81: {  	_ =	shalt  }
0x82: {  	_ =	shalt  }
0x83: {  	_ =	shalt  }
0x84: {  	_ =	shalt  }
0x85: {  	_ =	shalt  }
0x86: {  	_ =	shalt  }
0x87: {  	_ =	shalt  }
.Lfunc_end0:
.L_simem_size_0:
called_computation_lowered:
.L_overlay_start_0:
0x88: {  	s2 =	sld [smem:$0x3FD9]  }
0x89: {  	s3 =	sld [smem:$0x3FFE];
	_ =	sdelay $0x1  }
0x8a: {  	s1 =	srdreg.scid  }
0x8b: {  	s0 =	sand.u32 $0x1, s1  }
0x8c: {  	s16 =	sshll.u32 s0, $0xA;
	s2 =	sadd.s32 s3, s2  }
0x8d: {  	s2 =	sadd.s32 s2, s16  }
0x8e: {  	[smem:$0x3FBF] =	sst s2  }
0x8f: {  	_ = 	snop  }
0x90: {  	(tm) =	ssettm $0x1  }
0x91: {  	s17 =	sld [smem:$0x3FFB];
	_ =	sdelay $0x3  }
0x92: {  	_ =	strace s17  }
0x93: {  	s2 =	sld [smem:$0x3FFC];
	_ =	sdelay $0x3  }
0x94: {  	_ =	strace s2  }
0x95: {  	s2 =	sld [smem:$0x3FFD];
	_ =	sdelay $0x3  }
0x96: {  	_ =	strace s2  }
0x97: {  	_ =	strace $0x8FFFFFFF  }
0x98: {  	s18 =	sld [smem:$0x3FDB];
	_ =	sdelay $0x1  }
0x99: {  	s19 =	simm.s32 $_scs_section_size  }
0x9a: {  	s4 =	simm.s32 $_size__tile_overlayer_lowered;
	s5 =	simm.s32 $_tile_overlayer_lowered  }
0x9b: {  	s22 =	simm.s32 $0x1BFF;
	s21 =	sshll.u32 s5, $0x1;
	s2 =	sadd.s32 s19, s18  }
0x9c: {  	s6 =	simm.s32 $0x0;
	s20 =	sshll.u32 s4, $0x1;
	s4 =	sadd.s32 s21, s2  }
0x9d: {  	[timem:s6], [sflag:s22] =	dma.local [hbm:s4], s20  }
0x9e: {  	_ =	swait.ge [sflag:s22], s20  }
0x9f: {  	s3 =	ssub.s32 $0x0, s20;
	[sflag:s22] =	ssyncset.done $0x0  }
0xa0: {  	[sflag:s22] =	ssyncadd.s32 s3;
	_ =	sdelay $0x1  }
0xa1: {  	s23 =	simm.s32 $0x1B8B  }
0xa2: {  	_ =	swait.ge [sflag:s23], $0x1  }
0xa3: {  	[sflag:s23] =	ssyncset.done $0x0  }
0xa4: {  	s25 =	simm.s32 $0x1B8E;
	s24 =	sld [smem:$0x3FFE];
	[sflag:s23] =	ssyncadd.s32 $0xFFFFFFFF  }
0xa5: {  	s26 =	simm.s32 $execute0_lowered;
	[smem:$0x3FD2] =	sst s25  }
0xa6: {  	s4 =	sshll.u32 s26, $0x1;
	_ =	strace $0x80000046;
	[dreg:$0x1] =	wrdreg $0xFFFFFFFF  }
0xa7: {  	s28 =	simm.s32 $_size_execute0_lowered;
	s2 =	sadd.s32 s2, s4;
	[dreg:$0x0] =	wrdreg $0x0  }
0xa8: {  	s4 =	sshll.u32 s28, $0x1;
	[dreg:$0x2] =	wrdreg s2  }
0xa9: {  	[dreg:$0x3] =	wrdreg s4  }
0xaa: {  	[dreg:$0x4] =	wrdreg $0xC0  }
0xab: {  	_ =	task [dreg:s6], $0x5FFFF  }
0xac: {  	[dreg:$0x1] =	wrdreg $0xFFFFFFFF  }
0xad: {  	[dreg:$0x0] =	wrdreg $0x60  }
0xae: {  	[dreg:$0x2] =	wrdreg s24  }
0xaf: {  	[dreg:$0x3] =	wrdreg $0x9  }
0xb0: {  	_ =	task.clear_ibuf [dreg:s6], $0x4FFFF;
	_ =	strace $0x90000046  }
0xb1: {  	s29 =	simm.s32 $0x9;
	_ =	strace $0x80000048  }
0xb2: {  	_ =	swait.ge [sflag:s29], $0x1  }
0xb3: {  	[sflag:s29] =	ssyncadd.s32 $0xFFFFFFFF  }
0xb4: {  	_ =	strace $0x90000048  }
0xb5: {  	_ =	sfence  }
0xb6: {  	s30 =	sld [smem:$0x0];
	_ =	sdelay $0x2  }
0xb7: {  	s31 =	sshll.u32 s1, $0xD;
	s1 =	sshrl.u32 s1, $0x2  }
0xb8: {  	s3 =	sand.u32 $0x4000, s31;
	s1 =	sadd.s32 s1, s30  }
0xb9: {  	s0 =	sor.u32 s3, s0;
	s1 =	sshll.u32 s1, $0x11  }
0xba: {  	s0 =	sor.u32 s1, s0  }
0xbb: {  	s0 =	sadd.s32 $0x8F2B, s0  }
0xbc: {  	[sflag:s0] =	ssyncadd.remote.s32 $0x1  }
0xbd: {  	_ =	sfence.sel $0xFFFF  }
0xbe: {  	[dreg:$0x0] =	wrdreg $0xFFFFFFFF;
	(pc) =	sbr.abs _section_cstart, $3  }
0xbf: {  	[dreg:$0x1] =	wrdreg $0xFFFFFFFF  }
0xc0: {  	_ =	task.clear_ibuf [dreg:s6], $0x2FFFF;
	_ =	strace $0x9FFFFFFF  }
0xc1: {  	(tm) =	ssettm $0x7FFFFFFF  }
tec
execute0_lowered:
.L_overlay_start_1:
0x0: {  	(tag) =	ssettag $0x1  }
0x1: {  	s1 =	srdreg.scid  }
0x2: {  	s0 =	stileid.u32;
	s4 =	rddreg [dreg:$0x0];
	s2 =	simm.s32 $0x0  }
0x3: {  	s9 =	simm.s32 $0x0;
	s3 =	sand.u32 $0x1, s1;
	s5 =	sshll.u32 s0, $0x1  }
0x4: {  	s1 =	rddreg [dreg:$0x1];
	s5 =	sor.u32 s3, s5;
	s7 =	ssub.s32 $0x2, s3  }
0x5: {  	[smem:$0x7FF] =	sst s2;
	s6 =	smul.u32 $0x2800, s5;
	s8 =	sshrl.u32 s7, $0x1  }
0x6: {  	_ =	strace $0x80000047;
	s3 =	sadd.s32 $0x3400, s4;
	s7 =	ssub.s32 s7, s8  }
0x7: {  	s8 =	simm.s32 $0x1;
	s6 =	sadd.s32 s6, s4;
	s4 =	smul.u32 $0x5, s5  }
0x8: {  	v0 =	vimm.f32 $0.0e+00;
	s5 =	sadd.s32 $0x3DE00, s6;
	s6 =	smax.u32 s7, $0x1;
	s7 =	simm.s32 $0x14000  }
.LBB2_1:
0x9: {  	s10 =	simm.s32 $0x40;
	s11 =	simm.s32 $0x0  }
.LBB2_2:
0xa: {  	p0 =	sne.s32 s10, $0x4FFC0;
	[tilespmem:s11+$0x0] =	vst v0;
	s11 =	smov.u32 s10;
	s10 =	sadd.s32 $0x40, s10  }
.Ltmp0:
0xb: {  	(pc) =	sbr.rel @p0 .LBB2_2-.Ltmp0, $2  }
0xc: {  	_ =	sdelay $0x2  }
0xd: {  	s11 =	sshra.s32 s11, $0x2  }
0xe: {  	[tilespmem:s11+$0x0] =	vst v0;
	s10 =	simm.s32 $0x0;
	s11 =	simm.s32 $0x0  }
.LBB2_4:
0xf: {  	s12 =	sadd.s32 s4, s11  }
0x10: {  	s12 =	smul.u32 $0x5DC, s12;
	_ =	sdelay $0x1  }
0x11: {  	s12 =	sadd.s32 s3, s12  }
0x12: {  	[tilespmem:s7], [sflag:$0x1] =	stream.linear.gather [hbm4b:s12+s10], $0x2EE0, $0x38;
	[tilespmem:$0x16F00] =	vst v63  }
0x13: {  	_ =	swait.ge [sflag:s8], $0x2EE0  }
0x14: {  	[sflag:s8] =	ssyncset.done $0x0  }
0x15: {  	s31 =	simm.s32 $0x0;
	[sflag:s8] =	ssyncadd.s32 $0xFFFFD120  }
0x16: {  	v2 =	vld [tilespmem:s31+$0x147D0]  }
0x17: {  	v3 =	vld [tilespmem:s31+$0x14000]  }
0x18: {  	v1 =	vld [tilespmem:s31+$0x14FA0];
	_ =	sdelay $0x2  }
0x19: {  	v4 =	vadd.s32 $0xA000, v2;
	_ =	sdelay $0x1  }
0x1a: {  	vm0 =	veq.f32 v1, $0.0e+00  }
0x1b: {  	v1 =	vsel vm0, $0x3DCCCCCD, v1  }
0x1c: {  	[tilespmem:v3+s2+$0x0] =	vst.idx.add.f32.msk $0xffff, v1  }
0x1d: {  	[tilespmem:v4+s2+$0x0] =	vst.idx.add.f32.msk $0xffff, v1  }
0x1e: {  	v61 =	vadd.s32 $0x2800, v3;
	v1 =	vld [tilespmem:s31+$0x15770]  }
0x1f: {  	v5 =	vadd.s32 $0xC800, v2;
	_ =	sdelay $0x3  }
0x20: {  	[tilespmem:v61+s2+$0x0] =	vst.idx.add.f32.msk $0xffff, v1  }
0x21: {  	[tilespmem:v5+s2+$0x0] =	vst.idx.add.f32.msk $0xffff, v1  }
0x22: {  	v62 =	vadd.s32 $0x5000, v3;
	v1 =	vld [tilespmem:s31+$0x15F40]  }
0x23: {  	v63 =	vadd.s32 $0xF000, v2;
	_ =	sdelay $0x3  }
0x24: {  	[tilespmem:v62+s2+$0x0] =	vst.idx.add.f32.msk $0xffff, v1  }
0x25: {  	[tilespmem:v63+s2+$0x0] =	vst.idx.add.f32.msk $0xffff, v1  }
0x26: {  	v3 =	vadd.s32 $0x7800, v3;
	v1 =	vld [tilespmem:s31+$0x16710];
	_ =	sdelay $0x1  }
0x27: {  	v2 =	vadd.s32 $0x11800, v2;
	_ =	sdelay $0x2  }
0x28: {  	s13 =	simm.s32 $0x80;
	s12 =	simm.s32 $0x40;
	[tilespmem:v3+s2+$0x0] =	vst.idx.add.f32.msk $0xffff, v1  }
.LBB2_5:
0x29: {  	p0 =	sne.s32 s13, $0x1F00  }
0x2a: {  	s14 =	sshra.s32 s12, $0x2;
	[tilespmem:v2+s2+$0x0] =	vst.idx.add.f32.msk $0xffff, v1;
	s12 =	smov.u32 s13;
	s13 =	sadd.s32 $0x40, s13  }
0x2b: {  	v2 =	vld [tilespmem:s14+$0x147D0]  }
0x2c: {  	v3 =	vld [tilespmem:s14+$0x14000]  }
0x2d: {  	v1 =	vld [tilespmem:s14+$0x14FA0];
	_ =	sdelay $0x2  }
0x2e: {  	v4 =	vadd.s32 $0xA000, v2;
	_ =	sdelay $0x1  }
0x2f: {  	vm0 =	veq.f32 v1, $0.0e+00  }
0x30: {  	v1 =	vsel vm0, $0x3DCCCCCD, v1  }
0x31: {  	[tilespmem:v3+s2+$0x0] =	vst.idx.add.f32.msk $0xffff, v1  }
0x32: {  	[tilespmem:v4+s2+$0x0] =	vst.idx.add.f32.msk $0xffff, v1  }
0x33: {  	v4 =	vadd.s32 $0x2800, v3;
	v1 =	vld [tilespmem:s14+$0x15770]  }
0x34: {  	v5 =	vadd.s32 $0xC800, v2;
	_ =	sdelay $0x3  }
0x35: {  	[tilespmem:v4+s2+$0x0] =	vst.idx.add.f32.msk $0xffff, v1  }
0x36: {  	[tilespmem:v5+s2+$0x0] =	vst.idx.add.f32.msk $0xffff, v1  }
0x37: {  	v4 =	vadd.s32 $0x5000, v3;
	v1 =	vld [tilespmem:s14+$0x15F40]  }
0x38: {  	v5 =	vadd.s32 $0xF000, v2;
	_ =	sdelay $0x3  }
0x39: {  	[tilespmem:v4+s2+$0x0] =	vst.idx.add.f32.msk $0xffff, v1  }
0x3a: {  	[tilespmem:v5+s2+$0x0] =	vst.idx.add.f32.msk $0xffff, v1  }
0x3b: {  	v3 =	vadd.s32 $0x7800, v3;
	v1 =	vld [tilespmem:s14+$0x16710]  }
.Ltmp1:
0x3c: {  	v2 =	vadd.s32 $0x11800, v2;
	(pc) =	sbr.rel @p0 .LBB2_5-.Ltmp1, $2  }
0x3d: {  	_ =	sdelay $0x2  }
0x3e: {  	[tilespmem:v3+s2+$0x0] =	vst.idx.add.f32.msk $0xffff, v1  }
0x3f: {  	_ =	sdelay $0x3  }
0x40: {  	s12 =	sshra.s32 s12, $0x2;
	[tilespmem:v2+s2+$0x0] =	vst.idx.add.f32.msk $0xffff, v1  }
0x41: {  	v1 =	vld [tilespmem:s12+$0x147D0]  }
0x42: {  	v2 =	vld [tilespmem:s12+$0x14000]  }
0x43: {  	v3 =	vld [tilespmem:s12+$0x14FA0];
	_ =	sdelay $0x2  }
0x44: {  	v4 =	vadd.s32 $0xA000, v1;
	_ =	sdelay $0x1  }
0x45: {  	vm0 =	veq.f32 v3, $0.0e+00  }
0x46: {  	v3 =	vsel vm0, $0x3DCCCCCD, v3  }
0x47: {  	[tilespmem:v2+s2+$0x0] =	vst.idx.add.f32.msk $0xffff, v3  }
0x48: {  	[tilespmem:v4+s2+$0x0] =	vst.idx.add.f32.msk $0xffff, v3  }
0x49: {  	v61 =	vadd.s32 $0x2800, v2;
	v3 =	vld [tilespmem:s12+$0x15770]  }
0x4a: {  	v5 =	vadd.s32 $0xC800, v1;
	_ =	sdelay $0x3  }
0x4b: {  	[tilespmem:v61+s2+$0x0] =	vst.idx.add.f32.msk $0xffff, v3  }
0x4c: {  	[tilespmem:v5+s2+$0x0] =	vst.idx.add.f32.msk $0xffff, v3  }
0x4d: {  	v62 =	vadd.s32 $0x5000, v2;
	v3 =	vld [tilespmem:s12+$0x15F40]  }
0x4e: {  	v63 =	vadd.s32 $0xF000, v1;
	_ =	sdelay $0x3  }
0x4f: {  	[tilespmem:v62+s2+$0x0] =	vst.idx.add.f32.msk $0xffff, v3  }
0x50: {  	[tilespmem:v63+s2+$0x0] =	vst.idx.add.f32.msk $0xffff, v3  }
0x51: {  	s11 =	sadd.s32 $0x1, s11;
	v2 =	vadd.s32 $0x7800, v2;
	v3 =	vld [tilespmem:s12+$0x16710]  }
0x52: {  	p0 =	sne.s32 s11, $0x5;
	v1 =	vadd.s32 $0x11800, v1  }
.Ltmp2:
0x53: {  	_ = 	snop;
	(pc) =	sbr.rel @p0 .LBB2_4-.Ltmp2, $3  }
0x54: {  	_ =	sdelay $0x1  }
0x55: {  	[tilespmem:v2+s2+$0x0] =	vst.idx.add.f32.msk $0xffff, v3  }
0x56: {  	[tilespmem:v1+s2+$0x0] =	vst.idx.add.f32.msk $0xffff, v3  }
0x57: {  	s9 =	sadd.s32 $0x1, s9  }
0x58: {  	p0 =	sne.s32 s9, s6  }
.Ltmp3:
0x59: {  	_ = 	snop;
	(pc) =	sbr.rel @p0 .LBB2_1-.Ltmp3, $4  }
0x5a: {  	[hbm4b:s5+s2] =	stream.linear.scatter [tilespmem:s2], [sflag:$0x1], $0x14000, $0x38;
	[tilespmem:$0x16F00] =	vst v63  }
0x5b: {  	_ =	swait.ge [sflag:s8], $0x14000  }
0x5c: {  	[sflag:s8] =	ssyncset.done $0x0  }
0x5d: {  	[sflag:s8] =	ssyncadd.s32 $0xFFFEC000  }
0x5e: {  	_ =	sfence.sel $0x180000  }
0x5f: {  	[bflag:$0x0] =	sbarrier.arrive $0xFFFF  }
0x60: {  	p0 =	sne.s32 s0, $0x0;
	_ =	strace $0x90000047  }
0x61: {  	s0 =	sadd.s32 @!p0 $0x100000, s1;
	[bflag:$0x2] =	sbarrier.arrive $0xFFFF  }
0x62: {  	[sflag:s0] =	ssyncadd.tile.s32 @!p0 $0x1;
	_ =	shalt  }
.Lfunc_end2:
_tile_overlayer_lowered:
.L_overlay_start_2:
0x63: {  	(tag) =	ssettag $0x2  }
0x64: {  	s0 =	rddreg [dreg:$0x0];
	s2 =	stileid.u32  }
0x65: {  	s1 =	rddreg [dreg:$0x1];
	p0 =	sne.s32 s2, $0x0  }
0x66: {  	s3 =	rddreg [dreg:$0x2];
	[bflag:$0x3] =	sbarrier.arrive $0xFFFF;
	s2 =	simm.s32 @!p0 $0x1C01  }
0x67: {  	[timem:s3], [sflag:s2] =	dma.local @!p0 [hbm:s0], s1  }
0x68: {  	s0 =	simm.s32 @!p0 $0x1  }
0x69: {  	_ =	swait.ge @!p0 [sflag:s0], s1  }
0x6a: {  	s1 =	ssub.s32 @!p0 $0x0, s1;
	[sflag:s0] =	ssyncset.done @!p0 $0x0  }
0x6b: {  	[sflag:s0] =	ssyncadd.s32 @!p0 s1  }
0x6c: {  	[bflag:$0x3] =	sbarrier.arrive $0xFFFF  }
0x6d: {  	_ =	shalt  }

// kernel: kernel.13.cloned.1.call-start
scs
__scs_entry_jumppad:
0x0: {  	(pc) =	sbr.rel $0x88, $3  }
0x1: {  	(tag) =	ssettag $0x0;
	lr =	simm.s32 $0x1  }
0x2: {  	[smem:$0x3F98] =	sst lr;
	_ =	strace $0xD0000000  }
0x3: {  	_ = 	snop  }
0x4: {  	_ = 	snop  }
0x5: {  	_ = 	snop  }
0x6: {  	_ = 	snop  }
0x7: {  	_ = 	snop  }
__scs_overlays_trampoline_lowered:
0x8: {  	[smem:$0x3FA7] =	sst s0  }
0x9: {  	[smem:$0x3FA8] =	sst s1  }
0xa: {  	[smem:$0x3FA9] =	sst s2  }
0xb: {  	[smem:$0x3FAA] =	sst s3  }
0xc: {  	[smem:$0x3FAB] =	sst s4  }
0xd: {  	[smem:$0x3FAC] =	sst s5  }
0xe: {  	[smem:$0x3FAD] =	sst s6  }
0xf: {  	[smem:$0x3FAE] =	sst s7  }
0x10: {  	[smem:$0x3FAF] =	sst s8  }
0x11: {  	[smem:$0x3FB0] =	sst s9;
	s0 =	simm.s32 @!p0 $0x0  }
0x12: {  	s1 =	sld [smem:$0x3F96];
	s0 =	simm.s32 @p0 $0x1  }
0x13: {  	[smem:$0x3FB1] =	sst s0;
	s0 =	simm.s32 @!p1 $0x0  }
0x14: {  	s2 =	sld [smem:$0x3F95];
	s0 =	simm.s32 @p1 $0x1  }
0x15: {  	[smem:$0x3FB2] =	sst s0;
	s0 =	simm.s32 @!p2 $0x0  }
0x16: {  	s3 =	sld [smem:$0x3FDB];
	s0 =	simm.s32 @p2 $0x1  }
0x17: {  	s4 =	simm.s32 $0x1BF5;
	[smem:$0x3FB4] =	sst s0  }
0x18: {  	s0 =	sld [smem:$0x3F97];
	_ =	swait.ge [sflag:s4], $0x0  }
0x19: {  	s7 =	sld [smem:$0x3F98]  }
0x1a: {  	s8 =	sadd.s32 $0xFFFFE003, lr  }
0x1b: {  	s9 =	sadd.s32 $0xFFFFFEF7, lr;
	s5 =	simm.s32 $0xFFFFFFFF;
	p2 =	slt.u32 s8, $0xFFFFF086  }
0x1c: {  	p1 =	slt.u32 s9, $0xF7A;
	s5 =	simm.s32 @!p2 $0x0  }
0x1d: {  	s5 =	simm.s32 @p1 $0x1;
	p0 =	seq.s32 s7, s2  }
0x1e: {  	s7 =	smul.u32 @!p0 $0xF7A, s2;
	p2 =	seq.s32 @!p0 s5, $0x0  }
0x1f: {  	s9 =	smul.u32 $0xF7A, s1;
	s8 =	simm.s32 @!p0 $0x1BF5;
	p2 =	por !p2, p0  }
0x20: {  	[sflag:s8] =	ssyncset.s32 @!p0 $0xFFFFF086;
	s6 =	sadd.s32 @!p0 s3, s7;
	s7 =	simm.s32 @!p0 $0x108  }
0x21: {  	s3 =	sadd.s32 s3, s9;
	s6 =	sadd.s32 @!p0 $0x88, s6;
	s7 =	simm.s32 @p2 $0x1082  }
0x22: {  	[simem:s7], [sflag:s8] =	dma.local @!p0 [hbm:s6], $0xF7A  }
0x23: {  	s9 =	sor.u32 $0xD0000000, s2;
	s6 =	simm.s32 $0x108;
	_ =	swait.ge @!p0 [sflag:s8], $0x0  }
0x24: {  	s3 =	sadd.s32 $0x88, s3;
	s6 =	simm.s32 @!p1 $0x1082;
	[sflag:s4] =	ssyncset.s32 $0xFFFFF086  }
0x25: {  	[simem:s6], [sflag:s4] =	dma.local [hbm:s3], $0xF7A  }
0x26: {  	[smem:$0x3F98] =	sst s1;
	(tag) =	ssettag s2;
	_ =	strace s9  }
0x27: {  	s1 =	sld [smem:$0x3FA8]  }
0x28: {  	s2 =	sld [smem:$0x3FA9]  }
0x29: {  	s4 =	sld [smem:$0x3FAB]  }
0x2a: {  	p0 =	seq.s32 s5, $0x0;
	s5 =	sld [smem:$0x3FAC]  }
0x2b: {  	s6 =	sld [smem:$0x3FAD]  }
0x2c: {  	s7 =	sld [smem:$0x3FAE]  }
0x2d: {  	s3 =	simm.s32 $0x108;
	s8 =	sld [smem:$0x3FAF]  }
0x2e: {  	s3 =	simm.s32 @!p0 $0x1082;
	s9 =	sld [smem:$0x3FB0]  }
0x2f: {  	lr =	sadd.s32 s0, s3;
	s0 =	sld [smem:$0x3FA7]  }
0x30: {  	s3 =	sld [smem:$0x3FAA]  }
0x31: {  	[smem:$0x3FB3] =	sst s10  }
0x32: {  	s10 =	sld [smem:$0x3FB1];
	_ =	sdelay $0x3  }
0x33: {  	p0 =	seq.s32 s10, $0x1;
	s10 =	sld [smem:$0x3FB3];
	_ =	sdelay $0x3  }
0x34: {  	[smem:$0x3FB3] =	sst s10  }
0x35: {  	s10 =	sld [smem:$0x3FB2];
	_ =	sdelay $0x3  }
0x36: {  	p1 =	seq.s32 s10, $0x1;
	s10 =	sld [smem:$0x3FB3];
	_ =	sdelay $0x3  }
0x37: {  	[smem:$0x3FB3] =	sst s10  }
0x38: {  	s10 =	sld [smem:$0x3FB4]  }
0x39: {  	_ = 	snop;
	(pc) =	sbr.ind lr, $3  }
0x3a: {  	_ = 	snop  }
0x3b: {  	_ = 	snop  }
0x3c: {  	p2 =	seq.s32 s10, $0x1;
	s10 =	sld [smem:$0x3FB3]  }
0x3d: {  	_ =	shalt  }
0x3e: {  	_ =	shalt  }
0x3f: {  	_ =	shalt  }
0x40: {  	_ =	shalt  }
0x41: {  	_ =	shalt  }
0x42: {  	_ =	shalt  }
0x43: {  	_ =	shalt  }
0x44: {  	_ =	shalt  }
0x45: {  	_ =	shalt  }
0x46: {  	_ =	shalt  }
0x47: {  	_ =	shalt  }
0x48: {  	_ =	shalt  }
0x49: {  	_ =	shalt  }
0x4a: {  	_ =	shalt  }
0x4b: {  	_ =	shalt  }
0x4c: {  	_ =	shalt  }
0x4d: {  	_ =	shalt  }
0x4e: {  	_ =	shalt  }
0x4f: {  	_ =	shalt  }
0x50: {  	_ =	shalt  }
0x51: {  	_ =	shalt  }
0x52: {  	_ =	shalt  }
0x53: {  	_ =	shalt  }
0x54: {  	_ =	shalt  }
0x55: {  	_ =	shalt  }
0x56: {  	_ =	shalt  }
0x57: {  	_ =	shalt  }
0x58: {  	_ =	shalt  }
0x59: {  	_ =	shalt  }
0x5a: {  	_ =	shalt  }
0x5b: {  	_ =	shalt  }
0x5c: {  	_ =	shalt  }
0x5d: {  	_ =	shalt  }
0x5e: {  	_ =	shalt  }
0x5f: {  	_ =	shalt  }
0x60: {  	_ =	shalt  }
0x61: {  	_ =	shalt  }
0x62: {  	_ =	shalt  }
0x63: {  	_ =	shalt  }
0x64: {  	_ =	shalt  }
0x65: {  	_ =	shalt  }
0x66: {  	_ =	shalt  }
0x67: {  	_ =	shalt  }
0x68: {  	_ =	shalt  }
0x69: {  	_ =	shalt  }
0x6a: {  	_ =	shalt  }
0x6b: {  	_ =	shalt  }
0x6c: {  	_ =	shalt  }
0x6d: {  	_ =	shalt  }
0x6e: {  	_ =	shalt  }
0x6f: {  	_ =	shalt  }
0x70: {  	_ =	shalt  }
0x71: {  	_ =	shalt  }
0x72: {  	_ =	shalt  }
0x73: {  	_ =	shalt  }
0x74: {  	_ =	shalt  }
0x75: {  	_ =	shalt  }
0x76: {  	_ =	shalt  }
0x77: {  	_ =	shalt  }
0x78: {  	_ =	shalt  }
0x79: {  	_ =	shalt  }
0x7a: {  	_ =	shalt  }
0x7b: {  	_ =	shalt  }
0x7c: {  	_ =	shalt  }
0x7d: {  	_ =	shalt  }
0x7e: {  	_ =	shalt  }
0x7f: {  	_ =	shalt  }
0x80: {  	_ =	shalt  }
0x81: {  	_ =	shalt  }
0x82: {  	_ =	shalt  }
0x83: {  	_ =	shalt  }
0x84: {  	_ =	shalt  }
0x85: {  	_ =	shalt  }
0x86: {  	_ =	shalt  }
0x87: {  	_ =	shalt  }
.Lfunc_end0:
.L_simem_size_0:
called_computation.1_lowered:
.L_overlay_start_0:
0x88: {  	s2 =	sld [smem:$0x3FD9]  }
0x89: {  	s3 =	sld [smem:$0x3FFE];
	_ =	sdelay $0x1  }
0x8a: {  	s1 =	srdreg.scid  }
0x8b: {  	s0 =	sand.u32 $0x1, s1  }
0x8c: {  	s16 =	sshll.u32 s0, $0xA;
	s2 =	sadd.s32 s3, s2  }
0x8d: {  	s2 =	sadd.s32 s2, s16  }
0x8e: {  	[smem:$0x3FBF] =	sst s2  }
0x8f: {  	_ = 	snop  }
0x90: {  	(tm) =	ssettm $0x1  }
0x91: {  	s17 =	sld [smem:$0x3FFB];
	_ =	sdelay $0x3  }
0x92: {  	_ =	strace s17  }
0x93: {  	s2 =	sld [smem:$0x3FFC];
	_ =	sdelay $0x3  }
0x94: {  	_ =	strace s2  }
0x95: {  	s2 =	sld [smem:$0x3FFD];
	_ =	sdelay $0x3  }
0x96: {  	_ =	strace s2  }
0x97: {  	_ =	strace $0x8FFFFFFF  }
0x98: {  	s18 =	sld [smem:$0x3FDB];
	_ =	sdelay $0x1  }
0x99: {  	s19 =	simm.s32 $_scs_section_size  }
0x9a: {  	s4 =	simm.s32 $_size__tile_overlayer_lowered;
	s5 =	simm.s32 $_tile_overlayer_lowered  }
0x9b: {  	s22 =	simm.s32 $0x1BFF;
	s21 =	sshll.u32 s5, $0x1;
	s2 =	sadd.s32 s19, s18  }
0x9c: {  	s6 =	simm.s32 $0x0;
	s20 =	sshll.u32 s4, $0x1;
	s4 =	sadd.s32 s21, s2  }
0x9d: {  	[timem:s6], [sflag:s22] =	dma.local [hbm:s4], s20  }
0x9e: {  	_ =	swait.ge [sflag:s22], s20  }
0x9f: {  	s3 =	ssub.s32 $0x0, s20;
	[sflag:s22] =	ssyncset.done $0x0  }
0xa0: {  	[sflag:s22] =	ssyncadd.s32 s3;
	_ =	sdelay $0x1  }
0xa1: {  	s23 =	simm.s32 $0x1B8B  }
0xa2: {  	_ =	swait.ge [sflag:s23], $0x1  }
0xa3: {  	[sflag:s23] =	ssyncset.done $0x0  }
0xa4: {  	s25 =	simm.s32 $0x1B8E;
	s24 =	sld [smem:$0x3FFE];
	[sflag:s23] =	ssyncadd.s32 $0xFFFFFFFF  }
0xa5: {  	s26 =	simm.s32 $execute0_lowered;
	[smem:$0x3FD2] =	sst s25  }
0xa6: {  	s4 =	sshll.u32 s26, $0x1;
	_ =	strace $0x80000049;
	[dreg:$0x1] =	wrdreg $0xFFFFFFFF  }
0xa7: {  	s28 =	simm.s32 $_size_execute0_lowered;
	s2 =	sadd.s32 s2, s4;
	[dreg:$0x0] =	wrdreg $0x0  }
0xa8: {  	s4 =	sshll.u32 s28, $0x1;
	[dreg:$0x2] =	wrdreg s2  }
0xa9: {  	[dreg:$0x3] =	wrdreg s4  }
0xaa: {  	[dreg:$0x4] =	wrdreg $0xC0  }
0xab: {  	_ =	task [dreg:s6], $0x5FFFF  }
0xac: {  	[dreg:$0x1] =	wrdreg $0xFFFFFFFF  }
0xad: {  	[dreg:$0x0] =	wrdreg $0x60  }
0xae: {  	[dreg:$0x2] =	wrdreg s24  }
0xaf: {  	[dreg:$0x3] =	wrdreg $0x9  }
0xb0: {  	_ =	task.clear_ibuf [dreg:s6], $0x4FFFF;
	_ =	strace $0x90000049  }
0xb1: {  	s29 =	simm.s32 $0x9;
	_ =	strace $0x8000004B  }
0xb2: {  	_ =	swait.ge [sflag:s29], $0x1  }
0xb3: {  	[sflag:s29] =	ssyncadd.s32 $0xFFFFFFFF  }
0xb4: {  	_ =	strace $0x9000004B  }
0xb5: {  	_ =	sfence  }
0xb6: {  	s30 =	sld [smem:$0x0];
	_ =	sdelay $0x2  }
0xb7: {  	s31 =	sshll.u32 s1, $0xD;
	s1 =	sshrl.u32 s1, $0x2  }
0xb8: {  	s3 =	sand.u32 $0x4000, s31;
	s1 =	sadd.s32 s1, s30  }
0xb9: {  	s0 =	sor.u32 s3, s0;
	s1 =	sshll.u32 s1, $0x11  }
0xba: {  	s0 =	sor.u32 s1, s0  }
0xbb: {  	s0 =	sadd.s32 $0x8F2B, s0  }
0xbc: {  	[sflag:s0] =	ssyncadd.remote.s32 $0x1  }
0xbd: {  	_ =	sfence.sel $0xFFFF  }
0xbe: {  	[dreg:$0x0] =	wrdreg $0xFFFFFFFF;
	(pc) =	sbr.abs _section_cstart, $3  }
0xbf: {  	[dreg:$0x1] =	wrdreg $0xFFFFFFFF  }
0xc0: {  	_ =	task.clear_ibuf [dreg:s6], $0x2FFFF;
	_ =	strace $0x9FFFFFFF  }
0xc1: {  	(tm) =	ssettm $0x7FFFFFFF  }
tec
execute0_lowered:
.L_overlay_start_1:
0x0: {  	(tag) =	ssettag $0x1  }
0x1: {  	s8 =	rddreg [dreg:$0x0]  }
0x2: {  	s0 =	rddreg [dreg:$0x1];
	s1 =	simm.s32 $0x0  }
0x3: {  	s4 =	srdreg.scid;
	s2 =	stileid.u32;
	s11 =	simm.s32 $0x1  }
0x4: {  	s12 =	simm.s32 $0x14000;
	s13 =	simm.s32 $0x14400;
	s14 =	simm.s32 $0x17300  }
0x5: {  	s15 =	simm.s32 $0x17B00;
	s16 =	simm.s32 $0x0;
	[smem:$0x7FF] =	sst s1  }
0x6: {  	s3 =	sadd.s32 $0x3DE00, s8;
	s6 =	sand.u32 $0x1, s4;
	s4 =	sadd.s32 $0x40600, s8  }
0x7: {  	s9 =	sshll.u32 s2, $0x1;
	s5 =	sadd.s32 $0x3400, s8;
	s7 =	ssub.s32 $0x2, s6  }
0x8: {  	_ =	strace $0x8000004A;
	s9 =	sor.u32 s6, s9;
	s10 =	sshrl.u32 s7, $0x1  }
0x9: {  	s6 =	sadd.s32 $0x40800, s8;
	s10 =	ssub.s32 s7, s10;
	s7 =	smul.u32 $0x2710, s9  }
0xa: {  	s8 =	sadd.s32 $0x4A600, s8;
	s9 =	smul.u32 $0x5, s9;
	s10 =	smax.u32 s10, $0x1  }
.LBB2_1:
0xb: {  	[tilespmem:s1], [sflag:$0x1] =	stream.linear.gather [hbm4b:s3+s1], $0x14000, $0x38;
	[tilespmem:$0x18300] =	vst v63  }
0xc: {  	_ =	swait.ge [sflag:s11], $0x14000  }
0xd: {  	[sflag:s11] =	ssyncset.done $0x0  }
0xe: {  	[sflag:s11] =	ssyncadd.s32 $0xFFFEC000  }
0xf: {  	[tilespmem:s12], [sflag:$0x1] =	stream.linear.gather [hbm4b:s4+s1], $0x400, $0x38;
	[tilespmem:$0x18300] =	vst v63  }
0x10: {  	_ =	swait.ge [sflag:s11], $0x400  }
0x11: {  	[sflag:s11] =	ssyncset.done $0x0  }
0x12: {  	s17 =	simm.s32 $0x0;
	[sflag:s11] =	ssyncadd.s32 $0xFFFFFC00  }
.LBB2_2:
0x13: {  	s18 =	sadd.s32 s9, s17  }
0x14: {  	s18 =	smul.u32 $0x5DC, s18;
	_ =	sdelay $0x1  }
0x15: {  	s19 =	simm.s32 $0x0;
	s18 =	sadd.s32 s5, s18  }
0x16: {  	[tilespmem:s13], [sflag:$0x1] =	stream.linear.gather [hbm4b:s18+s19], $0x2EE0, $0x38;
	[tilespmem:$0x18300] =	vst v63  }
0x17: {  	_ =	swait.ge [sflag:s11], $0x2EE0  }
0x18: {  	[sflag:s11] =	ssyncset.done $0x0  }
0x19: {  	s18 =	simm.s32 $0x0;
	[sflag:s11] =	ssyncadd.s32 $0xFFFFD120  }
0x1a: {  	v0 =	vld [tilespmem:s18+$0x153A0]  }
0x1b: {  	v1 =	vld [tilespmem:s18+$0x14BD0]  }
0x1c: {  	v2 =	vld [tilespmem:s18+$0x14400]  }
0x1d: {  	v3 =	vld [tilespmem:s18+$0x16340]  }
0x1e: {  	v4 =	vld [tilespmem:s18+$0x15B70]  }
0x1f: {  	v5 =	vld [tilespmem:s18+$0x16B10]  }
0x20: {  	v7 =	vld [tilespmem:$0x14100]  }
0x21: {  	v9 =	vld [tilespmem:$0x14280]  }
0x22: {  	v11 =	vld [tilespmem:$0x14200];
	v6 =	vadd.s32 $0xA000, v1  }
0x23: {  	v13 =	vld [tilespmem:$0x14000];
	v10 =	vadd.s32 $0x2800, v2  }
0x24: {  	v16 =	vld [tilespmem:$0x14080];
	v8 =	vadd.s32 $0xC800, v1  }
0x25: {  	v58 =	vld [tilespmem:$0x14300];
	v12 =	vadd.s32 $0x5000, v2  }
0x26: {  	v14 =	vadd.s32 $0xF000, v1;
	v15 =	vld.idx.msk [tilespmem:v2+s1+$0x0], $0xffff  }
0x27: {  	v2 =	vadd.s32 $0x7800, v2;
	v6 =	vld.idx.msk [tilespmem:v6+s1+$0x0], $0xffff  }
0x28: {  	v1 =	vadd.s32 $0x11800, v1;
	v10 =	vld.idx.msk [tilespmem:v10+s1+$0x0], $0xffff  }
0x29: {  	vm0 =	veq.f32 v0, $0.0e+00;
	v8 =	vld.idx.msk [tilespmem:v8+s1+$0x0], $0xffff  }
0x2a: {  	v0 =	vsel vm0, $0x3DCCCCCD, v0;
	v12 =	vld.idx.msk [tilespmem:v12+s1+$0x0], $0xffff  }
0x2b: {  	v14 =	vld.idx.msk [tilespmem:v14+s1+$0x0], $0xffff;
	v15 =	vmul.f32 v0, v15  }
0x2c: {  	v2 =	vld.idx.msk [tilespmem:v2+s1+$0x0], $0xffff;
	v0 =	vmul.f32 v6, v0  }
0x2d: {  	v1 =	vld.idx.msk [tilespmem:v1+s1+$0x0], $0xffff;
	v6 =	vmul.f32 v13, v15;
	v10 =	vmul.f32 v10, v4  }
0x2e: {  	v59 =	vld [tilespmem:$0x14180];
	v4 =	vmul.f32 v8, v4;
	v0 =	vmul.f32 v11, v0  }
0x2f: {  	v61 =	vld [tilespmem:$0x14380];
	v60 =	vmul.f32 v12, v3;
	v6 =	vadd.f32 $0.0e+00, v6;
	v10 =	vmul.f32 v16, v10  }
0x30: {  	v3 =	vmul.f32 v14, v3;
	v4 =	vmul.f32 v9, v4;
	v0 =	vadd.f32 $0.0e+00, v0  }
0x31: {  	v7 =	vmul.f32 v7, v60;
	v62 =	vmul.f32 v2, v5;
	v6 =	vadd.f32 v10, v6  }
0x32: {  	s19 =	simm.s32 $0x10;
	v3 =	vmul.f32 v58, v3;
	v5 =	vmul.f32 v1, v5;
	v63 =	vadd.f32 v4, v0  }
0x33: {  	v1 =	vld [tilespmem:s19+$0x14400];
	v2 =	vadd.f32 v7, v6;
	v4 =	vmul.f32 v59, v62  }
0x34: {  	s20 =	simm.s32 $0x80;
	v5 =	vmul.f32 v61, v5;
	v0 =	vld [tilespmem:s19+$0x153A0];
	v3 =	vadd.f32 v3, v63  }
.LBB2_3:
0x35: {  	p0 =	sne.s32 s20, $0x1F00;
	v6 =	vld [tilespmem:s19+$0x14BD0];
	v2 =	vadd.f32 v4, v2;
	s21 =	smov.u32 s20;
	s20 =	sadd.s32 $0x40, s20  }
0x36: {  	v4 =	vld [tilespmem:s19+$0x16340];
	v3 =	vadd.f32 v5, v3  }
0x37: {  	v5 =	vld [tilespmem:s19+$0x15B70];
	[tilespmem:s18+$0x17300] =	vst v2  }
0x38: {  	[tilespmem:s18+$0x17B00] =	vst v3;
	s18 =	smov.u32 s19  }
0x39: {  	v2 =	vadd.s32 $0x2800, v1;
	v3 =	vadd.s32 $0x5000, v1;
	v7 =	vld [tilespmem:s18+$0x16B10];
	v8 =	vadd.s32 $0x7800, v1  }
0x3a: {  	vm0 =	veq.f32 v0, $0.0e+00;
	v9 =	vadd.s32 $0xA000, v6;
	v10 =	vadd.s32 $0xC800, v6;
	v11 =	vld [tilespmem:$0x14100]  }
0x3b: {  	v13 =	vadd.s32 $0xF000, v6;
	v6 =	vadd.s32 $0x11800, v6;
	v12 =	vld [tilespmem:$0x14280]  }
0x3c: {  	v14 =	vld [tilespmem:$0x14200]  }
0x3d: {  	v15 =	vld [tilespmem:$0x14000]  }
0x3e: {  	v1 =	vld.idx.msk [tilespmem:v1+s1+$0x0], $0xffff  }
0x3f: {  	v9 =	vld.idx.msk [tilespmem:v9+s1+$0x0], $0xffff  }
0x40: {  	v10 =	vld.idx.msk [tilespmem:v10+s1+$0x0], $0xffff  }
0x41: {  	v0 =	vsel vm0, $0x3DCCCCCD, v0;
	v2 =	vld.idx.msk [tilespmem:v2+s1+$0x0], $0xffff  }
0x42: {  	v3 =	vld.idx.msk [tilespmem:v3+s1+$0x0], $0xffff  }
0x43: {  	v13 =	vld.idx.msk [tilespmem:v13+s1+$0x0], $0xffff  }
0x44: {  	v1 =	vmul.f32 v0, v1;
	v16 =	vld [tilespmem:$0x14080]  }
0x45: {  	v0 =	vmul.f32 v9, v0;
	v8 =	vld.idx.msk [tilespmem:v8+s1+$0x0], $0xffff  }
0x46: {  	v1 =	vmul.f32 v15, v1;
	v9 =	vmul.f32 v10, v5;
	v6 =	vld.idx.msk [tilespmem:v6+s1+$0x0], $0xffff  }
0x47: {  	v0 =	vmul.f32 v14, v0;
	v2 =	vmul.f32 v2, v5;
	v5 =	vld [tilespmem:$0x14300]  }
0x48: {  	v1 =	vadd.f32 $0.0e+00, v1;
	v3 =	vmul.f32 v3, v4;
	v10 =	vld [tilespmem:$0x14180]  }
0x49: {  	v9 =	vmul.f32 v12, v9;
	v0 =	vadd.f32 $0.0e+00, v0;
	v2 =	vmul.f32 v16, v2;
	v12 =	vld [tilespmem:$0x14380]  }
.Ltmp0:
0x4a: {  	v4 =	vmul.f32 v13, v4;
	v3 =	vmul.f32 v11, v3;
	(pc) =	sbr.rel @p0 .LBB2_3-.Ltmp0, $4  }
0x4b: {  	v9 =	vadd.f32 v9, v0;
	v8 =	vmul.f32 v8, v7;
	v1 =	vadd.f32 v2, v1  }
0x4c: {  	s19 =	sshra.s32 s21, $0x2;
	v6 =	vmul.f32 v6, v7;
	v5 =	vmul.f32 v5, v4  }
0x4d: {  	v0 =	vld [tilespmem:s19+$0x153A0];
	v2 =	vadd.f32 v3, v1;
	v4 =	vmul.f32 v10, v8  }
0x4e: {  	v1 =	vld [tilespmem:s19+$0x14400];
	v3 =	vadd.f32 v5, v9;
	v5 =	vmul.f32 v12, v6  }
0x4f: {  	v6 =	vld [tilespmem:s19+$0x14BD0];
	v2 =	vadd.f32 v4, v2  }
0x50: {  	v53 =	vld [tilespmem:s19+$0x16340];
	v3 =	vadd.f32 v5, v3  }
0x51: {  	v54 =	vld [tilespmem:s19+$0x15B70];
	[tilespmem:s18+$0x17300] =	vst v2  }
0x52: {  	[tilespmem:s18+$0x17B00] =	vst v3  }
0x53: {  	v2 =	vld [tilespmem:s19+$0x16B10]  }
0x54: {  	v7 =	vld [tilespmem:$0x14100]  }
0x55: {  	v9 =	vld [tilespmem:$0x14280]  }
0x56: {  	v11 =	vld [tilespmem:$0x14200];
	v55 =	vadd.s32 $0xA000, v6  }
0x57: {  	v10 =	vadd.s32 $0x2800, v1;
	v13 =	vld [tilespmem:$0x14000]  }
0x58: {  	v15 =	vld.idx.msk [tilespmem:v1+s1+$0x0], $0xffff;
	v8 =	vadd.s32 $0xC800, v6  }
0x59: {  	v12 =	vadd.s32 $0x5000, v1;
	v16 =	vld [tilespmem:$0x14080]  }
0x5a: {  	v59 =	vld [tilespmem:$0x14300];
	v14 =	vadd.s32 $0xF000, v6  }
0x5b: {  	v56 =	vadd.s32 $0x7800, v1;
	v3 =	vld.idx.msk [tilespmem:v55+s1+$0x0], $0xffff  }
0x5c: {  	v6 =	vadd.s32 $0x11800, v6;
	v10 =	vld.idx.msk [tilespmem:v10+s1+$0x0], $0xffff  }
0x5d: {  	vm0 =	veq.f32 v0, $0.0e+00;
	v8 =	vld.idx.msk [tilespmem:v8+s1+$0x0], $0xffff  }
0x5e: {  	v0 =	vsel vm0, $0x3DCCCCCD, v0;
	v12 =	vld.idx.msk [tilespmem:v12+s1+$0x0], $0xffff  }
0x5f: {  	v15 =	vmul.f32 v0, v15;
	v14 =	vld.idx.msk [tilespmem:v14+s1+$0x0], $0xffff  }
0x60: {  	v1 =	vld.idx.msk [tilespmem:v56+s1+$0x0], $0xffff;
	v0 =	vmul.f32 v3, v0  }
0x61: {  	v57 =	vld.idx.msk [tilespmem:v6+s1+$0x0], $0xffff;
	v58 =	vmul.f32 v13, v15;
	v10 =	vmul.f32 v10, v54  }
0x62: {  	v60 =	vld [tilespmem:$0x14180];
	v5 =	vmul.f32 v8, v54;
	v0 =	vmul.f32 v11, v0  }
0x63: {  	v62 =	vld [tilespmem:$0x14380];
	v6 =	vadd.f32 $0.0e+00, v58;
	v61 =	vmul.f32 v12, v53;
	v10 =	vmul.f32 v16, v10  }
0x64: {  	v4 =	vmul.f32 v14, v53;
	v5 =	vmul.f32 v9, v5;
	v0 =	vadd.f32 $0.0e+00, v0  }
0x65: {  	v1 =	vmul.f32 v1, v2;
	v7 =	vmul.f32 v7, v61;
	v6 =	vadd.f32 v10, v6  }
0x66: {  	v2 =	vmul.f32 v57, v2;
	v4 =	vmul.f32 v59, v4;
	v0 =	vadd.f32 v5, v0  }
0x67: {  	v1 =	vmul.f32 v60, v1;
	v63 =	vadd.f32 v7, v6  }
0x68: {  	s30 =	smul.u32 $0x7D0, s17;
	v2 =	vmul.f32 v62, v2;
	v0 =	vadd.f32 v4, v0  }
0x69: {  	v1 =	vadd.f32 v1, v63  }
0x6a: {  	s18 =	sadd.s32 s7, s30;
	v0 =	vadd.f32 v2, v0  }
0x6b: {  	s18 =	sshrl.u32 s18, $0x3;
	[tilespmem:s19+$0x17300] =	vst v1  }
0x6c: {  	s31 =	sadd.s32 s6, s18;
	[tilespmem:s19+$0x17B00] =	vst v0  }
0x6d: {  	[hbm4b:s31+s1] =	stream.linear.scatter [tilespmem:s14], [sflag:$0x1], $0x7D0, $0x38;
	[tilespmem:$0x18300] =	vst v63  }
0x6e: {  	s17 =	sadd.s32 $0x1, s17;
	_ =	swait.ge [sflag:s11], $0x7D0  }
0x6f: {  	p0 =	sne.s32 s17, $0x5;
	[sflag:s11] =	ssyncset.done $0x0  }
.Ltmp1:
0x70: {  	s18 =	sadd.s32 s8, s18;
	[sflag:s11] =	ssyncadd.s32 $0xFFFFF830;
	(pc) =	sbr.rel @p0 .LBB2_2-.Ltmp1, $4  }
0x71: {  	[hbm4b:s18+s1] =	stream.linear.scatter [tilespmem:s15], [sflag:$0x1], $0x7D0, $0x38;
	[tilespmem:$0x18300] =	vst v63  }
0x72: {  	_ =	swait.ge [sflag:s11], $0x7D0  }
0x73: {  	[sflag:s11] =	ssyncset.done $0x0  }
0x74: {  	[sflag:s11] =	ssyncadd.s32 $0xFFFFF830  }
0x75: {  	s16 =	sadd.s32 $0x1, s16  }
0x76: {  	p0 =	sne.s32 s16, s10  }
.Ltmp2:
0x77: {  	_ = 	snop;
	(pc) =	sbr.rel @p0 .LBB2_1-.Ltmp2, $1  }
0x78: {  	_ =	sdelay $0x3  }
0x79: {  	_ =	sfence.sel $0x180000  }
0x7a: {  	[bflag:$0x0] =	sbarrier.arrive $0xFFFF  }
0x7b: {  	p0 =	sne.s32 s2, $0x0;
	_ =	strace $0x9000004A  }
0x7c: {  	s0 =	sadd.s32 @!p0 $0x100000, s0;
	[bflag:$0x2] =	sbarrier.arrive $0xFFFF  }
0x7d: {  	[sflag:s0] =	ssyncadd.tile.s32 @!p0 $0x1;
	_ =	shalt  }
.Lfunc_end2:
_tile_overlayer_lowered:
.L_overlay_start_2:
0x7e: {  	(tag) =	ssettag $0x2  }
0x7f: {  	s0 =	rddreg [dreg:$0x0];
	s2 =	stileid.u32  }
0x80: {  	s1 =	rddreg [dreg:$0x1];
	p0 =	sne.s32 s2, $0x0  }
0x81: {  	s3 =	rddreg [dreg:$0x2];
	[bflag:$0x3] =	sbarrier.arrive $0xFFFF;
	s2 =	simm.s32 @!p0 $0x1C01  }
0x82: {  	[timem:s3], [sflag:s2] =	dma.local @!p0 [hbm:s0], s1  }
0x83: {  	s0 =	simm.s32 @!p0 $0x1  }
0x84: {  	_ =	swait.ge @!p0 [sflag:s0], s1  }
0x85: {  	s1 =	ssub.s32 @!p0 $0x0, s1;
	[sflag:s0] =	ssyncset.done @!p0 $0x0  }
0x86: {  	[sflag:s0] =	ssyncadd.s32 @!p0 s1  }
0x87: {  	[bflag:$0x3] =	sbarrier.arrive $0xFFFF  }
0x88: {  	_ =	shalt  }

// kernel: kernel.16.cloned.1.call-start
scs
__scs_entry_jumppad:
0x0: {  	(pc) =	sbr.rel $0x88, $3  }
0x1: {  	(tag) =	ssettag $0x0;
	lr =	simm.s32 $0x1  }
0x2: {  	[smem:$0x3F98] =	sst lr;
	_ =	strace $0xD0000000  }
0x3: {  	_ = 	snop  }
0x4: {  	_ = 	snop  }
0x5: {  	_ = 	snop  }
0x6: {  	_ = 	snop  }
0x7: {  	_ = 	snop  }
__scs_overlays_trampoline_lowered:
0x8: {  	[smem:$0x3FA7] =	sst s0  }
0x9: {  	[smem:$0x3FA8] =	sst s1  }
0xa: {  	[smem:$0x3FA9] =	sst s2  }
0xb: {  	[smem:$0x3FAA] =	sst s3  }
0xc: {  	[smem:$0x3FAB] =	sst s4  }
0xd: {  	[smem:$0x3FAC] =	sst s5  }
0xe: {  	[smem:$0x3FAD] =	sst s6  }
0xf: {  	[smem:$0x3FAE] =	sst s7  }
0x10: {  	[smem:$0x3FAF] =	sst s8  }
0x11: {  	[smem:$0x3FB0] =	sst s9;
	s0 =	simm.s32 @!p0 $0x0  }
0x12: {  	s1 =	sld [smem:$0x3F96];
	s0 =	simm.s32 @p0 $0x1  }
0x13: {  	[smem:$0x3FB1] =	sst s0;
	s0 =	simm.s32 @!p1 $0x0  }
0x14: {  	s2 =	sld [smem:$0x3F95];
	s0 =	simm.s32 @p1 $0x1  }
0x15: {  	[smem:$0x3FB2] =	sst s0;
	s0 =	simm.s32 @!p2 $0x0  }
0x16: {  	s3 =	sld [smem:$0x3FDB];
	s0 =	simm.s32 @p2 $0x1  }
0x17: {  	s4 =	simm.s32 $0x1BF5;
	[smem:$0x3FB4] =	sst s0  }
0x18: {  	s0 =	sld [smem:$0x3F97];
	_ =	swait.ge [sflag:s4], $0x0  }
0x19: {  	s7 =	sld [smem:$0x3F98]  }
0x1a: {  	s8 =	sadd.s32 $0xFFFFE003, lr  }
0x1b: {  	s9 =	sadd.s32 $0xFFFFFEF7, lr;
	s5 =	simm.s32 $0xFFFFFFFF;
	p2 =	slt.u32 s8, $0xFFFFF086  }
0x1c: {  	p1 =	slt.u32 s9, $0xF7A;
	s5 =	simm.s32 @!p2 $0x0  }
0x1d: {  	s5 =	simm.s32 @p1 $0x1;
	p0 =	seq.s32 s7, s2  }
0x1e: {  	s7 =	smul.u32 @!p0 $0xF7A, s2;
	p2 =	seq.s32 @!p0 s5, $0x0  }
0x1f: {  	s9 =	smul.u32 $0xF7A, s1;
	s8 =	simm.s32 @!p0 $0x1BF5;
	p2 =	por !p2, p0  }
0x20: {  	[sflag:s8] =	ssyncset.s32 @!p0 $0xFFFFF086;
	s6 =	sadd.s32 @!p0 s3, s7;
	s7 =	simm.s32 @!p0 $0x108  }
0x21: {  	s3 =	sadd.s32 s3, s9;
	s6 =	sadd.s32 @!p0 $0x88, s6;
	s7 =	simm.s32 @p2 $0x1082  }
0x22: {  	[simem:s7], [sflag:s8] =	dma.local @!p0 [hbm:s6], $0xF7A  }
0x23: {  	s9 =	sor.u32 $0xD0000000, s2;
	s6 =	simm.s32 $0x108;
	_ =	swait.ge @!p0 [sflag:s8], $0x0  }
0x24: {  	s3 =	sadd.s32 $0x88, s3;
	s6 =	simm.s32 @!p1 $0x1082;
	[sflag:s4] =	ssyncset.s32 $0xFFFFF086  }
0x25: {  	[simem:s6], [sflag:s4] =	dma.local [hbm:s3], $0xF7A  }
0x26: {  	[smem:$0x3F98] =	sst s1;
	(tag) =	ssettag s2;
	_ =	strace s9  }
0x27: {  	s1 =	sld [smem:$0x3FA8]  }
0x28: {  	s2 =	sld [smem:$0x3FA9]  }
0x29: {  	s4 =	sld [smem:$0x3FAB]  }
0x2a: {  	p0 =	seq.s32 s5, $0x0;
	s5 =	sld [smem:$0x3FAC]  }
0x2b: {  	s6 =	sld [smem:$0x3FAD]  }
0x2c: {  	s7 =	sld [smem:$0x3FAE]  }
0x2d: {  	s3 =	simm.s32 $0x108;
	s8 =	sld [smem:$0x3FAF]  }
0x2e: {  	s3 =	simm.s32 @!p0 $0x1082;
	s9 =	sld [smem:$0x3FB0]  }
0x2f: {  	lr =	sadd.s32 s0, s3;
	s0 =	sld [smem:$0x3FA7]  }
0x30: {  	s3 =	sld [smem:$0x3FAA]  }
0x31: {  	[smem:$0x3FB3] =	sst s10  }
0x32: {  	s10 =	sld [smem:$0x3FB1];
	_ =	sdelay $0x3  }
0x33: {  	p0 =	seq.s32 s10, $0x1;
	s10 =	sld [smem:$0x3FB3];
	_ =	sdelay $0x3  }
0x34: {  	[smem:$0x3FB3] =	sst s10  }
0x35: {  	s10 =	sld [smem:$0x3FB2];
	_ =	sdelay $0x3  }
0x36: {  	p1 =	seq.s32 s10, $0x1;
	s10 =	sld [smem:$0x3FB3];
	_ =	sdelay $0x3  }
0x37: {  	[smem:$0x3FB3] =	sst s10  }
0x38: {  	s10 =	sld [smem:$0x3FB4]  }
0x39: {  	_ = 	snop;
	(pc) =	sbr.ind lr, $3  }
0x3a: {  	_ = 	snop  }
0x3b: {  	_ = 	snop  }
0x3c: {  	p2 =	seq.s32 s10, $0x1;
	s10 =	sld [smem:$0x3FB3]  }
0x3d: {  	_ =	shalt  }
0x3e: {  	_ =	shalt  }
0x3f: {  	_ =	shalt  }
0x40: {  	_ =	shalt  }
0x41: {  	_ =	shalt  }
0x42: {  	_ =	shalt  }
0x43: {  	_ =	shalt  }
0x44: {  	_ =	shalt  }
0x45: {  	_ =	shalt  }
0x46: {  	_ =	shalt  }
0x47: {  	_ =	shalt  }
0x48: {  	_ =	shalt  }
0x49: {  	_ =	shalt  }
0x4a: {  	_ =	shalt  }
0x4b: {  	_ =	shalt  }
0x4c: {  	_ =	shalt  }
0x4d: {  	_ =	shalt  }
0x4e: {  	_ =	shalt  }
0x4f: {  	_ =	shalt  }
0x50: {  	_ =	shalt  }
0x51: {  	_ =	shalt  }
0x52: {  	_ =	shalt  }
0x53: {  	_ =	shalt  }
0x54: {  	_ =	shalt  }
0x55: {  	_ =	shalt  }
0x56: {  	_ =	shalt  }
0x57: {  	_ =	shalt  }
0x58: {  	_ =	shalt  }
0x59: {  	_ =	shalt  }
0x5a: {  	_ =	shalt  }
0x5b: {  	_ =	shalt  }
0x5c: {  	_ =	shalt  }
0x5d: {  	_ =	shalt  }
0x5e: {  	_ =	shalt  }
0x5f: {  	_ =	shalt  }
0x60: {  	_ =	shalt  }
0x61: {  	_ =	shalt  }
0x62: {  	_ =	shalt  }
0x63: {  	_ =	shalt  }
0x64: {  	_ =	shalt  }
0x65: {  	_ =	shalt  }
0x66: {  	_ =	shalt  }
0x67: {  	_ =	shalt  }
0x68: {  	_ =	shalt  }
0x69: {  	_ =	shalt  }
0x6a: {  	_ =	shalt  }
0x6b: {  	_ =	shalt  }
0x6c: {  	_ =	shalt  }
0x6d: {  	_ =	shalt  }
0x6e: {  	_ =	shalt  }
0x6f: {  	_ =	shalt  }
0x70: {  	_ =	shalt  }
0x71: {  	_ =	shalt  }
0x72: {  	_ =	shalt  }
0x73: {  	_ =	shalt  }
0x74: {  	_ =	shalt  }
0x75: {  	_ =	shalt  }
0x76: {  	_ =	shalt  }
0x77: {  	_ =	shalt  }
0x78: {  	_ =	shalt  }
0x79: {  	_ =	shalt  }
0x7a: {  	_ =	shalt  }
0x7b: {  	_ =	shalt  }
0x7c: {  	_ =	shalt  }
0x7d: {  	_ =	shalt  }
0x7e: {  	_ =	shalt  }
0x7f: {  	_ =	shalt  }
0x80: {  	_ =	shalt  }
0x81: {  	_ =	shalt  }
0x82: {  	_ =	shalt  }
0x83: {  	_ =	shalt  }
0x84: {  	_ =	shalt  }
0x85: {  	_ =	shalt  }
0x86: {  	_ =	shalt  }
0x87: {  	_ =	shalt  }
.Lfunc_end0:
.L_simem_size_0:
called_computation.2_lowered:
.L_overlay_start_0:
0x88: {  	s2 =	sld [smem:$0x3FD9]  }
0x89: {  	s3 =	sld [smem:$0x3FFE];
	_ =	sdelay $0x1  }
0x8a: {  	s1 =	srdreg.scid  }
0x8b: {  	s0 =	sand.u32 $0x1, s1  }
0x8c: {  	s17 =	sshll.u32 s0, $0xA;
	s2 =	sadd.s32 s3, s2  }
0x8d: {  	s2 =	sadd.s32 s2, s17  }
0x8e: {  	[smem:$0x3FBF] =	sst s2  }
0x8f: {  	_ = 	snop  }
0x90: {  	s2 =	sld [smem:$0x3FD0];
	(tm) =	ssettm $0x1  }
0x91: {  	s18 =	sld [smem:$0x3FFB];
	_ =	sdelay $0x3  }
0x92: {  	_ =	strace s18  }
0x93: {  	s3 =	sld [smem:$0x3FFC];
	_ =	sdelay $0x3  }
0x94: {  	_ =	strace s3  }
0x95: {  	s3 =	sld [smem:$0x3FFD];
	_ =	sdelay $0x3  }
0x96: {  	_ =	strace s3  }
0x97: {  	_ =	strace $0x8FFFFFFF  }
0x98: {  	s19 =	sld [smem:$0x3FDB];
	_ =	sdelay $0x1  }
0x99: {  	s4 =	simm.s32 $_scs_section_size  }
0x9a: {  	s5 =	simm.s32 $_size__tile_overlayer_lowered;
	s6 =	simm.s32 $_tile_overlayer_lowered  }
0x9b: {  	s22 =	simm.s32 $0x1BFF;
	s21 =	sshll.u32 s6, $0x1;
	s3 =	sadd.s32 s4, s19  }
0x9c: {  	s7 =	simm.s32 $0x0;
	s20 =	sshll.u32 s5, $0x1;
	s5 =	sadd.s32 s21, s3  }
0x9d: {  	[timem:s7], [sflag:s22] =	dma.local [hbm:s5], s20  }
0x9e: {  	_ =	swait.ge [sflag:s22], s20  }
0x9f: {  	s4 =	ssub.s32 $0x0, s20;
	[sflag:s22] =	ssyncset.done $0x0  }
0xa0: {  	[sflag:s22] =	ssyncadd.s32 s4;
	_ =	sdelay $0x1  }
0xa1: {  	s23 =	simm.s32 $0x1B8B  }
0xa2: {  	_ =	swait.ge [sflag:s23], $0x1  }
0xa3: {  	[sflag:s23] =	ssyncset.done $0x0  }
0xa4: {  	s25 =	simm.s32 $0x1B8E;
	s24 =	sld [smem:$0x3FFE];
	[sflag:s23] =	ssyncadd.s32 $0xFFFFFFFF  }
0xa5: {  	s26 =	simm.s32 $execute0_lowered;
	[smem:$0x3FD2] =	sst s25  }
0xa6: {  	s5 =	sshll.u32 s26, $0x1;
	_ =	strace $0x8000004C;
	[dreg:$0x1] =	wrdreg $0xFFFFFFFF  }
0xa7: {  	s28 =	simm.s32 $_size_execute0_lowered;
	s3 =	sadd.s32 s3, s5;
	[dreg:$0x0] =	wrdreg $0x0  }
0xa8: {  	s5 =	sshll.u32 s28, $0x1;
	[dreg:$0x2] =	wrdreg s3  }
0xa9: {  	[dreg:$0x3] =	wrdreg s5  }
0xaa: {  	[dreg:$0x4] =	wrdreg $0xC0  }
0xab: {  	_ =	task [dreg:s7], $0x5FFFF  }
0xac: {  	[dreg:$0x1] =	wrdreg $0xFFFFFFFF  }
0xad: {  	[dreg:$0x0] =	wrdreg $0x60  }
0xae: {  	[dreg:$0x2] =	wrdreg s2  }
0xaf: {  	[dreg:$0x3] =	wrdreg s24  }
0xb0: {  	[dreg:$0x4] =	wrdreg $0xDF000  }
0xb1: {  	[dreg:$0x5] =	wrdreg $0x9  }
0xb2: {  	_ =	task.clear_ibuf [dreg:s7], $0x6FFFF;
	_ =	strace $0x9000004C  }
0xb3: {  	s29 =	simm.s32 $0x9;
	_ =	strace $0x8000004E  }
0xb4: {  	_ =	swait.ge [sflag:s29], $0x1  }
0xb5: {  	[sflag:s29] =	ssyncadd.s32 $0xFFFFFFFF  }
0xb6: {  	_ =	strace $0x9000004E  }
0xb7: {  	_ =	sfence  }
0xb8: {  	s30 =	sld [smem:$0x0];
	_ =	sdelay $0x2  }
0xb9: {  	s31 =	sshll.u32 s1, $0xD;
	s1 =	sshrl.u32 s1, $0x2  }
0xba: {  	s3 =	sand.u32 $0x4000, s31;
	s1 =	sadd.s32 s1, s30  }
0xbb: {  	s0 =	sor.u32 s3, s0;
	s1 =	sshll.u32 s1, $0x11  }
0xbc: {  	s0 =	sor.u32 s1, s0  }
0xbd: {  	s0 =	sadd.s32 $0x8F2B, s0  }
0xbe: {  	[sflag:s0] =	ssyncadd.remote.s32 $0x1  }
0xbf: {  	_ =	sfence.sel $0xFFFF  }
0xc0: {  	[dreg:$0x0] =	wrdreg $0xFFFFFFFF;
	(pc) =	sbr.abs _section_cstart, $3  }
0xc1: {  	[dreg:$0x1] =	wrdreg $0xFFFFFFFF  }
0xc2: {  	_ =	task.clear_ibuf [dreg:s7], $0x2FFFF;
	_ =	strace $0x9FFFFFFF  }
0xc3: {  	(tm) =	ssettm $0x7FFFFFFF  }
tec
execute0_lowered:
.L_overlay_start_1:
0x0: {  	(tag) =	ssettag $0x1  }
0x1: {  	s1 =	rddreg [dreg:$0x0]  }
0x2: {  	s0 =	rddreg [dreg:$0x1]  }
0x3: {  	s2 =	rddreg [dreg:$0x2]  }
0x4: {  	s3 =	srdreg.scid;
	s20 =	stileid.u32;
	s4 =	simm.s32 $0x0  }
0x5: {  	s21 =	simm.s32 $0xD800;
	s22 =	simm.s32 $0x190;
	s23 =	simm.s32 $0x1000  }
0x6: {  	s24 =	simm.s32 $0x1;
	s25 =	simm.s32 $0xDD00;
	s6 =	smul.u32 $0x140, s20  }
0x7: {  	s26 =	simm.s32 $0x0;
	s28 =	simm.s32 $0x0;
	s8 =	smul.u32 $0x28000, s20  }
0x8: {  	s3 =	sand.u32 $0x1, s3;
	[smem:$0x7FF] =	sst s4;
	s17 =	smul.u32 $0x32, s20  }
0x9: {  	s5 =	sadd.s32 $0x3400, s0;
	s16 =	sadd.s32 $0xA0000, s2;
	s7 =	smul.u32 $0x1400, s3  }
0xa: {  	p0 =	sne.s32 s20, $0x0;
	s20 =	simm.s32 $0x2;
	s3 =	ssub.s32 $0x2, s3  }
0xb: {  	_ =	strace $0x8000004D;
	s9 =	sshrl.u32 s3, $0x1;
	s6 =	sadd.s32 s6, s7  }
0xc: {  	s8 =	sshrl.u32 s8, $0x2;
	s3 =	ssub.s32 s3, s9;
	s6 =	sshll.u32 s6, $0x4  }
0xd: {  	s19 =	smax.u32 s3, $0x1;
	s0 =	sadd.s32 s6, s0;
	s6 =	sadd.s32 s8, s2  }
0xe: {  	s8 =	sadd.s32 $0x1000, s6;
	s31 =	sadd.s32 $0x2000, s6;
	s9 =	sadd.s32 $0x3000, s6  }
0xf: {  	s10 =	sadd.s32 $0x4000, s6;
	s11 =	sadd.s32 $0x5000, s6;
	s12 =	sadd.s32 $0x6000, s6  }
0x10: {  	s13 =	sadd.s32 $0x7000, s6;
	s14 =	sadd.s32 $0x8000, s6;
	[dreg:$0x4] =	wrdreg s8  }
0x11: {  	v1 =	vimm.f32 $0.0e+00;
	v0 =	vmov s7;
	s15 =	sadd.s32 $0x9000, s6;
	s18 =	sadd.s32 $0x20A00, s0;
	[dreg:$0x5] =	wrdreg s31  }
.LBB2_1:
0x12: {  	s0 =	simm.s32 $0x0;
	s3 =	simm.s32 $0x200  }
.LBB2_2:
0x13: {  	p1 =	sne.s32 s3, $0x3E00;
	[tilespmem:s0+$0x70] =	vst v1  }
0x14: {  	[tilespmem:s0+$0x0] =	vst v1  }
0x15: {  	[tilespmem:s0+$0x10] =	vst v1  }
.Ltmp0:
0x16: {  	[tilespmem:s0+$0x20] =	vst v1;
	(pc) =	sbr.rel @p1 .LBB2_2-.Ltmp0, $4  }
0x17: {  	[tilespmem:s0+$0x30] =	vst v1  }
0x18: {  	[tilespmem:s0+$0x40] =	vst v1  }
0x19: {  	[tilespmem:s0+$0x50] =	vst v1  }
0x1a: {  	[tilespmem:s0+$0x60] =	vst v1;
	s0 =	sshra.s32 s3, $0x2;
	s3 =	sadd.s32 $0x200, s3  }
0x1b: {  	[tilespmem:s0+$0x70] =	vst v1  }
0x1c: {  	[tilespmem:s0+$0x0] =	vst v1  }
0x1d: {  	[tilespmem:s0+$0x10] =	vst v1  }
0x1e: {  	[tilespmem:s0+$0x20] =	vst v1  }
0x1f: {  	[tilespmem:s0+$0x30] =	vst v1  }
0x20: {  	[tilespmem:s0+$0x40] =	vst v1  }
0x21: {  	[tilespmem:s0+$0x50] =	vst v1  }
0x22: {  	[tilespmem:s0+$0x60] =	vst v1  }
0x23: {  	[spmem:s6] =	stream.linear.scatter [tilespmem:s4], [sflag:$0x2], $0x1000, $0x38;
	[tilespmem:$0x17F40] =	vst v63  }
0x24: {  	_ =	swait.ge [sflag:s20], $0x1000  }
0x25: {  	[sflag:s20] =	ssyncset.done $0x0  }
0x26: {  	s30 =	rddreg [dreg:$0x4];
	[sflag:s20] =	ssyncadd.s32 $0xFFFFF000  }
0x27: {  	[spmem:s30] =	stream.linear.scatter [tilespmem:s4], [sflag:$0x2], $0x1000, $0x38;
	[tilespmem:$0x17F40] =	vst v63  }
0x28: {  	_ =	swait.ge [sflag:s20], $0x1000  }
0x29: {  	[sflag:s20] =	ssyncset.done $0x0  }
0x2a: {  	s31 =	rddreg [dreg:$0x5];
	[sflag:s20] =	ssyncadd.s32 $0xFFFFF000  }
0x2b: {  	[spmem:s31] =	stream.linear.scatter [tilespmem:s4], [sflag:$0x2], $0x1000, $0x38;
	[tilespmem:$0x17F40] =	vst v63  }
0x2c: {  	_ =	swait.ge [sflag:s20], $0x1000  }
0x2d: {  	[sflag:s20] =	ssyncset.done $0x0  }
0x2e: {  	[sflag:s20] =	ssyncadd.s32 $0xFFFFF000  }
0x2f: {  	[spmem:s9] =	stream.linear.scatter [tilespmem:s4], [sflag:$0x2], $0x1000, $0x38;
	[tilespmem:$0x17F40] =	vst v63  }
0x30: {  	_ =	swait.ge [sflag:s20], $0x1000  }
0x31: {  	[sflag:s20] =	ssyncset.done $0x0  }
0x32: {  	[sflag:s20] =	ssyncadd.s32 $0xFFFFF000  }
0x33: {  	[spmem:s10] =	stream.linear.scatter [tilespmem:s4], [sflag:$0x2], $0x1000, $0x38;
	[tilespmem:$0x17F40] =	vst v63  }
0x34: {  	_ =	swait.ge [sflag:s20], $0x1000  }
0x35: {  	[sflag:s20] =	ssyncset.done $0x0  }
0x36: {  	[sflag:s20] =	ssyncadd.s32 $0xFFFFF000  }
0x37: {  	[spmem:s11] =	stream.linear.scatter [tilespmem:s4], [sflag:$0x2], $0x1000, $0x38;
	[tilespmem:$0x17F40] =	vst v63  }
0x38: {  	_ =	swait.ge [sflag:s20], $0x1000  }
0x39: {  	[sflag:s20] =	ssyncset.done $0x0  }
0x3a: {  	[sflag:s20] =	ssyncadd.s32 $0xFFFFF000  }
0x3b: {  	[spmem:s12] =	stream.linear.scatter [tilespmem:s4], [sflag:$0x2], $0x1000, $0x38;
	[tilespmem:$0x17F40] =	vst v63  }
0x3c: {  	_ =	swait.ge [sflag:s20], $0x1000  }
0x3d: {  	[sflag:s20] =	ssyncset.done $0x0  }
0x3e: {  	[sflag:s20] =	ssyncadd.s32 $0xFFFFF000  }
0x3f: {  	[spmem:s13] =	stream.linear.scatter [tilespmem:s4], [sflag:$0x2], $0x1000, $0x38;
	[tilespmem:$0x17F40] =	vst v63  }
0x40: {  	_ =	swait.ge [sflag:s20], $0x1000  }
0x41: {  	[sflag:s20] =	ssyncset.done $0x0  }
0x42: {  	[sflag:s20] =	ssyncadd.s32 $0xFFFFF000  }
0x43: {  	[spmem:s14] =	stream.linear.scatter [tilespmem:s4], [sflag:$0x2], $0x1000, $0x38;
	[tilespmem:$0x17F40] =	vst v63  }
0x44: {  	_ =	swait.ge [sflag:s20], $0x1000  }
0x45: {  	[sflag:s20] =	ssyncset.done $0x0  }
0x46: {  	[sflag:s20] =	ssyncadd.s32 $0xFFFFF000  }
0x47: {  	[spmem:s15] =	stream.linear.scatter [tilespmem:s4], [sflag:$0x2], $0x1000, $0x38;
	[tilespmem:$0x17F40] =	vst v63  }
0x48: {  	_ =	swait.ge [sflag:s20], $0x1000  }
0x49: {  	[sflag:s20] =	ssyncset.done $0x0  }
0x4a: {  	s0 =	simm.s32 @!p0 $0x0;
	[sflag:s20] =	ssyncadd.s32 $0xFFFFF000  }
0x4b: {  	[spmem:s16] =	stream.linear.scatter @!p0 [tilespmem:s0], [sflag:$0x2], $0x400, $0x38;
	[tilespmem:$0x17F40] =	vst v63  }
0x4c: {  	s0 =	simm.s32 @!p0 $0x2  }
0x4d: {  	_ =	swait.ge @!p0 [sflag:s0], $0x400  }
0x4e: {  	[sflag:s0] =	ssyncset.done @!p0 $0x0  }
0x4f: {  	[sflag:s0] =	ssyncadd.s32 @!p0 $0xFFFFFC00  }
0x50: {  	s29 =	simm.s32 $0x0;
	[bflag:$0x0] =	sbarrier.arrive $0xFFFF  }
.LBB2_4:
0x51: {  	s0 =	sadd.s32 s17, s29  }
0x52: {  	s0 =	smul.u32 $0x96, s0;
	_ =	sdelay $0x1  }
0x53: {  	s0 =	sadd.s32 s5, s0  }
0x54: {  	[tilespmem:s21], [sflag:$0x2] =	stream.linear.gather [hbm4b:s0+s28], $0x4B0, $0x38;
	[tilespmem:$0x17F40] =	vst v63  }
0x55: {  	_ =	swait.ge [sflag:s20], $0x4B0  }
0x56: {  	[sflag:s20] =	ssyncset.done $0x0  }
0x57: {  	[sflag:s20] =	ssyncadd.s32 $0xFFFFFB50  }
0x58: {  	[tilespmem:s23], [sflag:$0x1] =	stream.indirect.gather [hbm4b:s1+s22], $0x80, s21, s22, $0xb8;
	[tilespmem:$0x17F40] =	vst v63  }
0x59: {  	_ =	swait.ge [sflag:s24], $0xC800  }
0x5a: {  	[sflag:s24] =	ssyncset.done $0x0  }
0x5b: {  	s0 =	simm.s32 $0x0;
	[sflag:s24] =	ssyncadd.s32 $0xFFFF3800  }
0x5c: {  	v2 =	vld [tilespmem:s0+$0xD990]  }
0x5d: {  	s3 =	simm.s32 $0x40  }
.LBB2_5:
0x5e: {  	p1 =	sne.s32 s3, $0x600  }
.Ltmp1:
0x5f: {  	_ = 	snop;
	(pc) =	sbr.rel @p1 .LBB2_5-.Ltmp1, $4  }
0x60: {  	_ = 	snop  }
0x61: {  	s7 =	sshra.s32 s3, $0x2;
	s3 =	sadd.s32 $0x40, s3;
	v3 =	vsub.s32 v2, v0  }
0x62: {  	v2 =	vld [tilespmem:s7+$0xD990];
	v3 =	vmin.u32 v3, $0x1400  }
0x63: {  	[tilespmem:s0+$0xDD00] =	vst v3;
	s0 =	smov.u32 s7  }
0x64: {  	s30 =	simm.s32 $0x320  }
0x65: {  	v3 =	vmov s30  }
0x66: {  	v3 =	vand.u32 $0xFFFFFFF8, v3  }
0x67: {  	v3 =	vbroadcast v3, $0x0;
	_ =	sdelay $0x1  }
0x68: {  	v2 =	vsub.s32 v2, v0  }
0x69: {  	v2 =	vmin.u32 v2, $0x1400  }
0x6a: {  	s31 =	simm.s32 $0x1200;
	[tilespmem:s0+$0xDD00] =	vst v2  }
0x6b: {  	v4 =	vld [tilespmem:s31+$0xFFFFFE70]  }
0x6c: {  	v3 =	vld.idx.msk [tilespmem:v3+s21+$0x0], $0xffff  }
0x6d: {  	v5 =	vld [tilespmem:s31+$0xFFFFFE00]  }
0x6e: {  	v6 =	vld [tilespmem:s31+$0xFFFFFE20]  }
0x6f: {  	v7 =	vld [tilespmem:s31+$0xFFFFFE30]  }
0x70: {  	v2 =	vld [tilespmem:s31+$0xFFFFFE50]  }
0x71: {  	v9 =	vld [tilespmem:s31+$0xFFFFFE10];
	v4 =	vmul.f32 v3, v4  }
0x72: {  	s8 =	simm.s32 $0x321;
	v8 =	vld [tilespmem:s31+$0xFFFFFE60];
	v5 =	vmul.f32 v3, v5  }
0x73: {  	v10 =	vld [tilespmem:s31+$0xFFFFFE40];
	v6 =	vmul.f32 v3, v6;
	[tilespmem:s31+$0xFFFFFE70] =	vst v4;
	v4 =	vmov s8  }
0x74: {  	v7 =	vmul.f32 v3, v7;
	[tilespmem:s31+$0xFFFFFE00] =	vst v5;
	v4 =	vand.u32 $0xFFFFFFF9, v4  }
0x75: {  	v2 =	vmul.f32 v3, v2;
	[tilespmem:s31+$0xFFFFFE20] =	vst v6;
	v4 =	vbroadcast v4, $0x0  }
0x76: {  	v5 =	vmul.f32 v3, v9;
	[tilespmem:s31+$0xFFFFFE30] =	vst v7  }
0x77: {  	v6 =	vmul.f32 v3, v8;
	[tilespmem:s31+$0xFFFFFE50] =	vst v2  }
0x78: {  	v2 =	vmul.f32 v3, v10;
	[tilespmem:s31+$0xFFFFFE10] =	vst v5  }
0x79: {  	[tilespmem:s31+$0xFFFFFE60] =	vst v6  }
0x7a: {  	[tilespmem:s31+$0xFFFFFE40] =	vst v2  }
0x7b: {  	v2 =	vld.idx.msk [tilespmem:v4+s21+$0x0], $0xffff  }
0x7c: {  	v4 =	vld [tilespmem:s31+$0xFFFFFE90]  }
0x7d: {  	v5 =	vld [tilespmem:s31+$0xFFFFFEC0]  }
0x7e: {  	v6 =	vld [tilespmem:s31+$0xFFFFFE80]  }
0x7f: {  	v7 =	vld [tilespmem:s31+$0xFFFFFED0]  }
0x80: {  	v3 =	vld [tilespmem:s31+$0xFFFFFEF0]  }
0x81: {  	v8 =	vld [tilespmem:s31+$0xFFFFFEE0];
	v4 =	vmul.f32 v2, v4  }
0x82: {  	s3 =	simm.s32 $0x322;
	v9 =	vld [tilespmem:s31+$0xFFFFFEB0];
	v5 =	vmul.f32 v2, v5  }
0x83: {  	v10 =	vld [tilespmem:s31+$0xFFFFFEA0];
	v6 =	vmul.f32 v2, v6;
	[tilespmem:s31+$0xFFFFFE90] =	vst v4;
	v4 =	vmov s3  }
0x84: {  	v7 =	vmul.f32 v2, v7;
	[tilespmem:s31+$0xFFFFFEC0] =	vst v5;
	v4 =	vand.u32 $0xFFFFFFFA, v4  }
0x85: {  	v3 =	vmul.f32 v2, v3;
	[tilespmem:s31+$0xFFFFFE80] =	vst v6;
	v4 =	vbroadcast v4, $0x0  }
0x86: {  	v5 =	vmul.f32 v2, v8;
	[tilespmem:s31+$0xFFFFFED0] =	vst v7  }
0x87: {  	v6 =	vmul.f32 v2, v9;
	[tilespmem:s31+$0xFFFFFEF0] =	vst v3  }
0x88: {  	v2 =	vmul.f32 v2, v10;
	[tilespmem:s31+$0xFFFFFEE0] =	vst v5  }
0x89: {  	[tilespmem:s31+$0xFFFFFEB0] =	vst v6  }
0x8a: {  	v3 =	vld [tilespmem:s31+$0xFFFFFF00];
	[tilespmem:s31+$0xFFFFFEA0] =	vst v2  }
0x8b: {  	v2 =	vld.idx.msk [tilespmem:v4+s21+$0x0], $0xffff  }
0x8c: {  	v4 =	vld [tilespmem:s31+$0xFFFFFF60]  }
0x8d: {  	v5 =	vld [tilespmem:s31+$0xFFFFFF10]  }
0x8e: {  	v6 =	vld [tilespmem:s31+$0xFFFFFF50]  }
0x8f: {  	v7 =	vld [tilespmem:s31+$0xFFFFFF70]  }
0x90: {  	v8 =	vld [tilespmem:s31+$0xFFFFFF20];
	v3 =	vmul.f32 v2, v3  }
0x91: {  	s7 =	simm.s32 $0x323;
	v9 =	vld [tilespmem:s31+$0xFFFFFF30];
	v4 =	vmul.f32 v2, v4  }
0x92: {  	v10 =	vld [tilespmem:s31+$0xFFFFFF40];
	v5 =	vmul.f32 v2, v5;
	[tilespmem:s31+$0xFFFFFF00] =	vst v3;
	v3 =	vmov s7  }
0x93: {  	v6 =	vmul.f32 v2, v6;
	[tilespmem:s31+$0xFFFFFF60] =	vst v4;
	v3 =	vand.u32 $0xFFFFFFFB, v3  }
0x94: {  	v4 =	vmul.f32 v2, v7;
	[tilespmem:s31+$0xFFFFFF10] =	vst v5;
	v3 =	vbroadcast v3, $0x0  }
0x95: {  	v5 =	vmul.f32 v2, v8;
	[tilespmem:s31+$0xFFFFFF50] =	vst v6  }
0x96: {  	v6 =	vmul.f32 v2, v9;
	[tilespmem:s31+$0xFFFFFF70] =	vst v4  }
0x97: {  	v2 =	vmul.f32 v2, v10;
	[tilespmem:s31+$0xFFFFFF20] =	vst v5  }
0x98: {  	[tilespmem:s31+$0xFFFFFF30] =	vst v6  }
0x99: {  	[tilespmem:s31+$0xFFFFFF40] =	vst v2  }
0x9a: {  	v2 =	vld.idx.msk [tilespmem:v3+s21+$0x0], $0xffff  }
0x9b: {  	v3 =	vld [tilespmem:s31+$0xFFFFFFB0]  }
0x9c: {  	v5 =	vld [tilespmem:s31+$0xFFFFFFE0]  }
0x9d: {  	v6 =	vld [tilespmem:s31+$0xFFFFFF80]  }
0x9e: {  	v7 =	vld [tilespmem:s31+$0xFFFFFFD0]  }
0x9f: {  	v4 =	vld [tilespmem:s31+$0xFFFFFFF0]  }
0xa0: {  	v9 =	vld [tilespmem:s31+$0xFFFFFFA0];
	v3 =	vmul.f32 v2, v3  }
0xa1: {  	s8 =	simm.s32 $0x324;
	v8 =	vld [tilespmem:s31+$0xFFFFFF90];
	v5 =	vmul.f32 v2, v5  }
0xa2: {  	v10 =	vld [tilespmem:s31+$0xFFFFFFC0];
	v6 =	vmul.f32 v2, v6;
	[tilespmem:s31+$0xFFFFFFB0] =	vst v3;
	v3 =	vmov s8  }
0xa3: {  	v7 =	vmul.f32 v2, v7;
	[tilespmem:s31+$0xFFFFFFE0] =	vst v5;
	v3 =	vand.u32 $0xFFFFFFFC, v3  }
0xa4: {  	v4 =	vmul.f32 v2, v4;
	[tilespmem:s31+$0xFFFFFF80] =	vst v6;
	v3 =	vbroadcast v3, $0x0  }
0xa5: {  	v11 =	vld [tilespmem:s31+$0x40];
	v5 =	vmul.f32 v2, v9;
	[tilespmem:s31+$0xFFFFFFD0] =	vst v7  }
0xa6: {  	v6 =	vmul.f32 v2, v8;
	[tilespmem:s31+$0xFFFFFFF0] =	vst v4;
	v9 =	vld [tilespmem:s31+$0x0]  }
0xa7: {  	v4 =	vmul.f32 v2, v10;
	v2 =	vld [tilespmem:s31+$0x70];
	[tilespmem:s31+$0xFFFFFFA0] =	vst v5  }
0xa8: {  	v8 =	vld [tilespmem:s31+$0x20];
	[tilespmem:s31+$0xFFFFFF90] =	vst v6  }
0xa9: {  	v7 =	vld [tilespmem:s31+$0x30];
	[tilespmem:s31+$0xFFFFFFC0] =	vst v4  }
0xaa: {  	v3 =	vld.idx.msk [tilespmem:v3+s21+$0x0], $0xffff  }
0xab: {  	v4 =	vld [tilespmem:s31+$0x50]  }
0xac: {  	v6 =	vld [tilespmem:s31+$0x10]  }
0xad: {  	v5 =	vld [tilespmem:s31+$0x60];
	_ =	sdelay $0x1  }
0xae: {  	s0 =	simm.s32 $0x1200;
	s3 =	simm.s32 $0x328;
	v10 =	vmul.f32 v3, v9;
	v9 =	vmul.f32 v3, v11  }
.LBB2_7:
0xaf: {  	p1 =	sne.s32 s3, $0x4A8;
	v8 =	vmul.f32 v3, v8;
	v7 =	vmul.f32 v3, v7;
	s7 =	sadd.s32 $0x5, s30;
	s31 =	sadd.s32 $0x400, s31  }
0xb0: {  	v4 =	vmul.f32 v3, v4;
	[tilespmem:s0+$0x0] =	vst v10;
	v6 =	vmul.f32 v3, v6;
	v10 =	vmov s7;
	s7 =	smov.u32 s3;
	s3 =	sadd.s32 $0x8, s3  }
0xb1: {  	v2 =	vmul.f32 v3, v2;
	[tilespmem:s0+$0x40] =	vst v9;
	v5 =	vmul.f32 v3, v5;
	v3 =	vand.u32 $0xFFFFFFFD, v10  }
0xb2: {  	[tilespmem:s0+$0x20] =	vst v8;
	v3 =	vbroadcast v3, $0x0  }
0xb3: {  	[tilespmem:s0+$0x50] =	vst v4  }
0xb4: {  	[tilespmem:s0+$0x70] =	vst v2;
	v2 =	vld [tilespmem:s0+$0xA0]  }
0xb5: {  	[tilespmem:s0+$0x30] =	vst v7;
	v4 =	vld [tilespmem:s0+$0x80]  }
0xb6: {  	[tilespmem:s0+$0x60] =	vst v5;
	v5 =	vld [tilespmem:s0+$0xD0]  }
0xb7: {  	[tilespmem:s0+$0x10] =	vst v6;
	v6 =	vld [tilespmem:s0+$0xF0]  }
0xb8: {  	v3 =	vld.idx.msk [tilespmem:v3+s21+$0x0], $0xffff  }
0xb9: {  	v7 =	vld [tilespmem:s0+$0xC0]  }
0xba: {  	v8 =	vld [tilespmem:s0+$0xB0]  }
0xbb: {  	v9 =	vld [tilespmem:s0+$0x90]  }
0xbc: {  	v10 =	vld [tilespmem:s0+$0xE0];
	_ =	sdelay $0x1  }
0xbd: {  	v4 =	vmul.f32 v3, v4;
	v7 =	vmul.f32 v3, v7  }
0xbe: {  	s8 =	sadd.s32 $0x6, s30;
	v2 =	vmul.f32 v3, v2;
	v8 =	vmul.f32 v3, v8  }
0xbf: {  	v5 =	vmul.f32 v3, v5;
	[tilespmem:s0+$0x80] =	vst v4;
	v4 =	vmul.f32 v3, v9;
	v9 =	vmov s8  }
0xc0: {  	[tilespmem:s0+$0xA0] =	vst v2;
	v2 =	vmul.f32 v3, v10;
	v3 =	vmul.f32 v3, v6;
	v6 =	vand.u32 $0xFFFFFFFE, v9  }
0xc1: {  	[tilespmem:s0+$0xD0] =	vst v5;
	v5 =	vbroadcast v6, $0x0  }
0xc2: {  	[tilespmem:s0+$0xC0] =	vst v7  }
0xc3: {  	[tilespmem:s0+$0xF0] =	vst v3;
	v3 =	vld [tilespmem:s0+$0x120]  }
0xc4: {  	[tilespmem:s0+$0xB0] =	vst v8;
	v6 =	vld [tilespmem:s0+$0x100]  }
0xc5: {  	[tilespmem:s0+$0x90] =	vst v4;
	v4 =	vld [tilespmem:s0+$0x140]  }
0xc6: {  	[tilespmem:s0+$0xE0] =	vst v2;
	v2 =	vld [tilespmem:s0+$0x130]  }
0xc7: {  	v5 =	vld.idx.msk [tilespmem:v5+s21+$0x0], $0xffff  }
0xc8: {  	v7 =	vld [tilespmem:s0+$0x110]  }
0xc9: {  	v8 =	vld [tilespmem:s0+$0x160]  }
0xca: {  	v9 =	vld [tilespmem:s0+$0x150]  }
0xcb: {  	v10 =	vld [tilespmem:s0+$0x170];
	_ =	sdelay $0x1  }
0xcc: {  	v6 =	vmul.f32 v5, v6;
	v7 =	vmul.f32 v5, v7  }
0xcd: {  	v3 =	vmul.f32 v5, v3;
	v2 =	vmul.f32 v5, v2  }
0xce: {  	v4 =	vmul.f32 v5, v4;
	[tilespmem:s0+$0x100] =	vst v6;
	v6 =	vmul.f32 v5, v9  }
0xcf: {  	[tilespmem:s0+$0x120] =	vst v3;
	v3 =	vmul.f32 v5, v8;
	v5 =	vmul.f32 v5, v10  }
0xd0: {  	s8 =	sadd.s32 $0x7, s30;
	s30 =	smov.u32 s7;
	[tilespmem:s0+$0x130] =	vst v2  }
0xd1: {  	v2 =	vmov s8;
	[tilespmem:s0+$0x140] =	vst v4  }
0xd2: {  	[tilespmem:s0+$0x160] =	vst v3;
	v3 =	vld [tilespmem:s0+$0x180]  }
0xd3: {  	[tilespmem:s0+$0x110] =	vst v7;
	v4 =	vld [tilespmem:s0+$0x1D0]  }
0xd4: {  	[tilespmem:s0+$0x150] =	vst v6;
	v6 =	vld [tilespmem:s0+$0x190]  }
0xd5: {  	[tilespmem:s0+$0x170] =	vst v5;
	v5 =	vld [tilespmem:s0+$0x1F0]  }
0xd6: {  	v2 =	vld.idx.msk [tilespmem:v2+s21+$0x0], $0xffff  }
0xd7: {  	v7 =	vld [tilespmem:s0+$0x1B0]  }
0xd8: {  	v8 =	vld [tilespmem:s0+$0x1A0]  }
0xd9: {  	v9 =	vld [tilespmem:s0+$0x1C0]  }
0xda: {  	v10 =	vld [tilespmem:s0+$0x1E0];
	_ =	sdelay $0x1  }
0xdb: {  	v3 =	vmul.f32 v2, v3;
	v6 =	vmul.f32 v2, v6  }
0xdc: {  	v7 =	vmul.f32 v2, v7;
	v8 =	vmul.f32 v2, v8  }
0xdd: {  	v11 =	vmov s30;
	v4 =	vmul.f32 v2, v4;
	[tilespmem:s0+$0x180] =	vst v3;
	v3 =	vmul.f32 v2, v9  }
0xde: {  	v9 =	vand.u32 $0xFFFFFFF8, v11;
	[tilespmem:s0+$0x190] =	vst v6;
	v6 =	vmul.f32 v2, v10;
	v2 =	vmul.f32 v2, v5  }
0xdf: {  	v5 =	vbroadcast v9, $0x0;
	[tilespmem:s0+$0x1D0] =	vst v4  }
0xe0: {  	[tilespmem:s0+$0x1A0] =	vst v8  }
0xe1: {  	v4 =	vld [tilespmem:s31+$0xFFFFFE50];
	[tilespmem:s0+$0x1F0] =	vst v2  }
0xe2: {  	v2 =	vld [tilespmem:s31+$0xFFFFFE30];
	[tilespmem:s0+$0x1B0] =	vst v7  }
0xe3: {  	v7 =	vld [tilespmem:s31+$0xFFFFFE60];
	[tilespmem:s0+$0x1E0] =	vst v6  }
0xe4: {  	v6 =	vld [tilespmem:s31+$0xFFFFFE70];
	[tilespmem:s0+$0x1C0] =	vst v3;
	s0 =	smov.u32 s31  }
0xe5: {  	v3 =	vld.idx.msk [tilespmem:v5+s21+$0x0], $0xffff  }
0xe6: {  	v5 =	vld [tilespmem:s31+$0xFFFFFE00]  }
0xe7: {  	v8 =	vld [tilespmem:s31+$0xFFFFFE20]  }
0xe8: {  	v9 =	vld [tilespmem:s31+$0xFFFFFE10]  }
0xe9: {  	v10 =	vld [tilespmem:s31+$0xFFFFFE40];
	_ =	sdelay $0x1  }
0xea: {  	v6 =	vmul.f32 v3, v6;
	v5 =	vmul.f32 v3, v5  }
0xeb: {  	s7 =	sadd.s32 $0x1, s30;
	v7 =	vmul.f32 v3, v7;
	v8 =	vmul.f32 v3, v8  }
0xec: {  	v2 =	vmul.f32 v3, v2;
	v9 =	vmul.f32 v3, v9;
	[tilespmem:s31+$0xFFFFFE70] =	vst v6;
	v6 =	vmov s7  }
0xed: {  	[tilespmem:s31+$0xFFFFFE00] =	vst v5;
	v5 =	vmul.f32 v3, v10;
	v3 =	vmul.f32 v3, v4;
	v4 =	vand.u32 $0xFFFFFFF9, v6  }
0xee: {  	[tilespmem:s31+$0xFFFFFE20] =	vst v8;
	v4 =	vbroadcast v4, $0x0  }
0xef: {  	[tilespmem:s31+$0xFFFFFE30] =	vst v2  }
0xf0: {  	[tilespmem:s31+$0xFFFFFE50] =	vst v3;
	v2 =	vld [tilespmem:s31+$0xFFFFFEF0]  }
0xf1: {  	[tilespmem:s31+$0xFFFFFE10] =	vst v9;
	v3 =	vld [tilespmem:s31+$0xFFFFFED0]  }
0xf2: {  	[tilespmem:s31+$0xFFFFFE60] =	vst v7;
	v6 =	vld [tilespmem:s31+$0xFFFFFEB0]  }
0xf3: {  	[tilespmem:s31+$0xFFFFFE40] =	vst v5;
	v5 =	vld [tilespmem:s31+$0xFFFFFEC0]  }
0xf4: {  	v4 =	vld.idx.msk [tilespmem:v4+s21+$0x0], $0xffff  }
0xf5: {  	v7 =	vld [tilespmem:s31+$0xFFFFFE90]  }
0xf6: {  	v8 =	vld [tilespmem:s31+$0xFFFFFE80]  }
0xf7: {  	v9 =	vld [tilespmem:s31+$0xFFFFFEA0]  }
0xf8: {  	v10 =	vld [tilespmem:s31+$0xFFFFFEE0];
	_ =	sdelay $0x1  }
0xf9: {  	v5 =	vmul.f32 v4, v5;
	v7 =	vmul.f32 v4, v7  }
0xfa: {  	s7 =	sadd.s32 $0x2, s30;
	v6 =	vmul.f32 v4, v6;
	v8 =	vmul.f32 v4, v8  }
0xfb: {  	v3 =	vmul.f32 v4, v3;
	[tilespmem:s31+$0xFFFFFE90] =	vst v7;
	v7 =	vmul.f32 v4, v9;
	v9 =	vmov s7  }
0xfc: {  	v2 =	vmul.f32 v4, v2;
	[tilespmem:s31+$0xFFFFFEC0] =	vst v5;
	v5 =	vmul.f32 v4, v10;
	v4 =	vand.u32 $0xFFFFFFFA, v9  }
0xfd: {  	[tilespmem:s31+$0xFFFFFE80] =	vst v8;
	v4 =	vbroadcast v4, $0x0  }
0xfe: {  	[tilespmem:s31+$0xFFFFFED0] =	vst v3  }
0xff: {  	[tilespmem:s31+$0xFFFFFEE0] =	vst v5;
	v3 =	vld [tilespmem:s31+$0xFFFFFF70]  }
0x100: {  	[tilespmem:s31+$0xFFFFFEB0] =	vst v6;
	v5 =	vld [tilespmem:s31+$0xFFFFFF50]  }
0x101: {  	[tilespmem:s31+$0xFFFFFEF0] =	vst v2;
	v2 =	vld [tilespmem:s31+$0xFFFFFF20]  }
0x102: {  	[tilespmem:s31+$0xFFFFFEA0] =	vst v7;
	v6 =	vld [tilespmem:s31+$0xFFFFFF60]  }
0x103: {  	v4 =	vld.idx.msk [tilespmem:v4+s21+$0x0], $0xffff  }
0x104: {  	v7 =	vld [tilespmem:s31+$0xFFFFFF00]  }
0x105: {  	v8 =	vld [tilespmem:s31+$0xFFFFFF10]  }
0x106: {  	v9 =	vld [tilespmem:s31+$0xFFFFFF40]  }
0x107: {  	v10 =	vld [tilespmem:s31+$0xFFFFFF30];
	_ =	sdelay $0x1  }
0x108: {  	v6 =	vmul.f32 v4, v6;
	v7 =	vmul.f32 v4, v7  }
0x109: {  	s7 =	sadd.s32 $0x3, s30;
	v2 =	vmul.f32 v4, v2;
	v8 =	vmul.f32 v4, v8  }
0x10a: {  	v5 =	vmul.f32 v4, v5;
	[tilespmem:s31+$0xFFFFFF00] =	vst v7;
	v7 =	vmul.f32 v4, v9;
	v9 =	vmov s7  }
0x10b: {  	v3 =	vmul.f32 v4, v3;
	v10 =	vmul.f32 v4, v10;
	[tilespmem:s31+$0xFFFFFF60] =	vst v6;
	v4 =	vand.u32 $0xFFFFFFFB, v9  }
0x10c: {  	[tilespmem:s31+$0xFFFFFF10] =	vst v8;
	v4 =	vbroadcast v4, $0x0  }
0x10d: {  	[tilespmem:s31+$0xFFFFFF50] =	vst v5  }
0x10e: {  	[tilespmem:s31+$0xFFFFFF70] =	vst v3;
	v3 =	vld [tilespmem:s31+$0xFFFFFFF0]  }
0x10f: {  	[tilespmem:s31+$0xFFFFFF20] =	vst v2;
	v2 =	vld [tilespmem:s31+$0xFFFFFFD0]  }
0x110: {  	[tilespmem:s31+$0xFFFFFF30] =	vst v10;
	v5 =	vld [tilespmem:s31+$0xFFFFFF90]  }
0x111: {  	[tilespmem:s31+$0xFFFFFF40] =	vst v7;
	v6 =	vld [tilespmem:s31+$0xFFFFFFE0]  }
0x112: {  	v4 =	vld.idx.msk [tilespmem:v4+s21+$0x0], $0xffff  }
0x113: {  	v7 =	vld [tilespmem:s31+$0xFFFFFFB0]  }
0x114: {  	v8 =	vld [tilespmem:s31+$0xFFFFFF80]  }
0x115: {  	v9 =	vld [tilespmem:s31+$0xFFFFFFC0]  }
0x116: {  	v10 =	vld [tilespmem:s31+$0xFFFFFFA0];
	_ =	sdelay $0x1  }
0x117: {  	v6 =	vmul.f32 v4, v6;
	v7 =	vmul.f32 v4, v7  }
0x118: {  	s7 =	sadd.s32 $0x4, s30;
	v5 =	vmul.f32 v4, v5;
	v8 =	vmul.f32 v4, v8  }
0x119: {  	v2 =	vmul.f32 v4, v2;
	[tilespmem:s31+$0xFFFFFFB0] =	vst v7;
	v7 =	vmul.f32 v4, v9;
	v9 =	vmov s7  }
0x11a: {  	v3 =	vmul.f32 v4, v3;
	v10 =	vmul.f32 v4, v10;
	[tilespmem:s31+$0xFFFFFFE0] =	vst v6;
	v4 =	vand.u32 $0xFFFFFFFC, v9  }
0x11b: {  	[tilespmem:s31+$0xFFFFFF80] =	vst v8;
	v6 =	vbroadcast v4, $0x0  }
0x11c: {  	[tilespmem:s31+$0xFFFFFFD0] =	vst v2  }
0x11d: {  	[tilespmem:s31+$0xFFFFFFF0] =	vst v3;
	v9 =	vld [tilespmem:s31+$0x0]  }
0x11e: {  	[tilespmem:s31+$0xFFFFFFA0] =	vst v10;
	v2 =	vld [tilespmem:s31+$0x70]  }
0x11f: {  	[tilespmem:s31+$0xFFFFFF90] =	vst v5;
	v4 =	vld [tilespmem:s31+$0x50]  }
0x120: {  	[tilespmem:s31+$0xFFFFFFC0] =	vst v7;
	v8 =	vld [tilespmem:s31+$0x20]  }
0x121: {  	v3 =	vld.idx.msk [tilespmem:v6+s21+$0x0], $0xffff  }
0x122: {  	v11 =	vld [tilespmem:s31+$0x40]  }
.Ltmp2:
0x123: {  	v7 =	vld [tilespmem:s31+$0x30];
	(pc) =	sbr.rel @p1 .LBB2_7-.Ltmp2, $3  }
0x124: {  	v6 =	vld [tilespmem:s31+$0x10]  }
0x125: {  	v5 =	vld [tilespmem:s31+$0x60];
	_ =	sdelay $0x1  }
0x126: {  	v10 =	vmul.f32 v3, v9;
	v9 =	vmul.f32 v3, v11  }
0x127: {  	s3 =	sadd.s32 $0x5, s30  }
0x128: {  	v8 =	vmul.f32 v3, v8;
	[tilespmem:s0+$0x0] =	vst v10;
	v27 =	vmov s3  }
0x129: {  	v4 =	vmul.f32 v3, v4;
	[tilespmem:s0+$0x40] =	vst v9;
	v28 =	vand.u32 $0xFFFFFFFD, v27  }
0x12a: {  	v2 =	vmul.f32 v3, v2;
	[tilespmem:s0+$0x20] =	vst v8;
	v29 =	vbroadcast v28, $0x0  }
0x12b: {  	v7 =	vmul.f32 v3, v7;
	[tilespmem:s0+$0x50] =	vst v4  }
0x12c: {  	v30 =	vmul.f32 v3, v5;
	[tilespmem:s0+$0x70] =	vst v2  }
0x12d: {  	v2 =	vmul.f32 v3, v6;
	[tilespmem:s0+$0x30] =	vst v7  }
0x12e: {  	[tilespmem:s0+$0x60] =	vst v30  }
0x12f: {  	v3 =	vld [tilespmem:s0+$0x80];
	[tilespmem:s0+$0x10] =	vst v2  }
0x130: {  	v2 =	vld.idx.msk [tilespmem:v29+s21+$0x0], $0xffff  }
0x131: {  	v31 =	vld [tilespmem:s0+$0xA0]  }
0x132: {  	v32 =	vld [tilespmem:s0+$0xD0]  }
0x133: {  	v33 =	vld [tilespmem:s0+$0xC0]  }
0x134: {  	v34 =	vld [tilespmem:s0+$0xF0]  }
0x135: {  	v35 =	vld [tilespmem:s0+$0xB0];
	v3 =	vmul.f32 v2, v3  }
0x136: {  	v36 =	vld [tilespmem:s0+$0x90];
	s8 =	sadd.s32 $0x6, s30;
	v4 =	vmul.f32 v2, v31  }
0x137: {  	v37 =	vld [tilespmem:s0+$0xE0];
	v38 =	vmov s8;
	[tilespmem:s0+$0x80] =	vst v3;
	v3 =	vmul.f32 v2, v32  }
0x138: {  	v39 =	vand.u32 $0xFFFFFFFE, v38;
	v6 =	vmul.f32 v2, v33;
	[tilespmem:s0+$0xA0] =	vst v4  }
0x139: {  	v40 =	vmul.f32 v2, v34;
	[tilespmem:s0+$0xD0] =	vst v3;
	v3 =	vbroadcast v39, $0x0  }
0x13a: {  	v41 =	vmul.f32 v2, v35;
	[tilespmem:s0+$0xC0] =	vst v6  }
0x13b: {  	v42 =	vmul.f32 v2, v36;
	[tilespmem:s0+$0xF0] =	vst v40  }
0x13c: {  	v2 =	vmul.f32 v2, v37;
	[tilespmem:s0+$0xB0] =	vst v41  }
0x13d: {  	[tilespmem:s0+$0x90] =	vst v42  }
0x13e: {  	v43 =	vld [tilespmem:s0+$0x100];
	[tilespmem:s0+$0xE0] =	vst v2  }
0x13f: {  	v2 =	vld.idx.msk [tilespmem:v3+s21+$0x0], $0xffff  }
0x140: {  	v3 =	vld [tilespmem:s0+$0x120]  }
0x141: {  	v44 =	vld [tilespmem:s0+$0x130]  }
0x142: {  	v45 =	vld [tilespmem:s0+$0x140]  }
0x143: {  	v47 =	vld [tilespmem:s0+$0x110]  }
0x144: {  	v48 =	vld [tilespmem:s0+$0x150];
	v4 =	vmul.f32 v2, v43  }
0x145: {  	v46 =	vld [tilespmem:s0+$0x160];
	v3 =	vmul.f32 v2, v3  }
0x146: {  	v49 =	vld [tilespmem:s0+$0x170];
	v5 =	vmul.f32 v2, v44;
	[tilespmem:s0+$0x100] =	vst v4  }
0x147: {  	v50 =	vmul.f32 v2, v45;
	[tilespmem:s0+$0x120] =	vst v3  }
0x148: {  	s31 =	sadd.s32 $0x7, s30;
	v51 =	vmul.f32 v2, v47;
	[tilespmem:s0+$0x130] =	vst v5  }
0x149: {  	v52 =	vmov s31;
	v53 =	vmul.f32 v2, v48;
	[tilespmem:s0+$0x140] =	vst v50  }
0x14a: {  	v3 =	vmul.f32 v2, v46;
	[tilespmem:s0+$0x110] =	vst v51  }
0x14b: {  	v2 =	vmul.f32 v2, v49;
	[tilespmem:s0+$0x150] =	vst v53  }
0x14c: {  	[tilespmem:s0+$0x160] =	vst v3  }
0x14d: {  	v3 =	vld [tilespmem:s0+$0x180];
	[tilespmem:s0+$0x170] =	vst v2  }
0x14e: {  	v2 =	vld.idx.msk [tilespmem:v52+s21+$0x0], $0xffff  }
0x14f: {  	v54 =	vld [tilespmem:s0+$0x190]  }
0x150: {  	v56 =	vld [tilespmem:s0+$0x1A0]  }
0x151: {  	v57 =	vld [tilespmem:s0+$0x1F0]  }
0x152: {  	v55 =	vld [tilespmem:s0+$0x1D0]  }
0x153: {  	v59 =	vld [tilespmem:s0+$0x1E0];
	v3 =	vmul.f32 v2, v3  }
0x154: {  	v58 =	vld [tilespmem:s0+$0x1B0];
	v5 =	vmul.f32 v2, v54  }
0x155: {  	v60 =	vld [tilespmem:s0+$0x1C0];
	v61 =	vmul.f32 v2, v56;
	[tilespmem:s0+$0x180] =	vst v3  }
0x156: {  	v62 =	vmul.f32 v2, v57;
	[tilespmem:s0+$0x190] =	vst v5  }
0x157: {  	v3 =	vmul.f32 v2, v55;
	[tilespmem:s0+$0x1A0] =	vst v61  }
0x158: {  	v63 =	vmul.f32 v2, v59;
	[tilespmem:s0+$0x1F0] =	vst v62  }
0x159: {  	[tilespmem:s0+$0x1D0] =	vst v3;
	v3 =	vmul.f32 v2, v58  }
0x15a: {  	s29 =	sadd.s32 $0x1, s29;
	[tilespmem:s0+$0x1E0] =	vst v63;
	v2 =	vmul.f32 v2, v60  }
0x15b: {  	p1 =	sne.s32 s29, $0x32;
	[tilespmem:s0+$0x1B0] =	vst v3  }
.Ltmp3:
0x15c: {  	[tilespmem:s0+$0x1C0] =	vst v2;
	(pc) =	sbr.rel @p1 .LBB2_4-.Ltmp3, $4  }
0x15d: {  	[spmem:s2] =	stream.indirect.scatter.add.f32 [tilespmem:s23], [sflag:$0x2], $0x80, s25, s22, $0xb8;
	[tilespmem:$0x17F40] =	vst v63  }
0x15e: {  	_ =	swait.ge [sflag:s20], $0xC800  }
0x15f: {  	[sflag:s20] =	ssyncset.done $0x0  }
0x160: {  	[sflag:s20] =	ssyncadd.s32 $0xFFFF3800  }
0x161: {  	s0 =	stileid.u32;
	s26 =	sadd.s32 $0x1, s26  }
0x162: {  	[bflag:$0x0] =	sbarrier.arrive $0xFFFF;
	s0 =	sshll.u32 s0, $0x6;
	p1 =	sne.s32 s26, s19  }
.Ltmp4:
0x163: {  	s3 =	sshrl.u32 s6, $0x3;
	s0 =	sor.u32 $0x1C02, s0;
	(pc) =	sbr.rel @p1 .LBB2_1-.Ltmp4, $4  }
0x164: {  	[hbm:s18], [sflag:s0] =	dma.local [spmem:s3], $0x1400  }
0x165: {  	_ =	swait.ge [sflag:s20], $0x1400  }
0x166: {  	[sflag:s20] =	ssyncset.done $0x0  }
0x167: {  	[sflag:s20] =	ssyncadd.s32 $0xFFFFEC00  }
0x168: {  	_ =	sfence.sel $0x180000  }
0x169: {  	[bflag:$0x0] =	sbarrier.arrive $0xFFFF  }
0x16a: {  	_ =	strace $0x9000004D  }
0x16b: {  	[bflag:$0x2] =	sbarrier.arrive $0xFFFF  }
0x16c: {  	s0 =	rddreg [dreg:$0x3]  }
0x16d: {  	s0 =	sadd.s32 @!p0 $0x100000, s0  }
0x16e: {  	[sflag:s0] =	ssyncadd.tile.s32 @!p0 $0x1;
	_ =	shalt  }
.Lfunc_end2:
_tile_overlayer_lowered:
.L_overlay_start_2:
0x16f: {  	(tag) =	ssettag $0x2  }
0x170: {  	s0 =	rddreg [dreg:$0x0];
	s2 =	stileid.u32  }
0x171: {  	s1 =	rddreg [dreg:$0x1];
	p0 =	sne.s32 s2, $0x0  }
0x172: {  	s3 =	rddreg [dreg:$0x2];
	[bflag:$0x3] =	sbarrier.arrive $0xFFFF;
	s2 =	simm.s32 @!p0 $0x1C02  }
0x173: {  	[timem:s3], [sflag:s2] =	dma.local @!p0 [hbm:s0], s1  }
0x174: {  	s0 =	simm.s32 @!p0 $0x2  }
0x175: {  	_ =	swait.ge @!p0 [sflag:s0], s1  }
0x176: {  	s1 =	ssub.s32 @!p0 $0x0, s1;
	[sflag:s0] =	ssyncset.done @!p0 $0x0  }
0x177: {  	[sflag:s0] =	ssyncadd.s32 @!p0 s1  }
0x178: {  	[bflag:$0x3] =	sbarrier.arrive $0xFFFF  }
0x179: {  	_ =	shalt  }

// kernel: kernel.19.cloned.1.call-start
scs
__scs_entry_jumppad:
0x0: {  	(pc) =	sbr.rel $0x88, $3  }
0x1: {  	(tag) =	ssettag $0x0;
	lr =	simm.s32 $0x1  }
0x2: {  	[smem:$0x3F98] =	sst lr;
	_ =	strace $0xD0000000  }
0x3: {  	_ = 	snop  }
0x4: {  	_ = 	snop  }
0x5: {  	_ = 	snop  }
0x6: {  	_ = 	snop  }
0x7: {  	_ = 	snop  }
__scs_overlays_trampoline_lowered:
0x8: {  	[smem:$0x3FA7] =	sst s0  }
0x9: {  	[smem:$0x3FA8] =	sst s1  }
0xa: {  	[smem:$0x3FA9] =	sst s2  }
0xb: {  	[smem:$0x3FAA] =	sst s3  }
0xc: {  	[smem:$0x3FAB] =	sst s4  }
0xd: {  	[smem:$0x3FAC] =	sst s5  }
0xe: {  	[smem:$0x3FAD] =	sst s6  }
0xf: {  	[smem:$0x3FAE] =	sst s7  }
0x10: {  	[smem:$0x3FAF] =	sst s8  }
0x11: {  	[smem:$0x3FB0] =	sst s9;
	s0 =	simm.s32 @!p0 $0x0  }
0x12: {  	s1 =	sld [smem:$0x3F96];
	s0 =	simm.s32 @p0 $0x1  }
0x13: {  	[smem:$0x3FB1] =	sst s0;
	s0 =	simm.s32 @!p1 $0x0  }
0x14: {  	s2 =	sld [smem:$0x3F95];
	s0 =	simm.s32 @p1 $0x1  }
0x15: {  	[smem:$0x3FB2] =	sst s0;
	s0 =	simm.s32 @!p2 $0x0  }
0x16: {  	s3 =	sld [smem:$0x3FDB];
	s0 =	simm.s32 @p2 $0x1  }
0x17: {  	s4 =	simm.s32 $0x1BF5;
	[smem:$0x3FB4] =	sst s0  }
0x18: {  	s0 =	sld [smem:$0x3F97];
	_ =	swait.ge [sflag:s4], $0x0  }
0x19: {  	s7 =	sld [smem:$0x3F98]  }
0x1a: {  	s8 =	sadd.s32 $0xFFFFE003, lr  }
0x1b: {  	s9 =	sadd.s32 $0xFFFFFEF7, lr;
	s5 =	simm.s32 $0xFFFFFFFF;
	p2 =	slt.u32 s8, $0xFFFFF086  }
0x1c: {  	p1 =	slt.u32 s9, $0xF7A;
	s5 =	simm.s32 @!p2 $0x0  }
0x1d: {  	s5 =	simm.s32 @p1 $0x1;
	p0 =	seq.s32 s7, s2  }
0x1e: {  	s7 =	smul.u32 @!p0 $0xF7A, s2;
	p2 =	seq.s32 @!p0 s5, $0x0  }
0x1f: {  	s9 =	smul.u32 $0xF7A, s1;
	s8 =	simm.s32 @!p0 $0x1BF5;
	p2 =	por !p2, p0  }
0x20: {  	[sflag:s8] =	ssyncset.s32 @!p0 $0xFFFFF086;
	s6 =	sadd.s32 @!p0 s3, s7;
	s7 =	simm.s32 @!p0 $0x108  }
0x21: {  	s3 =	sadd.s32 s3, s9;
	s6 =	sadd.s32 @!p0 $0x88, s6;
	s7 =	simm.s32 @p2 $0x1082  }
0x22: {  	[simem:s7], [sflag:s8] =	dma.local @!p0 [hbm:s6], $0xF7A  }
0x23: {  	s9 =	sor.u32 $0xD0000000, s2;
	s6 =	simm.s32 $0x108;
	_ =	swait.ge @!p0 [sflag:s8], $0x0  }
0x24: {  	s3 =	sadd.s32 $0x88, s3;
	s6 =	simm.s32 @!p1 $0x1082;
	[sflag:s4] =	ssyncset.s32 $0xFFFFF086  }
0x25: {  	[simem:s6], [sflag:s4] =	dma.local [hbm:s3], $0xF7A  }
0x26: {  	[smem:$0x3F98] =	sst s1;
	(tag) =	ssettag s2;
	_ =	strace s9  }
0x27: {  	s1 =	sld [smem:$0x3FA8]  }
0x28: {  	s2 =	sld [smem:$0x3FA9]  }
0x29: {  	s4 =	sld [smem:$0x3FAB]  }
0x2a: {  	p0 =	seq.s32 s5, $0x0;
	s5 =	sld [smem:$0x3FAC]  }
0x2b: {  	s6 =	sld [smem:$0x3FAD]  }
0x2c: {  	s7 =	sld [smem:$0x3FAE]  }
0x2d: {  	s3 =	simm.s32 $0x108;
	s8 =	sld [smem:$0x3FAF]  }
0x2e: {  	s3 =	simm.s32 @!p0 $0x1082;
	s9 =	sld [smem:$0x3FB0]  }
0x2f: {  	lr =	sadd.s32 s0, s3;
	s0 =	sld [smem:$0x3FA7]  }
0x30: {  	s3 =	sld [smem:$0x3FAA]  }
0x31: {  	[smem:$0x3FB3] =	sst s10  }
0x32: {  	s10 =	sld [smem:$0x3FB1];
	_ =	sdelay $0x3  }
0x33: {  	p0 =	seq.s32 s10, $0x1;
	s10 =	sld [smem:$0x3FB3];
	_ =	sdelay $0x3  }
0x34: {  	[smem:$0x3FB3] =	sst s10  }
0x35: {  	s10 =	sld [smem:$0x3FB2];
	_ =	sdelay $0x3  }
0x36: {  	p1 =	seq.s32 s10, $0x1;
	s10 =	sld [smem:$0x3FB3];
	_ =	sdelay $0x3  }
0x37: {  	[smem:$0x3FB3] =	sst s10  }
0x38: {  	s10 =	sld [smem:$0x3FB4]  }
0x39: {  	_ = 	snop;
	(pc) =	sbr.ind lr, $3  }
0x3a: {  	_ = 	snop  }
0x3b: {  	_ = 	snop  }
0x3c: {  	p2 =	seq.s32 s10, $0x1;
	s10 =	sld [smem:$0x3FB3]  }
0x3d: {  	_ =	shalt  }
0x3e: {  	_ =	shalt  }
0x3f: {  	_ =	shalt  }
0x40: {  	_ =	shalt  }
0x41: {  	_ =	shalt  }
0x42: {  	_ =	shalt  }
0x43: {  	_ =	shalt  }
0x44: {  	_ =	shalt  }
0x45: {  	_ =	shalt  }
0x46: {  	_ =	shalt  }
0x47: {  	_ =	shalt  }
0x48: {  	_ =	shalt  }
0x49: {  	_ =	shalt  }
0x4a: {  	_ =	shalt  }
0x4b: {  	_ =	shalt  }
0x4c: {  	_ =	shalt  }
0x4d: {  	_ =	shalt  }
0x4e: {  	_ =	shalt  }
0x4f: {  	_ =	shalt  }
0x50: {  	_ =	shalt  }
0x51: {  	_ =	shalt  }
0x52: {  	_ =	shalt  }
0x53: {  	_ =	shalt  }
0x54: {  	_ =	shalt  }
0x55: {  	_ =	shalt  }
0x56: {  	_ =	shalt  }
0x57: {  	_ =	shalt  }
0x58: {  	_ =	shalt  }
0x59: {  	_ =	shalt  }
0x5a: {  	_ =	shalt  }
0x5b: {  	_ =	shalt  }
0x5c: {  	_ =	shalt  }
0x5d: {  	_ =	shalt  }
0x5e: {  	_ =	shalt  }
0x5f: {  	_ =	shalt  }
0x60: {  	_ =	shalt  }
0x61: {  	_ =	shalt  }
0x62: {  	_ =	shalt  }
0x63: {  	_ =	shalt  }
0x64: {  	_ =	shalt  }
0x65: {  	_ =	shalt  }
0x66: {  	_ =	shalt  }
0x67: {  	_ =	shalt  }
0x68: {  	_ =	shalt  }
0x69: {  	_ =	shalt  }
0x6a: {  	_ =	shalt  }
0x6b: {  	_ =	shalt  }
0x6c: {  	_ =	shalt  }
0x6d: {  	_ =	shalt  }
0x6e: {  	_ =	shalt  }
0x6f: {  	_ =	shalt  }
0x70: {  	_ =	shalt  }
0x71: {  	_ =	shalt  }
0x72: {  	_ =	shalt  }
0x73: {  	_ =	shalt  }
0x74: {  	_ =	shalt  }
0x75: {  	_ =	shalt  }
0x76: {  	_ =	shalt  }
0x77: {  	_ =	shalt  }
0x78: {  	_ =	shalt  }
0x79: {  	_ =	shalt  }
0x7a: {  	_ =	shalt  }
0x7b: {  	_ =	shalt  }
0x7c: {  	_ =	shalt  }
0x7d: {  	_ =	shalt  }
0x7e: {  	_ =	shalt  }
0x7f: {  	_ =	shalt  }
0x80: {  	_ =	shalt  }
0x81: {  	_ =	shalt  }
0x82: {  	_ =	shalt  }
0x83: {  	_ =	shalt  }
0x84: {  	_ =	shalt  }
0x85: {  	_ =	shalt  }
0x86: {  	_ =	shalt  }
0x87: {  	_ =	shalt  }
.Lfunc_end0:
.L_simem_size_0:
called_computation.3_lowered:
.L_overlay_start_0:
0x88: {  	s2 =	sld [smem:$0x3FD9]  }
0x89: {  	s3 =	sld [smem:$0x3FFE];
	_ =	sdelay $0x1  }
0x8a: {  	s1 =	srdreg.scid  }
0x8b: {  	s0 =	sand.u32 $0x1, s1  }
0x8c: {  	s17 =	sshll.u32 s0, $0xA;
	s2 =	sadd.s32 s3, s2  }
0x8d: {  	s2 =	sadd.s32 s2, s17  }
0x8e: {  	[smem:$0x3FBF] =	sst s2  }
0x8f: {  	_ = 	snop  }
0x90: {  	s2 =	sld [smem:$0x3FD0];
	(tm) =	ssettm $0x1  }
0x91: {  	s18 =	sld [smem:$0x3FFB];
	_ =	sdelay $0x3  }
0x92: {  	_ =	strace s18  }
0x93: {  	s3 =	sld [smem:$0x3FFC];
	_ =	sdelay $0x3  }
0x94: {  	_ =	strace s3  }
0x95: {  	s3 =	sld [smem:$0x3FFD];
	_ =	sdelay $0x3  }
0x96: {  	_ =	strace s3  }
0x97: {  	_ =	strace $0x8FFFFFFF  }
0x98: {  	s19 =	sld [smem:$0x3FDB];
	_ =	sdelay $0x1  }
0x99: {  	s4 =	simm.s32 $_scs_section_size  }
0x9a: {  	s5 =	simm.s32 $_size__tile_overlayer_lowered;
	s6 =	simm.s32 $_tile_overlayer_lowered  }
0x9b: {  	s22 =	simm.s32 $0x1BFF;
	s21 =	sshll.u32 s6, $0x1;
	s3 =	sadd.s32 s4, s19  }
0x9c: {  	s7 =	simm.s32 $0x0;
	s20 =	sshll.u32 s5, $0x1;
	s5 =	sadd.s32 s21, s3  }
0x9d: {  	[timem:s7], [sflag:s22] =	dma.local [hbm:s5], s20  }
0x9e: {  	_ =	swait.ge [sflag:s22], s20  }
0x9f: {  	s4 =	ssub.s32 $0x0, s20;
	[sflag:s22] =	ssyncset.done $0x0  }
0xa0: {  	[sflag:s22] =	ssyncadd.s32 s4;
	_ =	sdelay $0x1  }
0xa1: {  	s23 =	simm.s32 $0x1B8B  }
0xa2: {  	_ =	swait.ge [sflag:s23], $0x1  }
0xa3: {  	[sflag:s23] =	ssyncset.done $0x0  }
0xa4: {  	s25 =	simm.s32 $0x1B8E;
	s24 =	sld [smem:$0x3FFE];
	[sflag:s23] =	ssyncadd.s32 $0xFFFFFFFF  }
0xa5: {  	s26 =	simm.s32 $execute0_lowered;
	[smem:$0x3FD2] =	sst s25  }
0xa6: {  	s5 =	sshll.u32 s26, $0x1;
	_ =	strace $0x8000004F;
	[dreg:$0x1] =	wrdreg $0xFFFFFFFF  }
0xa7: {  	s28 =	simm.s32 $_size_execute0_lowered;
	s3 =	sadd.s32 s3, s5;
	[dreg:$0x0] =	wrdreg $0x0  }
0xa8: {  	s5 =	sshll.u32 s28, $0x1;
	[dreg:$0x2] =	wrdreg s3  }
0xa9: {  	[dreg:$0x3] =	wrdreg s5  }
0xaa: {  	[dreg:$0x4] =	wrdreg $0xC0  }
0xab: {  	_ =	task [dreg:s7], $0x5FFFF  }
0xac: {  	[dreg:$0x1] =	wrdreg $0xFFFFFFFF  }
0xad: {  	[dreg:$0x0] =	wrdreg $0x60  }
0xae: {  	[dreg:$0x2] =	wrdreg s2  }
0xaf: {  	[dreg:$0x3] =	wrdreg s24  }
0xb0: {  	[dreg:$0x4] =	wrdreg $0xDF000  }
0xb1: {  	[dreg:$0x5] =	wrdreg $0x9  }
0xb2: {  	_ =	task.clear_ibuf [dreg:s7], $0x6FFFF;
	_ =	strace $0x9000004F  }
0xb3: {  	s29 =	simm.s32 $0x9;
	_ =	strace $0x80000051  }
0xb4: {  	_ =	swait.ge [sflag:s29], $0x1  }
0xb5: {  	[sflag:s29] =	ssyncadd.s32 $0xFFFFFFFF  }
0xb6: {  	_ =	strace $0x90000051  }
0xb7: {  	_ =	sfence  }
0xb8: {  	s30 =	sld [smem:$0x0];
	_ =	sdelay $0x2  }
0xb9: {  	s31 =	sshll.u32 s1, $0xD;
	s1 =	sshrl.u32 s1, $0x2  }
0xba: {  	s3 =	sand.u32 $0x4000, s31;
	s1 =	sadd.s32 s1, s30  }
0xbb: {  	s0 =	sor.u32 s3, s0;
	s1 =	sshll.u32 s1, $0x11  }
0xbc: {  	s0 =	sor.u32 s1, s0  }
0xbd: {  	s0 =	sadd.s32 $0x8F2B, s0  }
0xbe: {  	[sflag:s0] =	ssyncadd.remote.s32 $0x1  }
0xbf: {  	_ =	sfence.sel $0xFFFF  }
0xc0: {  	[dreg:$0x0] =	wrdreg $0xFFFFFFFF;
	(pc) =	sbr.abs _section_cstart, $3  }
0xc1: {  	[dreg:$0x1] =	wrdreg $0xFFFFFFFF  }
0xc2: {  	_ =	task.clear_ibuf [dreg:s7], $0x2FFFF;
	_ =	strace $0x9FFFFFFF  }
0xc3: {  	(tm) =	ssettm $0x7FFFFFFF  }
tec
execute0_lowered:
.L_overlay_start_1:
0x0: {  	(tag) =	ssettag $0x1  }
0x1: {  	s1 =	rddreg [dreg:$0x0]  }
0x2: {  	s0 =	rddreg [dreg:$0x1]  }
0x3: {  	s2 =	rddreg [dreg:$0x2]  }
0x4: {  	s3 =	srdreg.scid;
	s20 =	stileid.u32;
	s4 =	simm.s32 $0x0  }
0x5: {  	s21 =	simm.s32 $0xD800;
	s22 =	simm.s32 $0x190;
	s23 =	simm.s32 $0x1000  }
0x6: {  	s24 =	simm.s32 $0x1;
	s25 =	simm.s32 $0xDD00;
	s6 =	smul.u32 $0x140, s20  }
0x7: {  	s26 =	simm.s32 $0x0;
	s28 =	simm.s32 $0x0;
	s8 =	smul.u32 $0x28000, s20  }
0x8: {  	s3 =	sand.u32 $0x1, s3;
	[smem:$0x7FF] =	sst s4;
	s17 =	smul.u32 $0x32, s20  }
0x9: {  	s5 =	sadd.s32 $0x48A00, s0;
	s16 =	sadd.s32 $0xA0000, s2;
	s7 =	smul.u32 $0x1400, s3  }
0xa: {  	p0 =	sne.s32 s20, $0x0;
	s20 =	simm.s32 $0x2;
	s3 =	ssub.s32 $0x2, s3  }
0xb: {  	_ =	strace $0x80000050;
	s9 =	sshrl.u32 s3, $0x1;
	s6 =	sadd.s32 s6, s7  }
0xc: {  	s8 =	sshrl.u32 s8, $0x2;
	s3 =	ssub.s32 s3, s9;
	s6 =	sshll.u32 s6, $0x4  }
0xd: {  	s19 =	smax.u32 s3, $0x1;
	s0 =	sadd.s32 s6, s0;
	s6 =	sadd.s32 s8, s2  }
0xe: {  	s8 =	sadd.s32 $0x1000, s6;
	s31 =	sadd.s32 $0x2000, s6;
	s9 =	sadd.s32 $0x3000, s6  }
0xf: {  	s10 =	sadd.s32 $0x4000, s6;
	s11 =	sadd.s32 $0x5000, s6;
	s12 =	sadd.s32 $0x6000, s6  }
0x10: {  	s13 =	sadd.s32 $0x7000, s6;
	s14 =	sadd.s32 $0x8000, s6;
	[dreg:$0x4] =	wrdreg s8  }
0x11: {  	v1 =	vimm.f32 $0.0e+00;
	v0 =	vmov s7;
	s15 =	sadd.s32 $0x9000, s6;
	s18 =	sadd.s32 $0x3400, s0;
	[dreg:$0x5] =	wrdreg s31  }
.LBB2_1:
0x12: {  	s0 =	simm.s32 $0x0;
	s3 =	simm.s32 $0x200  }
.LBB2_2:
0x13: {  	p1 =	sne.s32 s3, $0x3E00;
	[tilespmem:s0+$0x70] =	vst v1  }
0x14: {  	[tilespmem:s0+$0x0] =	vst v1  }
0x15: {  	[tilespmem:s0+$0x10] =	vst v1  }
.Ltmp0:
0x16: {  	[tilespmem:s0+$0x20] =	vst v1;
	(pc) =	sbr.rel @p1 .LBB2_2-.Ltmp0, $4  }
0x17: {  	[tilespmem:s0+$0x30] =	vst v1  }
0x18: {  	[tilespmem:s0+$0x40] =	vst v1  }
0x19: {  	[tilespmem:s0+$0x50] =	vst v1  }
0x1a: {  	[tilespmem:s0+$0x60] =	vst v1;
	s0 =	sshra.s32 s3, $0x2;
	s3 =	sadd.s32 $0x200, s3  }
0x1b: {  	[tilespmem:s0+$0x70] =	vst v1  }
0x1c: {  	[tilespmem:s0+$0x0] =	vst v1  }
0x1d: {  	[tilespmem:s0+$0x10] =	vst v1  }
0x1e: {  	[tilespmem:s0+$0x20] =	vst v1  }
0x1f: {  	[tilespmem:s0+$0x30] =	vst v1  }
0x20: {  	[tilespmem:s0+$0x40] =	vst v1  }
0x21: {  	[tilespmem:s0+$0x50] =	vst v1  }
0x22: {  	[tilespmem:s0+$0x60] =	vst v1  }
0x23: {  	[spmem:s6] =	stream.linear.scatter [tilespmem:s4], [sflag:$0x2], $0x1000, $0x38;
	[tilespmem:$0x17F40] =	vst v63  }
0x24: {  	_ =	swait.ge [sflag:s20], $0x1000  }
0x25: {  	[sflag:s20] =	ssyncset.done $0x0  }
0x26: {  	s30 =	rddreg [dreg:$0x4];
	[sflag:s20] =	ssyncadd.s32 $0xFFFFF000  }
0x27: {  	[spmem:s30] =	stream.linear.scatter [tilespmem:s4], [sflag:$0x2], $0x1000, $0x38;
	[tilespmem:$0x17F40] =	vst v63  }
0x28: {  	_ =	swait.ge [sflag:s20], $0x1000  }
0x29: {  	[sflag:s20] =	ssyncset.done $0x0  }
0x2a: {  	s31 =	rddreg [dreg:$0x5];
	[sflag:s20] =	ssyncadd.s32 $0xFFFFF000  }
0x2b: {  	[spmem:s31] =	stream.linear.scatter [tilespmem:s4], [sflag:$0x2], $0x1000, $0x38;
	[tilespmem:$0x17F40] =	vst v63  }
0x2c: {  	_ =	swait.ge [sflag:s20], $0x1000  }
0x2d: {  	[sflag:s20] =	ssyncset.done $0x0  }
0x2e: {  	[sflag:s20] =	ssyncadd.s32 $0xFFFFF000  }
0x2f: {  	[spmem:s9] =	stream.linear.scatter [tilespmem:s4], [sflag:$0x2], $0x1000, $0x38;
	[tilespmem:$0x17F40] =	vst v63  }
0x30: {  	_ =	swait.ge [sflag:s20], $0x1000  }
0x31: {  	[sflag:s20] =	ssyncset.done $0x0  }
0x32: {  	[sflag:s20] =	ssyncadd.s32 $0xFFFFF000  }
0x33: {  	[spmem:s10] =	stream.linear.scatter [tilespmem:s4], [sflag:$0x2], $0x1000, $0x38;
	[tilespmem:$0x17F40] =	vst v63  }
0x34: {  	_ =	swait.ge [sflag:s20], $0x1000  }
0x35: {  	[sflag:s20] =	ssyncset.done $0x0  }
0x36: {  	[sflag:s20] =	ssyncadd.s32 $0xFFFFF000  }
0x37: {  	[spmem:s11] =	stream.linear.scatter [tilespmem:s4], [sflag:$0x2], $0x1000, $0x38;
	[tilespmem:$0x17F40] =	vst v63  }
0x38: {  	_ =	swait.ge [sflag:s20], $0x1000  }
0x39: {  	[sflag:s20] =	ssyncset.done $0x0  }
0x3a: {  	[sflag:s20] =	ssyncadd.s32 $0xFFFFF000  }
0x3b: {  	[spmem:s12] =	stream.linear.scatter [tilespmem:s4], [sflag:$0x2], $0x1000, $0x38;
	[tilespmem:$0x17F40] =	vst v63  }
0x3c: {  	_ =	swait.ge [sflag:s20], $0x1000  }
0x3d: {  	[sflag:s20] =	ssyncset.done $0x0  }
0x3e: {  	[sflag:s20] =	ssyncadd.s32 $0xFFFFF000  }
0x3f: {  	[spmem:s13] =	stream.linear.scatter [tilespmem:s4], [sflag:$0x2], $0x1000, $0x38;
	[tilespmem:$0x17F40] =	vst v63  }
0x40: {  	_ =	swait.ge [sflag:s20], $0x1000  }
0x41: {  	[sflag:s20] =	ssyncset.done $0x0  }
0x42: {  	[sflag:s20] =	ssyncadd.s32 $0xFFFFF000  }
0x43: {  	[spmem:s14] =	stream.linear.scatter [tilespmem:s4], [sflag:$0x2], $0x1000, $0x38;
	[tilespmem:$0x17F40] =	vst v63  }
0x44: {  	_ =	swait.ge [sflag:s20], $0x1000  }
0x45: {  	[sflag:s20] =	ssyncset.done $0x0  }
0x46: {  	[sflag:s20] =	ssyncadd.s32 $0xFFFFF000  }
0x47: {  	[spmem:s15] =	stream.linear.scatter [tilespmem:s4], [sflag:$0x2], $0x1000, $0x38;
	[tilespmem:$0x17F40] =	vst v63  }
0x48: {  	_ =	swait.ge [sflag:s20], $0x1000  }
0x49: {  	[sflag:s20] =	ssyncset.done $0x0  }
0x4a: {  	s0 =	simm.s32 @!p0 $0x0;
	[sflag:s20] =	ssyncadd.s32 $0xFFFFF000  }
0x4b: {  	[spmem:s16] =	stream.linear.scatter @!p0 [tilespmem:s0], [sflag:$0x2], $0x400, $0x38;
	[tilespmem:$0x17F40] =	vst v63  }
0x4c: {  	s0 =	simm.s32 @!p0 $0x2  }
0x4d: {  	_ =	swait.ge @!p0 [sflag:s0], $0x400  }
0x4e: {  	[sflag:s0] =	ssyncset.done @!p0 $0x0  }
0x4f: {  	[sflag:s0] =	ssyncadd.s32 @!p0 $0xFFFFFC00  }
0x50: {  	s29 =	simm.s32 $0x0;
	[bflag:$0x0] =	sbarrier.arrive $0xFFFF  }
.LBB2_4:
0x51: {  	s0 =	sadd.s32 s17, s29  }
0x52: {  	s0 =	smul.u32 $0x96, s0;
	_ =	sdelay $0x1  }
0x53: {  	s0 =	sadd.s32 s5, s0  }
0x54: {  	[tilespmem:s21], [sflag:$0x2] =	stream.linear.gather [hbm4b:s0+s28], $0x4B0, $0x38;
	[tilespmem:$0x17F40] =	vst v63  }
0x55: {  	_ =	swait.ge [sflag:s20], $0x4B0  }
0x56: {  	[sflag:s20] =	ssyncset.done $0x0  }
0x57: {  	[sflag:s20] =	ssyncadd.s32 $0xFFFFFB50  }
0x58: {  	[tilespmem:s23], [sflag:$0x1] =	stream.indirect.gather [hbm4b:s1+s22], $0x80, s21, s22, $0xb8;
	[tilespmem:$0x17F40] =	vst v63  }
0x59: {  	_ =	swait.ge [sflag:s24], $0xC800  }
0x5a: {  	[sflag:s24] =	ssyncset.done $0x0  }
0x5b: {  	s0 =	simm.s32 $0x0;
	[sflag:s24] =	ssyncadd.s32 $0xFFFF3800  }
0x5c: {  	v2 =	vld [tilespmem:s0+$0xD990]  }
0x5d: {  	s3 =	simm.s32 $0x40  }
.LBB2_5:
0x5e: {  	p1 =	sne.s32 s3, $0x600  }
.Ltmp1:
0x5f: {  	_ = 	snop;
	(pc) =	sbr.rel @p1 .LBB2_5-.Ltmp1, $4  }
0x60: {  	_ = 	snop  }
0x61: {  	s7 =	sshra.s32 s3, $0x2;
	s3 =	sadd.s32 $0x40, s3;
	v3 =	vsub.s32 v2, v0  }
0x62: {  	v2 =	vld [tilespmem:s7+$0xD990];
	v3 =	vmin.u32 v3, $0x1400  }
0x63: {  	[tilespmem:s0+$0xDD00] =	vst v3;
	s0 =	smov.u32 s7  }
0x64: {  	s30 =	simm.s32 $0x320  }
0x65: {  	v3 =	vmov s30  }
0x66: {  	v3 =	vand.u32 $0xFFFFFFF8, v3  }
0x67: {  	v3 =	vbroadcast v3, $0x0;
	_ =	sdelay $0x1  }
0x68: {  	v2 =	vsub.s32 v2, v0  }
0x69: {  	v2 =	vmin.u32 v2, $0x1400  }
0x6a: {  	s31 =	simm.s32 $0x1200;
	[tilespmem:s0+$0xDD00] =	vst v2  }
0x6b: {  	v4 =	vld [tilespmem:s31+$0xFFFFFE70]  }
0x6c: {  	v3 =	vld.idx.msk [tilespmem:v3+s21+$0x0], $0xffff  }
0x6d: {  	v5 =	vld [tilespmem:s31+$0xFFFFFE00]  }
0x6e: {  	v6 =	vld [tilespmem:s31+$0xFFFFFE20]  }
0x6f: {  	v7 =	vld [tilespmem:s31+$0xFFFFFE30]  }
0x70: {  	v2 =	vld [tilespmem:s31+$0xFFFFFE50]  }
0x71: {  	v9 =	vld [tilespmem:s31+$0xFFFFFE10];
	v4 =	vmul.f32 v3, v4  }
0x72: {  	s8 =	simm.s32 $0x321;
	v8 =	vld [tilespmem:s31+$0xFFFFFE60];
	v5 =	vmul.f32 v3, v5  }
0x73: {  	v10 =	vld [tilespmem:s31+$0xFFFFFE40];
	v6 =	vmul.f32 v3, v6;
	[tilespmem:s31+$0xFFFFFE70] =	vst v4;
	v4 =	vmov s8  }
0x74: {  	v7 =	vmul.f32 v3, v7;
	[tilespmem:s31+$0xFFFFFE00] =	vst v5;
	v4 =	vand.u32 $0xFFFFFFF9, v4  }
0x75: {  	v2 =	vmul.f32 v3, v2;
	[tilespmem:s31+$0xFFFFFE20] =	vst v6;
	v4 =	vbroadcast v4, $0x0  }
0x76: {  	v5 =	vmul.f32 v3, v9;
	[tilespmem:s31+$0xFFFFFE30] =	vst v7  }
0x77: {  	v6 =	vmul.f32 v3, v8;
	[tilespmem:s31+$0xFFFFFE50] =	vst v2  }
0x78: {  	v2 =	vmul.f32 v3, v10;
	[tilespmem:s31+$0xFFFFFE10] =	vst v5  }
0x79: {  	[tilespmem:s31+$0xFFFFFE60] =	vst v6  }
0x7a: {  	[tilespmem:s31+$0xFFFFFE40] =	vst v2  }
0x7b: {  	v2 =	vld.idx.msk [tilespmem:v4+s21+$0x0], $0xffff  }
0x7c: {  	v4 =	vld [tilespmem:s31+$0xFFFFFE90]  }
0x7d: {  	v5 =	vld [tilespmem:s31+$0xFFFFFEC0]  }
0x7e: {  	v6 =	vld [tilespmem:s31+$0xFFFFFE80]  }
0x7f: {  	v7 =	vld [tilespmem:s31+$0xFFFFFED0]  }
0x80: {  	v3 =	vld [tilespmem:s31+$0xFFFFFEF0]  }
0x81: {  	v8 =	vld [tilespmem:s31+$0xFFFFFEE0];
	v4 =	vmul.f32 v2, v4  }
0x82: {  	s3 =	simm.s32 $0x322;
	v9 =	vld [tilespmem:s31+$0xFFFFFEB0];
	v5 =	vmul.f32 v2, v5  }
0x83: {  	v10 =	vld [tilespmem:s31+$0xFFFFFEA0];
	v6 =	vmul.f32 v2, v6;
	[tilespmem:s31+$0xFFFFFE90] =	vst v4;
	v4 =	vmov s3  }
0x84: {  	v7 =	vmul.f32 v2, v7;
	[tilespmem:s31+$0xFFFFFEC0] =	vst v5;
	v4 =	vand.u32 $0xFFFFFFFA, v4  }
0x85: {  	v3 =	vmul.f32 v2, v3;
	[tilespmem:s31+$0xFFFFFE80] =	vst v6;
	v4 =	vbroadcast v4, $0x0  }
0x86: {  	v5 =	vmul.f32 v2, v8;
	[tilespmem:s31+$0xFFFFFED0] =	vst v7  }
0x87: {  	v6 =	vmul.f32 v2, v9;
	[tilespmem:s31+$0xFFFFFEF0] =	vst v3  }
0x88: {  	v2 =	vmul.f32 v2, v10;
	[tilespmem:s31+$0xFFFFFEE0] =	vst v5  }
0x89: {  	[tilespmem:s31+$0xFFFFFEB0] =	vst v6  }
0x8a: {  	v3 =	vld [tilespmem:s31+$0xFFFFFF00];
	[tilespmem:s31+$0xFFFFFEA0] =	vst v2  }
0x8b: {  	v2 =	vld.idx.msk [tilespmem:v4+s21+$0x0], $0xffff  }
0x8c: {  	v4 =	vld [tilespmem:s31+$0xFFFFFF60]  }
0x8d: {  	v5 =	vld [tilespmem:s31+$0xFFFFFF10]  }
0x8e: {  	v6 =	vld [tilespmem:s31+$0xFFFFFF50]  }
0x8f: {  	v7 =	vld [tilespmem:s31+$0xFFFFFF70]  }
0x90: {  	v8 =	vld [tilespmem:s31+$0xFFFFFF20];
	v3 =	vmul.f32 v2, v3  }
0x91: {  	s7 =	simm.s32 $0x323;
	v9 =	vld [tilespmem:s31+$0xFFFFFF30];
	v4 =	vmul.f32 v2, v4  }
0x92: {  	v10 =	vld [tilespmem:s31+$0xFFFFFF40];
	v5 =	vmul.f32 v2, v5;
	[tilespmem:s31+$0xFFFFFF00] =	vst v3;
	v3 =	vmov s7  }
0x93: {  	v6 =	vmul.f32 v2, v6;
	[tilespmem:s31+$0xFFFFFF60] =	vst v4;
	v3 =	vand.u32 $0xFFFFFFFB, v3  }
0x94: {  	v4 =	vmul.f32 v2, v7;
	[tilespmem:s31+$0xFFFFFF10] =	vst v5;
	v3 =	vbroadcast v3, $0x0  }
0x95: {  	v5 =	vmul.f32 v2, v8;
	[tilespmem:s31+$0xFFFFFF50] =	vst v6  }
0x96: {  	v6 =	vmul.f32 v2, v9;
	[tilespmem:s31+$0xFFFFFF70] =	vst v4  }
0x97: {  	v2 =	vmul.f32 v2, v10;
	[tilespmem:s31+$0xFFFFFF20] =	vst v5  }
0x98: {  	[tilespmem:s31+$0xFFFFFF30] =	vst v6  }
0x99: {  	[tilespmem:s31+$0xFFFFFF40] =	vst v2  }
0x9a: {  	v2 =	vld.idx.msk [tilespmem:v3+s21+$0x0], $0xffff  }
0x9b: {  	v3 =	vld [tilespmem:s31+$0xFFFFFFB0]  }
0x9c: {  	v5 =	vld [tilespmem:s31+$0xFFFFFFE0]  }
0x9d: {  	v6 =	vld [tilespmem:s31+$0xFFFFFF80]  }
0x9e: {  	v7 =	vld [tilespmem:s31+$0xFFFFFFD0]  }
0x9f: {  	v4 =	vld [tilespmem:s31+$0xFFFFFFF0]  }
0xa0: {  	v9 =	vld [tilespmem:s31+$0xFFFFFFA0];
	v3 =	vmul.f32 v2, v3  }
0xa1: {  	s8 =	simm.s32 $0x324;
	v8 =	vld [tilespmem:s31+$0xFFFFFF90];
	v5 =	vmul.f32 v2, v5  }
0xa2: {  	v10 =	vld [tilespmem:s31+$0xFFFFFFC0];
	v6 =	vmul.f32 v2, v6;
	[tilespmem:s31+$0xFFFFFFB0] =	vst v3;
	v3 =	vmov s8  }
0xa3: {  	v7 =	vmul.f32 v2, v7;
	[tilespmem:s31+$0xFFFFFFE0] =	vst v5;
	v3 =	vand.u32 $0xFFFFFFFC, v3  }
0xa4: {  	v4 =	vmul.f32 v2, v4;
	[tilespmem:s31+$0xFFFFFF80] =	vst v6;
	v3 =	vbroadcast v3, $0x0  }
0xa5: {  	v11 =	vld [tilespmem:s31+$0x40];
	v5 =	vmul.f32 v2, v9;
	[tilespmem:s31+$0xFFFFFFD0] =	vst v7  }
0xa6: {  	v6 =	vmul.f32 v2, v8;
	[tilespmem:s31+$0xFFFFFFF0] =	vst v4;
	v9 =	vld [tilespmem:s31+$0x0]  }
0xa7: {  	v4 =	vmul.f32 v2, v10;
	v2 =	vld [tilespmem:s31+$0x70];
	[tilespmem:s31+$0xFFFFFFA0] =	vst v5  }
0xa8: {  	v8 =	vld [tilespmem:s31+$0x20];
	[tilespmem:s31+$0xFFFFFF90] =	vst v6  }
0xa9: {  	v7 =	vld [tilespmem:s31+$0x30];
	[tilespmem:s31+$0xFFFFFFC0] =	vst v4  }
0xaa: {  	v3 =	vld.idx.msk [tilespmem:v3+s21+$0x0], $0xffff  }
0xab: {  	v4 =	vld [tilespmem:s31+$0x50]  }
0xac: {  	v6 =	vld [tilespmem:s31+$0x10]  }
0xad: {  	v5 =	vld [tilespmem:s31+$0x60];
	_ =	sdelay $0x1  }
0xae: {  	s0 =	simm.s32 $0x1200;
	s3 =	simm.s32 $0x328;
	v10 =	vmul.f32 v3, v9;
	v9 =	vmul.f32 v3, v11  }
.LBB2_7:
0xaf: {  	p1 =	sne.s32 s3, $0x4A8;
	v8 =	vmul.f32 v3, v8;
	v7 =	vmul.f32 v3, v7;
	s7 =	sadd.s32 $0x5, s30;
	s31 =	sadd.s32 $0x400, s31  }
0xb0: {  	v4 =	vmul.f32 v3, v4;
	[tilespmem:s0+$0x0] =	vst v10;
	v6 =	vmul.f32 v3, v6;
	v10 =	vmov s7;
	s7 =	smov.u32 s3;
	s3 =	sadd.s32 $0x8, s3  }
0xb1: {  	v2 =	vmul.f32 v3, v2;
	[tilespmem:s0+$0x40] =	vst v9;
	v5 =	vmul.f32 v3, v5;
	v3 =	vand.u32 $0xFFFFFFFD, v10  }
0xb2: {  	[tilespmem:s0+$0x20] =	vst v8;
	v3 =	vbroadcast v3, $0x0  }
0xb3: {  	[tilespmem:s0+$0x50] =	vst v4  }
0xb4: {  	[tilespmem:s0+$0x70] =	vst v2;
	v2 =	vld [tilespmem:s0+$0xA0]  }
0xb5: {  	[tilespmem:s0+$0x30] =	vst v7;
	v4 =	vld [tilespmem:s0+$0x80]  }
0xb6: {  	[tilespmem:s0+$0x60] =	vst v5;
	v5 =	vld [tilespmem:s0+$0xD0]  }
0xb7: {  	[tilespmem:s0+$0x10] =	vst v6;
	v6 =	vld [tilespmem:s0+$0xF0]  }
0xb8: {  	v3 =	vld.idx.msk [tilespmem:v3+s21+$0x0], $0xffff  }
0xb9: {  	v7 =	vld [tilespmem:s0+$0xC0]  }
0xba: {  	v8 =	vld [tilespmem:s0+$0xB0]  }
0xbb: {  	v9 =	vld [tilespmem:s0+$0x90]  }
0xbc: {  	v10 =	vld [tilespmem:s0+$0xE0];
	_ =	sdelay $0x1  }
0xbd: {  	v4 =	vmul.f32 v3, v4;
	v7 =	vmul.f32 v3, v7  }
0xbe: {  	s8 =	sadd.s32 $0x6, s30;
	v2 =	vmul.f32 v3, v2;
	v8 =	vmul.f32 v3, v8  }
0xbf: {  	v5 =	vmul.f32 v3, v5;
	[tilespmem:s0+$0x80] =	vst v4;
	v4 =	vmul.f32 v3, v9;
	v9 =	vmov s8  }
0xc0: {  	[tilespmem:s0+$0xA0] =	vst v2;
	v2 =	vmul.f32 v3, v10;
	v3 =	vmul.f32 v3, v6;
	v6 =	vand.u32 $0xFFFFFFFE, v9  }
0xc1: {  	[tilespmem:s0+$0xD0] =	vst v5;
	v5 =	vbroadcast v6, $0x0  }
0xc2: {  	[tilespmem:s0+$0xC0] =	vst v7  }
0xc3: {  	[tilespmem:s0+$0xF0] =	vst v3;
	v3 =	vld [tilespmem:s0+$0x120]  }
0xc4: {  	[tilespmem:s0+$0xB0] =	vst v8;
	v6 =	vld [tilespmem:s0+$0x100]  }
0xc5: {  	[tilespmem:s0+$0x90] =	vst v4;
	v4 =	vld [tilespmem:s0+$0x140]  }
0xc6: {  	[tilespmem:s0+$0xE0] =	vst v2;
	v2 =	vld [tilespmem:s0+$0x130]  }
0xc7: {  	v5 =	vld.idx.msk [tilespmem:v5+s21+$0x0], $0xffff  }
0xc8: {  	v7 =	vld [tilespmem:s0+$0x110]  }
0xc9: {  	v8 =	vld [tilespmem:s0+$0x160]  }
0xca: {  	v9 =	vld [tilespmem:s0+$0x150]  }
0xcb: {  	v10 =	vld [tilespmem:s0+$0x170];
	_ =	sdelay $0x1  }
0xcc: {  	v6 =	vmul.f32 v5, v6;
	v7 =	vmul.f32 v5, v7  }
0xcd: {  	v3 =	vmul.f32 v5, v3;
	v2 =	vmul.f32 v5, v2  }
0xce: {  	v4 =	vmul.f32 v5, v4;
	[tilespmem:s0+$0x100] =	vst v6;
	v6 =	vmul.f32 v5, v9  }
0xcf: {  	[tilespmem:s0+$0x120] =	vst v3;
	v3 =	vmul.f32 v5, v8;
	v5 =	vmul.f32 v5, v10  }
0xd0: {  	s8 =	sadd.s32 $0x7, s30;
	s30 =	smov.u32 s7;
	[tilespmem:s0+$0x130] =	vst v2  }
0xd1: {  	v2 =	vmov s8;
	[tilespmem:s0+$0x140] =	vst v4  }
0xd2: {  	[tilespmem:s0+$0x160] =	vst v3;
	v3 =	vld [tilespmem:s0+$0x180]  }
0xd3: {  	[tilespmem:s0+$0x110] =	vst v7;
	v4 =	vld [tilespmem:s0+$0x1D0]  }
0xd4: {  	[tilespmem:s0+$0x150] =	vst v6;
	v6 =	vld [tilespmem:s0+$0x190]  }
0xd5: {  	[tilespmem:s0+$0x170] =	vst v5;
	v5 =	vld [tilespmem:s0+$0x1F0]  }
0xd6: {  	v2 =	vld.idx.msk [tilespmem:v2+s21+$0x0], $0xffff  }
0xd7: {  	v7 =	vld [tilespmem:s0+$0x1B0]  }
0xd8: {  	v8 =	vld [tilespmem:s0+$0x1A0]  }
0xd9: {  	v9 =	vld [tilespmem:s0+$0x1C0]  }
0xda: {  	v10 =	vld [tilespmem:s0+$0x1E0];
	_ =	sdelay $0x1  }
0xdb: {  	v3 =	vmul.f32 v2, v3;
	v6 =	vmul.f32 v2, v6  }
0xdc: {  	v7 =	vmul.f32 v2, v7;
	v8 =	vmul.f32 v2, v8  }
0xdd: {  	v11 =	vmov s30;
	v4 =	vmul.f32 v2, v4;
	[tilespmem:s0+$0x180] =	vst v3;
	v3 =	vmul.f32 v2, v9  }
0xde: {  	v9 =	vand.u32 $0xFFFFFFF8, v11;
	[tilespmem:s0+$0x190] =	vst v6;
	v6 =	vmul.f32 v2, v10;
	v2 =	vmul.f32 v2, v5  }
0xdf: {  	v5 =	vbroadcast v9, $0x0;
	[tilespmem:s0+$0x1D0] =	vst v4  }
0xe0: {  	[tilespmem:s0+$0x1A0] =	vst v8  }
0xe1: {  	v4 =	vld [tilespmem:s31+$0xFFFFFE50];
	[tilespmem:s0+$0x1F0] =	vst v2  }
0xe2: {  	v2 =	vld [tilespmem:s31+$0xFFFFFE30];
	[tilespmem:s0+$0x1B0] =	vst v7  }
0xe3: {  	v7 =	vld [tilespmem:s31+$0xFFFFFE60];
	[tilespmem:s0+$0x1E0] =	vst v6  }
0xe4: {  	v6 =	vld [tilespmem:s31+$0xFFFFFE70];
	[tilespmem:s0+$0x1C0] =	vst v3;
	s0 =	smov.u32 s31  }
0xe5: {  	v3 =	vld.idx.msk [tilespmem:v5+s21+$0x0], $0xffff  }
0xe6: {  	v5 =	vld [tilespmem:s31+$0xFFFFFE00]  }
0xe7: {  	v8 =	vld [tilespmem:s31+$0xFFFFFE20]  }
0xe8: {  	v9 =	vld [tilespmem:s31+$0xFFFFFE10]  }
0xe9: {  	v10 =	vld [tilespmem:s31+$0xFFFFFE40];
	_ =	sdelay $0x1  }
0xea: {  	v6 =	vmul.f32 v3, v6;
	v5 =	vmul.f32 v3, v5  }
0xeb: {  	s7 =	sadd.s32 $0x1, s30;
	v7 =	vmul.f32 v3, v7;
	v8 =	vmul.f32 v3, v8  }
0xec: {  	v2 =	vmul.f32 v3, v2;
	v9 =	vmul.f32 v3, v9;
	[tilespmem:s31+$0xFFFFFE70] =	vst v6;
	v6 =	vmov s7  }
0xed: {  	[tilespmem:s31+$0xFFFFFE00] =	vst v5;
	v5 =	vmul.f32 v3, v10;
	v3 =	vmul.f32 v3, v4;
	v4 =	vand.u32 $0xFFFFFFF9, v6  }
0xee: {  	[tilespmem:s31+$0xFFFFFE20] =	vst v8;
	v4 =	vbroadcast v4, $0x0  }
0xef: {  	[tilespmem:s31+$0xFFFFFE30] =	vst v2  }
0xf0: {  	[tilespmem:s31+$0xFFFFFE50] =	vst v3;
	v2 =	vld [tilespmem:s31+$0xFFFFFEF0]  }
0xf1: {  	[tilespmem:s31+$0xFFFFFE10] =	vst v9;
	v3 =	vld [tilespmem:s31+$0xFFFFFED0]  }
0xf2: {  	[tilespmem:s31+$0xFFFFFE60] =	vst v7;
	v6 =	vld [tilespmem:s31+$0xFFFFFEB0]  }
0xf3: {  	[tilespmem:s31+$0xFFFFFE40] =	vst v5;
	v5 =	vld [tilespmem:s31+$0xFFFFFEC0]  }
0xf4: {  	v4 =	vld.idx.msk [tilespmem:v4+s21+$0x0], $0xffff  }
0xf5: {  	v7 =	vld [tilespmem:s31+$0xFFFFFE90]  }
0xf6: {  	v8 =	vld [tilespmem:s31+$0xFFFFFE80]  }
0xf7: {  	v9 =	vld [tilespmem:s31+$0xFFFFFEA0]  }
0xf8: {  	v10 =	vld [tilespmem:s31+$0xFFFFFEE0];
	_ =	sdelay $0x1  }
0xf9: {  	v5 =	vmul.f32 v4, v5;
	v7 =	vmul.f32 v4, v7  }
0xfa: {  	s7 =	sadd.s32 $0x2, s30;
	v6 =	vmul.f32 v4, v6;
	v8 =	vmul.f32 v4, v8  }
0xfb: {  	v3 =	vmul.f32 v4, v3;
	[tilespmem:s31+$0xFFFFFE90] =	vst v7;
	v7 =	vmul.f32 v4, v9;
	v9 =	vmov s7  }
0xfc: {  	v2 =	vmul.f32 v4, v2;
	[tilespmem:s31+$0xFFFFFEC0] =	vst v5;
	v5 =	vmul.f32 v4, v10;
	v4 =	vand.u32 $0xFFFFFFFA, v9  }
0xfd: {  	[tilespmem:s31+$0xFFFFFE80] =	vst v8;
	v4 =	vbroadcast v4, $0x0  }
0xfe: {  	[tilespmem:s31+$0xFFFFFED0] =	vst v3  }
0xff: {  	[tilespmem:s31+$0xFFFFFEE0] =	vst v5;
	v3 =	vld [tilespmem:s31+$0xFFFFFF70]  }
0x100: {  	[tilespmem:s31+$0xFFFFFEB0] =	vst v6;
	v5 =	vld [tilespmem:s31+$0xFFFFFF50]  }
0x101: {  	[tilespmem:s31+$0xFFFFFEF0] =	vst v2;
	v2 =	vld [tilespmem:s31+$0xFFFFFF20]  }
0x102: {  	[tilespmem:s31+$0xFFFFFEA0] =	vst v7;
	v6 =	vld [tilespmem:s31+$0xFFFFFF60]  }
0x103: {  	v4 =	vld.idx.msk [tilespmem:v4+s21+$0x0], $0xffff  }
0x104: {  	v7 =	vld [tilespmem:s31+$0xFFFFFF00]  }
0x105: {  	v8 =	vld [tilespmem:s31+$0xFFFFFF10]  }
0x106: {  	v9 =	vld [tilespmem:s31+$0xFFFFFF40]  }
0x107: {  	v10 =	vld [tilespmem:s31+$0xFFFFFF30];
	_ =	sdelay $0x1  }
0x108: {  	v6 =	vmul.f32 v4, v6;
	v7 =	vmul.f32 v4, v7  }
0x109: {  	s7 =	sadd.s32 $0x3, s30;
	v2 =	vmul.f32 v4, v2;
	v8 =	vmul.f32 v4, v8  }
0x10a: {  	v5 =	vmul.f32 v4, v5;
	[tilespmem:s31+$0xFFFFFF00] =	vst v7;
	v7 =	vmul.f32 v4, v9;
	v9 =	vmov s7  }
0x10b: {  	v3 =	vmul.f32 v4, v3;
	v10 =	vmul.f32 v4, v10;
	[tilespmem:s31+$0xFFFFFF60] =	vst v6;
	v4 =	vand.u32 $0xFFFFFFFB, v9  }
0x10c: {  	[tilespmem:s31+$0xFFFFFF10] =	vst v8;
	v4 =	vbroadcast v4, $0x0  }
0x10d: {  	[tilespmem:s31+$0xFFFFFF50] =	vst v5  }
0x10e: {  	[tilespmem:s31+$0xFFFFFF70] =	vst v3;
	v3 =	vld [tilespmem:s31+$0xFFFFFFF0]  }
0x10f: {  	[tilespmem:s31+$0xFFFFFF20] =	vst v2;
	v2 =	vld [tilespmem:s31+$0xFFFFFFD0]  }
0x110: {  	[tilespmem:s31+$0xFFFFFF30] =	vst v10;
	v5 =	vld [tilespmem:s31+$0xFFFFFF90]  }
0x111: {  	[tilespmem:s31+$0xFFFFFF40] =	vst v7;
	v6 =	vld [tilespmem:s31+$0xFFFFFFE0]  }
0x112: {  	v4 =	vld.idx.msk [tilespmem:v4+s21+$0x0], $0xffff  }
0x113: {  	v7 =	vld [tilespmem:s31+$0xFFFFFFB0]  }
0x114: {  	v8 =	vld [tilespmem:s31+$0xFFFFFF80]  }
0x115: {  	v9 =	vld [tilespmem:s31+$0xFFFFFFC0]  }
0x116: {  	v10 =	vld [tilespmem:s31+$0xFFFFFFA0];
	_ =	sdelay $0x1  }
0x117: {  	v6 =	vmul.f32 v4, v6;
	v7 =	vmul.f32 v4, v7  }
0x118: {  	s7 =	sadd.s32 $0x4, s30;
	v5 =	vmul.f32 v4, v5;
	v8 =	vmul.f32 v4, v8  }
0x119: {  	v2 =	vmul.f32 v4, v2;
	[tilespmem:s31+$0xFFFFFFB0] =	vst v7;
	v7 =	vmul.f32 v4, v9;
	v9 =	vmov s7  }
0x11a: {  	v3 =	vmul.f32 v4, v3;
	v10 =	vmul.f32 v4, v10;
	[tilespmem:s31+$0xFFFFFFE0] =	vst v6;
	v4 =	vand.u32 $0xFFFFFFFC, v9  }
0x11b: {  	[tilespmem:s31+$0xFFFFFF80] =	vst v8;
	v6 =	vbroadcast v4, $0x0  }
0x11c: {  	[tilespmem:s31+$0xFFFFFFD0] =	vst v2  }
0x11d: {  	[tilespmem:s31+$0xFFFFFFF0] =	vst v3;
	v9 =	vld [tilespmem:s31+$0x0]  }
0x11e: {  	[tilespmem:s31+$0xFFFFFFA0] =	vst v10;
	v2 =	vld [tilespmem:s31+$0x70]  }
0x11f: {  	[tilespmem:s31+$0xFFFFFF90] =	vst v5;
	v4 =	vld [tilespmem:s31+$0x50]  }
0x120: {  	[tilespmem:s31+$0xFFFFFFC0] =	vst v7;
	v8 =	vld [tilespmem:s31+$0x20]  }
0x121: {  	v3 =	vld.idx.msk [tilespmem:v6+s21+$0x0], $0xffff  }
0x122: {  	v11 =	vld [tilespmem:s31+$0x40]  }
.Ltmp2:
0x123: {  	v7 =	vld [tilespmem:s31+$0x30];
	(pc) =	sbr.rel @p1 .LBB2_7-.Ltmp2, $3  }
0x124: {  	v6 =	vld [tilespmem:s31+$0x10]  }
0x125: {  	v5 =	vld [tilespmem:s31+$0x60];
	_ =	sdelay $0x1  }
0x126: {  	v10 =	vmul.f32 v3, v9;
	v9 =	vmul.f32 v3, v11  }
0x127: {  	s3 =	sadd.s32 $0x5, s30  }
0x128: {  	v8 =	vmul.f32 v3, v8;
	[tilespmem:s0+$0x0] =	vst v10;
	v27 =	vmov s3  }
0x129: {  	v4 =	vmul.f32 v3, v4;
	[tilespmem:s0+$0x40] =	vst v9;
	v28 =	vand.u32 $0xFFFFFFFD, v27  }
0x12a: {  	v2 =	vmul.f32 v3, v2;
	[tilespmem:s0+$0x20] =	vst v8;
	v29 =	vbroadcast v28, $0x0  }
0x12b: {  	v7 =	vmul.f32 v3, v7;
	[tilespmem:s0+$0x50] =	vst v4  }
0x12c: {  	v30 =	vmul.f32 v3, v5;
	[tilespmem:s0+$0x70] =	vst v2  }
0x12d: {  	v2 =	vmul.f32 v3, v6;
	[tilespmem:s0+$0x30] =	vst v7  }
0x12e: {  	[tilespmem:s0+$0x60] =	vst v30  }
0x12f: {  	v3 =	vld [tilespmem:s0+$0x80];
	[tilespmem:s0+$0x10] =	vst v2  }
0x130: {  	v2 =	vld.idx.msk [tilespmem:v29+s21+$0x0], $0xffff  }
0x131: {  	v31 =	vld [tilespmem:s0+$0xA0]  }
0x132: {  	v32 =	vld [tilespmem:s0+$0xD0]  }
0x133: {  	v33 =	vld [tilespmem:s0+$0xC0]  }
0x134: {  	v34 =	vld [tilespmem:s0+$0xF0]  }
0x135: {  	v35 =	vld [tilespmem:s0+$0xB0];
	v3 =	vmul.f32 v2, v3  }
0x136: {  	v36 =	vld [tilespmem:s0+$0x90];
	s8 =	sadd.s32 $0x6, s30;
	v4 =	vmul.f32 v2, v31  }
0x137: {  	v37 =	vld [tilespmem:s0+$0xE0];
	v38 =	vmov s8;
	[tilespmem:s0+$0x80] =	vst v3;
	v3 =	vmul.f32 v2, v32  }
0x138: {  	v39 =	vand.u32 $0xFFFFFFFE, v38;
	v6 =	vmul.f32 v2, v33;
	[tilespmem:s0+$0xA0] =	vst v4  }
0x139: {  	v40 =	vmul.f32 v2, v34;
	[tilespmem:s0+$0xD0] =	vst v3;
	v3 =	vbroadcast v39, $0x0  }
0x13a: {  	v41 =	vmul.f32 v2, v35;
	[tilespmem:s0+$0xC0] =	vst v6  }
0x13b: {  	v42 =	vmul.f32 v2, v36;
	[tilespmem:s0+$0xF0] =	vst v40  }
0x13c: {  	v2 =	vmul.f32 v2, v37;
	[tilespmem:s0+$0xB0] =	vst v41  }
0x13d: {  	[tilespmem:s0+$0x90] =	vst v42  }
0x13e: {  	v43 =	vld [tilespmem:s0+$0x100];
	[tilespmem:s0+$0xE0] =	vst v2  }
0x13f: {  	v2 =	vld.idx.msk [tilespmem:v3+s21+$0x0], $0xffff  }
0x140: {  	v3 =	vld [tilespmem:s0+$0x120]  }
0x141: {  	v44 =	vld [tilespmem:s0+$0x130]  }
0x142: {  	v45 =	vld [tilespmem:s0+$0x140]  }
0x143: {  	v47 =	vld [tilespmem:s0+$0x110]  }
0x144: {  	v48 =	vld [tilespmem:s0+$0x150];
	v4 =	vmul.f32 v2, v43  }
0x145: {  	v46 =	vld [tilespmem:s0+$0x160];
	v3 =	vmul.f32 v2, v3  }
0x146: {  	v49 =	vld [tilespmem:s0+$0x170];
	v5 =	vmul.f32 v2, v44;
	[tilespmem:s0+$0x100] =	vst v4  }
0x147: {  	v50 =	vmul.f32 v2, v45;
	[tilespmem:s0+$0x120] =	vst v3  }
0x148: {  	s31 =	sadd.s32 $0x7, s30;
	v51 =	vmul.f32 v2, v47;
	[tilespmem:s0+$0x130] =	vst v5  }
0x149: {  	v52 =	vmov s31;
	v53 =	vmul.f32 v2, v48;
	[tilespmem:s0+$0x140] =	vst v50  }
0x14a: {  	v3 =	vmul.f32 v2, v46;
	[tilespmem:s0+$0x110] =	vst v51  }
0x14b: {  	v2 =	vmul.f32 v2, v49;
	[tilespmem:s0+$0x150] =	vst v53  }
0x14c: {  	[tilespmem:s0+$0x160] =	vst v3  }
0x14d: {  	v3 =	vld [tilespmem:s0+$0x180];
	[tilespmem:s0+$0x170] =	vst v2  }
0x14e: {  	v2 =	vld.idx.msk [tilespmem:v52+s21+$0x0], $0xffff  }
0x14f: {  	v54 =	vld [tilespmem:s0+$0x190]  }
0x150: {  	v56 =	vld [tilespmem:s0+$0x1A0]  }
0x151: {  	v57 =	vld [tilespmem:s0+$0x1F0]  }
0x152: {  	v55 =	vld [tilespmem:s0+$0x1D0]  }
0x153: {  	v59 =	vld [tilespmem:s0+$0x1E0];
	v3 =	vmul.f32 v2, v3  }
0x154: {  	v58 =	vld [tilespmem:s0+$0x1B0];
	v5 =	vmul.f32 v2, v54  }
0x155: {  	v60 =	vld [tilespmem:s0+$0x1C0];
	v61 =	vmul.f32 v2, v56;
	[tilespmem:s0+$0x180] =	vst v3  }
0x156: {  	v62 =	vmul.f32 v2, v57;
	[tilespmem:s0+$0x190] =	vst v5  }
0x157: {  	v3 =	vmul.f32 v2, v55;
	[tilespmem:s0+$0x1A0] =	vst v61  }
0x158: {  	v63 =	vmul.f32 v2, v59;
	[tilespmem:s0+$0x1F0] =	vst v62  }
0x159: {  	[tilespmem:s0+$0x1D0] =	vst v3;
	v3 =	vmul.f32 v2, v58  }
0x15a: {  	s29 =	sadd.s32 $0x1, s29;
	[tilespmem:s0+$0x1E0] =	vst v63;
	v2 =	vmul.f32 v2, v60  }
0x15b: {  	p1 =	sne.s32 s29, $0x32;
	[tilespmem:s0+$0x1B0] =	vst v3  }
.Ltmp3:
0x15c: {  	[tilespmem:s0+$0x1C0] =	vst v2;
	(pc) =	sbr.rel @p1 .LBB2_4-.Ltmp3, $4  }
0x15d: {  	[spmem:s2] =	stream.indirect.scatter.add.f32 [tilespmem:s23], [sflag:$0x2], $0x80, s25, s22, $0xb8;
	[tilespmem:$0x17F40] =	vst v63  }
0x15e: {  	_ =	swait.ge [sflag:s20], $0xC800  }
0x15f: {  	[sflag:s20] =	ssyncset.done $0x0  }
0x160: {  	[sflag:s20] =	ssyncadd.s32 $0xFFFF3800  }
0x161: {  	s0 =	stileid.u32;
	s26 =	sadd.s32 $0x1, s26  }
0x162: {  	[bflag:$0x0] =	sbarrier.arrive $0xFFFF;
	s0 =	sshll.u32 s0, $0x6;
	p1 =	sne.s32 s26, s19  }
.Ltmp4:
0x163: {  	s3 =	sshrl.u32 s6, $0x3;
	s0 =	sor.u32 $0x1C02, s0;
	(pc) =	sbr.rel @p1 .LBB2_1-.Ltmp4, $4  }
0x164: {  	[hbm:s18], [sflag:s0] =	dma.local [spmem:s3], $0x1400  }
0x165: {  	_ =	swait.ge [sflag:s20], $0x1400  }
0x166: {  	[sflag:s20] =	ssyncset.done $0x0  }
0x167: {  	[sflag:s20] =	ssyncadd.s32 $0xFFFFEC00  }
0x168: {  	_ =	sfence.sel $0x180000  }
0x169: {  	[bflag:$0x0] =	sbarrier.arrive $0xFFFF  }
0x16a: {  	_ =	strace $0x90000050  }
0x16b: {  	[bflag:$0x2] =	sbarrier.arrive $0xFFFF  }
0x16c: {  	s0 =	rddreg [dreg:$0x3]  }
0x16d: {  	s0 =	sadd.s32 @!p0 $0x100000, s0  }
0x16e: {  	[sflag:s0] =	ssyncadd.tile.s32 @!p0 $0x1;
	_ =	shalt  }
.Lfunc_end2:
_tile_overlayer_lowered:
.L_overlay_start_2:
0x16f: {  	(tag) =	ssettag $0x2  }
0x170: {  	s0 =	rddreg [dreg:$0x0];
	s2 =	stileid.u32  }
0x171: {  	s1 =	rddreg [dreg:$0x1];
	p0 =	sne.s32 s2, $0x0  }
0x172: {  	s3 =	rddreg [dreg:$0x2];
	[bflag:$0x3] =	sbarrier.arrive $0xFFFF;
	s2 =	simm.s32 @!p0 $0x1C02  }
0x173: {  	[timem:s3], [sflag:s2] =	dma.local @!p0 [hbm:s0], s1  }
0x174: {  	s0 =	simm.s32 @!p0 $0x2  }
0x175: {  	_ =	swait.ge @!p0 [sflag:s0], s1  }
0x176: {  	s1 =	ssub.s32 @!p0 $0x0, s1;
	[sflag:s0] =	ssyncset.done @!p0 $0x0  }
0x177: {  	[sflag:s0] =	ssyncadd.s32 @!p0 s1  }
0x178: {  	[bflag:$0x3] =	sbarrier.arrive $0xFFFF  }
0x179: {  	_ =	shalt  }

</sc_bundles>
